<compile_context>
chip_gen: v7x
topology: tpu7x:2x2x1
jax: 0.10.2.dev20260603
libtpu: 0.0.44.dev20260713+nightly
codegen_flags: <defaults>
</compile_context>

<pallas_src>
import functools

import jax
import jax.numpy as jnp
from jax import lax
from jax.experimental import pallas as pl
from jax.experimental.pallas import tpu as pltpu
from jax.experimental.pallas import tpu_sc as plsc

B = 4096
H = 200
HP = 256
HQ = 64
HR = H - 3 * HQ
D = 64
L = 16
ND = D // L
NBUF = 6


def kernel(indices, table):
    info = plsc.get_sparse_core_info()
    nw = info.num_cores * info.num_subcores
    bpw = B // nw
    idxp = jnp.pad(indices.astype(jnp.int32), ((0, 0), (0, HP - H)))
    idx4 = idxp.reshape(4 * B, HQ)

    mesh = plsc.VectorSubcoreMesh(core_axis_name="c", subcore_axis_name="s")

    @functools.partial(
        pl.kernel,
        out_type=jax.ShapeDtypeStruct((B, D), jnp.float32),
        mesh=mesh,
        compiler_params=pltpu.CompilerParams(use_tc_tiling_on_sc=False),
        scratch_types=[
            pltpu.VMEM((4 * bpw, HQ), jnp.int32),
            pltpu.VMEM((NBUF, H, D), jnp.float32),
            pltpu.VMEM((bpw, D), jnp.float32),
        ] + [pltpu.SemaphoreType.DMA] * NBUF,
    )
    def run(idx_hbm, tab_hbm, out_hbm, idx_v, rows_v, out_v, *sems):
        wid = lax.axis_index("s") * info.num_cores + lax.axis_index("c")
        base = wid * bpw
        pltpu.sync_copy(idx_hbm.at[pl.ds(base * 4, 4 * bpw)], idx_v)

        rows = tuple(rows_v.at[k] for k in range(NBUF))

        def fire(b, k):
            for q in range(3):
                pltpu.async_copy(
                    tab_hbm.at[idx_v.at[4 * b + q]],
                    rows[k].at[pl.ds(HQ * q, HQ)],
                    sems[k],
                )
            pltpu.async_copy(
                tab_hbm.at[idx_v.at[4 * b + 3, pl.ds(0, HR)]],
                rows[k].at[pl.ds(3 * HQ, HR)],
                sems[k],
            )

        def drain(k):
            pltpu.make_async_copy(tab_hbm.at[pl.ds(0, H)], rows[k], sems[k]).wait()

        def accum(b, rref):
            def rbody(g, acc):
                for j in range(8):
                    r = g * 8 + j
                    acc = tuple(
                        acc[d] + rref[r, pl.ds(L * d, L)] for d in range(ND)
                    )
                return acc

            acc = lax.fori_loop(
                0, H // 8, rbody,
                tuple(jnp.zeros((L,), jnp.float32) for _ in range(ND)),
            )
            for d in range(ND):
                out_v[b, pl.ds(L * d, L)] = acc[d]

        for k in range(NBUF - 1):
            fire(k, k)

        nfull = bpw // NBUF

        def body(g, carry):
            b0 = NBUF * g
            for k in range(NBUF):
                b = b0 + k

                @pl.when(b + NBUF - 1 < bpw)
                def _(b=b, k=k):
                    fire(b + NBUF - 1, (k + NBUF - 1) % NBUF)

                drain(k)
                accum(b, rows[k])
            return carry

        lax.fori_loop(0, nfull, body, 0)
        for k in range(bpw - NBUF * nfull):
            drain(k)
            accum(NBUF * nfull + k, rows[k])

        pltpu.sync_copy(out_v, out_hbm.at[pl.ds(base, bpw)])

    return run(idx4, table)

# --- scband reference (transcript-rebuilt; emitter-appended) ---
"""Pipeline reference for scband-nbow-72619307040949 (READ-ONLY COPY).

The authoritative reference and input builder live on the scoring server;
editing this copy changes nothing except your own understanding.
"""

import jax, jax.numpy as jnp
import numpy as np

N_WORD = 1000000
EMBED_DIM = 64
BATCH = 4096
HIST = 200
BOUND = 0.05

def setup_inputs(seed: int = 0) -> dict:
    key = jax.random.key(seed)
    k1, k2 = jax.random.split(key)
    indices = jax.random.randint(k1, (BATCH, HIST), 0, N_WORD)
    # Embedding table has n_word + 1 rows (last row is padding_idx); uniform(-bound, bound)
    table = jax.random.uniform(k2, (N_WORD + 1, EMBED_DIM), minval=-BOUND, maxval=BOUND, dtype=jnp.float32)
    return {"indices": indices, "table": table}

def reference(indices, table):
    # ed = word_embedding(args[0]); ed = sum over dim 1
    ed = jnp.take(table, indices, axis=0)  # [B, L, D]
    return jnp.sum(ed, axis=1)  # [B, D]

if __name__ == "__main__":
    import jax
    _d = setup_inputs()
    print(jax.jit(kernel)(*tuple(_d.values())))

</pallas_src>

<mosaic_0001>
#map = affine_map<(d0, d1) -> (0, 0)>
module attributes {stable_mosaic.version = 14 : i64} {
  func.func @run(%arg0: i32, %arg1: i32, %arg2: memref<16384x64xi32, #tpu.memory_space<hbm>>, %arg3: memref<1000001x64xf32, #tpu.memory_space<hbm>>, %arg4: memref<4096x64xf32, #tpu.memory_space<hbm>>, %arg5: memref<512x64xi32, #tpu.memory_space<vmem>>, %arg6: memref<6x200x64xf32, #tpu.memory_space<vmem>>, %arg7: memref<128x64xf32, #tpu.memory_space<vmem>>, %arg8: memref<!tpu.dma_semaphore, #tpu.memory_space<semaphore_mem>>, %arg9: memref<!tpu.dma_semaphore, #tpu.memory_space<semaphore_mem>>, %arg10: memref<!tpu.dma_semaphore, #tpu.memory_space<semaphore_mem>>, %arg11: memref<!tpu.dma_semaphore, #tpu.memory_space<semaphore_mem>>, %arg12: memref<!tpu.dma_semaphore, #tpu.memory_space<semaphore_mem>>, %arg13: memref<!tpu.dma_semaphore, #tpu.memory_space<semaphore_mem>>) attributes {dimension_semantics = [#tpu.dimension_semantics<core_parallel>, #tpu.dimension_semantics<subcore_parallel>], iteration_bounds = array<i64: 2, 16>, scalar_prefetch = 0 : i64, scratch_operands = 9 : i64, tpu.core_type = #tpu.core_type<sc_vector_subcore>, window_params = [{transform_indices = #map}, {transform_indices = #map}, {transform_indices = #map}]} {
    %mul3A = arith.constant 2 : i32
    %mul3A_0 = arith.muli %arg1, %mul3A : i32
    %add3A = arith.addi %mul3A_0, %arg0 : i32
    %mul3A_1 = arith.constant 128 : i32
    %mul3A_2 = arith.muli %add3A, %mul3A_1 : i32
    %mul3A_3 = arith.constant 4 : i32
    %mul3A_4 = arith.muli %mul3A_2, %mul3A_3 : i32
    "tpu.region"() ({
      %run_scoped3A = tpu.sem_alloc : memref<!tpu.dma_semaphore, #tpu.memory_space<semaphore_mem>>
      %dma_start3A_420 = arith.constant 0 : i32
      %dma_start3A_421 = tpu.memref_slice %arg2[%mul3A_4, %dma_start3A_420] : memref<16384x64xi32, #tpu.memory_space<hbm>> -> memref<512x64xi32, #tpu.memory_space<hbm>>
      %dma_start3A_422 = arith.constant 0 : i32
      %dma_start3A_423 = tpu.memref_slice %arg2[%mul3A_4, %dma_start3A_422] : memref<16384x64xi32, #tpu.memory_space<hbm>> -> memref<512x64xi32, #tpu.memory_space<hbm>>
      tpu.enqueue_dma source(%dma_start3A_423 : memref<512x64xi32, #tpu.memory_space<hbm>>) target(%arg5 : memref<512x64xi32, #tpu.memory_space<vmem>>) target_semaphore(%run_scoped3A : memref<!tpu.dma_semaphore, #tpu.memory_space<semaphore_mem>>)
      %dma_wait3A_424 = arith.constant 0 : i32
      %dma_wait3A_425 = tpu.memref_slice %arg2[%mul3A_4, %dma_wait3A_424] : memref<16384x64xi32, #tpu.memory_space<hbm>> -> memref<512x64xi32, #tpu.memory_space<hbm>>
      %dma_wait3A_426 = arith.constant 0 : i32
      %dma_wait3A_427 = tpu.memref_slice %arg2[%mul3A_4, %dma_wait3A_426] : memref<16384x64xi32, #tpu.memory_space<hbm>> -> memref<512x64xi32, #tpu.memory_space<hbm>>
      tpu.wait_dma2 semaphore(%run_scoped3A : memref<!tpu.dma_semaphore, #tpu.memory_space<semaphore_mem>>) src(%dma_wait3A_427 : memref<512x64xi32, #tpu.memory_space<hbm>>) dst(%arg5 : memref<512x64xi32, #tpu.memory_space<vmem>>)
      tpu.yield
    }) : () -> ()
    %dma_start3A = arith.constant 0 : i32
    %dma_start3A_5 = arith.constant 0 : i32
    %dma_start3A_6 = arith.constant 0 : i32
    %dma_start3A_7 = arith.constant 0 : i32
    %dma_start3A_8 = tpu.memref_slice %arg6[%dma_start3A_5, %dma_start3A_6, %dma_start3A_7] : memref<6x200x64xf32, #tpu.memory_space<vmem>> -> memref<1x200x64xf32, #tpu.memory_space<vmem>>
    %dma_start3A_9 = tpu.memref_squeeze %dma_start3A_8 : memref<1x200x64xf32, #tpu.memory_space<vmem>> -> memref<200x64xf32, #tpu.memory_space<vmem>>
    %dma_start3A_10 = arith.constant 0 : i32
    %dma_start3A_11 = arith.constant 0 : i32
    %dma_start3A_12 = tpu.memref_slice %dma_start3A_9[%dma_start3A_10, %dma_start3A_11] : memref<200x64xf32, #tpu.memory_space<vmem>> -> memref<64x64xf32, #tpu.memory_space<vmem>>
    %dma_start3A_13 = arith.constant 0 : i32
    %dma_start3A_14 = tpu.memref_slice %arg5[%dma_start3A, %dma_start3A_13] : memref<512x64xi32, #tpu.memory_space<vmem>> -> memref<1x64xi32, #tpu.memory_space<vmem>>
    %dma_start3A_15 = tpu.memref_squeeze %dma_start3A_14 : memref<1x64xi32, #tpu.memory_space<vmem>> -> memref<64xi32, #tpu.memory_space<vmem>>
    %dma_start3A_16 = arith.constant 0 : i32
    %dma_start3A_17 = arith.constant 0 : i32
    %dma_start3A_18 = tpu.memref_slice %arg3[%dma_start3A_16, %dma_start3A_17] : memref<1000001x64xf32, #tpu.memory_space<hbm>> -> memref<1000001x64xf32, #tpu.memory_space<hbm>>
    tpu.enqueue_indirect_dma source(%dma_start3A_18 : memref<1000001x64xf32, #tpu.memory_space<hbm>>) target(%dma_start3A_12 : memref<64x64xf32, #tpu.memory_space<vmem>>) offsets(%dma_start3A_15 : memref<64xi32, #tpu.memory_space<vmem>>) semaphore(%arg8 : memref<!tpu.dma_semaphore, #tpu.memory_space<semaphore_mem>>)
    %dma_start3A_19 = arith.constant 1 : i32
    %dma_start3A_20 = arith.constant 0 : i32
    %dma_start3A_21 = arith.constant 0 : i32
    %dma_start3A_22 = arith.constant 0 : i32
    %dma_start3A_23 = tpu.memref_slice %arg6[%dma_start3A_20, %dma_start3A_21, %dma_start3A_22] : memref<6x200x64xf32, #tpu.memory_space<vmem>> -> memref<1x200x64xf32, #tpu.memory_space<vmem>>
    %dma_start3A_24 = tpu.memref_squeeze %dma_start3A_23 : memref<1x200x64xf32, #tpu.memory_space<vmem>> -> memref<200x64xf32, #tpu.memory_space<vmem>>
    %dma_start3A_25 = arith.constant 64 : i32
    %dma_start3A_26 = arith.constant 0 : i32
    %dma_start3A_27 = tpu.memref_slice %dma_start3A_24[%dma_start3A_25, %dma_start3A_26] : memref<200x64xf32, #tpu.memory_space<vmem>> -> memref<64x64xf32, #tpu.memory_space<vmem>>
    %dma_start3A_28 = arith.constant 0 : i32
    %dma_start3A_29 = tpu.memref_slice %arg5[%dma_start3A_19, %dma_start3A_28] : memref<512x64xi32, #tpu.memory_space<vmem>> -> memref<1x64xi32, #tpu.memory_space<vmem>>
    %dma_start3A_30 = tpu.memref_squeeze %dma_start3A_29 : memref<1x64xi32, #tpu.memory_space<vmem>> -> memref<64xi32, #tpu.memory_space<vmem>>
    %dma_start3A_31 = arith.constant 0 : i32
    %dma_start3A_32 = arith.constant 0 : i32
    %dma_start3A_33 = tpu.memref_slice %arg3[%dma_start3A_31, %dma_start3A_32] : memref<1000001x64xf32, #tpu.memory_space<hbm>> -> memref<1000001x64xf32, #tpu.memory_space<hbm>>
    tpu.enqueue_indirect_dma source(%dma_start3A_33 : memref<1000001x64xf32, #tpu.memory_space<hbm>>) target(%dma_start3A_27 : memref<64x64xf32, #tpu.memory_space<vmem>>) offsets(%dma_start3A_30 : memref<64xi32, #tpu.memory_space<vmem>>) semaphore(%arg8 : memref<!tpu.dma_semaphore, #tpu.memory_space<semaphore_mem>>)
    %dma_start3A_34 = arith.constant 2 : i32
    %dma_start3A_35 = arith.constant 0 : i32
    %dma_start3A_36 = arith.constant 0 : i32
    %dma_start3A_37 = arith.constant 0 : i32
    %dma_start3A_38 = tpu.memref_slice %arg6[%dma_start3A_35, %dma_start3A_36, %dma_start3A_37] : memref<6x200x64xf32, #tpu.memory_space<vmem>> -> memref<1x200x64xf32, #tpu.memory_space<vmem>>
    %dma_start3A_39 = tpu.memref_squeeze %dma_start3A_38 : memref<1x200x64xf32, #tpu.memory_space<vmem>> -> memref<200x64xf32, #tpu.memory_space<vmem>>
    %dma_start3A_40 = arith.constant 128 : i32
    %dma_start3A_41 = arith.constant 0 : i32
    %dma_start3A_42 = tpu.memref_slice %dma_start3A_39[%dma_start3A_40, %dma_start3A_41] : memref<200x64xf32, #tpu.memory_space<vmem>> -> memref<64x64xf32, #tpu.memory_space<vmem>>
    %dma_start3A_43 = arith.constant 0 : i32
    %dma_start3A_44 = tpu.memref_slice %arg5[%dma_start3A_34, %dma_start3A_43] : memref<512x64xi32, #tpu.memory_space<vmem>> -> memref<1x64xi32, #tpu.memory_space<vmem>>
    %dma_start3A_45 = tpu.memref_squeeze %dma_start3A_44 : memref<1x64xi32, #tpu.memory_space<vmem>> -> memref<64xi32, #tpu.memory_space<vmem>>
    %dma_start3A_46 = arith.constant 0 : i32
    %dma_start3A_47 = arith.constant 0 : i32
    %dma_start3A_48 = tpu.memref_slice %arg3[%dma_start3A_46, %dma_start3A_47] : memref<1000001x64xf32, #tpu.memory_space<hbm>> -> memref<1000001x64xf32, #tpu.memory_space<hbm>>
    tpu.enqueue_indirect_dma source(%dma_start3A_48 : memref<1000001x64xf32, #tpu.memory_space<hbm>>) target(%dma_start3A_42 : memref<64x64xf32, #tpu.memory_space<vmem>>) offsets(%dma_start3A_45 : memref<64xi32, #tpu.memory_space<vmem>>) semaphore(%arg8 : memref<!tpu.dma_semaphore, #tpu.memory_space<semaphore_mem>>)
    %dma_start3A_49 = arith.constant 3 : i32
    %dma_start3A_50 = arith.constant 0 : i32
    %dma_start3A_51 = arith.constant 0 : i32
    %dma_start3A_52 = arith.constant 0 : i32
    %dma_start3A_53 = tpu.memref_slice %arg6[%dma_start3A_50, %dma_start3A_51, %dma_start3A_52] : memref<6x200x64xf32, #tpu.memory_space<vmem>> -> memref<1x200x64xf32, #tpu.memory_space<vmem>>
    %dma_start3A_54 = tpu.memref_squeeze %dma_start3A_53 : memref<1x200x64xf32, #tpu.memory_space<vmem>> -> memref<200x64xf32, #tpu.memory_space<vmem>>
    %dma_start3A_55 = arith.constant 192 : i32
    %dma_start3A_56 = arith.constant 0 : i32
    %dma_start3A_57 = tpu.memref_slice %dma_start3A_54[%dma_start3A_55, %dma_start3A_56] : memref<200x64xf32, #tpu.memory_space<vmem>> -> memref<8x64xf32, #tpu.memory_space<vmem>>
    %dma_start3A_58 = arith.constant 0 : i32
    %dma_start3A_59 = tpu.memref_slice %arg5[%dma_start3A_49, %dma_start3A_58] : memref<512x64xi32, #tpu.memory_space<vmem>> -> memref<1x8xi32, #tpu.memory_space<vmem>>
    %dma_start3A_60 = tpu.memref_squeeze %dma_start3A_59 : memref<1x8xi32, #tpu.memory_space<vmem>> -> memref<8xi32, #tpu.memory_space<vmem>>
    %dma_start3A_61 = arith.constant 0 : i32
    %dma_start3A_62 = arith.constant 0 : i32
    %dma_start3A_63 = tpu.memref_slice %arg3[%dma_start3A_61, %dma_start3A_62] : memref<1000001x64xf32, #tpu.memory_space<hbm>> -> memref<1000001x64xf32, #tpu.memory_space<hbm>>
    tpu.enqueue_indirect_dma source(%dma_start3A_63 : memref<1000001x64xf32, #tpu.memory_space<hbm>>) target(%dma_start3A_57 : memref<8x64xf32, #tpu.memory_space<vmem>>) offsets(%dma_start3A_60 : memref<8xi32, #tpu.memory_space<vmem>>) semaphore(%arg8 : memref<!tpu.dma_semaphore, #tpu.memory_space<semaphore_mem>>)
    %dma_start3A_64 = arith.constant 4 : i32
    %dma_start3A_65 = arith.constant 1 : i32
    %dma_start3A_66 = arith.constant 0 : i32
    %dma_start3A_67 = arith.constant 0 : i32
    %dma_start3A_68 = tpu.memref_slice %arg6[%dma_start3A_65, %dma_start3A_66, %dma_start3A_67] : memref<6x200x64xf32, #tpu.memory_space<vmem>> -> memref<1x200x64xf32, #tpu.memory_space<vmem>>
    %dma_start3A_69 = tpu.memref_squeeze %dma_start3A_68 : memref<1x200x64xf32, #tpu.memory_space<vmem>> -> memref<200x64xf32, #tpu.memory_space<vmem>>
    %dma_start3A_70 = arith.constant 0 : i32
    %dma_start3A_71 = arith.constant 0 : i32
    %dma_start3A_72 = tpu.memref_slice %dma_start3A_69[%dma_start3A_70, %dma_start3A_71] : memref<200x64xf32, #tpu.memory_space<vmem>> -> memref<64x64xf32, #tpu.memory_space<vmem>>
    %dma_start3A_73 = arith.constant 0 : i32
    %dma_start3A_74 = tpu.memref_slice %arg5[%dma_start3A_64, %dma_start3A_73] : memref<512x64xi32, #tpu.memory_space<vmem>> -> memref<1x64xi32, #tpu.memory_space<vmem>>
    %dma_start3A_75 = tpu.memref_squeeze %dma_start3A_74 : memref<1x64xi32, #tpu.memory_space<vmem>> -> memref<64xi32, #tpu.memory_space<vmem>>
    %dma_start3A_76 = arith.constant 0 : i32
    %dma_start3A_77 = arith.constant 0 : i32
    %dma_start3A_78 = tpu.memref_slice %arg3[%dma_start3A_76, %dma_start3A_77] : memref<1000001x64xf32, #tpu.memory_space<hbm>> -> memref<1000001x64xf32, #tpu.memory_space<hbm>>
    tpu.enqueue_indirect_dma source(%dma_start3A_78 : memref<1000001x64xf32, #tpu.memory_space<hbm>>) target(%dma_start3A_72 : memref<64x64xf32, #tpu.memory_space<vmem>>) offsets(%dma_start3A_75 : memref<64xi32, #tpu.memory_space<vmem>>) semaphore(%arg9 : memref<!tpu.dma_semaphore, #tpu.memory_space<semaphore_mem>>)
    %dma_start3A_79 = arith.constant 5 : i32
    %dma_start3A_80 = arith.constant 1 : i32
    %dma_start3A_81 = arith.constant 0 : i32
    %dma_start3A_82 = arith.constant 0 : i32
    %dma_start3A_83 = tpu.memref_slice %arg6[%dma_start3A_80, %dma_start3A_81, %dma_start3A_82] : memref<6x200x64xf32, #tpu.memory_space<vmem>> -> memref<1x200x64xf32, #tpu.memory_space<vmem>>
    %dma_start3A_84 = tpu.memref_squeeze %dma_start3A_83 : memref<1x200x64xf32, #tpu.memory_space<vmem>> -> memref<200x64xf32, #tpu.memory_space<vmem>>
    %dma_start3A_85 = arith.constant 64 : i32
    %dma_start3A_86 = arith.constant 0 : i32
    %dma_start3A_87 = tpu.memref_slice %dma_start3A_84[%dma_start3A_85, %dma_start3A_86] : memref<200x64xf32, #tpu.memory_space<vmem>> -> memref<64x64xf32, #tpu.memory_space<vmem>>
    %dma_start3A_88 = arith.constant 0 : i32
    %dma_start3A_89 = tpu.memref_slice %arg5[%dma_start3A_79, %dma_start3A_88] : memref<512x64xi32, #tpu.memory_space<vmem>> -> memref<1x64xi32, #tpu.memory_space<vmem>>
    %dma_start3A_90 = tpu.memref_squeeze %dma_start3A_89 : memref<1x64xi32, #tpu.memory_space<vmem>> -> memref<64xi32, #tpu.memory_space<vmem>>
    %dma_start3A_91 = arith.constant 0 : i32
    %dma_start3A_92 = arith.constant 0 : i32
    %dma_start3A_93 = tpu.memref_slice %arg3[%dma_start3A_91, %dma_start3A_92] : memref<1000001x64xf32, #tpu.memory_space<hbm>> -> memref<1000001x64xf32, #tpu.memory_space<hbm>>
    tpu.enqueue_indirect_dma source(%dma_start3A_93 : memref<1000001x64xf32, #tpu.memory_space<hbm>>) target(%dma_start3A_87 : memref<64x64xf32, #tpu.memory_space<vmem>>) offsets(%dma_start3A_90 : memref<64xi32, #tpu.memory_space<vmem>>) semaphore(%arg9 : memref<!tpu.dma_semaphore, #tpu.memory_space<semaphore_mem>>)
    %dma_start3A_94 = arith.constant 6 : i32
    %dma_start3A_95 = arith.constant 1 : i32
    %dma_start3A_96 = arith.constant 0 : i32
    %dma_start3A_97 = arith.constant 0 : i32
    %dma_start3A_98 = tpu.memref_slice %arg6[%dma_start3A_95, %dma_start3A_96, %dma_start3A_97] : memref<6x200x64xf32, #tpu.memory_space<vmem>> -> memref<1x200x64xf32, #tpu.memory_space<vmem>>
    %dma_start3A_99 = tpu.memref_squeeze %dma_start3A_98 : memref<1x200x64xf32, #tpu.memory_space<vmem>> -> memref<200x64xf32, #tpu.memory_space<vmem>>
    %dma_start3A_100 = arith.constant 128 : i32
    %dma_start3A_101 = arith.constant 0 : i32
    %dma_start3A_102 = tpu.memref_slice %dma_start3A_99[%dma_start3A_100, %dma_start3A_101] : memref<200x64xf32, #tpu.memory_space<vmem>> -> memref<64x64xf32, #tpu.memory_space<vmem>>
    %dma_start3A_103 = arith.constant 0 : i32
    %dma_start3A_104 = tpu.memref_slice %arg5[%dma_start3A_94, %dma_start3A_103] : memref<512x64xi32, #tpu.memory_space<vmem>> -> memref<1x64xi32, #tpu.memory_space<vmem>>
    %dma_start3A_105 = tpu.memref_squeeze %dma_start3A_104 : memref<1x64xi32, #tpu.memory_space<vmem>> -> memref<64xi32, #tpu.memory_space<vmem>>
    %dma_start3A_106 = arith.constant 0 : i32
    %dma_start3A_107 = arith.constant 0 : i32
    %dma_start3A_108 = tpu.memref_slice %arg3[%dma_start3A_106, %dma_start3A_107] : memref<1000001x64xf32, #tpu.memory_space<hbm>> -> memref<1000001x64xf32, #tpu.memory_space<hbm>>
    tpu.enqueue_indirect_dma source(%dma_start3A_108 : memref<1000001x64xf32, #tpu.memory_space<hbm>>) target(%dma_start3A_102 : memref<64x64xf32, #tpu.memory_space<vmem>>) offsets(%dma_start3A_105 : memref<64xi32, #tpu.memory_space<vmem>>) semaphore(%arg9 : memref<!tpu.dma_semaphore, #tpu.memory_space<semaphore_mem>>)
    %dma_start3A_109 = arith.constant 7 : i32
    %dma_start3A_110 = arith.constant 1 : i32
    %dma_start3A_111 = arith.constant 0 : i32
    %dma_start3A_112 = arith.constant 0 : i32
    %dma_start3A_113 = tpu.memref_slice %arg6[%dma_start3A_110, %dma_start3A_111, %dma_start3A_112] : memref<6x200x64xf32, #tpu.memory_space<vmem>> -> memref<1x200x64xf32, #tpu.memory_space<vmem>>
    %dma_start3A_114 = tpu.memref_squeeze %dma_start3A_113 : memref<1x200x64xf32, #tpu.memory_space<vmem>> -> memref<200x64xf32, #tpu.memory_space<vmem>>
    %dma_start3A_115 = arith.constant 192 : i32
    %dma_start3A_116 = arith.constant 0 : i32
    %dma_start3A_117 = tpu.memref_slice %dma_start3A_114[%dma_start3A_115, %dma_start3A_116] : memref<200x64xf32, #tpu.memory_space<vmem>> -> memref<8x64xf32, #tpu.memory_space<vmem>>
    %dma_start3A_118 = arith.constant 0 : i32
    %dma_start3A_119 = tpu.memref_slice %arg5[%dma_start3A_109, %dma_start3A_118] : memref<512x64xi32, #tpu.memory_space<vmem>> -> memref<1x8xi32, #tpu.memory_space<vmem>>
    %dma_start3A_120 = tpu.memref_squeeze %dma_start3A_119 : memref<1x8xi32, #tpu.memory_space<vmem>> -> memref<8xi32, #tpu.memory_space<vmem>>
    %dma_start3A_121 = arith.constant 0 : i32
    %dma_start3A_122 = arith.constant 0 : i32
    %dma_start3A_123 = tpu.memref_slice %arg3[%dma_start3A_121, %dma_start3A_122] : memref<1000001x64xf32, #tpu.memory_space<hbm>> -> memref<1000001x64xf32, #tpu.memory_space<hbm>>
    tpu.enqueue_indirect_dma source(%dma_start3A_123 : memref<1000001x64xf32, #tpu.memory_space<hbm>>) target(%dma_start3A_117 : memref<8x64xf32, #tpu.memory_space<vmem>>) offsets(%dma_start3A_120 : memref<8xi32, #tpu.memory_space<vmem>>) semaphore(%arg9 : memref<!tpu.dma_semaphore, #tpu.memory_space<semaphore_mem>>)
    %dma_start3A_124 = arith.constant 8 : i32
    %dma_start3A_125 = arith.constant 2 : i32
    %dma_start3A_126 = arith.constant 0 : i32
    %dma_start3A_127 = arith.constant 0 : i32
    %dma_start3A_128 = tpu.memref_slice %arg6[%dma_start3A_125, %dma_start3A_126, %dma_start3A_127] : memref<6x200x64xf32, #tpu.memory_space<vmem>> -> memref<1x200x64xf32, #tpu.memory_space<vmem>>
    %dma_start3A_129 = tpu.memref_squeeze %dma_start3A_128 : memref<1x200x64xf32, #tpu.memory_space<vmem>> -> memref<200x64xf32, #tpu.memory_space<vmem>>
    %dma_start3A_130 = arith.constant 0 : i32
    %dma_start3A_131 = arith.constant 0 : i32
    %dma_start3A_132 = tpu.memref_slice %dma_start3A_129[%dma_start3A_130, %dma_start3A_131] : memref<200x64xf32, #tpu.memory_space<vmem>> -> memref<64x64xf32, #tpu.memory_space<vmem>>
    %dma_start3A_133 = arith.constant 0 : i32
    %dma_start3A_134 = tpu.memref_slice %arg5[%dma_start3A_124, %dma_start3A_133] : memref<512x64xi32, #tpu.memory_space<vmem>> -> memref<1x64xi32, #tpu.memory_space<vmem>>
    %dma_start3A_135 = tpu.memref_squeeze %dma_start3A_134 : memref<1x64xi32, #tpu.memory_space<vmem>> -> memref<64xi32, #tpu.memory_space<vmem>>
    %dma_start3A_136 = arith.constant 0 : i32
    %dma_start3A_137 = arith.constant 0 : i32
    %dma_start3A_138 = tpu.memref_slice %arg3[%dma_start3A_136, %dma_start3A_137] : memref<1000001x64xf32, #tpu.memory_space<hbm>> -> memref<1000001x64xf32, #tpu.memory_space<hbm>>
    tpu.enqueue_indirect_dma source(%dma_start3A_138 : memref<1000001x64xf32, #tpu.memory_space<hbm>>) target(%dma_start3A_132 : memref<64x64xf32, #tpu.memory_space<vmem>>) offsets(%dma_start3A_135 : memref<64xi32, #tpu.memory_space<vmem>>) semaphore(%arg10 : memref<!tpu.dma_semaphore, #tpu.memory_space<semaphore_mem>>)
    %dma_start3A_139 = arith.constant 9 : i32
    %dma_start3A_140 = arith.constant 2 : i32
    %dma_start3A_141 = arith.constant 0 : i32
    %dma_start3A_142 = arith.constant 0 : i32
    %dma_start3A_143 = tpu.memref_slice %arg6[%dma_start3A_140, %dma_start3A_141, %dma_start3A_142] : memref<6x200x64xf32, #tpu.memory_space<vmem>> -> memref<1x200x64xf32, #tpu.memory_space<vmem>>
    %dma_start3A_144 = tpu.memref_squeeze %dma_start3A_143 : memref<1x200x64xf32, #tpu.memory_space<vmem>> -> memref<200x64xf32, #tpu.memory_space<vmem>>
    %dma_start3A_145 = arith.constant 64 : i32
    %dma_start3A_146 = arith.constant 0 : i32
    %dma_start3A_147 = tpu.memref_slice %dma_start3A_144[%dma_start3A_145, %dma_start3A_146] : memref<200x64xf32, #tpu.memory_space<vmem>> -> memref<64x64xf32, #tpu.memory_space<vmem>>
    %dma_start3A_148 = arith.constant 0 : i32
    %dma_start3A_149 = tpu.memref_slice %arg5[%dma_start3A_139, %dma_start3A_148] : memref<512x64xi32, #tpu.memory_space<vmem>> -> memref<1x64xi32, #tpu.memory_space<vmem>>
    %dma_start3A_150 = tpu.memref_squeeze %dma_start3A_149 : memref<1x64xi32, #tpu.memory_space<vmem>> -> memref<64xi32, #tpu.memory_space<vmem>>
    %dma_start3A_151 = arith.constant 0 : i32
    %dma_start3A_152 = arith.constant 0 : i32
    %dma_start3A_153 = tpu.memref_slice %arg3[%dma_start3A_151, %dma_start3A_152] : memref<1000001x64xf32, #tpu.memory_space<hbm>> -> memref<1000001x64xf32, #tpu.memory_space<hbm>>
    tpu.enqueue_indirect_dma source(%dma_start3A_153 : memref<1000001x64xf32, #tpu.memory_space<hbm>>) target(%dma_start3A_147 : memref<64x64xf32, #tpu.memory_space<vmem>>) offsets(%dma_start3A_150 : memref<64xi32, #tpu.memory_space<vmem>>) semaphore(%arg10 : memref<!tpu.dma_semaphore, #tpu.memory_space<semaphore_mem>>)
    %dma_start3A_154 = arith.constant 10 : i32
    %dma_start3A_155 = arith.constant 2 : i32
    %dma_start3A_156 = arith.constant 0 : i32
    %dma_start3A_157 = arith.constant 0 : i32
    %dma_start3A_158 = tpu.memref_slice %arg6[%dma_start3A_155, %dma_start3A_156, %dma_start3A_157] : memref<6x200x64xf32, #tpu.memory_space<vmem>> -> memref<1x200x64xf32, #tpu.memory_space<vmem>>
    %dma_start3A_159 = tpu.memref_squeeze %dma_start3A_158 : memref<1x200x64xf32, #tpu.memory_space<vmem>> -> memref<200x64xf32, #tpu.memory_space<vmem>>
    %dma_start3A_160 = arith.constant 128 : i32
    %dma_start3A_161 = arith.constant 0 : i32
    %dma_start3A_162 = tpu.memref_slice %dma_start3A_159[%dma_start3A_160, %dma_start3A_161] : memref<200x64xf32, #tpu.memory_space<vmem>> -> memref<64x64xf32, #tpu.memory_space<vmem>>
    %dma_start3A_163 = arith.constant 0 : i32
    %dma_start3A_164 = tpu.memref_slice %arg5[%dma_start3A_154, %dma_start3A_163] : memref<512x64xi32, #tpu.memory_space<vmem>> -> memref<1x64xi32, #tpu.memory_space<vmem>>
    %dma_start3A_165 = tpu.memref_squeeze %dma_start3A_164 : memref<1x64xi32, #tpu.memory_space<vmem>> -> memref<64xi32, #tpu.memory_space<vmem>>
    %dma_start3A_166 = arith.constant 0 : i32
    %dma_start3A_167 = arith.constant 0 : i32
    %dma_start3A_168 = tpu.memref_slice %arg3[%dma_start3A_166, %dma_start3A_167] : memref<1000001x64xf32, #tpu.memory_space<hbm>> -> memref<1000001x64xf32, #tpu.memory_space<hbm>>
    tpu.enqueue_indirect_dma source(%dma_start3A_168 : memref<1000001x64xf32, #tpu.memory_space<hbm>>) target(%dma_start3A_162 : memref<64x64xf32, #tpu.memory_space<vmem>>) offsets(%dma_start3A_165 : memref<64xi32, #tpu.memory_space<vmem>>) semaphore(%arg10 : memref<!tpu.dma_semaphore, #tpu.memory_space<semaphore_mem>>)
    %dma_start3A_169 = arith.constant 11 : i32
    %dma_start3A_170 = arith.constant 2 : i32
    %dma_start3A_171 = arith.constant 0 : i32
    %dma_start3A_172 = arith.constant 0 : i32
    %dma_start3A_173 = tpu.memref_slice %arg6[%dma_start3A_170, %dma_start3A_171, %dma_start3A_172] : memref<6x200x64xf32, #tpu.memory_space<vmem>> -> memref<1x200x64xf32, #tpu.memory_space<vmem>>
    %dma_start3A_174 = tpu.memref_squeeze %dma_start3A_173 : memref<1x200x64xf32, #tpu.memory_space<vmem>> -> memref<200x64xf32, #tpu.memory_space<vmem>>
    %dma_start3A_175 = arith.constant 192 : i32
    %dma_start3A_176 = arith.constant 0 : i32
    %dma_start3A_177 = tpu.memref_slice %dma_start3A_174[%dma_start3A_175, %dma_start3A_176] : memref<200x64xf32, #tpu.memory_space<vmem>> -> memref<8x64xf32, #tpu.memory_space<vmem>>
    %dma_start3A_178 = arith.constant 0 : i32
    %dma_start3A_179 = tpu.memref_slice %arg5[%dma_start3A_169, %dma_start3A_178] : memref<512x64xi32, #tpu.memory_space<vmem>> -> memref<1x8xi32, #tpu.memory_space<vmem>>
    %dma_start3A_180 = tpu.memref_squeeze %dma_start3A_179 : memref<1x8xi32, #tpu.memory_space<vmem>> -> memref<8xi32, #tpu.memory_space<vmem>>
    %dma_start3A_181 = arith.constant 0 : i32
    %dma_start3A_182 = arith.constant 0 : i32
    %dma_start3A_183 = tpu.memref_slice %arg3[%dma_start3A_181, %dma_start3A_182] : memref<1000001x64xf32, #tpu.memory_space<hbm>> -> memref<1000001x64xf32, #tpu.memory_space<hbm>>
    tpu.enqueue_indirect_dma source(%dma_start3A_183 : memref<1000001x64xf32, #tpu.memory_space<hbm>>) target(%dma_start3A_177 : memref<8x64xf32, #tpu.memory_space<vmem>>) offsets(%dma_start3A_180 : memref<8xi32, #tpu.memory_space<vmem>>) semaphore(%arg10 : memref<!tpu.dma_semaphore, #tpu.memory_space<semaphore_mem>>)
    %dma_start3A_184 = arith.constant 12 : i32
    %dma_start3A_185 = arith.constant 3 : i32
    %dma_start3A_186 = arith.constant 0 : i32
    %dma_start3A_187 = arith.constant 0 : i32
    %dma_start3A_188 = tpu.memref_slice %arg6[%dma_start3A_185, %dma_start3A_186, %dma_start3A_187] : memref<6x200x64xf32, #tpu.memory_space<vmem>> -> memref<1x200x64xf32, #tpu.memory_space<vmem>>
    %dma_start3A_189 = tpu.memref_squeeze %dma_start3A_188 : memref<1x200x64xf32, #tpu.memory_space<vmem>> -> memref<200x64xf32, #tpu.memory_space<vmem>>
    %dma_start3A_190 = arith.constant 0 : i32
    %dma_start3A_191 = arith.constant 0 : i32
    %dma_start3A_192 = tpu.memref_slice %dma_start3A_189[%dma_start3A_190, %dma_start3A_191] : memref<200x64xf32, #tpu.memory_space<vmem>> -> memref<64x64xf32, #tpu.memory_space<vmem>>
    %dma_start3A_193 = arith.constant 0 : i32
    %dma_start3A_194 = tpu.memref_slice %arg5[%dma_start3A_184, %dma_start3A_193] : memref<512x64xi32, #tpu.memory_space<vmem>> -> memref<1x64xi32, #tpu.memory_space<vmem>>
    %dma_start3A_195 = tpu.memref_squeeze %dma_start3A_194 : memref<1x64xi32, #tpu.memory_space<vmem>> -> memref<64xi32, #tpu.memory_space<vmem>>
    %dma_start3A_196 = arith.constant 0 : i32
    %dma_start3A_197 = arith.constant 0 : i32
    %dma_start3A_198 = tpu.memref_slice %arg3[%dma_start3A_196, %dma_start3A_197] : memref<1000001x64xf32, #tpu.memory_space<hbm>> -> memref<1000001x64xf32, #tpu.memory_space<hbm>>
    tpu.enqueue_indirect_dma source(%dma_start3A_198 : memref<1000001x64xf32, #tpu.memory_space<hbm>>) target(%dma_start3A_192 : memref<64x64xf32, #tpu.memory_space<vmem>>) offsets(%dma_start3A_195 : memref<64xi32, #tpu.memory_space<vmem>>) semaphore(%arg11 : memref<!tpu.dma_semaphore, #tpu.memory_space<semaphore_mem>>)
    %dma_start3A_199 = arith.constant 13 : i32
    %dma_start3A_200 = arith.constant 3 : i32
    %dma_start3A_201 = arith.constant 0 : i32
    %dma_start3A_202 = arith.constant 0 : i32
    %dma_start3A_203 = tpu.memref_slice %arg6[%dma_start3A_200, %dma_start3A_201, %dma_start3A_202] : memref<6x200x64xf32, #tpu.memory_space<vmem>> -> memref<1x200x64xf32, #tpu.memory_space<vmem>>
    %dma_start3A_204 = tpu.memref_squeeze %dma_start3A_203 : memref<1x200x64xf32, #tpu.memory_space<vmem>> -> memref<200x64xf32, #tpu.memory_space<vmem>>
    %dma_start3A_205 = arith.constant 64 : i32
    %dma_start3A_206 = arith.constant 0 : i32
    %dma_start3A_207 = tpu.memref_slice %dma_start3A_204[%dma_start3A_205, %dma_start3A_206] : memref<200x64xf32, #tpu.memory_space<vmem>> -> memref<64x64xf32, #tpu.memory_space<vmem>>
    %dma_start3A_208 = arith.constant 0 : i32
    %dma_start3A_209 = tpu.memref_slice %arg5[%dma_start3A_199, %dma_start3A_208] : memref<512x64xi32, #tpu.memory_space<vmem>> -> memref<1x64xi32, #tpu.memory_space<vmem>>
    %dma_start3A_210 = tpu.memref_squeeze %dma_start3A_209 : memref<1x64xi32, #tpu.memory_space<vmem>> -> memref<64xi32, #tpu.memory_space<vmem>>
    %dma_start3A_211 = arith.constant 0 : i32
    %dma_start3A_212 = arith.constant 0 : i32
    %dma_start3A_213 = tpu.memref_slice %arg3[%dma_start3A_211, %dma_start3A_212] : memref<1000001x64xf32, #tpu.memory_space<hbm>> -> memref<1000001x64xf32, #tpu.memory_space<hbm>>
    tpu.enqueue_indirect_dma source(%dma_start3A_213 : memref<1000001x64xf32, #tpu.memory_space<hbm>>) target(%dma_start3A_207 : memref<64x64xf32, #tpu.memory_space<vmem>>) offsets(%dma_start3A_210 : memref<64xi32, #tpu.memory_space<vmem>>) semaphore(%arg11 : memref<!tpu.dma_semaphore, #tpu.memory_space<semaphore_mem>>)
    %dma_start3A_214 = arith.constant 14 : i32
    %dma_start3A_215 = arith.constant 3 : i32
    %dma_start3A_216 = arith.constant 0 : i32
    %dma_start3A_217 = arith.constant 0 : i32
    %dma_start3A_218 = tpu.memref_slice %arg6[%dma_start3A_215, %dma_start3A_216, %dma_start3A_217] : memref<6x200x64xf32, #tpu.memory_space<vmem>> -> memref<1x200x64xf32, #tpu.memory_space<vmem>>
    %dma_start3A_219 = tpu.memref_squeeze %dma_start3A_218 : memref<1x200x64xf32, #tpu.memory_space<vmem>> -> memref<200x64xf32, #tpu.memory_space<vmem>>
    %dma_start3A_220 = arith.constant 128 : i32
    %dma_start3A_221 = arith.constant 0 : i32
    %dma_start3A_222 = tpu.memref_slice %dma_start3A_219[%dma_start3A_220, %dma_start3A_221] : memref<200x64xf32, #tpu.memory_space<vmem>> -> memref<64x64xf32, #tpu.memory_space<vmem>>
    %dma_start3A_223 = arith.constant 0 : i32
    %dma_start3A_224 = tpu.memref_slice %arg5[%dma_start3A_214, %dma_start3A_223] : memref<512x64xi32, #tpu.memory_space<vmem>> -> memref<1x64xi32, #tpu.memory_space<vmem>>
    %dma_start3A_225 = tpu.memref_squeeze %dma_start3A_224 : memref<1x64xi32, #tpu.memory_space<vmem>> -> memref<64xi32, #tpu.memory_space<vmem>>
    %dma_start3A_226 = arith.constant 0 : i32
    %dma_start3A_227 = arith.constant 0 : i32
    %dma_start3A_228 = tpu.memref_slice %arg3[%dma_start3A_226, %dma_start3A_227] : memref<1000001x64xf32, #tpu.memory_space<hbm>> -> memref<1000001x64xf32, #tpu.memory_space<hbm>>
    tpu.enqueue_indirect_dma source(%dma_start3A_228 : memref<1000001x64xf32, #tpu.memory_space<hbm>>) target(%dma_start3A_222 : memref<64x64xf32, #tpu.memory_space<vmem>>) offsets(%dma_start3A_225 : memref<64xi32, #tpu.memory_space<vmem>>) semaphore(%arg11 : memref<!tpu.dma_semaphore, #tpu.memory_space<semaphore_mem>>)
    %dma_start3A_229 = arith.constant 15 : i32
    %dma_start3A_230 = arith.constant 3 : i32
    %dma_start3A_231 = arith.constant 0 : i32
    %dma_start3A_232 = arith.constant 0 : i32
    %dma_start3A_233 = tpu.memref_slice %arg6[%dma_start3A_230, %dma_start3A_231, %dma_start3A_232] : memref<6x200x64xf32, #tpu.memory_space<vmem>> -> memref<1x200x64xf32, #tpu.memory_space<vmem>>
    %dma_start3A_234 = tpu.memref_squeeze %dma_start3A_233 : memref<1x200x64xf32, #tpu.memory_space<vmem>> -> memref<200x64xf32, #tpu.memory_space<vmem>>
    %dma_start3A_235 = arith.constant 192 : i32
    %dma_start3A_236 = arith.constant 0 : i32
    %dma_start3A_237 = tpu.memref_slice %dma_start3A_234[%dma_start3A_235, %dma_start3A_236] : memref<200x64xf32, #tpu.memory_space<vmem>> -> memref<8x64xf32, #tpu.memory_space<vmem>>
    %dma_start3A_238 = arith.constant 0 : i32
    %dma_start3A_239 = tpu.memref_slice %arg5[%dma_start3A_229, %dma_start3A_238] : memref<512x64xi32, #tpu.memory_space<vmem>> -> memref<1x8xi32, #tpu.memory_space<vmem>>
    %dma_start3A_240 = tpu.memref_squeeze %dma_start3A_239 : memref<1x8xi32, #tpu.memory_space<vmem>> -> memref<8xi32, #tpu.memory_space<vmem>>
    %dma_start3A_241 = arith.constant 0 : i32
    %dma_start3A_242 = arith.constant 0 : i32
    %dma_start3A_243 = tpu.memref_slice %arg3[%dma_start3A_241, %dma_start3A_242] : memref<1000001x64xf32, #tpu.memory_space<hbm>> -> memref<1000001x64xf32, #tpu.memory_space<hbm>>
    tpu.enqueue_indirect_dma source(%dma_start3A_243 : memref<1000001x64xf32, #tpu.memory_space<hbm>>) target(%dma_start3A_237 : memref<8x64xf32, #tpu.memory_space<vmem>>) offsets(%dma_start3A_240 : memref<8xi32, #tpu.memory_space<vmem>>) semaphore(%arg11 : memref<!tpu.dma_semaphore, #tpu.memory_space<semaphore_mem>>)
    %dma_start3A_244 = arith.constant 16 : i32
    %dma_start3A_245 = arith.constant 4 : i32
    %dma_start3A_246 = arith.constant 0 : i32
    %dma_start3A_247 = arith.constant 0 : i32
    %dma_start3A_248 = tpu.memref_slice %arg6[%dma_start3A_245, %dma_start3A_246, %dma_start3A_247] : memref<6x200x64xf32, #tpu.memory_space<vmem>> -> memref<1x200x64xf32, #tpu.memory_space<vmem>>
    %dma_start3A_249 = tpu.memref_squeeze %dma_start3A_248 : memref<1x200x64xf32, #tpu.memory_space<vmem>> -> memref<200x64xf32, #tpu.memory_space<vmem>>
    %dma_start3A_250 = arith.constant 0 : i32
    %dma_start3A_251 = arith.constant 0 : i32
    %dma_start3A_252 = tpu.memref_slice %dma_start3A_249[%dma_start3A_250, %dma_start3A_251] : memref<200x64xf32, #tpu.memory_space<vmem>> -> memref<64x64xf32, #tpu.memory_space<vmem>>
    %dma_start3A_253 = arith.constant 0 : i32
    %dma_start3A_254 = tpu.memref_slice %arg5[%dma_start3A_244, %dma_start3A_253] : memref<512x64xi32, #tpu.memory_space<vmem>> -> memref<1x64xi32, #tpu.memory_space<vmem>>
    %dma_start3A_255 = tpu.memref_squeeze %dma_start3A_254 : memref<1x64xi32, #tpu.memory_space<vmem>> -> memref<64xi32, #tpu.memory_space<vmem>>
    %dma_start3A_256 = arith.constant 0 : i32
    %dma_start3A_257 = arith.constant 0 : i32
    %dma_start3A_258 = tpu.memref_slice %arg3[%dma_start3A_256, %dma_start3A_257] : memref<1000001x64xf32, #tpu.memory_space<hbm>> -> memref<1000001x64xf32, #tpu.memory_space<hbm>>
    tpu.enqueue_indirect_dma source(%dma_start3A_258 : memref<1000001x64xf32, #tpu.memory_space<hbm>>) target(%dma_start3A_252 : memref<64x64xf32, #tpu.memory_space<vmem>>) offsets(%dma_start3A_255 : memref<64xi32, #tpu.memory_space<vmem>>) semaphore(%arg12 : memref<!tpu.dma_semaphore, #tpu.memory_space<semaphore_mem>>)
    %dma_start3A_259 = arith.constant 17 : i32
    %dma_start3A_260 = arith.constant 4 : i32
    %dma_start3A_261 = arith.constant 0 : i32
    %dma_start3A_262 = arith.constant 0 : i32
    %dma_start3A_263 = tpu.memref_slice %arg6[%dma_start3A_260, %dma_start3A_261, %dma_start3A_262] : memref<6x200x64xf32, #tpu.memory_space<vmem>> -> memref<1x200x64xf32, #tpu.memory_space<vmem>>
    %dma_start3A_264 = tpu.memref_squeeze %dma_start3A_263 : memref<1x200x64xf32, #tpu.memory_space<vmem>> -> memref<200x64xf32, #tpu.memory_space<vmem>>
    %dma_start3A_265 = arith.constant 64 : i32
    %dma_start3A_266 = arith.constant 0 : i32
    %dma_start3A_267 = tpu.memref_slice %dma_start3A_264[%dma_start3A_265, %dma_start3A_266] : memref<200x64xf32, #tpu.memory_space<vmem>> -> memref<64x64xf32, #tpu.memory_space<vmem>>
    %dma_start3A_268 = arith.constant 0 : i32
    %dma_start3A_269 = tpu.memref_slice %arg5[%dma_start3A_259, %dma_start3A_268] : memref<512x64xi32, #tpu.memory_space<vmem>> -> memref<1x64xi32, #tpu.memory_space<vmem>>
    %dma_start3A_270 = tpu.memref_squeeze %dma_start3A_269 : memref<1x64xi32, #tpu.memory_space<vmem>> -> memref<64xi32, #tpu.memory_space<vmem>>
    %dma_start3A_271 = arith.constant 0 : i32
    %dma_start3A_272 = arith.constant 0 : i32
    %dma_start3A_273 = tpu.memref_slice %arg3[%dma_start3A_271, %dma_start3A_272] : memref<1000001x64xf32, #tpu.memory_space<hbm>> -> memref<1000001x64xf32, #tpu.memory_space<hbm>>
    tpu.enqueue_indirect_dma source(%dma_start3A_273 : memref<1000001x64xf32, #tpu.memory_space<hbm>>) target(%dma_start3A_267 : memref<64x64xf32, #tpu.memory_space<vmem>>) offsets(%dma_start3A_270 : memref<64xi32, #tpu.memory_space<vmem>>) semaphore(%arg12 : memref<!tpu.dma_semaphore, #tpu.memory_space<semaphore_mem>>)
    %dma_start3A_274 = arith.constant 18 : i32
    %dma_start3A_275 = arith.constant 4 : i32
    %dma_start3A_276 = arith.constant 0 : i32
    %dma_start3A_277 = arith.constant 0 : i32
    %dma_start3A_278 = tpu.memref_slice %arg6[%dma_start3A_275, %dma_start3A_276, %dma_start3A_277] : memref<6x200x64xf32, #tpu.memory_space<vmem>> -> memref<1x200x64xf32, #tpu.memory_space<vmem>>
    %dma_start3A_279 = tpu.memref_squeeze %dma_start3A_278 : memref<1x200x64xf32, #tpu.memory_space<vmem>> -> memref<200x64xf32, #tpu.memory_space<vmem>>
    %dma_start3A_280 = arith.constant 128 : i32
    %dma_start3A_281 = arith.constant 0 : i32
    %dma_start3A_282 = tpu.memref_slice %dma_start3A_279[%dma_start3A_280, %dma_start3A_281] : memref<200x64xf32, #tpu.memory_space<vmem>> -> memref<64x64xf32, #tpu.memory_space<vmem>>
    %dma_start3A_283 = arith.constant 0 : i32
    %dma_start3A_284 = tpu.memref_slice %arg5[%dma_start3A_274, %dma_start3A_283] : memref<512x64xi32, #tpu.memory_space<vmem>> -> memref<1x64xi32, #tpu.memory_space<vmem>>
    %dma_start3A_285 = tpu.memref_squeeze %dma_start3A_284 : memref<1x64xi32, #tpu.memory_space<vmem>> -> memref<64xi32, #tpu.memory_space<vmem>>
    %dma_start3A_286 = arith.constant 0 : i32
    %dma_start3A_287 = arith.constant 0 : i32
    %dma_start3A_288 = tpu.memref_slice %arg3[%dma_start3A_286, %dma_start3A_287] : memref<1000001x64xf32, #tpu.memory_space<hbm>> -> memref<1000001x64xf32, #tpu.memory_space<hbm>>
    tpu.enqueue_indirect_dma source(%dma_start3A_288 : memref<1000001x64xf32, #tpu.memory_space<hbm>>) target(%dma_start3A_282 : memref<64x64xf32, #tpu.memory_space<vmem>>) offsets(%dma_start3A_285 : memref<64xi32, #tpu.memory_space<vmem>>) semaphore(%arg12 : memref<!tpu.dma_semaphore, #tpu.memory_space<semaphore_mem>>)
    %dma_start3A_289 = arith.constant 19 : i32
    %dma_start3A_290 = arith.constant 4 : i32
    %dma_start3A_291 = arith.constant 0 : i32
    %dma_start3A_292 = arith.constant 0 : i32
    %dma_start3A_293 = tpu.memref_slice %arg6[%dma_start3A_290, %dma_start3A_291, %dma_start3A_292] : memref<6x200x64xf32, #tpu.memory_space<vmem>> -> memref<1x200x64xf32, #tpu.memory_space<vmem>>
    %dma_start3A_294 = tpu.memref_squeeze %dma_start3A_293 : memref<1x200x64xf32, #tpu.memory_space<vmem>> -> memref<200x64xf32, #tpu.memory_space<vmem>>
    %dma_start3A_295 = arith.constant 192 : i32
    %dma_start3A_296 = arith.constant 0 : i32
    %dma_start3A_297 = tpu.memref_slice %dma_start3A_294[%dma_start3A_295, %dma_start3A_296] : memref<200x64xf32, #tpu.memory_space<vmem>> -> memref<8x64xf32, #tpu.memory_space<vmem>>
    %dma_start3A_298 = arith.constant 0 : i32
    %dma_start3A_299 = tpu.memref_slice %arg5[%dma_start3A_289, %dma_start3A_298] : memref<512x64xi32, #tpu.memory_space<vmem>> -> memref<1x8xi32, #tpu.memory_space<vmem>>
    %dma_start3A_300 = tpu.memref_squeeze %dma_start3A_299 : memref<1x8xi32, #tpu.memory_space<vmem>> -> memref<8xi32, #tpu.memory_space<vmem>>
    %dma_start3A_301 = arith.constant 0 : i32
    %dma_start3A_302 = arith.constant 0 : i32
    %dma_start3A_303 = tpu.memref_slice %arg3[%dma_start3A_301, %dma_start3A_302] : memref<1000001x64xf32, #tpu.memory_space<hbm>> -> memref<1000001x64xf32, #tpu.memory_space<hbm>>
    tpu.enqueue_indirect_dma source(%dma_start3A_303 : memref<1000001x64xf32, #tpu.memory_space<hbm>>) target(%dma_start3A_297 : memref<8x64xf32, #tpu.memory_space<vmem>>) offsets(%dma_start3A_300 : memref<8xi32, #tpu.memory_space<vmem>>) semaphore(%arg12 : memref<!tpu.dma_semaphore, #tpu.memory_space<semaphore_mem>>)
    %scan3A = arith.constant 0 : i32
    %scan3A_304 = arith.constant 5 : i32
    %scan3A_305 = arith.constant 0 : i32
    %scan3A_306 = arith.constant 1 : i32
    %scan3A_307 = arith.constant 2 : i32
    %scan3A_308 = arith.constant 3 : i32
    %scan3A_309 = arith.constant 4 : i32
    %scan3A_310 = arith.constant 0 : i32
    %scan3A_311 = arith.constant 21 : i32
    %scan3A_312 = arith.addi %scan3A_310, %scan3A_311 : i32
    %scan3A_313 = arith.constant 1 : i32
    scf.for %scan3A_420 = %scan3A_310 to %scan3A_312 step %scan3A_313  : i32 {
      %mul3A_421 = arith.constant 6 : i32
      %mul3A_422 = arith.muli %mul3A_421, %scan3A_420 : i32
      %add3A_423 = arith.constant 0 : i32
      %add3A_424 = arith.addi %mul3A_422, %add3A_423 : i32
      %add3A_425 = arith.constant 6 : i32
      %add3A_426 = arith.addi %add3A_424, %add3A_425 : i32
      %sub3A = arith.constant 1 : i32
      %sub3A_427 = arith.subi %add3A_426, %sub3A : i32
      %lt3A = arith.constant 128 : i32
      %lt3A_428 = arith.cmpi slt, %sub3A_427, %lt3A : i32
      %convert_element_type3A = arith.extui %lt3A_428 : i1 to i32
      %cond3A = arith.constant 0 : i32
      %cond3A_429 = arith.cmpi ne, %convert_element_type3A, %cond3A : i32
      scf.if %cond3A_429 {
        %add3A_773 = arith.constant 6 : i32
        %add3A_774 = arith.addi %add3A_424, %add3A_773 : i32
        %sub3A_775 = arith.constant 1 : i32
        %sub3A_776 = arith.subi %add3A_774, %sub3A_775 : i32
        %mul3A_777 = arith.constant 4 : i32
        %mul3A_778 = arith.muli %mul3A_777, %sub3A_776 : i32
        %add3A_779 = arith.constant 0 : i32
        %add3A_780 = arith.addi %mul3A_778, %add3A_779 : i32
        %dma_start3A_781 = arith.constant 0 : i32
        %dma_start3A_782 = arith.constant 0 : i32
        %dma_start3A_783 = tpu.memref_slice %arg6[%scan3A_304, %dma_start3A_781, %dma_start3A_782] : memref<6x200x64xf32, #tpu.memory_space<vmem>> -> memref<1x200x64xf32, #tpu.memory_space<vmem>>
        %dma_start3A_784 = tpu.memref_squeeze %dma_start3A_783 : memref<1x200x64xf32, #tpu.memory_space<vmem>> -> memref<200x64xf32, #tpu.memory_space<vmem>>
        %dma_start3A_785 = arith.constant 0 : i32
        %dma_start3A_786 = arith.constant 0 : i32
        %dma_start3A_787 = tpu.memref_slice %dma_start3A_784[%dma_start3A_785, %dma_start3A_786] : memref<200x64xf32, #tpu.memory_space<vmem>> -> memref<64x64xf32, #tpu.memory_space<vmem>>
        %dma_start3A_788 = arith.constant 0 : i32
        %dma_start3A_789 = tpu.memref_slice %arg5[%add3A_780, %dma_start3A_788] : memref<512x64xi32, #tpu.memory_space<vmem>> -> memref<1x64xi32, #tpu.memory_space<vmem>>
        %dma_start3A_790 = tpu.memref_squeeze %dma_start3A_789 : memref<1x64xi32, #tpu.memory_space<vmem>> -> memref<64xi32, #tpu.memory_space<vmem>>
        %dma_start3A_791 = arith.constant 0 : i32
        %dma_start3A_792 = arith.constant 0 : i32
        %dma_start3A_793 = tpu.memref_slice %arg3[%dma_start3A_791, %dma_start3A_792] : memref<1000001x64xf32, #tpu.memory_space<hbm>> -> memref<1000001x64xf32, #tpu.memory_space<hbm>>
        tpu.enqueue_indirect_dma source(%dma_start3A_793 : memref<1000001x64xf32, #tpu.memory_space<hbm>>) target(%dma_start3A_787 : memref<64x64xf32, #tpu.memory_space<vmem>>) offsets(%dma_start3A_790 : memref<64xi32, #tpu.memory_space<vmem>>) semaphore(%arg13 : memref<!tpu.dma_semaphore, #tpu.memory_space<semaphore_mem>>)
        %mul3A_794 = arith.constant 4 : i32
        %mul3A_795 = arith.muli %mul3A_794, %sub3A_776 : i32
        %add3A_796 = arith.constant 1 : i32
        %add3A_797 = arith.addi %mul3A_795, %add3A_796 : i32
        %dma_start3A_798 = arith.constant 0 : i32
        %dma_start3A_799 = arith.constant 0 : i32
        %dma_start3A_800 = tpu.memref_slice %arg6[%scan3A_304, %dma_start3A_798, %dma_start3A_799] : memref<6x200x64xf32, #tpu.memory_space<vmem>> -> memref<1x200x64xf32, #tpu.memory_space<vmem>>
        %dma_start3A_801 = tpu.memref_squeeze %dma_start3A_800 : memref<1x200x64xf32, #tpu.memory_space<vmem>> -> memref<200x64xf32, #tpu.memory_space<vmem>>
        %dma_start3A_802 = arith.constant 64 : i32
        %dma_start3A_803 = arith.constant 0 : i32
        %dma_start3A_804 = tpu.memref_slice %dma_start3A_801[%dma_start3A_802, %dma_start3A_803] : memref<200x64xf32, #tpu.memory_space<vmem>> -> memref<64x64xf32, #tpu.memory_space<vmem>>
        %dma_start3A_805 = arith.constant 0 : i32
        %dma_start3A_806 = tpu.memref_slice %arg5[%add3A_797, %dma_start3A_805] : memref<512x64xi32, #tpu.memory_space<vmem>> -> memref<1x64xi32, #tpu.memory_space<vmem>>
        %dma_start3A_807 = tpu.memref_squeeze %dma_start3A_806 : memref<1x64xi32, #tpu.memory_space<vmem>> -> memref<64xi32, #tpu.memory_space<vmem>>
        %dma_start3A_808 = arith.constant 0 : i32
        %dma_start3A_809 = arith.constant 0 : i32
        %dma_start3A_810 = tpu.memref_slice %arg3[%dma_start3A_808, %dma_start3A_809] : memref<1000001x64xf32, #tpu.memory_space<hbm>> -> memref<1000001x64xf32, #tpu.memory_space<hbm>>
        tpu.enqueue_indirect_dma source(%dma_start3A_810 : memref<1000001x64xf32, #tpu.memory_space<hbm>>) target(%dma_start3A_804 : memref<64x64xf32, #tpu.memory_space<vmem>>) offsets(%dma_start3A_807 : memref<64xi32, #tpu.memory_space<vmem>>) semaphore(%arg13 : memref<!tpu.dma_semaphore, #tpu.memory_space<semaphore_mem>>)
        %mul3A_811 = arith.constant 4 : i32
        %mul3A_812 = arith.muli %mul3A_811, %sub3A_776 : i32
        %add3A_813 = arith.constant 2 : i32
        %add3A_814 = arith.addi %mul3A_812, %add3A_813 : i32
        %dma_start3A_815 = arith.constant 0 : i32
        %dma_start3A_816 = arith.constant 0 : i32
        %dma_start3A_817 = tpu.memref_slice %arg6[%scan3A_304, %dma_start3A_815, %dma_start3A_816] : memref<6x200x64xf32, #tpu.memory_space<vmem>> -> memref<1x200x64xf32, #tpu.memory_space<vmem>>
        %dma_start3A_818 = tpu.memref_squeeze %dma_start3A_817 : memref<1x200x64xf32, #tpu.memory_space<vmem>> -> memref<200x64xf32, #tpu.memory_space<vmem>>
        %dma_start3A_819 = arith.constant 128 : i32
        %dma_start3A_820 = arith.constant 0 : i32
        %dma_start3A_821 = tpu.memref_slice %dma_start3A_818[%dma_start3A_819, %dma_start3A_820] : memref<200x64xf32, #tpu.memory_space<vmem>> -> memref<64x64xf32, #tpu.memory_space<vmem>>
        %dma_start3A_822 = arith.constant 0 : i32
        %dma_start3A_823 = tpu.memref_slice %arg5[%add3A_814, %dma_start3A_822] : memref<512x64xi32, #tpu.memory_space<vmem>> -> memref<1x64xi32, #tpu.memory_space<vmem>>
        %dma_start3A_824 = tpu.memref_squeeze %dma_start3A_823 : memref<1x64xi32, #tpu.memory_space<vmem>> -> memref<64xi32, #tpu.memory_space<vmem>>
        %dma_start3A_825 = arith.constant 0 : i32
        %dma_start3A_826 = arith.constant 0 : i32
        %dma_start3A_827 = tpu.memref_slice %arg3[%dma_start3A_825, %dma_start3A_826] : memref<1000001x64xf32, #tpu.memory_space<hbm>> -> memref<1000001x64xf32, #tpu.memory_space<hbm>>
        tpu.enqueue_indirect_dma source(%dma_start3A_827 : memref<1000001x64xf32, #tpu.memory_space<hbm>>) target(%dma_start3A_821 : memref<64x64xf32, #tpu.memory_space<vmem>>) offsets(%dma_start3A_824 : memref<64xi32, #tpu.memory_space<vmem>>) semaphore(%arg13 : memref<!tpu.dma_semaphore, #tpu.memory_space<semaphore_mem>>)
        %mul3A_828 = arith.constant 4 : i32
        %mul3A_829 = arith.muli %mul3A_828, %sub3A_776 : i32
        %add3A_830 = arith.constant 3 : i32
        %add3A_831 = arith.addi %mul3A_829, %add3A_830 : i32
        %dma_start3A_832 = arith.constant 0 : i32
        %dma_start3A_833 = arith.constant 0 : i32
        %dma_start3A_834 = tpu.memref_slice %arg6[%scan3A_304, %dma_start3A_832, %dma_start3A_833] : memref<6x200x64xf32, #tpu.memory_space<vmem>> -> memref<1x200x64xf32, #tpu.memory_space<vmem>>
        %dma_start3A_835 = tpu.memref_squeeze %dma_start3A_834 : memref<1x200x64xf32, #tpu.memory_space<vmem>> -> memref<200x64xf32, #tpu.memory_space<vmem>>
        %dma_start3A_836 = arith.constant 192 : i32
        %dma_start3A_837 = arith.constant 0 : i32
        %dma_start3A_838 = tpu.memref_slice %dma_start3A_835[%dma_start3A_836, %dma_start3A_837] : memref<200x64xf32, #tpu.memory_space<vmem>> -> memref<8x64xf32, #tpu.memory_space<vmem>>
        %dma_start3A_839 = arith.constant 0 : i32
        %dma_start3A_840 = tpu.memref_slice %arg5[%add3A_831, %dma_start3A_839] : memref<512x64xi32, #tpu.memory_space<vmem>> -> memref<1x8xi32, #tpu.memory_space<vmem>>
        %dma_start3A_841 = tpu.memref_squeeze %dma_start3A_840 : memref<1x8xi32, #tpu.memory_space<vmem>> -> memref<8xi32, #tpu.memory_space<vmem>>
        %dma_start3A_842 = arith.constant 0 : i32
        %dma_start3A_843 = arith.constant 0 : i32
        %dma_start3A_844 = tpu.memref_slice %arg3[%dma_start3A_842, %dma_start3A_843] : memref<1000001x64xf32, #tpu.memory_space<hbm>> -> memref<1000001x64xf32, #tpu.memory_space<hbm>>
        tpu.enqueue_indirect_dma source(%dma_start3A_844 : memref<1000001x64xf32, #tpu.memory_space<hbm>>) target(%dma_start3A_838 : memref<8x64xf32, #tpu.memory_space<vmem>>) offsets(%dma_start3A_841 : memref<8xi32, #tpu.memory_space<vmem>>) semaphore(%arg13 : memref<!tpu.dma_semaphore, #tpu.memory_space<semaphore_mem>>)
      } else {
      }
      %dma_wait3A_430 = arith.constant 0 : i32
      %dma_wait3A_431 = arith.constant 0 : i32
      %dma_wait3A_432 = tpu.memref_slice %arg6[%scan3A_305, %dma_wait3A_430, %dma_wait3A_431] : memref<6x200x64xf32, #tpu.memory_space<vmem>> -> memref<1x200x64xf32, #tpu.memory_space<vmem>>
      %dma_wait3A_433 = tpu.memref_squeeze %dma_wait3A_432 : memref<1x200x64xf32, #tpu.memory_space<vmem>> -> memref<200x64xf32, #tpu.memory_space<vmem>>
      %dma_wait3A_434 = arith.constant 0 : i32
      %dma_wait3A_435 = arith.constant 0 : i32
      %dma_wait3A_436 = tpu.memref_slice %arg3[%dma_wait3A_434, %dma_wait3A_435] : memref<1000001x64xf32, #tpu.memory_space<hbm>> -> memref<200x64xf32, #tpu.memory_space<hbm>>
      %dma_wait3A_437 = arith.constant 0 : i32
      %dma_wait3A_438 = arith.constant 0 : i32
      %dma_wait3A_439 = tpu.memref_slice %arg6[%scan3A_305, %dma_wait3A_437, %dma_wait3A_438] : memref<6x200x64xf32, #tpu.memory_space<vmem>> -> memref<1x200x64xf32, #tpu.memory_space<vmem>>
      %dma_wait3A_440 = tpu.memref_squeeze %dma_wait3A_439 : memref<1x200x64xf32, #tpu.memory_space<vmem>> -> memref<200x64xf32, #tpu.memory_space<vmem>>
      %dma_wait3A_441 = arith.constant 0 : i32
      %dma_wait3A_442 = arith.constant 0 : i32
      %dma_wait3A_443 = tpu.memref_slice %arg3[%dma_wait3A_441, %dma_wait3A_442] : memref<1000001x64xf32, #tpu.memory_space<hbm>> -> memref<200x64xf32, #tpu.memory_space<hbm>>
      tpu.wait_dma2 semaphore(%arg8 : memref<!tpu.dma_semaphore, #tpu.memory_space<semaphore_mem>>) src(%dma_wait3A_443 : memref<200x64xf32, #tpu.memory_space<hbm>>) dst(%dma_wait3A_440 : memref<200x64xf32, #tpu.memory_space<vmem>>)
      %broadcast_in_dim3A_444 = arith.constant 0.000000e+00 : f32
      %broadcast_in_dim3A_445 = vector.broadcast %broadcast_in_dim3A_444 : f32 to vector<16xf32>
      %broadcast_in_dim3A_446 = arith.constant 0.000000e+00 : f32
      %broadcast_in_dim3A_447 = vector.broadcast %broadcast_in_dim3A_446 : f32 to vector<16xf32>
      %broadcast_in_dim3A_448 = arith.constant 0.000000e+00 : f32
      %broadcast_in_dim3A_449 = vector.broadcast %broadcast_in_dim3A_448 : f32 to vector<16xf32>
      %broadcast_in_dim3A_450 = arith.constant 0.000000e+00 : f32
      %broadcast_in_dim3A_451 = vector.broadcast %broadcast_in_dim3A_450 : f32 to vector<16xf32>
      %scan3A_452 = arith.constant 0 : i32
      %scan3A_453 = arith.constant 25 : i32
      %scan3A_454 = arith.addi %scan3A_452, %scan3A_453 : i32
      %scan3A_455 = arith.constant 1 : i32
      %scan3A_456:4 = scf.for %scan3A_773 = %scan3A_452 to %scan3A_454 step %scan3A_455 iter_args(%scan3A_774 = %broadcast_in_dim3A_445, %scan3A_775 = %broadcast_in_dim3A_447, %scan3A_776 = %broadcast_in_dim3A_449, %scan3A_777 = %broadcast_in_dim3A_451) -> (vector<16xf32>, vector<16xf32>, vector<16xf32>, vector<16xf32>)  : i32 {
        %mul3A_778 = arith.constant 8 : i32
        %mul3A_779 = arith.muli %scan3A_773, %mul3A_778 : i32
        %add3A_780 = arith.constant 0 : i32
        %add3A_781 = arith.addi %mul3A_779, %add3A_780 : i32
        %get3A = arith.constant 0 : i32
        %get3A_782 = arith.constant 0 : i32
        %get3A_783 = tpu.memref_slice %arg6[%scan3A_305, %get3A, %get3A_782] : memref<6x200x64xf32, #tpu.memory_space<vmem>> -> memref<1x200x64xf32, #tpu.memory_space<vmem>>
        %get3A_784 = tpu.memref_squeeze %get3A_783 : memref<1x200x64xf32, #tpu.memory_space<vmem>> -> memref<200x64xf32, #tpu.memory_space<vmem>>
        %get3A_785 = arith.index_cast %add3A_781 : i32 to index
        %get3A_786 = arith.constant 0 : index
        %get3A_787 = tpu.vector_load %get3A_784[%get3A_785, %get3A_786] {strides = array<i32>} : memref<200x64xf32, #tpu.memory_space<vmem>>, vector<1x16xf32>,
        %get3A_788 = vector.shape_cast %get3A_787 : vector<1x16xf32> to vector<16xf32>
        %add3A_789 = arith.addf %scan3A_774, %get3A_788 : vector<16xf32>
        %get3A_790 = arith.constant 0 : i32
        %get3A_791 = arith.constant 0 : i32
        %get3A_792 = tpu.memref_slice %arg6[%scan3A_305, %get3A_790, %get3A_791] : memref<6x200x64xf32, #tpu.memory_space<vmem>> -> memref<1x200x64xf32, #tpu.memory_space<vmem>>
        %get3A_793 = tpu.memref_squeeze %get3A_792 : memref<1x200x64xf32, #tpu.memory_space<vmem>> -> memref<200x64xf32, #tpu.memory_space<vmem>>
        %get3A_794 = arith.index_cast %add3A_781 : i32 to index
        %get3A_795 = arith.constant 16 : index
        %get3A_796 = tpu.vector_load %get3A_793[%get3A_794, %get3A_795] {strides = array<i32>} : memref<200x64xf32, #tpu.memory_space<vmem>>, vector<1x16xf32>,
        %get3A_797 = vector.shape_cast %get3A_796 : vector<1x16xf32> to vector<16xf32>
        %add3A_798 = arith.addf %scan3A_775, %get3A_797 : vector<16xf32>
        %get3A_799 = arith.constant 0 : i32
        %get3A_800 = arith.constant 0 : i32
        %get3A_801 = tpu.memref_slice %arg6[%scan3A_305, %get3A_799, %get3A_800] : memref<6x200x64xf32, #tpu.memory_space<vmem>> -> memref<1x200x64xf32, #tpu.memory_space<vmem>>
        %get3A_802 = tpu.memref_squeeze %get3A_801 : memref<1x200x64xf32, #tpu.memory_space<vmem>> -> memref<200x64xf32, #tpu.memory_space<vmem>>
        %get3A_803 = arith.index_cast %add3A_781 : i32 to index
        %get3A_804 = arith.constant 32 : index
        %get3A_805 = tpu.vector_load %get3A_802[%get3A_803, %get3A_804] {strides = array<i32>} : memref<200x64xf32, #tpu.memory_space<vmem>>, vector<1x16xf32>,
        %get3A_806 = vector.shape_cast %get3A_805 : vector<1x16xf32> to vector<16xf32>
        %add3A_807 = arith.addf %scan3A_776, %get3A_806 : vector<16xf32>
        %get3A_808 = arith.constant 0 : i32
        %get3A_809 = arith.constant 0 : i32
        %get3A_810 = tpu.memref_slice %arg6[%scan3A_305, %get3A_808, %get3A_809] : memref<6x200x64xf32, #tpu.memory_space<vmem>> -> memref<1x200x64xf32, #tpu.memory_space<vmem>>
        %get3A_811 = tpu.memref_squeeze %get3A_810 : memref<1x200x64xf32, #tpu.memory_space<vmem>> -> memref<200x64xf32, #tpu.memory_space<vmem>>
        %get3A_812 = arith.index_cast %add3A_781 : i32 to index
        %get3A_813 = arith.constant 48 : index
        %get3A_814 = tpu.vector_load %get3A_811[%get3A_812, %get3A_813] {strides = array<i32>} : memref<200x64xf32, #tpu.memory_space<vmem>>, vector<1x16xf32>,
        %get3A_815 = vector.shape_cast %get3A_814 : vector<1x16xf32> to vector<16xf32>
        %add3A_816 = arith.addf %scan3A_777, %get3A_815 : vector<16xf32>
        %mul3A_817 = arith.constant 8 : i32
        %mul3A_818 = arith.muli %scan3A_773, %mul3A_817 : i32
        %add3A_819 = arith.constant 1 : i32
        %add3A_820 = arith.addi %mul3A_818, %add3A_819 : i32
        %get3A_821 = arith.constant 0 : i32
        %get3A_822 = arith.constant 0 : i32
        %get3A_823 = tpu.memref_slice %arg6[%scan3A_305, %get3A_821, %get3A_822] : memref<6x200x64xf32, #tpu.memory_space<vmem>> -> memref<1x200x64xf32, #tpu.memory_space<vmem>>
        %get3A_824 = tpu.memref_squeeze %get3A_823 : memref<1x200x64xf32, #tpu.memory_space<vmem>> -> memref<200x64xf32, #tpu.memory_space<vmem>>
        %get3A_825 = arith.index_cast %add3A_820 : i32 to index
        %get3A_826 = arith.constant 0 : index
        %get3A_827 = tpu.vector_load %get3A_824[%get3A_825, %get3A_826] {strides = array<i32>} : memref<200x64xf32, #tpu.memory_space<vmem>>, vector<1x16xf32>,
        %get3A_828 = vector.shape_cast %get3A_827 : vector<1x16xf32> to vector<16xf32>
        %add3A_829 = arith.addf %add3A_789, %get3A_828 : vector<16xf32>
        %get3A_830 = arith.constant 0 : i32
        %get3A_831 = arith.constant 0 : i32
        %get3A_832 = tpu.memref_slice %arg6[%scan3A_305, %get3A_830, %get3A_831] : memref<6x200x64xf32, #tpu.memory_space<vmem>> -> memref<1x200x64xf32, #tpu.memory_space<vmem>>
        %get3A_833 = tpu.memref_squeeze %get3A_832 : memref<1x200x64xf32, #tpu.memory_space<vmem>> -> memref<200x64xf32, #tpu.memory_space<vmem>>
        %get3A_834 = arith.index_cast %add3A_820 : i32 to index
        %get3A_835 = arith.constant 16 : index
        %get3A_836 = tpu.vector_load %get3A_833[%get3A_834, %get3A_835] {strides = array<i32>} : memref<200x64xf32, #tpu.memory_space<vmem>>, vector<1x16xf32>,
        %get3A_837 = vector.shape_cast %get3A_836 : vector<1x16xf32> to vector<16xf32>
        %add3A_838 = arith.addf %add3A_798, %get3A_837 : vector<16xf32>
        %get3A_839 = arith.constant 0 : i32
        %get3A_840 = arith.constant 0 : i32
        %get3A_841 = tpu.memref_slice %arg6[%scan3A_305, %get3A_839, %get3A_840] : memref<6x200x64xf32, #tpu.memory_space<vmem>> -> memref<1x200x64xf32, #tpu.memory_space<vmem>>
        %get3A_842 = tpu.memref_squeeze %get3A_841 : memref<1x200x64xf32, #tpu.memory_space<vmem>> -> memref<200x64xf32, #tpu.memory_space<vmem>>
        %get3A_843 = arith.index_cast %add3A_820 : i32 to index
        %get3A_844 = arith.constant 32 : index
        %get3A_845 = tpu.vector_load %get3A_842[%get3A_843, %get3A_844] {strides = array<i32>} : memref<200x64xf32, #tpu.memory_space<vmem>>, vector<1x16xf32>,
        %get3A_846 = vector.shape_cast %get3A_845 : vector<1x16xf32> to vector<16xf32>
        %add3A_847 = arith.addf %add3A_807, %get3A_846 : vector<16xf32>
        %get3A_848 = arith.constant 0 : i32
        %get3A_849 = arith.constant 0 : i32
        %get3A_850 = tpu.memref_slice %arg6[%scan3A_305, %get3A_848, %get3A_849] : memref<6x200x64xf32, #tpu.memory_space<vmem>> -> memref<1x200x64xf32, #tpu.memory_space<vmem>>
        %get3A_851 = tpu.memref_squeeze %get3A_850 : memref<1x200x64xf32, #tpu.memory_space<vmem>> -> memref<200x64xf32, #tpu.memory_space<vmem>>
        %get3A_852 = arith.index_cast %add3A_820 : i32 to index
        %get3A_853 = arith.constant 48 : index
        %get3A_854 = tpu.vector_load %get3A_851[%get3A_852, %get3A_853] {strides = array<i32>} : memref<200x64xf32, #tpu.memory_space<vmem>>, vector<1x16xf32>,
        %get3A_855 = vector.shape_cast %get3A_854 : vector<1x16xf32> to vector<16xf32>
        %add3A_856 = arith.addf %add3A_816, %get3A_855 : vector<16xf32>
        %mul3A_857 = arith.constant 8 : i32
        %mul3A_858 = arith.muli %scan3A_773, %mul3A_857 : i32
        %add3A_859 = arith.constant 2 : i32
        %add3A_860 = arith.addi %mul3A_858, %add3A_859 : i32
        %get3A_861 = arith.constant 0 : i32
        %get3A_862 = arith.constant 0 : i32
        %get3A_863 = tpu.memref_slice %arg6[%scan3A_305, %get3A_861, %get3A_862] : memref<6x200x64xf32, #tpu.memory_space<vmem>> -> memref<1x200x64xf32, #tpu.memory_space<vmem>>
        %get3A_864 = tpu.memref_squeeze %get3A_863 : memref<1x200x64xf32, #tpu.memory_space<vmem>> -> memref<200x64xf32, #tpu.memory_space<vmem>>
        %get3A_865 = arith.index_cast %add3A_860 : i32 to index
        %get3A_866 = arith.constant 0 : index
        %get3A_867 = tpu.vector_load %get3A_864[%get3A_865, %get3A_866] {strides = array<i32>} : memref<200x64xf32, #tpu.memory_space<vmem>>, vector<1x16xf32>,
        %get3A_868 = vector.shape_cast %get3A_867 : vector<1x16xf32> to vector<16xf32>
        %add3A_869 = arith.addf %add3A_829, %get3A_868 : vector<16xf32>
        %get3A_870 = arith.constant 0 : i32
        %get3A_871 = arith.constant 0 : i32
        %get3A_872 = tpu.memref_slice %arg6[%scan3A_305, %get3A_870, %get3A_871] : memref<6x200x64xf32, #tpu.memory_space<vmem>> -> memref<1x200x64xf32, #tpu.memory_space<vmem>>
        %get3A_873 = tpu.memref_squeeze %get3A_872 : memref<1x200x64xf32, #tpu.memory_space<vmem>> -> memref<200x64xf32, #tpu.memory_space<vmem>>
        %get3A_874 = arith.index_cast %add3A_860 : i32 to index
        %get3A_875 = arith.constant 16 : index
        %get3A_876 = tpu.vector_load %get3A_873[%get3A_874, %get3A_875] {strides = array<i32>} : memref<200x64xf32, #tpu.memory_space<vmem>>, vector<1x16xf32>,
        %get3A_877 = vector.shape_cast %get3A_876 : vector<1x16xf32> to vector<16xf32>
        %add3A_878 = arith.addf %add3A_838, %get3A_877 : vector<16xf32>
        %get3A_879 = arith.constant 0 : i32
        %get3A_880 = arith.constant 0 : i32
        %get3A_881 = tpu.memref_slice %arg6[%scan3A_305, %get3A_879, %get3A_880] : memref<6x200x64xf32, #tpu.memory_space<vmem>> -> memref<1x200x64xf32, #tpu.memory_space<vmem>>
        %get3A_882 = tpu.memref_squeeze %get3A_881 : memref<1x200x64xf32, #tpu.memory_space<vmem>> -> memref<200x64xf32, #tpu.memory_space<vmem>>
        %get3A_883 = arith.index_cast %add3A_860 : i32 to index
        %get3A_884 = arith.constant 32 : index
        %get3A_885 = tpu.vector_load %get3A_882[%get3A_883, %get3A_884] {strides = array<i32>} : memref<200x64xf32, #tpu.memory_space<vmem>>, vector<1x16xf32>,
        %get3A_886 = vector.shape_cast %get3A_885 : vector<1x16xf32> to vector<16xf32>
        %add3A_887 = arith.addf %add3A_847, %get3A_886 : vector<16xf32>
        %get3A_888 = arith.constant 0 : i32
        %get3A_889 = arith.constant 0 : i32
        %get3A_890 = tpu.memref_slice %arg6[%scan3A_305, %get3A_888, %get3A_889] : memref<6x200x64xf32, #tpu.memory_space<vmem>> -> memref<1x200x64xf32, #tpu.memory_space<vmem>>
        %get3A_891 = tpu.memref_squeeze %get3A_890 : memref<1x200x64xf32, #tpu.memory_space<vmem>> -> memref<200x64xf32, #tpu.memory_space<vmem>>
        %get3A_892 = arith.index_cast %add3A_860 : i32 to index
        %get3A_893 = arith.constant 48 : index
        %get3A_894 = tpu.vector_load %get3A_891[%get3A_892, %get3A_893] {strides = array<i32>} : memref<200x64xf32, #tpu.memory_space<vmem>>, vector<1x16xf32>,
        %get3A_895 = vector.shape_cast %get3A_894 : vector<1x16xf32> to vector<16xf32>
        %add3A_896 = arith.addf %add3A_856, %get3A_895 : vector<16xf32>
        %mul3A_897 = arith.constant 8 : i32
        %mul3A_898 = arith.muli %scan3A_773, %mul3A_897 : i32
        %add3A_899 = arith.constant 3 : i32
        %add3A_900 = arith.addi %mul3A_898, %add3A_899 : i32
        %get3A_901 = arith.constant 0 : i32
        %get3A_902 = arith.constant 0 : i32
        %get3A_903 = tpu.memref_slice %arg6[%scan3A_305, %get3A_901, %get3A_902] : memref<6x200x64xf32, #tpu.memory_space<vmem>> -> memref<1x200x64xf32, #tpu.memory_space<vmem>>
        %get3A_904 = tpu.memref_squeeze %get3A_903 : memref<1x200x64xf32, #tpu.memory_space<vmem>> -> memref<200x64xf32, #tpu.memory_space<vmem>>
        %get3A_905 = arith.index_cast %add3A_900 : i32 to index
        %get3A_906 = arith.constant 0 : index
        %get3A_907 = tpu.vector_load %get3A_904[%get3A_905, %get3A_906] {strides = array<i32>} : memref<200x64xf32, #tpu.memory_space<vmem>>, vector<1x16xf32>,
        %get3A_908 = vector.shape_cast %get3A_907 : vector<1x16xf32> to vector<16xf32>
        %add3A_909 = arith.addf %add3A_869, %get3A_908 : vector<16xf32>
        %get3A_910 = arith.constant 0 : i32
        %get3A_911 = arith.constant 0 : i32
        %get3A_912 = tpu.memref_slice %arg6[%scan3A_305, %get3A_910, %get3A_911] : memref<6x200x64xf32, #tpu.memory_space<vmem>> -> memref<1x200x64xf32, #tpu.memory_space<vmem>>
        %get3A_913 = tpu.memref_squeeze %get3A_912 : memref<1x200x64xf32, #tpu.memory_space<vmem>> -> memref<200x64xf32, #tpu.memory_space<vmem>>
        %get3A_914 = arith.index_cast %add3A_900 : i32 to index
        %get3A_915 = arith.constant 16 : index
        %get3A_916 = tpu.vector_load %get3A_913[%get3A_914, %get3A_915] {strides = array<i32>} : memref<200x64xf32, #tpu.memory_space<vmem>>, vector<1x16xf32>,
        %get3A_917 = vector.shape_cast %get3A_916 : vector<1x16xf32> to vector<16xf32>
        %add3A_918 = arith.addf %add3A_878, %get3A_917 : vector<16xf32>
        %get3A_919 = arith.constant 0 : i32
        %get3A_920 = arith.constant 0 : i32
        %get3A_921 = tpu.memref_slice %arg6[%scan3A_305, %get3A_919, %get3A_920] : memref<6x200x64xf32, #tpu.memory_space<vmem>> -> memref<1x200x64xf32, #tpu.memory_space<vmem>>
        %get3A_922 = tpu.memref_squeeze %get3A_921 : memref<1x200x64xf32, #tpu.memory_space<vmem>> -> memref<200x64xf32, #tpu.memory_space<vmem>>
        %get3A_923 = arith.index_cast %add3A_900 : i32 to index
        %get3A_924 = arith.constant 32 : index
        %get3A_925 = tpu.vector_load %get3A_922[%get3A_923, %get3A_924] {strides = array<i32>} : memref<200x64xf32, #tpu.memory_space<vmem>>, vector<1x16xf32>,
        %get3A_926 = vector.shape_cast %get3A_925 : vector<1x16xf32> to vector<16xf32>
        %add3A_927 = arith.addf %add3A_887, %get3A_926 : vector<16xf32>
        %get3A_928 = arith.constant 0 : i32
        %get3A_929 = arith.constant 0 : i32
        %get3A_930 = tpu.memref_slice %arg6[%scan3A_305, %get3A_928, %get3A_929] : memref<6x200x64xf32, #tpu.memory_space<vmem>> -> memref<1x200x64xf32, #tpu.memory_space<vmem>>
        %get3A_931 = tpu.memref_squeeze %get3A_930 : memref<1x200x64xf32, #tpu.memory_space<vmem>> -> memref<200x64xf32, #tpu.memory_space<vmem>>
        %get3A_932 = arith.index_cast %add3A_900 : i32 to index
        %get3A_933 = arith.constant 48 : index
        %get3A_934 = tpu.vector_load %get3A_931[%get3A_932, %get3A_933] {strides = array<i32>} : memref<200x64xf32, #tpu.memory_space<vmem>>, vector<1x16xf32>,
        %get3A_935 = vector.shape_cast %get3A_934 : vector<1x16xf32> to vector<16xf32>
        %add3A_936 = arith.addf %add3A_896, %get3A_935 : vector<16xf32>
        %mul3A_937 = arith.constant 8 : i32
        %mul3A_938 = arith.muli %scan3A_773, %mul3A_937 : i32
        %add3A_939 = arith.constant 4 : i32
        %add3A_940 = arith.addi %mul3A_938, %add3A_939 : i32
        %get3A_941 = arith.constant 0 : i32
        %get3A_942 = arith.constant 0 : i32
        %get3A_943 = tpu.memref_slice %arg6[%scan3A_305, %get3A_941, %get3A_942] : memref<6x200x64xf32, #tpu.memory_space<vmem>> -> memref<1x200x64xf32, #tpu.memory_space<vmem>>
        %get3A_944 = tpu.memref_squeeze %get3A_943 : memref<1x200x64xf32, #tpu.memory_space<vmem>> -> memref<200x64xf32, #tpu.memory_space<vmem>>
        %get3A_945 = arith.index_cast %add3A_940 : i32 to index
        %get3A_946 = arith.constant 0 : index
        %get3A_947 = tpu.vector_load %get3A_944[%get3A_945, %get3A_946] {strides = array<i32>} : memref<200x64xf32, #tpu.memory_space<vmem>>, vector<1x16xf32>,
        %get3A_948 = vector.shape_cast %get3A_947 : vector<1x16xf32> to vector<16xf32>
        %add3A_949 = arith.addf %add3A_909, %get3A_948 : vector<16xf32>
        %get3A_950 = arith.constant 0 : i32
        %get3A_951 = arith.constant 0 : i32
        %get3A_952 = tpu.memref_slice %arg6[%scan3A_305, %get3A_950, %get3A_951] : memref<6x200x64xf32, #tpu.memory_space<vmem>> -> memref<1x200x64xf32, #tpu.memory_space<vmem>>
        %get3A_953 = tpu.memref_squeeze %get3A_952 : memref<1x200x64xf32, #tpu.memory_space<vmem>> -> memref<200x64xf32, #tpu.memory_space<vmem>>
        %get3A_954 = arith.index_cast %add3A_940 : i32 to index
        %get3A_955 = arith.constant 16 : index
        %get3A_956 = tpu.vector_load %get3A_953[%get3A_954, %get3A_955] {strides = array<i32>} : memref<200x64xf32, #tpu.memory_space<vmem>>, vector<1x16xf32>,
        %get3A_957 = vector.shape_cast %get3A_956 : vector<1x16xf32> to vector<16xf32>
        %add3A_958 = arith.addf %add3A_918, %get3A_957 : vector<16xf32>
        %get3A_959 = arith.constant 0 : i32
        %get3A_960 = arith.constant 0 : i32
        %get3A_961 = tpu.memref_slice %arg6[%scan3A_305, %get3A_959, %get3A_960] : memref<6x200x64xf32, #tpu.memory_space<vmem>> -> memref<1x200x64xf32, #tpu.memory_space<vmem>>
        %get3A_962 = tpu.memref_squeeze %get3A_961 : memref<1x200x64xf32, #tpu.memory_space<vmem>> -> memref<200x64xf32, #tpu.memory_space<vmem>>
        %get3A_963 = arith.index_cast %add3A_940 : i32 to index
        %get3A_964 = arith.constant 32 : index
        %get3A_965 = tpu.vector_load %get3A_962[%get3A_963, %get3A_964] {strides = array<i32>} : memref<200x64xf32, #tpu.memory_space<vmem>>, vector<1x16xf32>,
        %get3A_966 = vector.shape_cast %get3A_965 : vector<1x16xf32> to vector<16xf32>
        %add3A_967 = arith.addf %add3A_927, %get3A_966 : vector<16xf32>
        %get3A_968 = arith.constant 0 : i32
        %get3A_969 = arith.constant 0 : i32
        %get3A_970 = tpu.memref_slice %arg6[%scan3A_305, %get3A_968, %get3A_969] : memref<6x200x64xf32, #tpu.memory_space<vmem>> -> memref<1x200x64xf32, #tpu.memory_space<vmem>>
        %get3A_971 = tpu.memref_squeeze %get3A_970 : memref<1x200x64xf32, #tpu.memory_space<vmem>> -> memref<200x64xf32, #tpu.memory_space<vmem>>
        %get3A_972 = arith.index_cast %add3A_940 : i32 to index
        %get3A_973 = arith.constant 48 : index
        %get3A_974 = tpu.vector_load %get3A_971[%get3A_972, %get3A_973] {strides = array<i32>} : memref<200x64xf32, #tpu.memory_space<vmem>>, vector<1x16xf32>,
        %get3A_975 = vector.shape_cast %get3A_974 : vector<1x16xf32> to vector<16xf32>
        %add3A_976 = arith.addf %add3A_936, %get3A_975 : vector<16xf32>
        %mul3A_977 = arith.constant 8 : i32
        %mul3A_978 = arith.muli %scan3A_773, %mul3A_977 : i32
        %add3A_979 = arith.constant 5 : i32
        %add3A_980 = arith.addi %mul3A_978, %add3A_979 : i32
        %get3A_981 = arith.constant 0 : i32
        %get3A_982 = arith.constant 0 : i32
        %get3A_983 = tpu.memref_slice %arg6[%scan3A_305, %get3A_981, %get3A_982] : memref<6x200x64xf32, #tpu.memory_space<vmem>> -> memref<1x200x64xf32, #tpu.memory_space<vmem>>
        %get3A_984 = tpu.memref_squeeze %get3A_983 : memref<1x200x64xf32, #tpu.memory_space<vmem>> -> memref<200x64xf32, #tpu.memory_space<vmem>>
        %get3A_985 = arith.index_cast %add3A_980 : i32 to index
        %get3A_986 = arith.constant 0 : index
        %get3A_987 = tpu.vector_load %get3A_984[%get3A_985, %get3A_986] {strides = array<i32>} : memref<200x64xf32, #tpu.memory_space<vmem>>, vector<1x16xf32>,
        %get3A_988 = vector.shape_cast %get3A_987 : vector<1x16xf32> to vector<16xf32>
        %add3A_989 = arith.addf %add3A_949, %get3A_988 : vector<16xf32>
        %get3A_990 = arith.constant 0 : i32
        %get3A_991 = arith.constant 0 : i32
        %get3A_992 = tpu.memref_slice %arg6[%scan3A_305, %get3A_990, %get3A_991] : memref<6x200x64xf32, #tpu.memory_space<vmem>> -> memref<1x200x64xf32, #tpu.memory_space<vmem>>
        %get3A_993 = tpu.memref_squeeze %get3A_992 : memref<1x200x64xf32, #tpu.memory_space<vmem>> -> memref<200x64xf32, #tpu.memory_space<vmem>>
        %get3A_994 = arith.index_cast %add3A_980 : i32 to index
        %get3A_995 = arith.constant 16 : index
        %get3A_996 = tpu.vector_load %get3A_993[%get3A_994, %get3A_995] {strides = array<i32>} : memref<200x64xf32, #tpu.memory_space<vmem>>, vector<1x16xf32>,
        %get3A_997 = vector.shape_cast %get3A_996 : vector<1x16xf32> to vector<16xf32>
        %add3A_998 = arith.addf %add3A_958, %get3A_997 : vector<16xf32>
        %get3A_999 = arith.constant 0 : i32
        %get3A_1000 = arith.constant 0 : i32
        %get3A_1001 = tpu.memref_slice %arg6[%scan3A_305, %get3A_999, %get3A_1000] : memref<6x200x64xf32, #tpu.memory_space<vmem>> -> memref<1x200x64xf32, #tpu.memory_space<vmem>>
        %get3A_1002 = tpu.memref_squeeze %get3A_1001 : memref<1x200x64xf32, #tpu.memory_space<vmem>> -> memref<200x64xf32, #tpu.memory_space<vmem>>
        %get3A_1003 = arith.index_cast %add3A_980 : i32 to index
        %get3A_1004 = arith.constant 32 : index
        %get3A_1005 = tpu.vector_load %get3A_1002[%get3A_1003, %get3A_1004] {strides = array<i32>} : memref<200x64xf32, #tpu.memory_space<vmem>>, vector<1x16xf32>,
        %get3A_1006 = vector.shape_cast %get3A_1005 : vector<1x16xf32> to vector<16xf32>
        %add3A_1007 = arith.addf %add3A_967, %get3A_1006 : vector<16xf32>
        %get3A_1008 = arith.constant 0 : i32
        %get3A_1009 = arith.constant 0 : i32
        %get3A_1010 = tpu.memref_slice %arg6[%scan3A_305, %get3A_1008, %get3A_1009] : memref<6x200x64xf32, #tpu.memory_space<vmem>> -> memref<1x200x64xf32, #tpu.memory_space<vmem>>
        %get3A_1011 = tpu.memref_squeeze %get3A_1010 : memref<1x200x64xf32, #tpu.memory_space<vmem>> -> memref<200x64xf32, #tpu.memory_space<vmem>>
        %get3A_1012 = arith.index_cast %add3A_980 : i32 to index
        %get3A_1013 = arith.constant 48 : index
        %get3A_1014 = tpu.vector_load %get3A_1011[%get3A_1012, %get3A_1013] {strides = array<i32>} : memref<200x64xf32, #tpu.memory_space<vmem>>, vector<1x16xf32>,
        %get3A_1015 = vector.shape_cast %get3A_1014 : vector<1x16xf32> to vector<16xf32>
        %add3A_1016 = arith.addf %add3A_976, %get3A_1015 : vector<16xf32>
        %mul3A_1017 = arith.constant 8 : i32
        %mul3A_1018 = arith.muli %scan3A_773, %mul3A_1017 : i32
        %add3A_1019 = arith.constant 6 : i32
        %add3A_1020 = arith.addi %mul3A_1018, %add3A_1019 : i32
        %get3A_1021 = arith.constant 0 : i32
        %get3A_1022 = arith.constant 0 : i32
        %get3A_1023 = tpu.memref_slice %arg6[%scan3A_305, %get3A_1021, %get3A_1022] : memref<6x200x64xf32, #tpu.memory_space<vmem>> -> memref<1x200x64xf32, #tpu.memory_space<vmem>>
        %get3A_1024 = tpu.memref_squeeze %get3A_1023 : memref<1x200x64xf32, #tpu.memory_space<vmem>> -> memref<200x64xf32, #tpu.memory_space<vmem>>
        %get3A_1025 = arith.index_cast %add3A_1020 : i32 to index
        %get3A_1026 = arith.constant 0 : index
        %get3A_1027 = tpu.vector_load %get3A_1024[%get3A_1025, %get3A_1026] {strides = array<i32>} : memref<200x64xf32, #tpu.memory_space<vmem>>, vector<1x16xf32>,
        %get3A_1028 = vector.shape_cast %get3A_1027 : vector<1x16xf32> to vector<16xf32>
        %add3A_1029 = arith.addf %add3A_989, %get3A_1028 : vector<16xf32>
        %get3A_1030 = arith.constant 0 : i32
        %get3A_1031 = arith.constant 0 : i32
        %get3A_1032 = tpu.memref_slice %arg6[%scan3A_305, %get3A_1030, %get3A_1031] : memref<6x200x64xf32, #tpu.memory_space<vmem>> -> memref<1x200x64xf32, #tpu.memory_space<vmem>>
        %get3A_1033 = tpu.memref_squeeze %get3A_1032 : memref<1x200x64xf32, #tpu.memory_space<vmem>> -> memref<200x64xf32, #tpu.memory_space<vmem>>
        %get3A_1034 = arith.index_cast %add3A_1020 : i32 to index
        %get3A_1035 = arith.constant 16 : index
        %get3A_1036 = tpu.vector_load %get3A_1033[%get3A_1034, %get3A_1035] {strides = array<i32>} : memref<200x64xf32, #tpu.memory_space<vmem>>, vector<1x16xf32>,
        %get3A_1037 = vector.shape_cast %get3A_1036 : vector<1x16xf32> to vector<16xf32>
        %add3A_1038 = arith.addf %add3A_998, %get3A_1037 : vector<16xf32>
        %get3A_1039 = arith.constant 0 : i32
        %get3A_1040 = arith.constant 0 : i32
        %get3A_1041 = tpu.memref_slice %arg6[%scan3A_305, %get3A_1039, %get3A_1040] : memref<6x200x64xf32, #tpu.memory_space<vmem>> -> memref<1x200x64xf32, #tpu.memory_space<vmem>>
        %get3A_1042 = tpu.memref_squeeze %get3A_1041 : memref<1x200x64xf32, #tpu.memory_space<vmem>> -> memref<200x64xf32, #tpu.memory_space<vmem>>
        %get3A_1043 = arith.index_cast %add3A_1020 : i32 to index
        %get3A_1044 = arith.constant 32 : index
        %get3A_1045 = tpu.vector_load %get3A_1042[%get3A_1043, %get3A_1044] {strides = array<i32>} : memref<200x64xf32, #tpu.memory_space<vmem>>, vector<1x16xf32>,
        %get3A_1046 = vector.shape_cast %get3A_1045 : vector<1x16xf32> to vector<16xf32>
        %add3A_1047 = arith.addf %add3A_1007, %get3A_1046 : vector<16xf32>
        %get3A_1048 = arith.constant 0 : i32
        %get3A_1049 = arith.constant 0 : i32
        %get3A_1050 = tpu.memref_slice %arg6[%scan3A_305, %get3A_1048, %get3A_1049] : memref<6x200x64xf32, #tpu.memory_space<vmem>> -> memref<1x200x64xf32, #tpu.memory_space<vmem>>
        %get3A_1051 = tpu.memref_squeeze %get3A_1050 : memref<1x200x64xf32, #tpu.memory_space<vmem>> -> memref<200x64xf32, #tpu.memory_space<vmem>>
        %get3A_1052 = arith.index_cast %add3A_1020 : i32 to index
        %get3A_1053 = arith.constant 48 : index
        %get3A_1054 = tpu.vector_load %get3A_1051[%get3A_1052, %get3A_1053] {strides = array<i32>} : memref<200x64xf32, #tpu.memory_space<vmem>>, vector<1x16xf32>,
        %get3A_1055 = vector.shape_cast %get3A_1054 : vector<1x16xf32> to vector<16xf32>
        %add3A_1056 = arith.addf %add3A_1016, %get3A_1055 : vector<16xf32>
        %mul3A_1057 = arith.constant 8 : i32
        %mul3A_1058 = arith.muli %scan3A_773, %mul3A_1057 : i32
        %add3A_1059 = arith.constant 7 : i32
        %add3A_1060 = arith.addi %mul3A_1058, %add3A_1059 : i32
        %get3A_1061 = arith.constant 0 : i32
        %get3A_1062 = arith.constant 0 : i32
        %get3A_1063 = tpu.memref_slice %arg6[%scan3A_305, %get3A_1061, %get3A_1062] : memref<6x200x64xf32, #tpu.memory_space<vmem>> -> memref<1x200x64xf32, #tpu.memory_space<vmem>>
        %get3A_1064 = tpu.memref_squeeze %get3A_1063 : memref<1x200x64xf32, #tpu.memory_space<vmem>> -> memref<200x64xf32, #tpu.memory_space<vmem>>
        %get3A_1065 = arith.index_cast %add3A_1060 : i32 to index
        %get3A_1066 = arith.constant 0 : index
        %get3A_1067 = tpu.vector_load %get3A_1064[%get3A_1065, %get3A_1066] {strides = array<i32>} : memref<200x64xf32, #tpu.memory_space<vmem>>, vector<1x16xf32>,
        %get3A_1068 = vector.shape_cast %get3A_1067 : vector<1x16xf32> to vector<16xf32>
        %add3A_1069 = arith.addf %add3A_1029, %get3A_1068 : vector<16xf32>
        %get3A_1070 = arith.constant 0 : i32
        %get3A_1071 = arith.constant 0 : i32
        %get3A_1072 = tpu.memref_slice %arg6[%scan3A_305, %get3A_1070, %get3A_1071] : memref<6x200x64xf32, #tpu.memory_space<vmem>> -> memref<1x200x64xf32, #tpu.memory_space<vmem>>
        %get3A_1073 = tpu.memref_squeeze %get3A_1072 : memref<1x200x64xf32, #tpu.memory_space<vmem>> -> memref<200x64xf32, #tpu.memory_space<vmem>>
        %get3A_1074 = arith.index_cast %add3A_1060 : i32 to index
        %get3A_1075 = arith.constant 16 : index
        %get3A_1076 = tpu.vector_load %get3A_1073[%get3A_1074, %get3A_1075] {strides = array<i32>} : memref<200x64xf32, #tpu.memory_space<vmem>>, vector<1x16xf32>,
        %get3A_1077 = vector.shape_cast %get3A_1076 : vector<1x16xf32> to vector<16xf32>
        %add3A_1078 = arith.addf %add3A_1038, %get3A_1077 : vector<16xf32>
        %get3A_1079 = arith.constant 0 : i32
        %get3A_1080 = arith.constant 0 : i32
        %get3A_1081 = tpu.memref_slice %arg6[%scan3A_305, %get3A_1079, %get3A_1080] : memref<6x200x64xf32, #tpu.memory_space<vmem>> -> memref<1x200x64xf32, #tpu.memory_space<vmem>>
        %get3A_1082 = tpu.memref_squeeze %get3A_1081 : memref<1x200x64xf32, #tpu.memory_space<vmem>> -> memref<200x64xf32, #tpu.memory_space<vmem>>
        %get3A_1083 = arith.index_cast %add3A_1060 : i32 to index
        %get3A_1084 = arith.constant 32 : index
        %get3A_1085 = tpu.vector_load %get3A_1082[%get3A_1083, %get3A_1084] {strides = array<i32>} : memref<200x64xf32, #tpu.memory_space<vmem>>, vector<1x16xf32>,
        %get3A_1086 = vector.shape_cast %get3A_1085 : vector<1x16xf32> to vector<16xf32>
        %add3A_1087 = arith.addf %add3A_1047, %get3A_1086 : vector<16xf32>
        %get3A_1088 = arith.constant 0 : i32
        %get3A_1089 = arith.constant 0 : i32
        %get3A_1090 = tpu.memref_slice %arg6[%scan3A_305, %get3A_1088, %get3A_1089] : memref<6x200x64xf32, #tpu.memory_space<vmem>> -> memref<1x200x64xf32, #tpu.memory_space<vmem>>
        %get3A_1091 = tpu.memref_squeeze %get3A_1090 : memref<1x200x64xf32, #tpu.memory_space<vmem>> -> memref<200x64xf32, #tpu.memory_space<vmem>>
        %get3A_1092 = arith.index_cast %add3A_1060 : i32 to index
        %get3A_1093 = arith.constant 48 : index
        %get3A_1094 = tpu.vector_load %get3A_1091[%get3A_1092, %get3A_1093] {strides = array<i32>} : memref<200x64xf32, #tpu.memory_space<vmem>>, vector<1x16xf32>,
        %get3A_1095 = vector.shape_cast %get3A_1094 : vector<1x16xf32> to vector<16xf32>
        %add3A_1096 = arith.addf %add3A_1056, %get3A_1095 : vector<16xf32>
        scf.yield %add3A_1069, %add3A_1078, %add3A_1087, %add3A_1096 : vector<16xf32>, vector<16xf32>, vector<16xf32>, vector<16xf32>
      }
      %scan3A_457 = arith.constant 25 : i32
      %swap3A_458 = arith.index_cast %add3A_424 : i32 to index
      %swap3A_459 = arith.constant 0 : index
      %swap3A_460 = tpu.vector_load %arg7[%swap3A_458, %swap3A_459] {strides = array<i32>} : memref<128x64xf32, #tpu.memory_space<vmem>>, vector<1x16xf32>,
      %swap3A_461 = vector.shape_cast %swap3A_460 : vector<1x16xf32> to vector<16xf32>
      %swap3A_462 = vector.shape_cast %scan3A_456#0 : vector<16xf32> to vector<1x16xf32>
      tpu.vector_store %arg7[%swap3A_458, %swap3A_459], %swap3A_462 {strides = array<i32>} : memref<128x64xf32, #tpu.memory_space<vmem>>, vector<1x16xf32>,
      %swap3A_463 = arith.index_cast %add3A_424 : i32 to index
      %swap3A_464 = arith.constant 16 : index
      %swap3A_465 = tpu.vector_load %arg7[%swap3A_463, %swap3A_464] {strides = array<i32>} : memref<128x64xf32, #tpu.memory_space<vmem>>, vector<1x16xf32>,
      %swap3A_466 = vector.shape_cast %swap3A_465 : vector<1x16xf32> to vector<16xf32>
      %swap3A_467 = vector.shape_cast %scan3A_456#1 : vector<16xf32> to vector<1x16xf32>
      tpu.vector_store %arg7[%swap3A_463, %swap3A_464], %swap3A_467 {strides = array<i32>} : memref<128x64xf32, #tpu.memory_space<vmem>>, vector<1x16xf32>,
      %swap3A_468 = arith.index_cast %add3A_424 : i32 to index
      %swap3A_469 = arith.constant 32 : index
      %swap3A_470 = tpu.vector_load %arg7[%swap3A_468, %swap3A_469] {strides = array<i32>} : memref<128x64xf32, #tpu.memory_space<vmem>>, vector<1x16xf32>,
      %swap3A_471 = vector.shape_cast %swap3A_470 : vector<1x16xf32> to vector<16xf32>
      %swap3A_472 = vector.shape_cast %scan3A_456#2 : vector<16xf32> to vector<1x16xf32>
      tpu.vector_store %arg7[%swap3A_468, %swap3A_469], %swap3A_472 {strides = array<i32>} : memref<128x64xf32, #tpu.memory_space<vmem>>, vector<1x16xf32>,
      %swap3A_473 = arith.index_cast %add3A_424 : i32 to index
      %swap3A_474 = arith.constant 48 : index
      %swap3A_475 = tpu.vector_load %arg7[%swap3A_473, %swap3A_474] {strides = array<i32>} : memref<128x64xf32, #tpu.memory_space<vmem>>, vector<1x16xf32>,
      %swap3A_476 = vector.shape_cast %swap3A_475 : vector<1x16xf32> to vector<16xf32>
      %swap3A_477 = vector.shape_cast %scan3A_456#3 : vector<16xf32> to vector<1x16xf32>
      tpu.vector_store %arg7[%swap3A_473, %swap3A_474], %swap3A_477 {strides = array<i32>} : memref<128x64xf32, #tpu.memory_space<vmem>>, vector<1x16xf32>,
      %add3A_478 = arith.constant 1 : i32
      %add3A_479 = arith.addi %mul3A_422, %add3A_478 : i32
      %add3A_480 = arith.constant 6 : i32
      %add3A_481 = arith.addi %add3A_479, %add3A_480 : i32
      %sub3A_482 = arith.constant 1 : i32
      %sub3A_483 = arith.subi %add3A_481, %sub3A_482 : i32
      %lt3A_484 = arith.constant 128 : i32
      %lt3A_485 = arith.cmpi slt, %sub3A_483, %lt3A_484 : i32
      %convert_element_type3A_486 = arith.extui %lt3A_485 : i1 to i32
      %cond3A_487 = arith.constant 0 : i32
      %cond3A_488 = arith.cmpi ne, %convert_element_type3A_486, %cond3A_487 : i32
      scf.if %cond3A_488 {
        %add3A_773 = arith.constant 6 : i32
        %add3A_774 = arith.addi %add3A_479, %add3A_773 : i32
        %sub3A_775 = arith.constant 1 : i32
        %sub3A_776 = arith.subi %add3A_774, %sub3A_775 : i32
        %mul3A_777 = arith.constant 4 : i32
        %mul3A_778 = arith.muli %mul3A_777, %sub3A_776 : i32
        %add3A_779 = arith.constant 0 : i32
        %add3A_780 = arith.addi %mul3A_778, %add3A_779 : i32
        %dma_start3A_781 = arith.constant 0 : i32
        %dma_start3A_782 = arith.constant 0 : i32
        %dma_start3A_783 = tpu.memref_slice %arg6[%scan3A_305, %dma_start3A_781, %dma_start3A_782] : memref<6x200x64xf32, #tpu.memory_space<vmem>> -> memref<1x200x64xf32, #tpu.memory_space<vmem>>
        %dma_start3A_784 = tpu.memref_squeeze %dma_start3A_783 : memref<1x200x64xf32, #tpu.memory_space<vmem>> -> memref<200x64xf32, #tpu.memory_space<vmem>>
        %dma_start3A_785 = arith.constant 0 : i32
        %dma_start3A_786 = arith.constant 0 : i32
        %dma_start3A_787 = tpu.memref_slice %dma_start3A_784[%dma_start3A_785, %dma_start3A_786] : memref<200x64xf32, #tpu.memory_space<vmem>> -> memref<64x64xf32, #tpu.memory_space<vmem>>
        %dma_start3A_788 = arith.constant 0 : i32
        %dma_start3A_789 = tpu.memref_slice %arg5[%add3A_780, %dma_start3A_788] : memref<512x64xi32, #tpu.memory_space<vmem>> -> memref<1x64xi32, #tpu.memory_space<vmem>>
        %dma_start3A_790 = tpu.memref_squeeze %dma_start3A_789 : memref<1x64xi32, #tpu.memory_space<vmem>> -> memref<64xi32, #tpu.memory_space<vmem>>
        %dma_start3A_791 = arith.constant 0 : i32
        %dma_start3A_792 = arith.constant 0 : i32
        %dma_start3A_793 = tpu.memref_slice %arg3[%dma_start3A_791, %dma_start3A_792] : memref<1000001x64xf32, #tpu.memory_space<hbm>> -> memref<1000001x64xf32, #tpu.memory_space<hbm>>
        tpu.enqueue_indirect_dma source(%dma_start3A_793 : memref<1000001x64xf32, #tpu.memory_space<hbm>>) target(%dma_start3A_787 : memref<64x64xf32, #tpu.memory_space<vmem>>) offsets(%dma_start3A_790 : memref<64xi32, #tpu.memory_space<vmem>>) semaphore(%arg8 : memref<!tpu.dma_semaphore, #tpu.memory_space<semaphore_mem>>)
        %mul3A_794 = arith.constant 4 : i32
        %mul3A_795 = arith.muli %mul3A_794, %sub3A_776 : i32
        %add3A_796 = arith.constant 1 : i32
        %add3A_797 = arith.addi %mul3A_795, %add3A_796 : i32
        %dma_start3A_798 = arith.constant 0 : i32
        %dma_start3A_799 = arith.constant 0 : i32
        %dma_start3A_800 = tpu.memref_slice %arg6[%scan3A_305, %dma_start3A_798, %dma_start3A_799] : memref<6x200x64xf32, #tpu.memory_space<vmem>> -> memref<1x200x64xf32, #tpu.memory_space<vmem>>
        %dma_start3A_801 = tpu.memref_squeeze %dma_start3A_800 : memref<1x200x64xf32, #tpu.memory_space<vmem>> -> memref<200x64xf32, #tpu.memory_space<vmem>>
        %dma_start3A_802 = arith.constant 64 : i32
        %dma_start3A_803 = arith.constant 0 : i32
        %dma_start3A_804 = tpu.memref_slice %dma_start3A_801[%dma_start3A_802, %dma_start3A_803] : memref<200x64xf32, #tpu.memory_space<vmem>> -> memref<64x64xf32, #tpu.memory_space<vmem>>
        %dma_start3A_805 = arith.constant 0 : i32
        %dma_start3A_806 = tpu.memref_slice %arg5[%add3A_797, %dma_start3A_805] : memref<512x64xi32, #tpu.memory_space<vmem>> -> memref<1x64xi32, #tpu.memory_space<vmem>>
        %dma_start3A_807 = tpu.memref_squeeze %dma_start3A_806 : memref<1x64xi32, #tpu.memory_space<vmem>> -> memref<64xi32, #tpu.memory_space<vmem>>
        %dma_start3A_808 = arith.constant 0 : i32
        %dma_start3A_809 = arith.constant 0 : i32
        %dma_start3A_810 = tpu.memref_slice %arg3[%dma_start3A_808, %dma_start3A_809] : memref<1000001x64xf32, #tpu.memory_space<hbm>> -> memref<1000001x64xf32, #tpu.memory_space<hbm>>
        tpu.enqueue_indirect_dma source(%dma_start3A_810 : memref<1000001x64xf32, #tpu.memory_space<hbm>>) target(%dma_start3A_804 : memref<64x64xf32, #tpu.memory_space<vmem>>) offsets(%dma_start3A_807 : memref<64xi32, #tpu.memory_space<vmem>>) semaphore(%arg8 : memref<!tpu.dma_semaphore, #tpu.memory_space<semaphore_mem>>)
        %mul3A_811 = arith.constant 4 : i32
        %mul3A_812 = arith.muli %mul3A_811, %sub3A_776 : i32
        %add3A_813 = arith.constant 2 : i32
        %add3A_814 = arith.addi %mul3A_812, %add3A_813 : i32
        %dma_start3A_815 = arith.constant 0 : i32
        %dma_start3A_816 = arith.constant 0 : i32
        %dma_start3A_817 = tpu.memref_slice %arg6[%scan3A_305, %dma_start3A_815, %dma_start3A_816] : memref<6x200x64xf32, #tpu.memory_space<vmem>> -> memref<1x200x64xf32, #tpu.memory_space<vmem>>
        %dma_start3A_818 = tpu.memref_squeeze %dma_start3A_817 : memref<1x200x64xf32, #tpu.memory_space<vmem>> -> memref<200x64xf32, #tpu.memory_space<vmem>>
        %dma_start3A_819 = arith.constant 128 : i32
        %dma_start3A_820 = arith.constant 0 : i32
        %dma_start3A_821 = tpu.memref_slice %dma_start3A_818[%dma_start3A_819, %dma_start3A_820] : memref<200x64xf32, #tpu.memory_space<vmem>> -> memref<64x64xf32, #tpu.memory_space<vmem>>
        %dma_start3A_822 = arith.constant 0 : i32
        %dma_start3A_823 = tpu.memref_slice %arg5[%add3A_814, %dma_start3A_822] : memref<512x64xi32, #tpu.memory_space<vmem>> -> memref<1x64xi32, #tpu.memory_space<vmem>>
        %dma_start3A_824 = tpu.memref_squeeze %dma_start3A_823 : memref<1x64xi32, #tpu.memory_space<vmem>> -> memref<64xi32, #tpu.memory_space<vmem>>
        %dma_start3A_825 = arith.constant 0 : i32
        %dma_start3A_826 = arith.constant 0 : i32
        %dma_start3A_827 = tpu.memref_slice %arg3[%dma_start3A_825, %dma_start3A_826] : memref<1000001x64xf32, #tpu.memory_space<hbm>> -> memref<1000001x64xf32, #tpu.memory_space<hbm>>
        tpu.enqueue_indirect_dma source(%dma_start3A_827 : memref<1000001x64xf32, #tpu.memory_space<hbm>>) target(%dma_start3A_821 : memref<64x64xf32, #tpu.memory_space<vmem>>) offsets(%dma_start3A_824 : memref<64xi32, #tpu.memory_space<vmem>>) semaphore(%arg8 : memref<!tpu.dma_semaphore, #tpu.memory_space<semaphore_mem>>)
        %mul3A_828 = arith.constant 4 : i32
        %mul3A_829 = arith.muli %mul3A_828, %sub3A_776 : i32
        %add3A_830 = arith.constant 3 : i32
        %add3A_831 = arith.addi %mul3A_829, %add3A_830 : i32
        %dma_start3A_832 = arith.constant 0 : i32
        %dma_start3A_833 = arith.constant 0 : i32
        %dma_start3A_834 = tpu.memref_slice %arg6[%scan3A_305, %dma_start3A_832, %dma_start3A_833] : memref<6x200x64xf32, #tpu.memory_space<vmem>> -> memref<1x200x64xf32, #tpu.memory_space<vmem>>
        %dma_start3A_835 = tpu.memref_squeeze %dma_start3A_834 : memref<1x200x64xf32, #tpu.memory_space<vmem>> -> memref<200x64xf32, #tpu.memory_space<vmem>>
        %dma_start3A_836 = arith.constant 192 : i32
        %dma_start3A_837 = arith.constant 0 : i32
        %dma_start3A_838 = tpu.memref_slice %dma_start3A_835[%dma_start3A_836, %dma_start3A_837] : memref<200x64xf32, #tpu.memory_space<vmem>> -> memref<8x64xf32, #tpu.memory_space<vmem>>
        %dma_start3A_839 = arith.constant 0 : i32
        %dma_start3A_840 = tpu.memref_slice %arg5[%add3A_831, %dma_start3A_839] : memref<512x64xi32, #tpu.memory_space<vmem>> -> memref<1x8xi32, #tpu.memory_space<vmem>>
        %dma_start3A_841 = tpu.memref_squeeze %dma_start3A_840 : memref<1x8xi32, #tpu.memory_space<vmem>> -> memref<8xi32, #tpu.memory_space<vmem>>
        %dma_start3A_842 = arith.constant 0 : i32
        %dma_start3A_843 = arith.constant 0 : i32
        %dma_start3A_844 = tpu.memref_slice %arg3[%dma_start3A_842, %dma_start3A_843] : memref<1000001x64xf32, #tpu.memory_space<hbm>> -> memref<1000001x64xf32, #tpu.memory_space<hbm>>
        tpu.enqueue_indirect_dma source(%dma_start3A_844 : memref<1000001x64xf32, #tpu.memory_space<hbm>>) target(%dma_start3A_838 : memref<8x64xf32, #tpu.memory_space<vmem>>) offsets(%dma_start3A_841 : memref<8xi32, #tpu.memory_space<vmem>>) semaphore(%arg8 : memref<!tpu.dma_semaphore, #tpu.memory_space<semaphore_mem>>)
      } else {
      }
      %dma_wait3A_489 = arith.constant 0 : i32
      %dma_wait3A_490 = arith.constant 0 : i32
      %dma_wait3A_491 = tpu.memref_slice %arg6[%scan3A_306, %dma_wait3A_489, %dma_wait3A_490] : memref<6x200x64xf32, #tpu.memory_space<vmem>> -> memref<1x200x64xf32, #tpu.memory_space<vmem>>
      %dma_wait3A_492 = tpu.memref_squeeze %dma_wait3A_491 : memref<1x200x64xf32, #tpu.memory_space<vmem>> -> memref<200x64xf32, #tpu.memory_space<vmem>>
      %dma_wait3A_493 = arith.constant 0 : i32
      %dma_wait3A_494 = arith.constant 0 : i32
      %dma_wait3A_495 = tpu.memref_slice %arg3[%dma_wait3A_493, %dma_wait3A_494] : memref<1000001x64xf32, #tpu.memory_space<hbm>> -> memref<200x64xf32, #tpu.memory_space<hbm>>
      %dma_wait3A_496 = arith.constant 0 : i32
      %dma_wait3A_497 = arith.constant 0 : i32
      %dma_wait3A_498 = tpu.memref_slice %arg6[%scan3A_306, %dma_wait3A_496, %dma_wait3A_497] : memref<6x200x64xf32, #tpu.memory_space<vmem>> -> memref<1x200x64xf32, #tpu.memory_space<vmem>>
      %dma_wait3A_499 = tpu.memref_squeeze %dma_wait3A_498 : memref<1x200x64xf32, #tpu.memory_space<vmem>> -> memref<200x64xf32, #tpu.memory_space<vmem>>
      %dma_wait3A_500 = arith.constant 0 : i32
      %dma_wait3A_501 = arith.constant 0 : i32
      %dma_wait3A_502 = tpu.memref_slice %arg3[%dma_wait3A_500, %dma_wait3A_501] : memref<1000001x64xf32, #tpu.memory_space<hbm>> -> memref<200x64xf32, #tpu.memory_space<hbm>>
      tpu.wait_dma2 semaphore(%arg9 : memref<!tpu.dma_semaphore, #tpu.memory_space<semaphore_mem>>) src(%dma_wait3A_502 : memref<200x64xf32, #tpu.memory_space<hbm>>) dst(%dma_wait3A_499 : memref<200x64xf32, #tpu.memory_space<vmem>>)
      %broadcast_in_dim3A_503 = arith.constant 0.000000e+00 : f32
      %broadcast_in_dim3A_504 = vector.broadcast %broadcast_in_dim3A_503 : f32 to vector<16xf32>
      %broadcast_in_dim3A_505 = arith.constant 0.000000e+00 : f32
      %broadcast_in_dim3A_506 = vector.broadcast %broadcast_in_dim3A_505 : f32 to vector<16xf32>
      %broadcast_in_dim3A_507 = arith.constant 0.000000e+00 : f32
      %broadcast_in_dim3A_508 = vector.broadcast %broadcast_in_dim3A_507 : f32 to vector<16xf32>
      %broadcast_in_dim3A_509 = arith.constant 0.000000e+00 : f32
      %broadcast_in_dim3A_510 = vector.broadcast %broadcast_in_dim3A_509 : f32 to vector<16xf32>
      %scan3A_511 = arith.constant 0 : i32
      %scan3A_512 = arith.constant 25 : i32
      %scan3A_513 = arith.addi %scan3A_511, %scan3A_512 : i32
      %scan3A_514 = arith.constant 1 : i32
      %scan3A_515:4 = scf.for %scan3A_773 = %scan3A_511 to %scan3A_513 step %scan3A_514 iter_args(%scan3A_774 = %broadcast_in_dim3A_504, %scan3A_775 = %broadcast_in_dim3A_506, %scan3A_776 = %broadcast_in_dim3A_508, %scan3A_777 = %broadcast_in_dim3A_510) -> (vector<16xf32>, vector<16xf32>, vector<16xf32>, vector<16xf32>)  : i32 {
        %mul3A_778 = arith.constant 8 : i32
        %mul3A_779 = arith.muli %scan3A_773, %mul3A_778 : i32
        %add3A_780 = arith.constant 0 : i32
        %add3A_781 = arith.addi %mul3A_779, %add3A_780 : i32
        %get3A = arith.constant 0 : i32
        %get3A_782 = arith.constant 0 : i32
        %get3A_783 = tpu.memref_slice %arg6[%scan3A_306, %get3A, %get3A_782] : memref<6x200x64xf32, #tpu.memory_space<vmem>> -> memref<1x200x64xf32, #tpu.memory_space<vmem>>
        %get3A_784 = tpu.memref_squeeze %get3A_783 : memref<1x200x64xf32, #tpu.memory_space<vmem>> -> memref<200x64xf32, #tpu.memory_space<vmem>>
        %get3A_785 = arith.index_cast %add3A_781 : i32 to index
        %get3A_786 = arith.constant 0 : index
        %get3A_787 = tpu.vector_load %get3A_784[%get3A_785, %get3A_786] {strides = array<i32>} : memref<200x64xf32, #tpu.memory_space<vmem>>, vector<1x16xf32>,
        %get3A_788 = vector.shape_cast %get3A_787 : vector<1x16xf32> to vector<16xf32>
        %add3A_789 = arith.addf %scan3A_774, %get3A_788 : vector<16xf32>
        %get3A_790 = arith.constant 0 : i32
        %get3A_791 = arith.constant 0 : i32
        %get3A_792 = tpu.memref_slice %arg6[%scan3A_306, %get3A_790, %get3A_791] : memref<6x200x64xf32, #tpu.memory_space<vmem>> -> memref<1x200x64xf32, #tpu.memory_space<vmem>>
        %get3A_793 = tpu.memref_squeeze %get3A_792 : memref<1x200x64xf32, #tpu.memory_space<vmem>> -> memref<200x64xf32, #tpu.memory_space<vmem>>
        %get3A_794 = arith.index_cast %add3A_781 : i32 to index
        %get3A_795 = arith.constant 16 : index
        %get3A_796 = tpu.vector_load %get3A_793[%get3A_794, %get3A_795] {strides = array<i32>} : memref<200x64xf32, #tpu.memory_space<vmem>>, vector<1x16xf32>,
        %get3A_797 = vector.shape_cast %get3A_796 : vector<1x16xf32> to vector<16xf32>
        %add3A_798 = arith.addf %scan3A_775, %get3A_797 : vector<16xf32>
        %get3A_799 = arith.constant 0 : i32
        %get3A_800 = arith.constant 0 : i32
        %get3A_801 = tpu.memref_slice %arg6[%scan3A_306, %get3A_799, %get3A_800] : memref<6x200x64xf32, #tpu.memory_space<vmem>> -> memref<1x200x64xf32, #tpu.memory_space<vmem>>
        %get3A_802 = tpu.memref_squeeze %get3A_801 : memref<1x200x64xf32, #tpu.memory_space<vmem>> -> memref<200x64xf32, #tpu.memory_space<vmem>>
        %get3A_803 = arith.index_cast %add3A_781 : i32 to index
        %get3A_804 = arith.constant 32 : index
        %get3A_805 = tpu.vector_load %get3A_802[%get3A_803, %get3A_804] {strides = array<i32>} : memref<200x64xf32, #tpu.memory_space<vmem>>, vector<1x16xf32>,
        %get3A_806 = vector.shape_cast %get3A_805 : vector<1x16xf32> to vector<16xf32>
        %add3A_807 = arith.addf %scan3A_776, %get3A_806 : vector<16xf32>
        %get3A_808 = arith.constant 0 : i32
        %get3A_809 = arith.constant 0 : i32
        %get3A_810 = tpu.memref_slice %arg6[%scan3A_306, %get3A_808, %get3A_809] : memref<6x200x64xf32, #tpu.memory_space<vmem>> -> memref<1x200x64xf32, #tpu.memory_space<vmem>>
        %get3A_811 = tpu.memref_squeeze %get3A_810 : memref<1x200x64xf32, #tpu.memory_space<vmem>> -> memref<200x64xf32, #tpu.memory_space<vmem>>
        %get3A_812 = arith.index_cast %add3A_781 : i32 to index
        %get3A_813 = arith.constant 48 : index
        %get3A_814 = tpu.vector_load %get3A_811[%get3A_812, %get3A_813] {strides = array<i32>} : memref<200x64xf32, #tpu.memory_space<vmem>>, vector<1x16xf32>,
        %get3A_815 = vector.shape_cast %get3A_814 : vector<1x16xf32> to vector<16xf32>
        %add3A_816 = arith.addf %scan3A_777, %get3A_815 : vector<16xf32>
        %mul3A_817 = arith.constant 8 : i32
        %mul3A_818 = arith.muli %scan3A_773, %mul3A_817 : i32
        %add3A_819 = arith.constant 1 : i32
        %add3A_820 = arith.addi %mul3A_818, %add3A_819 : i32
        %get3A_821 = arith.constant 0 : i32
        %get3A_822 = arith.constant 0 : i32
        %get3A_823 = tpu.memref_slice %arg6[%scan3A_306, %get3A_821, %get3A_822] : memref<6x200x64xf32, #tpu.memory_space<vmem>> -> memref<1x200x64xf32, #tpu.memory_space<vmem>>
        %get3A_824 = tpu.memref_squeeze %get3A_823 : memref<1x200x64xf32, #tpu.memory_space<vmem>> -> memref<200x64xf32, #tpu.memory_space<vmem>>
        %get3A_825 = arith.index_cast %add3A_820 : i32 to index
        %get3A_826 = arith.constant 0 : index
        %get3A_827 = tpu.vector_load %get3A_824[%get3A_825, %get3A_826] {strides = array<i32>} : memref<200x64xf32, #tpu.memory_space<vmem>>, vector<1x16xf32>,
        %get3A_828 = vector.shape_cast %get3A_827 : vector<1x16xf32> to vector<16xf32>
        %add3A_829 = arith.addf %add3A_789, %get3A_828 : vector<16xf32>
        %get3A_830 = arith.constant 0 : i32
        %get3A_831 = arith.constant 0 : i32
        %get3A_832 = tpu.memref_slice %arg6[%scan3A_306, %get3A_830, %get3A_831] : memref<6x200x64xf32, #tpu.memory_space<vmem>> -> memref<1x200x64xf32, #tpu.memory_space<vmem>>
        %get3A_833 = tpu.memref_squeeze %get3A_832 : memref<1x200x64xf32, #tpu.memory_space<vmem>> -> memref<200x64xf32, #tpu.memory_space<vmem>>
        %get3A_834 = arith.index_cast %add3A_820 : i32 to index
        %get3A_835 = arith.constant 16 : index
        %get3A_836 = tpu.vector_load %get3A_833[%get3A_834, %get3A_835] {strides = array<i32>} : memref<200x64xf32, #tpu.memory_space<vmem>>, vector<1x16xf32>,
        %get3A_837 = vector.shape_cast %get3A_836 : vector<1x16xf32> to vector<16xf32>
        %add3A_838 = arith.addf %add3A_798, %get3A_837 : vector<16xf32>
        %get3A_839 = arith.constant 0 : i32
        %get3A_840 = arith.constant 0 : i32
        %get3A_841 = tpu.memref_slice %arg6[%scan3A_306, %get3A_839, %get3A_840] : memref<6x200x64xf32, #tpu.memory_space<vmem>> -> memref<1x200x64xf32, #tpu.memory_space<vmem>>
        %get3A_842 = tpu.memref_squeeze %get3A_841 : memref<1x200x64xf32, #tpu.memory_space<vmem>> -> memref<200x64xf32, #tpu.memory_space<vmem>>
        %get3A_843 = arith.index_cast %add3A_820 : i32 to index
        %get3A_844 = arith.constant 32 : index
        %get3A_845 = tpu.vector_load %get3A_842[%get3A_843, %get3A_844] {strides = array<i32>} : memref<200x64xf32, #tpu.memory_space<vmem>>, vector<1x16xf32>,
        %get3A_846 = vector.shape_cast %get3A_845 : vector<1x16xf32> to vector<16xf32>
        %add3A_847 = arith.addf %add3A_807, %get3A_846 : vector<16xf32>
        %get3A_848 = arith.constant 0 : i32
        %get3A_849 = arith.constant 0 : i32
        %get3A_850 = tpu.memref_slice %arg6[%scan3A_306, %get3A_848, %get3A_849] : memref<6x200x64xf32, #tpu.memory_space<vmem>> -> memref<1x200x64xf32, #tpu.memory_space<vmem>>
        %get3A_851 = tpu.memref_squeeze %get3A_850 : memref<1x200x64xf32, #tpu.memory_space<vmem>> -> memref<200x64xf32, #tpu.memory_space<vmem>>
        %get3A_852 = arith.index_cast %add3A_820 : i32 to index
        %get3A_853 = arith.constant 48 : index
        %get3A_854 = tpu.vector_load %get3A_851[%get3A_852, %get3A_853] {strides = array<i32>} : memref<200x64xf32, #tpu.memory_space<vmem>>, vector<1x16xf32>,
        %get3A_855 = vector.shape_cast %get3A_854 : vector<1x16xf32> to vector<16xf32>
        %add3A_856 = arith.addf %add3A_816, %get3A_855 : vector<16xf32>
        %mul3A_857 = arith.constant 8 : i32
        %mul3A_858 = arith.muli %scan3A_773, %mul3A_857 : i32
        %add3A_859 = arith.constant 2 : i32
        %add3A_860 = arith.addi %mul3A_858, %add3A_859 : i32
        %get3A_861 = arith.constant 0 : i32
        %get3A_862 = arith.constant 0 : i32
        %get3A_863 = tpu.memref_slice %arg6[%scan3A_306, %get3A_861, %get3A_862] : memref<6x200x64xf32, #tpu.memory_space<vmem>> -> memref<1x200x64xf32, #tpu.memory_space<vmem>>
        %get3A_864 = tpu.memref_squeeze %get3A_863 : memref<1x200x64xf32, #tpu.memory_space<vmem>> -> memref<200x64xf32, #tpu.memory_space<vmem>>
        %get3A_865 = arith.index_cast %add3A_860 : i32 to index
        %get3A_866 = arith.constant 0 : index
        %get3A_867 = tpu.vector_load %get3A_864[%get3A_865, %get3A_866] {strides = array<i32>} : memref<200x64xf32, #tpu.memory_space<vmem>>, vector<1x16xf32>,
        %get3A_868 = vector.shape_cast %get3A_867 : vector<1x16xf32> to vector<16xf32>
        %add3A_869 = arith.addf %add3A_829, %get3A_868 : vector<16xf32>
        %get3A_870 = arith.constant 0 : i32
        %get3A_871 = arith.constant 0 : i32
        %get3A_872 = tpu.memref_slice %arg6[%scan3A_306, %get3A_870, %get3A_871] : memref<6x200x64xf32, #tpu.memory_space<vmem>> -> memref<1x200x64xf32, #tpu.memory_space<vmem>>
        %get3A_873 = tpu.memref_squeeze %get3A_872 : memref<1x200x64xf32, #tpu.memory_space<vmem>> -> memref<200x64xf32, #tpu.memory_space<vmem>>
        %get3A_874 = arith.index_cast %add3A_860 : i32 to index
        %get3A_875 = arith.constant 16 : index
        %get3A_876 = tpu.vector_load %get3A_873[%get3A_874, %get3A_875] {strides = array<i32>} : memref<200x64xf32, #tpu.memory_space<vmem>>, vector<1x16xf32>,
        %get3A_877 = vector.shape_cast %get3A_876 : vector<1x16xf32> to vector<16xf32>
        %add3A_878 = arith.addf %add3A_838, %get3A_877 : vector<16xf32>
        %get3A_879 = arith.constant 0 : i32
        %get3A_880 = arith.constant 0 : i32
        %get3A_881 = tpu.memref_slice %arg6[%scan3A_306, %get3A_879, %get3A_880] : memref<6x200x64xf32, #tpu.memory_space<vmem>> -> memref<1x200x64xf32, #tpu.memory_space<vmem>>
        %get3A_882 = tpu.memref_squeeze %get3A_881 : memref<1x200x64xf32, #tpu.memory_space<vmem>> -> memref<200x64xf32, #tpu.memory_space<vmem>>
        %get3A_883 = arith.index_cast %add3A_860 : i32 to index
        %get3A_884 = arith.constant 32 : index
        %get3A_885 = tpu.vector_load %get3A_882[%get3A_883, %get3A_884] {strides = array<i32>} : memref<200x64xf32, #tpu.memory_space<vmem>>, vector<1x16xf32>,
        %get3A_886 = vector.shape_cast %get3A_885 : vector<1x16xf32> to vector<16xf32>
        %add3A_887 = arith.addf %add3A_847, %get3A_886 : vector<16xf32>
        %get3A_888 = arith.constant 0 : i32
        %get3A_889 = arith.constant 0 : i32
        %get3A_890 = tpu.memref_slice %arg6[%scan3A_306, %get3A_888, %get3A_889] : memref<6x200x64xf32, #tpu.memory_space<vmem>> -> memref<1x200x64xf32, #tpu.memory_space<vmem>>
        %get3A_891 = tpu.memref_squeeze %get3A_890 : memref<1x200x64xf32, #tpu.memory_space<vmem>> -> memref<200x64xf32, #tpu.memory_space<vmem>>
        %get3A_892 = arith.index_cast %add3A_860 : i32 to index
        %get3A_893 = arith.constant 48 : index
        %get3A_894 = tpu.vector_load %get3A_891[%get3A_892, %get3A_893] {strides = array<i32>} : memref<200x64xf32, #tpu.memory_space<vmem>>, vector<1x16xf32>,
        %get3A_895 = vector.shape_cast %get3A_894 : vector<1x16xf32> to vector<16xf32>
        %add3A_896 = arith.addf %add3A_856, %get3A_895 : vector<16xf32>
        %mul3A_897 = arith.constant 8 : i32
        %mul3A_898 = arith.muli %scan3A_773, %mul3A_897 : i32
        %add3A_899 = arith.constant 3 : i32
        %add3A_900 = arith.addi %mul3A_898, %add3A_899 : i32
        %get3A_901 = arith.constant 0 : i32
        %get3A_902 = arith.constant 0 : i32
        %get3A_903 = tpu.memref_slice %arg6[%scan3A_306, %get3A_901, %get3A_902] : memref<6x200x64xf32, #tpu.memory_space<vmem>> -> memref<1x200x64xf32, #tpu.memory_space<vmem>>
        %get3A_904 = tpu.memref_squeeze %get3A_903 : memref<1x200x64xf32, #tpu.memory_space<vmem>> -> memref<200x64xf32, #tpu.memory_space<vmem>>
        %get3A_905 = arith.index_cast %add3A_900 : i32 to index
        %get3A_906 = arith.constant 0 : index
        %get3A_907 = tpu.vector_load %get3A_904[%get3A_905, %get3A_906] {strides = array<i32>} : memref<200x64xf32, #tpu.memory_space<vmem>>, vector<1x16xf32>,
        %get3A_908 = vector.shape_cast %get3A_907 : vector<1x16xf32> to vector<16xf32>
        %add3A_909 = arith.addf %add3A_869, %get3A_908 : vector<16xf32>
        %get3A_910 = arith.constant 0 : i32
        %get3A_911 = arith.constant 0 : i32
        %get3A_912 = tpu.memref_slice %arg6[%scan3A_306, %get3A_910, %get3A_911] : memref<6x200x64xf32, #tpu.memory_space<vmem>> -> memref<1x200x64xf32, #tpu.memory_space<vmem>>
        %get3A_913 = tpu.memref_squeeze %get3A_912 : memref<1x200x64xf32, #tpu.memory_space<vmem>> -> memref<200x64xf32, #tpu.memory_space<vmem>>
        %get3A_914 = arith.index_cast %add3A_900 : i32 to index
        %get3A_915 = arith.constant 16 : index
        %get3A_916 = tpu.vector_load %get3A_913[%get3A_914, %get3A_915] {strides = array<i32>} : memref<200x64xf32, #tpu.memory_space<vmem>>, vector<1x16xf32>,
        %get3A_917 = vector.shape_cast %get3A_916 : vector<1x16xf32> to vector<16xf32>
        %add3A_918 = arith.addf %add3A_878, %get3A_917 : vector<16xf32>
        %get3A_919 = arith.constant 0 : i32
        %get3A_920 = arith.constant 0 : i32
        %get3A_921 = tpu.memref_slice %arg6[%scan3A_306, %get3A_919, %get3A_920] : memref<6x200x64xf32, #tpu.memory_space<vmem>> -> memref<1x200x64xf32, #tpu.memory_space<vmem>>
        %get3A_922 = tpu.memref_squeeze %get3A_921 : memref<1x200x64xf32, #tpu.memory_space<vmem>> -> memref<200x64xf32, #tpu.memory_space<vmem>>
        %get3A_923 = arith.index_cast %add3A_900 : i32 to index
        %get3A_924 = arith.constant 32 : index
        %get3A_925 = tpu.vector_load %get3A_922[%get3A_923, %get3A_924] {strides = array<i32>} : memref<200x64xf32, #tpu.memory_space<vmem>>, vector<1x16xf32>,
        %get3A_926 = vector.shape_cast %get3A_925 : vector<1x16xf32> to vector<16xf32>
        %add3A_927 = arith.addf %add3A_887, %get3A_926 : vector<16xf32>
        %get3A_928 = arith.constant 0 : i32
        %get3A_929 = arith.constant 0 : i32
        %get3A_930 = tpu.memref_slice %arg6[%scan3A_306, %get3A_928, %get3A_929] : memref<6x200x64xf32, #tpu.memory_space<vmem>> -> memref<1x200x64xf32, #tpu.memory_space<vmem>>
        %get3A_931 = tpu.memref_squeeze %get3A_930 : memref<1x200x64xf32, #tpu.memory_space<vmem>> -> memref<200x64xf32, #tpu.memory_space<vmem>>
        %get3A_932 = arith.index_cast %add3A_900 : i32 to index
        %get3A_933 = arith.constant 48 : index
        %get3A_934 = tpu.vector_load %get3A_931[%get3A_932, %get3A_933] {strides = array<i32>} : memref<200x64xf32, #tpu.memory_space<vmem>>, vector<1x16xf32>,
        %get3A_935 = vector.shape_cast %get3A_934 : vector<1x16xf32> to vector<16xf32>
        %add3A_936 = arith.addf %add3A_896, %get3A_935 : vector<16xf32>
        %mul3A_937 = arith.constant 8 : i32
        %mul3A_938 = arith.muli %scan3A_773, %mul3A_937 : i32
        %add3A_939 = arith.constant 4 : i32
        %add3A_940 = arith.addi %mul3A_938, %add3A_939 : i32
        %get3A_941 = arith.constant 0 : i32
        %get3A_942 = arith.constant 0 : i32
        %get3A_943 = tpu.memref_slice %arg6[%scan3A_306, %get3A_941, %get3A_942] : memref<6x200x64xf32, #tpu.memory_space<vmem>> -> memref<1x200x64xf32, #tpu.memory_space<vmem>>
        %get3A_944 = tpu.memref_squeeze %get3A_943 : memref<1x200x64xf32, #tpu.memory_space<vmem>> -> memref<200x64xf32, #tpu.memory_space<vmem>>
        %get3A_945 = arith.index_cast %add3A_940 : i32 to index
        %get3A_946 = arith.constant 0 : index
        %get3A_947 = tpu.vector_load %get3A_944[%get3A_945, %get3A_946] {strides = array<i32>} : memref<200x64xf32, #tpu.memory_space<vmem>>, vector<1x16xf32>,
        %get3A_948 = vector.shape_cast %get3A_947 : vector<1x16xf32> to vector<16xf32>
        %add3A_949 = arith.addf %add3A_909, %get3A_948 : vector<16xf32>
        %get3A_950 = arith.constant 0 : i32
        %get3A_951 = arith.constant 0 : i32
        %get3A_952 = tpu.memref_slice %arg6[%scan3A_306, %get3A_950, %get3A_951] : memref<6x200x64xf32, #tpu.memory_space<vmem>> -> memref<1x200x64xf32, #tpu.memory_space<vmem>>
        %get3A_953 = tpu.memref_squeeze %get3A_952 : memref<1x200x64xf32, #tpu.memory_space<vmem>> -> memref<200x64xf32, #tpu.memory_space<vmem>>
        %get3A_954 = arith.index_cast %add3A_940 : i32 to index
        %get3A_955 = arith.constant 16 : index
        %get3A_956 = tpu.vector_load %get3A_953[%get3A_954, %get3A_955] {strides = array<i32>} : memref<200x64xf32, #tpu.memory_space<vmem>>, vector<1x16xf32>,
        %get3A_957 = vector.shape_cast %get3A_956 : vector<1x16xf32> to vector<16xf32>
        %add3A_958 = arith.addf %add3A_918, %get3A_957 : vector<16xf32>
        %get3A_959 = arith.constant 0 : i32
        %get3A_960 = arith.constant 0 : i32
        %get3A_961 = tpu.memref_slice %arg6[%scan3A_306, %get3A_959, %get3A_960] : memref<6x200x64xf32, #tpu.memory_space<vmem>> -> memref<1x200x64xf32, #tpu.memory_space<vmem>>
        %get3A_962 = tpu.memref_squeeze %get3A_961 : memref<1x200x64xf32, #tpu.memory_space<vmem>> -> memref<200x64xf32, #tpu.memory_space<vmem>>
        %get3A_963 = arith.index_cast %add3A_940 : i32 to index
        %get3A_964 = arith.constant 32 : index
        %get3A_965 = tpu.vector_load %get3A_962[%get3A_963, %get3A_964] {strides = array<i32>} : memref<200x64xf32, #tpu.memory_space<vmem>>, vector<1x16xf32>,
        %get3A_966 = vector.shape_cast %get3A_965 : vector<1x16xf32> to vector<16xf32>
        %add3A_967 = arith.addf %add3A_927, %get3A_966 : vector<16xf32>
        %get3A_968 = arith.constant 0 : i32
        %get3A_969 = arith.constant 0 : i32
        %get3A_970 = tpu.memref_slice %arg6[%scan3A_306, %get3A_968, %get3A_969] : memref<6x200x64xf32, #tpu.memory_space<vmem>> -> memref<1x200x64xf32, #tpu.memory_space<vmem>>
        %get3A_971 = tpu.memref_squeeze %get3A_970 : memref<1x200x64xf32, #tpu.memory_space<vmem>> -> memref<200x64xf32, #tpu.memory_space<vmem>>
        %get3A_972 = arith.index_cast %add3A_940 : i32 to index
        %get3A_973 = arith.constant 48 : index
        %get3A_974 = tpu.vector_load %get3A_971[%get3A_972, %get3A_973] {strides = array<i32>} : memref<200x64xf32, #tpu.memory_space<vmem>>, vector<1x16xf32>,
        %get3A_975 = vector.shape_cast %get3A_974 : vector<1x16xf32> to vector<16xf32>
        %add3A_976 = arith.addf %add3A_936, %get3A_975 : vector<16xf32>
        %mul3A_977 = arith.constant 8 : i32
        %mul3A_978 = arith.muli %scan3A_773, %mul3A_977 : i32
        %add3A_979 = arith.constant 5 : i32
        %add3A_980 = arith.addi %mul3A_978, %add3A_979 : i32
        %get3A_981 = arith.constant 0 : i32
        %get3A_982 = arith.constant 0 : i32
        %get3A_983 = tpu.memref_slice %arg6[%scan3A_306, %get3A_981, %get3A_982] : memref<6x200x64xf32, #tpu.memory_space<vmem>> -> memref<1x200x64xf32, #tpu.memory_space<vmem>>
        %get3A_984 = tpu.memref_squeeze %get3A_983 : memref<1x200x64xf32, #tpu.memory_space<vmem>> -> memref<200x64xf32, #tpu.memory_space<vmem>>
        %get3A_985 = arith.index_cast %add3A_980 : i32 to index
        %get3A_986 = arith.constant 0 : index
        %get3A_987 = tpu.vector_load %get3A_984[%get3A_985, %get3A_986] {strides = array<i32>} : memref<200x64xf32, #tpu.memory_space<vmem>>, vector<1x16xf32>,
        %get3A_988 = vector.shape_cast %get3A_987 : vector<1x16xf32> to vector<16xf32>
        %add3A_989 = arith.addf %add3A_949, %get3A_988 : vector<16xf32>
        %get3A_990 = arith.constant 0 : i32
        %get3A_991 = arith.constant 0 : i32
        %get3A_992 = tpu.memref_slice %arg6[%scan3A_306, %get3A_990, %get3A_991] : memref<6x200x64xf32, #tpu.memory_space<vmem>> -> memref<1x200x64xf32, #tpu.memory_space<vmem>>
        %get3A_993 = tpu.memref_squeeze %get3A_992 : memref<1x200x64xf32, #tpu.memory_space<vmem>> -> memref<200x64xf32, #tpu.memory_space<vmem>>
        %get3A_994 = arith.index_cast %add3A_980 : i32 to index
        %get3A_995 = arith.constant 16 : index
        %get3A_996 = tpu.vector_load %get3A_993[%get3A_994, %get3A_995] {strides = array<i32>} : memref<200x64xf32, #tpu.memory_space<vmem>>, vector<1x16xf32>,
        %get3A_997 = vector.shape_cast %get3A_996 : vector<1x16xf32> to vector<16xf32>
        %add3A_998 = arith.addf %add3A_958, %get3A_997 : vector<16xf32>
        %get3A_999 = arith.constant 0 : i32
        %get3A_1000 = arith.constant 0 : i32
        %get3A_1001 = tpu.memref_slice %arg6[%scan3A_306, %get3A_999, %get3A_1000] : memref<6x200x64xf32, #tpu.memory_space<vmem>> -> memref<1x200x64xf32, #tpu.memory_space<vmem>>
        %get3A_1002 = tpu.memref_squeeze %get3A_1001 : memref<1x200x64xf32, #tpu.memory_space<vmem>> -> memref<200x64xf32, #tpu.memory_space<vmem>>
        %get3A_1003 = arith.index_cast %add3A_980 : i32 to index
        %get3A_1004 = arith.constant 32 : index
        %get3A_1005 = tpu.vector_load %get3A_1002[%get3A_1003, %get3A_1004] {strides = array<i32>} : memref<200x64xf32, #tpu.memory_space<vmem>>, vector<1x16xf32>,
        %get3A_1006 = vector.shape_cast %get3A_1005 : vector<1x16xf32> to vector<16xf32>
        %add3A_1007 = arith.addf %add3A_967, %get3A_1006 : vector<16xf32>
        %get3A_1008 = arith.constant 0 : i32
        %get3A_1009 = arith.constant 0 : i32
        %get3A_1010 = tpu.memref_slice %arg6[%scan3A_306, %get3A_1008, %get3A_1009] : memref<6x200x64xf32, #tpu.memory_space<vmem>> -> memref<1x200x64xf32, #tpu.memory_space<vmem>>
        %get3A_1011 = tpu.memref_squeeze %get3A_1010 : memref<1x200x64xf32, #tpu.memory_space<vmem>> -> memref<200x64xf32, #tpu.memory_space<vmem>>
        %get3A_1012 = arith.index_cast %add3A_980 : i32 to index
        %get3A_1013 = arith.constant 48 : index
        %get3A_1014 = tpu.vector_load %get3A_1011[%get3A_1012, %get3A_1013] {strides = array<i32>} : memref<200x64xf32, #tpu.memory_space<vmem>>, vector<1x16xf32>,
        %get3A_1015 = vector.shape_cast %get3A_1014 : vector<1x16xf32> to vector<16xf32>
        %add3A_1016 = arith.addf %add3A_976, %get3A_1015 : vector<16xf32>
        %mul3A_1017 = arith.constant 8 : i32
        %mul3A_1018 = arith.muli %scan3A_773, %mul3A_1017 : i32
        %add3A_1019 = arith.constant 6 : i32
        %add3A_1020 = arith.addi %mul3A_1018, %add3A_1019 : i32
        %get3A_1021 = arith.constant 0 : i32
        %get3A_1022 = arith.constant 0 : i32
        %get3A_1023 = tpu.memref_slice %arg6[%scan3A_306, %get3A_1021, %get3A_1022] : memref<6x200x64xf32, #tpu.memory_space<vmem>> -> memref<1x200x64xf32, #tpu.memory_space<vmem>>
        %get3A_1024 = tpu.memref_squeeze %get3A_1023 : memref<1x200x64xf32, #tpu.memory_space<vmem>> -> memref<200x64xf32, #tpu.memory_space<vmem>>
        %get3A_1025 = arith.index_cast %add3A_1020 : i32 to index
        %get3A_1026 = arith.constant 0 : index
        %get3A_1027 = tpu.vector_load %get3A_1024[%get3A_1025, %get3A_1026] {strides = array<i32>} : memref<200x64xf32, #tpu.memory_space<vmem>>, vector<1x16xf32>,
        %get3A_1028 = vector.shape_cast %get3A_1027 : vector<1x16xf32> to vector<16xf32>
        %add3A_1029 = arith.addf %add3A_989, %get3A_1028 : vector<16xf32>
        %get3A_1030 = arith.constant 0 : i32
        %get3A_1031 = arith.constant 0 : i32
        %get3A_1032 = tpu.memref_slice %arg6[%scan3A_306, %get3A_1030, %get3A_1031] : memref<6x200x64xf32, #tpu.memory_space<vmem>> -> memref<1x200x64xf32, #tpu.memory_space<vmem>>
        %get3A_1033 = tpu.memref_squeeze %get3A_1032 : memref<1x200x64xf32, #tpu.memory_space<vmem>> -> memref<200x64xf32, #tpu.memory_space<vmem>>
        %get3A_1034 = arith.index_cast %add3A_1020 : i32 to index
        %get3A_1035 = arith.constant 16 : index
        %get3A_1036 = tpu.vector_load %get3A_1033[%get3A_1034, %get3A_1035] {strides = array<i32>} : memref<200x64xf32, #tpu.memory_space<vmem>>, vector<1x16xf32>,
        %get3A_1037 = vector.shape_cast %get3A_1036 : vector<1x16xf32> to vector<16xf32>
        %add3A_1038 = arith.addf %add3A_998, %get3A_1037 : vector<16xf32>
        %get3A_1039 = arith.constant 0 : i32
        %get3A_1040 = arith.constant 0 : i32
        %get3A_1041 = tpu.memref_slice %arg6[%scan3A_306, %get3A_1039, %get3A_1040] : memref<6x200x64xf32, #tpu.memory_space<vmem>> -> memref<1x200x64xf32, #tpu.memory_space<vmem>>
        %get3A_1042 = tpu.memref_squeeze %get3A_1041 : memref<1x200x64xf32, #tpu.memory_space<vmem>> -> memref<200x64xf32, #tpu.memory_space<vmem>>
        %get3A_1043 = arith.index_cast %add3A_1020 : i32 to index
        %get3A_1044 = arith.constant 32 : index
        %get3A_1045 = tpu.vector_load %get3A_1042[%get3A_1043, %get3A_1044] {strides = array<i32>} : memref<200x64xf32, #tpu.memory_space<vmem>>, vector<1x16xf32>,
        %get3A_1046 = vector.shape_cast %get3A_1045 : vector<1x16xf32> to vector<16xf32>
        %add3A_1047 = arith.addf %add3A_1007, %get3A_1046 : vector<16xf32>
        %get3A_1048 = arith.constant 0 : i32
        %get3A_1049 = arith.constant 0 : i32
        %get3A_1050 = tpu.memref_slice %arg6[%scan3A_306, %get3A_1048, %get3A_1049] : memref<6x200x64xf32, #tpu.memory_space<vmem>> -> memref<1x200x64xf32, #tpu.memory_space<vmem>>
        %get3A_1051 = tpu.memref_squeeze %get3A_1050 : memref<1x200x64xf32, #tpu.memory_space<vmem>> -> memref<200x64xf32, #tpu.memory_space<vmem>>
        %get3A_1052 = arith.index_cast %add3A_1020 : i32 to index
        %get3A_1053 = arith.constant 48 : index
        %get3A_1054 = tpu.vector_load %get3A_1051[%get3A_1052, %get3A_1053] {strides = array<i32>} : memref<200x64xf32, #tpu.memory_space<vmem>>, vector<1x16xf32>,
        %get3A_1055 = vector.shape_cast %get3A_1054 : vector<1x16xf32> to vector<16xf32>
        %add3A_1056 = arith.addf %add3A_1016, %get3A_1055 : vector<16xf32>
        %mul3A_1057 = arith.constant 8 : i32
        %mul3A_1058 = arith.muli %scan3A_773, %mul3A_1057 : i32
        %add3A_1059 = arith.constant 7 : i32
        %add3A_1060 = arith.addi %mul3A_1058, %add3A_1059 : i32
        %get3A_1061 = arith.constant 0 : i32
        %get3A_1062 = arith.constant 0 : i32
        %get3A_1063 = tpu.memref_slice %arg6[%scan3A_306, %get3A_1061, %get3A_1062] : memref<6x200x64xf32, #tpu.memory_space<vmem>> -> memref<1x200x64xf32, #tpu.memory_space<vmem>>
        %get3A_1064 = tpu.memref_squeeze %get3A_1063 : memref<1x200x64xf32, #tpu.memory_space<vmem>> -> memref<200x64xf32, #tpu.memory_space<vmem>>
        %get3A_1065 = arith.index_cast %add3A_1060 : i32 to index
        %get3A_1066 = arith.constant 0 : index
        %get3A_1067 = tpu.vector_load %get3A_1064[%get3A_1065, %get3A_1066] {strides = array<i32>} : memref<200x64xf32, #tpu.memory_space<vmem>>, vector<1x16xf32>,
        %get3A_1068 = vector.shape_cast %get3A_1067 : vector<1x16xf32> to vector<16xf32>
        %add3A_1069 = arith.addf %add3A_1029, %get3A_1068 : vector<16xf32>
        %get3A_1070 = arith.constant 0 : i32
        %get3A_1071 = arith.constant 0 : i32
        %get3A_1072 = tpu.memref_slice %arg6[%scan3A_306, %get3A_1070, %get3A_1071] : memref<6x200x64xf32, #tpu.memory_space<vmem>> -> memref<1x200x64xf32, #tpu.memory_space<vmem>>
        %get3A_1073 = tpu.memref_squeeze %get3A_1072 : memref<1x200x64xf32, #tpu.memory_space<vmem>> -> memref<200x64xf32, #tpu.memory_space<vmem>>
        %get3A_1074 = arith.index_cast %add3A_1060 : i32 to index
        %get3A_1075 = arith.constant 16 : index
        %get3A_1076 = tpu.vector_load %get3A_1073[%get3A_1074, %get3A_1075] {strides = array<i32>} : memref<200x64xf32, #tpu.memory_space<vmem>>, vector<1x16xf32>,
        %get3A_1077 = vector.shape_cast %get3A_1076 : vector<1x16xf32> to vector<16xf32>
        %add3A_1078 = arith.addf %add3A_1038, %get3A_1077 : vector<16xf32>
        %get3A_1079 = arith.constant 0 : i32
        %get3A_1080 = arith.constant 0 : i32
        %get3A_1081 = tpu.memref_slice %arg6[%scan3A_306, %get3A_1079, %get3A_1080] : memref<6x200x64xf32, #tpu.memory_space<vmem>> -> memref<1x200x64xf32, #tpu.memory_space<vmem>>
        %get3A_1082 = tpu.memref_squeeze %get3A_1081 : memref<1x200x64xf32, #tpu.memory_space<vmem>> -> memref<200x64xf32, #tpu.memory_space<vmem>>
        %get3A_1083 = arith.index_cast %add3A_1060 : i32 to index
        %get3A_1084 = arith.constant 32 : index
        %get3A_1085 = tpu.vector_load %get3A_1082[%get3A_1083, %get3A_1084] {strides = array<i32>} : memref<200x64xf32, #tpu.memory_space<vmem>>, vector<1x16xf32>,
        %get3A_1086 = vector.shape_cast %get3A_1085 : vector<1x16xf32> to vector<16xf32>
        %add3A_1087 = arith.addf %add3A_1047, %get3A_1086 : vector<16xf32>
        %get3A_1088 = arith.constant 0 : i32
        %get3A_1089 = arith.constant 0 : i32
        %get3A_1090 = tpu.memref_slice %arg6[%scan3A_306, %get3A_1088, %get3A_1089] : memref<6x200x64xf32, #tpu.memory_space<vmem>> -> memref<1x200x64xf32, #tpu.memory_space<vmem>>
        %get3A_1091 = tpu.memref_squeeze %get3A_1090 : memref<1x200x64xf32, #tpu.memory_space<vmem>> -> memref<200x64xf32, #tpu.memory_space<vmem>>
        %get3A_1092 = arith.index_cast %add3A_1060 : i32 to index
        %get3A_1093 = arith.constant 48 : index
        %get3A_1094 = tpu.vector_load %get3A_1091[%get3A_1092, %get3A_1093] {strides = array<i32>} : memref<200x64xf32, #tpu.memory_space<vmem>>, vector<1x16xf32>,
        %get3A_1095 = vector.shape_cast %get3A_1094 : vector<1x16xf32> to vector<16xf32>
        %add3A_1096 = arith.addf %add3A_1056, %get3A_1095 : vector<16xf32>
        scf.yield %add3A_1069, %add3A_1078, %add3A_1087, %add3A_1096 : vector<16xf32>, vector<16xf32>, vector<16xf32>, vector<16xf32>
      }
      %scan3A_516 = arith.constant 25 : i32
      %swap3A_517 = arith.index_cast %add3A_479 : i32 to index
      %swap3A_518 = arith.constant 0 : index
      %swap3A_519 = tpu.vector_load %arg7[%swap3A_517, %swap3A_518] {strides = array<i32>} : memref<128x64xf32, #tpu.memory_space<vmem>>, vector<1x16xf32>,
      %swap3A_520 = vector.shape_cast %swap3A_519 : vector<1x16xf32> to vector<16xf32>
      %swap3A_521 = vector.shape_cast %scan3A_515#0 : vector<16xf32> to vector<1x16xf32>
      tpu.vector_store %arg7[%swap3A_517, %swap3A_518], %swap3A_521 {strides = array<i32>} : memref<128x64xf32, #tpu.memory_space<vmem>>, vector<1x16xf32>,
      %swap3A_522 = arith.index_cast %add3A_479 : i32 to index
      %swap3A_523 = arith.constant 16 : index
      %swap3A_524 = tpu.vector_load %arg7[%swap3A_522, %swap3A_523] {strides = array<i32>} : memref<128x64xf32, #tpu.memory_space<vmem>>, vector<1x16xf32>,
      %swap3A_525 = vector.shape_cast %swap3A_524 : vector<1x16xf32> to vector<16xf32>
      %swap3A_526 = vector.shape_cast %scan3A_515#1 : vector<16xf32> to vector<1x16xf32>
      tpu.vector_store %arg7[%swap3A_522, %swap3A_523], %swap3A_526 {strides = array<i32>} : memref<128x64xf32, #tpu.memory_space<vmem>>, vector<1x16xf32>,
      %swap3A_527 = arith.index_cast %add3A_479 : i32 to index
      %swap3A_528 = arith.constant 32 : index
      %swap3A_529 = tpu.vector_load %arg7[%swap3A_527, %swap3A_528] {strides = array<i32>} : memref<128x64xf32, #tpu.memory_space<vmem>>, vector<1x16xf32>,
      %swap3A_530 = vector.shape_cast %swap3A_529 : vector<1x16xf32> to vector<16xf32>
      %swap3A_531 = vector.shape_cast %scan3A_515#2 : vector<16xf32> to vector<1x16xf32>
      tpu.vector_store %arg7[%swap3A_527, %swap3A_528], %swap3A_531 {strides = array<i32>} : memref<128x64xf32, #tpu.memory_space<vmem>>, vector<1x16xf32>,
      %swap3A_532 = arith.index_cast %add3A_479 : i32 to index
      %swap3A_533 = arith.constant 48 : index
      %swap3A_534 = tpu.vector_load %arg7[%swap3A_532, %swap3A_533] {strides = array<i32>} : memref<128x64xf32, #tpu.memory_space<vmem>>, vector<1x16xf32>,
      %swap3A_535 = vector.shape_cast %swap3A_534 : vector<1x16xf32> to vector<16xf32>
      %swap3A_536 = vector.shape_cast %scan3A_515#3 : vector<16xf32> to vector<1x16xf32>
      tpu.vector_store %arg7[%swap3A_532, %swap3A_533], %swap3A_536 {strides = array<i32>} : memref<128x64xf32, #tpu.memory_space<vmem>>, vector<1x16xf32>,
      %add3A_537 = arith.constant 2 : i32
      %add3A_538 = arith.addi %mul3A_422, %add3A_537 : i32
      %add3A_539 = arith.constant 6 : i32
      %add3A_540 = arith.addi %add3A_538, %add3A_539 : i32
      %sub3A_541 = arith.constant 1 : i32
      %sub3A_542 = arith.subi %add3A_540, %sub3A_541 : i32
      %lt3A_543 = arith.constant 128 : i32
      %lt3A_544 = arith.cmpi slt, %sub3A_542, %lt3A_543 : i32
      %convert_element_type3A_545 = arith.extui %lt3A_544 : i1 to i32
      %cond3A_546 = arith.constant 0 : i32
      %cond3A_547 = arith.cmpi ne, %convert_element_type3A_545, %cond3A_546 : i32
      scf.if %cond3A_547 {
        %add3A_773 = arith.constant 6 : i32
        %add3A_774 = arith.addi %add3A_538, %add3A_773 : i32
        %sub3A_775 = arith.constant 1 : i32
        %sub3A_776 = arith.subi %add3A_774, %sub3A_775 : i32
        %mul3A_777 = arith.constant 4 : i32
        %mul3A_778 = arith.muli %mul3A_777, %sub3A_776 : i32
        %add3A_779 = arith.constant 0 : i32
        %add3A_780 = arith.addi %mul3A_778, %add3A_779 : i32
        %dma_start3A_781 = arith.constant 0 : i32
        %dma_start3A_782 = arith.constant 0 : i32
        %dma_start3A_783 = tpu.memref_slice %arg6[%scan3A_306, %dma_start3A_781, %dma_start3A_782] : memref<6x200x64xf32, #tpu.memory_space<vmem>> -> memref<1x200x64xf32, #tpu.memory_space<vmem>>
        %dma_start3A_784 = tpu.memref_squeeze %dma_start3A_783 : memref<1x200x64xf32, #tpu.memory_space<vmem>> -> memref<200x64xf32, #tpu.memory_space<vmem>>
        %dma_start3A_785 = arith.constant 0 : i32
        %dma_start3A_786 = arith.constant 0 : i32
        %dma_start3A_787 = tpu.memref_slice %dma_start3A_784[%dma_start3A_785, %dma_start3A_786] : memref<200x64xf32, #tpu.memory_space<vmem>> -> memref<64x64xf32, #tpu.memory_space<vmem>>
        %dma_start3A_788 = arith.constant 0 : i32
        %dma_start3A_789 = tpu.memref_slice %arg5[%add3A_780, %dma_start3A_788] : memref<512x64xi32, #tpu.memory_space<vmem>> -> memref<1x64xi32, #tpu.memory_space<vmem>>
        %dma_start3A_790 = tpu.memref_squeeze %dma_start3A_789 : memref<1x64xi32, #tpu.memory_space<vmem>> -> memref<64xi32, #tpu.memory_space<vmem>>
        %dma_start3A_791 = arith.constant 0 : i32
        %dma_start3A_792 = arith.constant 0 : i32
        %dma_start3A_793 = tpu.memref_slice %arg3[%dma_start3A_791, %dma_start3A_792] : memref<1000001x64xf32, #tpu.memory_space<hbm>> -> memref<1000001x64xf32, #tpu.memory_space<hbm>>
        tpu.enqueue_indirect_dma source(%dma_start3A_793 : memref<1000001x64xf32, #tpu.memory_space<hbm>>) target(%dma_start3A_787 : memref<64x64xf32, #tpu.memory_space<vmem>>) offsets(%dma_start3A_790 : memref<64xi32, #tpu.memory_space<vmem>>) semaphore(%arg9 : memref<!tpu.dma_semaphore, #tpu.memory_space<semaphore_mem>>)
        %mul3A_794 = arith.constant 4 : i32
        %mul3A_795 = arith.muli %mul3A_794, %sub3A_776 : i32
        %add3A_796 = arith.constant 1 : i32
        %add3A_797 = arith.addi %mul3A_795, %add3A_796 : i32
        %dma_start3A_798 = arith.constant 0 : i32
        %dma_start3A_799 = arith.constant 0 : i32
        %dma_start3A_800 = tpu.memref_slice %arg6[%scan3A_306, %dma_start3A_798, %dma_start3A_799] : memref<6x200x64xf32, #tpu.memory_space<vmem>> -> memref<1x200x64xf32, #tpu.memory_space<vmem>>
        %dma_start3A_801 = tpu.memref_squeeze %dma_start3A_800 : memref<1x200x64xf32, #tpu.memory_space<vmem>> -> memref<200x64xf32, #tpu.memory_space<vmem>>
        %dma_start3A_802 = arith.constant 64 : i32
        %dma_start3A_803 = arith.constant 0 : i32
        %dma_start3A_804 = tpu.memref_slice %dma_start3A_801[%dma_start3A_802, %dma_start3A_803] : memref<200x64xf32, #tpu.memory_space<vmem>> -> memref<64x64xf32, #tpu.memory_space<vmem>>
        %dma_start3A_805 = arith.constant 0 : i32
        %dma_start3A_806 = tpu.memref_slice %arg5[%add3A_797, %dma_start3A_805] : memref<512x64xi32, #tpu.memory_space<vmem>> -> memref<1x64xi32, #tpu.memory_space<vmem>>
        %dma_start3A_807 = tpu.memref_squeeze %dma_start3A_806 : memref<1x64xi32, #tpu.memory_space<vmem>> -> memref<64xi32, #tpu.memory_space<vmem>>
        %dma_start3A_808 = arith.constant 0 : i32
        %dma_start3A_809 = arith.constant 0 : i32
        %dma_start3A_810 = tpu.memref_slice %arg3[%dma_start3A_808, %dma_start3A_809] : memref<1000001x64xf32, #tpu.memory_space<hbm>> -> memref<1000001x64xf32, #tpu.memory_space<hbm>>
        tpu.enqueue_indirect_dma source(%dma_start3A_810 : memref<1000001x64xf32, #tpu.memory_space<hbm>>) target(%dma_start3A_804 : memref<64x64xf32, #tpu.memory_space<vmem>>) offsets(%dma_start3A_807 : memref<64xi32, #tpu.memory_space<vmem>>) semaphore(%arg9 : memref<!tpu.dma_semaphore, #tpu.memory_space<semaphore_mem>>)
        %mul3A_811 = arith.constant 4 : i32
        %mul3A_812 = arith.muli %mul3A_811, %sub3A_776 : i32
        %add3A_813 = arith.constant 2 : i32
        %add3A_814 = arith.addi %mul3A_812, %add3A_813 : i32
        %dma_start3A_815 = arith.constant 0 : i32
        %dma_start3A_816 = arith.constant 0 : i32
        %dma_start3A_817 = tpu.memref_slice %arg6[%scan3A_306, %dma_start3A_815, %dma_start3A_816] : memref<6x200x64xf32, #tpu.memory_space<vmem>> -> memref<1x200x64xf32, #tpu.memory_space<vmem>>
        %dma_start3A_818 = tpu.memref_squeeze %dma_start3A_817 : memref<1x200x64xf32, #tpu.memory_space<vmem>> -> memref<200x64xf32, #tpu.memory_space<vmem>>
        %dma_start3A_819 = arith.constant 128 : i32
        %dma_start3A_820 = arith.constant 0 : i32
        %dma_start3A_821 = tpu.memref_slice %dma_start3A_818[%dma_start3A_819, %dma_start3A_820] : memref<200x64xf32, #tpu.memory_space<vmem>> -> memref<64x64xf32, #tpu.memory_space<vmem>>
        %dma_start3A_822 = arith.constant 0 : i32
        %dma_start3A_823 = tpu.memref_slice %arg5[%add3A_814, %dma_start3A_822] : memref<512x64xi32, #tpu.memory_space<vmem>> -> memref<1x64xi32, #tpu.memory_space<vmem>>
        %dma_start3A_824 = tpu.memref_squeeze %dma_start3A_823 : memref<1x64xi32, #tpu.memory_space<vmem>> -> memref<64xi32, #tpu.memory_space<vmem>>
        %dma_start3A_825 = arith.constant 0 : i32
        %dma_start3A_826 = arith.constant 0 : i32
        %dma_start3A_827 = tpu.memref_slice %arg3[%dma_start3A_825, %dma_start3A_826] : memref<1000001x64xf32, #tpu.memory_space<hbm>> -> memref<1000001x64xf32, #tpu.memory_space<hbm>>
        tpu.enqueue_indirect_dma source(%dma_start3A_827 : memref<1000001x64xf32, #tpu.memory_space<hbm>>) target(%dma_start3A_821 : memref<64x64xf32, #tpu.memory_space<vmem>>) offsets(%dma_start3A_824 : memref<64xi32, #tpu.memory_space<vmem>>) semaphore(%arg9 : memref<!tpu.dma_semaphore, #tpu.memory_space<semaphore_mem>>)
        %mul3A_828 = arith.constant 4 : i32
        %mul3A_829 = arith.muli %mul3A_828, %sub3A_776 : i32
        %add3A_830 = arith.constant 3 : i32
        %add3A_831 = arith.addi %mul3A_829, %add3A_830 : i32
        %dma_start3A_832 = arith.constant 0 : i32
        %dma_start3A_833 = arith.constant 0 : i32
        %dma_start3A_834 = tpu.memref_slice %arg6[%scan3A_306, %dma_start3A_832, %dma_start3A_833] : memref<6x200x64xf32, #tpu.memory_space<vmem>> -> memref<1x200x64xf32, #tpu.memory_space<vmem>>
        %dma_start3A_835 = tpu.memref_squeeze %dma_start3A_834 : memref<1x200x64xf32, #tpu.memory_space<vmem>> -> memref<200x64xf32, #tpu.memory_space<vmem>>
        %dma_start3A_836 = arith.constant 192 : i32
        %dma_start3A_837 = arith.constant 0 : i32
        %dma_start3A_838 = tpu.memref_slice %dma_start3A_835[%dma_start3A_836, %dma_start3A_837] : memref<200x64xf32, #tpu.memory_space<vmem>> -> memref<8x64xf32, #tpu.memory_space<vmem>>
        %dma_start3A_839 = arith.constant 0 : i32
        %dma_start3A_840 = tpu.memref_slice %arg5[%add3A_831, %dma_start3A_839] : memref<512x64xi32, #tpu.memory_space<vmem>> -> memref<1x8xi32, #tpu.memory_space<vmem>>
        %dma_start3A_841 = tpu.memref_squeeze %dma_start3A_840 : memref<1x8xi32, #tpu.memory_space<vmem>> -> memref<8xi32, #tpu.memory_space<vmem>>
        %dma_start3A_842 = arith.constant 0 : i32
        %dma_start3A_843 = arith.constant 0 : i32
        %dma_start3A_844 = tpu.memref_slice %arg3[%dma_start3A_842, %dma_start3A_843] : memref<1000001x64xf32, #tpu.memory_space<hbm>> -> memref<1000001x64xf32, #tpu.memory_space<hbm>>
        tpu.enqueue_indirect_dma source(%dma_start3A_844 : memref<1000001x64xf32, #tpu.memory_space<hbm>>) target(%dma_start3A_838 : memref<8x64xf32, #tpu.memory_space<vmem>>) offsets(%dma_start3A_841 : memref<8xi32, #tpu.memory_space<vmem>>) semaphore(%arg9 : memref<!tpu.dma_semaphore, #tpu.memory_space<semaphore_mem>>)
      } else {
      }
      %dma_wait3A_548 = arith.constant 0 : i32
      %dma_wait3A_549 = arith.constant 0 : i32
      %dma_wait3A_550 = tpu.memref_slice %arg6[%scan3A_307, %dma_wait3A_548, %dma_wait3A_549] : memref<6x200x64xf32, #tpu.memory_space<vmem>> -> memref<1x200x64xf32, #tpu.memory_space<vmem>>
      %dma_wait3A_551 = tpu.memref_squeeze %dma_wait3A_550 : memref<1x200x64xf32, #tpu.memory_space<vmem>> -> memref<200x64xf32, #tpu.memory_space<vmem>>
      %dma_wait3A_552 = arith.constant 0 : i32
      %dma_wait3A_553 = arith.constant 0 : i32
      %dma_wait3A_554 = tpu.memref_slice %arg3[%dma_wait3A_552, %dma_wait3A_553] : memref<1000001x64xf32, #tpu.memory_space<hbm>> -> memref<200x64xf32, #tpu.memory_space<hbm>>
      %dma_wait3A_555 = arith.constant 0 : i32
      %dma_wait3A_556 = arith.constant 0 : i32
      %dma_wait3A_557 = tpu.memref_slice %arg6[%scan3A_307, %dma_wait3A_555, %dma_wait3A_556] : memref<6x200x64xf32, #tpu.memory_space<vmem>> -> memref<1x200x64xf32, #tpu.memory_space<vmem>>
      %dma_wait3A_558 = tpu.memref_squeeze %dma_wait3A_557 : memref<1x200x64xf32, #tpu.memory_space<vmem>> -> memref<200x64xf32, #tpu.memory_space<vmem>>
      %dma_wait3A_559 = arith.constant 0 : i32
      %dma_wait3A_560 = arith.constant 0 : i32
      %dma_wait3A_561 = tpu.memref_slice %arg3[%dma_wait3A_559, %dma_wait3A_560] : memref<1000001x64xf32, #tpu.memory_space<hbm>> -> memref<200x64xf32, #tpu.memory_space<hbm>>
      tpu.wait_dma2 semaphore(%arg10 : memref<!tpu.dma_semaphore, #tpu.memory_space<semaphore_mem>>) src(%dma_wait3A_561 : memref<200x64xf32, #tpu.memory_space<hbm>>) dst(%dma_wait3A_558 : memref<200x64xf32, #tpu.memory_space<vmem>>)
      %broadcast_in_dim3A_562 = arith.constant 0.000000e+00 : f32
      %broadcast_in_dim3A_563 = vector.broadcast %broadcast_in_dim3A_562 : f32 to vector<16xf32>
      %broadcast_in_dim3A_564 = arith.constant 0.000000e+00 : f32
      %broadcast_in_dim3A_565 = vector.broadcast %broadcast_in_dim3A_564 : f32 to vector<16xf32>
      %broadcast_in_dim3A_566 = arith.constant 0.000000e+00 : f32
      %broadcast_in_dim3A_567 = vector.broadcast %broadcast_in_dim3A_566 : f32 to vector<16xf32>
      %broadcast_in_dim3A_568 = arith.constant 0.000000e+00 : f32
      %broadcast_in_dim3A_569 = vector.broadcast %broadcast_in_dim3A_568 : f32 to vector<16xf32>
      %scan3A_570 = arith.constant 0 : i32
      %scan3A_571 = arith.constant 25 : i32
      %scan3A_572 = arith.addi %scan3A_570, %scan3A_571 : i32
      %scan3A_573 = arith.constant 1 : i32
      %scan3A_574:4 = scf.for %scan3A_773 = %scan3A_570 to %scan3A_572 step %scan3A_573 iter_args(%scan3A_774 = %broadcast_in_dim3A_563, %scan3A_775 = %broadcast_in_dim3A_565, %scan3A_776 = %broadcast_in_dim3A_567, %scan3A_777 = %broadcast_in_dim3A_569) -> (vector<16xf32>, vector<16xf32>, vector<16xf32>, vector<16xf32>)  : i32 {
        %mul3A_778 = arith.constant 8 : i32
        %mul3A_779 = arith.muli %scan3A_773, %mul3A_778 : i32
        %add3A_780 = arith.constant 0 : i32
        %add3A_781 = arith.addi %mul3A_779, %add3A_780 : i32
        %get3A = arith.constant 0 : i32
        %get3A_782 = arith.constant 0 : i32
        %get3A_783 = tpu.memref_slice %arg6[%scan3A_307, %get3A, %get3A_782] : memref<6x200x64xf32, #tpu.memory_space<vmem>> -> memref<1x200x64xf32, #tpu.memory_space<vmem>>
        %get3A_784 = tpu.memref_squeeze %get3A_783 : memref<1x200x64xf32, #tpu.memory_space<vmem>> -> memref<200x64xf32, #tpu.memory_space<vmem>>
        %get3A_785 = arith.index_cast %add3A_781 : i32 to index
        %get3A_786 = arith.constant 0 : index
        %get3A_787 = tpu.vector_load %get3A_784[%get3A_785, %get3A_786] {strides = array<i32>} : memref<200x64xf32, #tpu.memory_space<vmem>>, vector<1x16xf32>,
        %get3A_788 = vector.shape_cast %get3A_787 : vector<1x16xf32> to vector<16xf32>
        %add3A_789 = arith.addf %scan3A_774, %get3A_788 : vector<16xf32>
        %get3A_790 = arith.constant 0 : i32
        %get3A_791 = arith.constant 0 : i32
        %get3A_792 = tpu.memref_slice %arg6[%scan3A_307, %get3A_790, %get3A_791] : memref<6x200x64xf32, #tpu.memory_space<vmem>> -> memref<1x200x64xf32, #tpu.memory_space<vmem>>
        %get3A_793 = tpu.memref_squeeze %get3A_792 : memref<1x200x64xf32, #tpu.memory_space<vmem>> -> memref<200x64xf32, #tpu.memory_space<vmem>>
        %get3A_794 = arith.index_cast %add3A_781 : i32 to index
        %get3A_795 = arith.constant 16 : index
        %get3A_796 = tpu.vector_load %get3A_793[%get3A_794, %get3A_795] {strides = array<i32>} : memref<200x64xf32, #tpu.memory_space<vmem>>, vector<1x16xf32>,
        %get3A_797 = vector.shape_cast %get3A_796 : vector<1x16xf32> to vector<16xf32>
        %add3A_798 = arith.addf %scan3A_775, %get3A_797 : vector<16xf32>
        %get3A_799 = arith.constant 0 : i32
        %get3A_800 = arith.constant 0 : i32
        %get3A_801 = tpu.memref_slice %arg6[%scan3A_307, %get3A_799, %get3A_800] : memref<6x200x64xf32, #tpu.memory_space<vmem>> -> memref<1x200x64xf32, #tpu.memory_space<vmem>>
        %get3A_802 = tpu.memref_squeeze %get3A_801 : memref<1x200x64xf32, #tpu.memory_space<vmem>> -> memref<200x64xf32, #tpu.memory_space<vmem>>
        %get3A_803 = arith.index_cast %add3A_781 : i32 to index
        %get3A_804 = arith.constant 32 : index
        %get3A_805 = tpu.vector_load %get3A_802[%get3A_803, %get3A_804] {strides = array<i32>} : memref<200x64xf32, #tpu.memory_space<vmem>>, vector<1x16xf32>,
        %get3A_806 = vector.shape_cast %get3A_805 : vector<1x16xf32> to vector<16xf32>
        %add3A_807 = arith.addf %scan3A_776, %get3A_806 : vector<16xf32>
        %get3A_808 = arith.constant 0 : i32
        %get3A_809 = arith.constant 0 : i32
        %get3A_810 = tpu.memref_slice %arg6[%scan3A_307, %get3A_808, %get3A_809] : memref<6x200x64xf32, #tpu.memory_space<vmem>> -> memref<1x200x64xf32, #tpu.memory_space<vmem>>
        %get3A_811 = tpu.memref_squeeze %get3A_810 : memref<1x200x64xf32, #tpu.memory_space<vmem>> -> memref<200x64xf32, #tpu.memory_space<vmem>>
        %get3A_812 = arith.index_cast %add3A_781 : i32 to index
        %get3A_813 = arith.constant 48 : index
        %get3A_814 = tpu.vector_load %get3A_811[%get3A_812, %get3A_813] {strides = array<i32>} : memref<200x64xf32, #tpu.memory_space<vmem>>, vector<1x16xf32>,
        %get3A_815 = vector.shape_cast %get3A_814 : vector<1x16xf32> to vector<16xf32>
        %add3A_816 = arith.addf %scan3A_777, %get3A_815 : vector<16xf32>
        %mul3A_817 = arith.constant 8 : i32
        %mul3A_818 = arith.muli %scan3A_773, %mul3A_817 : i32
        %add3A_819 = arith.constant 1 : i32
        %add3A_820 = arith.addi %mul3A_818, %add3A_819 : i32
        %get3A_821 = arith.constant 0 : i32
        %get3A_822 = arith.constant 0 : i32
        %get3A_823 = tpu.memref_slice %arg6[%scan3A_307, %get3A_821, %get3A_822] : memref<6x200x64xf32, #tpu.memory_space<vmem>> -> memref<1x200x64xf32, #tpu.memory_space<vmem>>
        %get3A_824 = tpu.memref_squeeze %get3A_823 : memref<1x200x64xf32, #tpu.memory_space<vmem>> -> memref<200x64xf32, #tpu.memory_space<vmem>>
        %get3A_825 = arith.index_cast %add3A_820 : i32 to index
        %get3A_826 = arith.constant 0 : index
        %get3A_827 = tpu.vector_load %get3A_824[%get3A_825, %get3A_826] {strides = array<i32>} : memref<200x64xf32, #tpu.memory_space<vmem>>, vector<1x16xf32>,
        %get3A_828 = vector.shape_cast %get3A_827 : vector<1x16xf32> to vector<16xf32>
        %add3A_829 = arith.addf %add3A_789, %get3A_828 : vector<16xf32>
        %get3A_830 = arith.constant 0 : i32
        %get3A_831 = arith.constant 0 : i32
        %get3A_832 = tpu.memref_slice %arg6[%scan3A_307, %get3A_830, %get3A_831] : memref<6x200x64xf32, #tpu.memory_space<vmem>> -> memref<1x200x64xf32, #tpu.memory_space<vmem>>
        %get3A_833 = tpu.memref_squeeze %get3A_832 : memref<1x200x64xf32, #tpu.memory_space<vmem>> -> memref<200x64xf32, #tpu.memory_space<vmem>>
        %get3A_834 = arith.index_cast %add3A_820 : i32 to index
        %get3A_835 = arith.constant 16 : index
        %get3A_836 = tpu.vector_load %get3A_833[%get3A_834, %get3A_835] {strides = array<i32>} : memref<200x64xf32, #tpu.memory_space<vmem>>, vector<1x16xf32>,
        %get3A_837 = vector.shape_cast %get3A_836 : vector<1x16xf32> to vector<16xf32>
        %add3A_838 = arith.addf %add3A_798, %get3A_837 : vector<16xf32>
        %get3A_839 = arith.constant 0 : i32
        %get3A_840 = arith.constant 0 : i32
        %get3A_841 = tpu.memref_slice %arg6[%scan3A_307, %get3A_839, %get3A_840] : memref<6x200x64xf32, #tpu.memory_space<vmem>> -> memref<1x200x64xf32, #tpu.memory_space<vmem>>
        %get3A_842 = tpu.memref_squeeze %get3A_841 : memref<1x200x64xf32, #tpu.memory_space<vmem>> -> memref<200x64xf32, #tpu.memory_space<vmem>>
        %get3A_843 = arith.index_cast %add3A_820 : i32 to index
        %get3A_844 = arith.constant 32 : index
        %get3A_845 = tpu.vector_load %get3A_842[%get3A_843, %get3A_844] {strides = array<i32>} : memref<200x64xf32, #tpu.memory_space<vmem>>, vector<1x16xf32>,
        %get3A_846 = vector.shape_cast %get3A_845 : vector<1x16xf32> to vector<16xf32>
        %add3A_847 = arith.addf %add3A_807, %get3A_846 : vector<16xf32>
        %get3A_848 = arith.constant 0 : i32
        %get3A_849 = arith.constant 0 : i32
        %get3A_850 = tpu.memref_slice %arg6[%scan3A_307, %get3A_848, %get3A_849] : memref<6x200x64xf32, #tpu.memory_space<vmem>> -> memref<1x200x64xf32, #tpu.memory_space<vmem>>
        %get3A_851 = tpu.memref_squeeze %get3A_850 : memref<1x200x64xf32, #tpu.memory_space<vmem>> -> memref<200x64xf32, #tpu.memory_space<vmem>>
        %get3A_852 = arith.index_cast %add3A_820 : i32 to index
        %get3A_853 = arith.constant 48 : index
        %get3A_854 = tpu.vector_load %get3A_851[%get3A_852, %get3A_853] {strides = array<i32>} : memref<200x64xf32, #tpu.memory_space<vmem>>, vector<1x16xf32>,
        %get3A_855 = vector.shape_cast %get3A_854 : vector<1x16xf32> to vector<16xf32>
        %add3A_856 = arith.addf %add3A_816, %get3A_855 : vector<16xf32>
        %mul3A_857 = arith.constant 8 : i32
        %mul3A_858 = arith.muli %scan3A_773, %mul3A_857 : i32
        %add3A_859 = arith.constant 2 : i32
        %add3A_860 = arith.addi %mul3A_858, %add3A_859 : i32
        %get3A_861 = arith.constant 0 : i32
        %get3A_862 = arith.constant 0 : i32
        %get3A_863 = tpu.memref_slice %arg6[%scan3A_307, %get3A_861, %get3A_862] : memref<6x200x64xf32, #tpu.memory_space<vmem>> -> memref<1x200x64xf32, #tpu.memory_space<vmem>>
        %get3A_864 = tpu.memref_squeeze %get3A_863 : memref<1x200x64xf32, #tpu.memory_space<vmem>> -> memref<200x64xf32, #tpu.memory_space<vmem>>
        %get3A_865 = arith.index_cast %add3A_860 : i32 to index
        %get3A_866 = arith.constant 0 : index
        %get3A_867 = tpu.vector_load %get3A_864[%get3A_865, %get3A_866] {strides = array<i32>} : memref<200x64xf32, #tpu.memory_space<vmem>>, vector<1x16xf32>,
        %get3A_868 = vector.shape_cast %get3A_867 : vector<1x16xf32> to vector<16xf32>
        %add3A_869 = arith.addf %add3A_829, %get3A_868 : vector<16xf32>
        %get3A_870 = arith.constant 0 : i32
        %get3A_871 = arith.constant 0 : i32
        %get3A_872 = tpu.memref_slice %arg6[%scan3A_307, %get3A_870, %get3A_871] : memref<6x200x64xf32, #tpu.memory_space<vmem>> -> memref<1x200x64xf32, #tpu.memory_space<vmem>>
        %get3A_873 = tpu.memref_squeeze %get3A_872 : memref<1x200x64xf32, #tpu.memory_space<vmem>> -> memref<200x64xf32, #tpu.memory_space<vmem>>
        %get3A_874 = arith.index_cast %add3A_860 : i32 to index
        %get3A_875 = arith.constant 16 : index
        %get3A_876 = tpu.vector_load %get3A_873[%get3A_874, %get3A_875] {strides = array<i32>} : memref<200x64xf32, #tpu.memory_space<vmem>>, vector<1x16xf32>,
        %get3A_877 = vector.shape_cast %get3A_876 : vector<1x16xf32> to vector<16xf32>
        %add3A_878 = arith.addf %add3A_838, %get3A_877 : vector<16xf32>
        %get3A_879 = arith.constant 0 : i32
        %get3A_880 = arith.constant 0 : i32
        %get3A_881 = tpu.memref_slice %arg6[%scan3A_307, %get3A_879, %get3A_880] : memref<6x200x64xf32, #tpu.memory_space<vmem>> -> memref<1x200x64xf32, #tpu.memory_space<vmem>>
        %get3A_882 = tpu.memref_squeeze %get3A_881 : memref<1x200x64xf32, #tpu.memory_space<vmem>> -> memref<200x64xf32, #tpu.memory_space<vmem>>
        %get3A_883 = arith.index_cast %add3A_860 : i32 to index
        %get3A_884 = arith.constant 32 : index
        %get3A_885 = tpu.vector_load %get3A_882[%get3A_883, %get3A_884] {strides = array<i32>} : memref<200x64xf32, #tpu.memory_space<vmem>>, vector<1x16xf32>,
        %get3A_886 = vector.shape_cast %get3A_885 : vector<1x16xf32> to vector<16xf32>
        %add3A_887 = arith.addf %add3A_847, %get3A_886 : vector<16xf32>
        %get3A_888 = arith.constant 0 : i32
        %get3A_889 = arith.constant 0 : i32
        %get3A_890 = tpu.memref_slice %arg6[%scan3A_307, %get3A_888, %get3A_889] : memref<6x200x64xf32, #tpu.memory_space<vmem>> -> memref<1x200x64xf32, #tpu.memory_space<vmem>>
        %get3A_891 = tpu.memref_squeeze %get3A_890 : memref<1x200x64xf32, #tpu.memory_space<vmem>> -> memref<200x64xf32, #tpu.memory_space<vmem>>
        %get3A_892 = arith.index_cast %add3A_860 : i32 to index
        %get3A_893 = arith.constant 48 : index
        %get3A_894 = tpu.vector_load %get3A_891[%get3A_892, %get3A_893] {strides = array<i32>} : memref<200x64xf32, #tpu.memory_space<vmem>>, vector<1x16xf32>,
        %get3A_895 = vector.shape_cast %get3A_894 : vector<1x16xf32> to vector<16xf32>
        %add3A_896 = arith.addf %add3A_856, %get3A_895 : vector<16xf32>
        %mul3A_897 = arith.constant 8 : i32
        %mul3A_898 = arith.muli %scan3A_773, %mul3A_897 : i32
        %add3A_899 = arith.constant 3 : i32
        %add3A_900 = arith.addi %mul3A_898, %add3A_899 : i32
        %get3A_901 = arith.constant 0 : i32
        %get3A_902 = arith.constant 0 : i32
        %get3A_903 = tpu.memref_slice %arg6[%scan3A_307, %get3A_901, %get3A_902] : memref<6x200x64xf32, #tpu.memory_space<vmem>> -> memref<1x200x64xf32, #tpu.memory_space<vmem>>
        %get3A_904 = tpu.memref_squeeze %get3A_903 : memref<1x200x64xf32, #tpu.memory_space<vmem>> -> memref<200x64xf32, #tpu.memory_space<vmem>>
        %get3A_905 = arith.index_cast %add3A_900 : i32 to index
        %get3A_906 = arith.constant 0 : index
        %get3A_907 = tpu.vector_load %get3A_904[%get3A_905, %get3A_906] {strides = array<i32>} : memref<200x64xf32, #tpu.memory_space<vmem>>, vector<1x16xf32>,
        %get3A_908 = vector.shape_cast %get3A_907 : vector<1x16xf32> to vector<16xf32>
        %add3A_909 = arith.addf %add3A_869, %get3A_908 : vector<16xf32>
        %get3A_910 = arith.constant 0 : i32
        %get3A_911 = arith.constant 0 : i32
        %get3A_912 = tpu.memref_slice %arg6[%scan3A_307, %get3A_910, %get3A_911] : memref<6x200x64xf32, #tpu.memory_space<vmem>> -> memref<1x200x64xf32, #tpu.memory_space<vmem>>
        %get3A_913 = tpu.memref_squeeze %get3A_912 : memref<1x200x64xf32, #tpu.memory_space<vmem>> -> memref<200x64xf32, #tpu.memory_space<vmem>>
        %get3A_914 = arith.index_cast %add3A_900 : i32 to index
        %get3A_915 = arith.constant 16 : index
        %get3A_916 = tpu.vector_load %get3A_913[%get3A_914, %get3A_915] {strides = array<i32>} : memref<200x64xf32, #tpu.memory_space<vmem>>, vector<1x16xf32>,
        %get3A_917 = vector.shape_cast %get3A_916 : vector<1x16xf32> to vector<16xf32>
        %add3A_918 = arith.addf %add3A_878, %get3A_917 : vector<16xf32>
        %get3A_919 = arith.constant 0 : i32
        %get3A_920 = arith.constant 0 : i32
        %get3A_921 = tpu.memref_slice %arg6[%scan3A_307, %get3A_919, %get3A_920] : memref<6x200x64xf32, #tpu.memory_space<vmem>> -> memref<1x200x64xf32, #tpu.memory_space<vmem>>
        %get3A_922 = tpu.memref_squeeze %get3A_921 : memref<1x200x64xf32, #tpu.memory_space<vmem>> -> memref<200x64xf32, #tpu.memory_space<vmem>>
        %get3A_923 = arith.index_cast %add3A_900 : i32 to index
        %get3A_924 = arith.constant 32 : index
        %get3A_925 = tpu.vector_load %get3A_922[%get3A_923, %get3A_924] {strides = array<i32>} : memref<200x64xf32, #tpu.memory_space<vmem>>, vector<1x16xf32>,
        %get3A_926 = vector.shape_cast %get3A_925 : vector<1x16xf32> to vector<16xf32>
        %add3A_927 = arith.addf %add3A_887, %get3A_926 : vector<16xf32>
        %get3A_928 = arith.constant 0 : i32
        %get3A_929 = arith.constant 0 : i32
        %get3A_930 = tpu.memref_slice %arg6[%scan3A_307, %get3A_928, %get3A_929] : memref<6x200x64xf32, #tpu.memory_space<vmem>> -> memref<1x200x64xf32, #tpu.memory_space<vmem>>
        %get3A_931 = tpu.memref_squeeze %get3A_930 : memref<1x200x64xf32, #tpu.memory_space<vmem>> -> memref<200x64xf32, #tpu.memory_space<vmem>>
        %get3A_932 = arith.index_cast %add3A_900 : i32 to index
        %get3A_933 = arith.constant 48 : index
        %get3A_934 = tpu.vector_load %get3A_931[%get3A_932, %get3A_933] {strides = array<i32>} : memref<200x64xf32, #tpu.memory_space<vmem>>, vector<1x16xf32>,
        %get3A_935 = vector.shape_cast %get3A_934 : vector<1x16xf32> to vector<16xf32>
        %add3A_936 = arith.addf %add3A_896, %get3A_935 : vector<16xf32>
        %mul3A_937 = arith.constant 8 : i32
        %mul3A_938 = arith.muli %scan3A_773, %mul3A_937 : i32
        %add3A_939 = arith.constant 4 : i32
        %add3A_940 = arith.addi %mul3A_938, %add3A_939 : i32
        %get3A_941 = arith.constant 0 : i32
        %get3A_942 = arith.constant 0 : i32
        %get3A_943 = tpu.memref_slice %arg6[%scan3A_307, %get3A_941, %get3A_942] : memref<6x200x64xf32, #tpu.memory_space<vmem>> -> memref<1x200x64xf32, #tpu.memory_space<vmem>>
        %get3A_944 = tpu.memref_squeeze %get3A_943 : memref<1x200x64xf32, #tpu.memory_space<vmem>> -> memref<200x64xf32, #tpu.memory_space<vmem>>
        %get3A_945 = arith.index_cast %add3A_940 : i32 to index
        %get3A_946 = arith.constant 0 : index
        %get3A_947 = tpu.vector_load %get3A_944[%get3A_945, %get3A_946] {strides = array<i32>} : memref<200x64xf32, #tpu.memory_space<vmem>>, vector<1x16xf32>,
        %get3A_948 = vector.shape_cast %get3A_947 : vector<1x16xf32> to vector<16xf32>
        %add3A_949 = arith.addf %add3A_909, %get3A_948 : vector<16xf32>
        %get3A_950 = arith.constant 0 : i32
        %get3A_951 = arith.constant 0 : i32
        %get3A_952 = tpu.memref_slice %arg6[%scan3A_307, %get3A_950, %get3A_951] : memref<6x200x64xf32, #tpu.memory_space<vmem>> -> memref<1x200x64xf32, #tpu.memory_space<vmem>>
        %get3A_953 = tpu.memref_squeeze %get3A_952 : memref<1x200x64xf32, #tpu.memory_space<vmem>> -> memref<200x64xf32, #tpu.memory_space<vmem>>
        %get3A_954 = arith.index_cast %add3A_940 : i32 to index
        %get3A_955 = arith.constant 16 : index
        %get3A_956 = tpu.vector_load %get3A_953[%get3A_954, %get3A_955] {strides = array<i32>} : memref<200x64xf32, #tpu.memory_space<vmem>>, vector<1x16xf32>,
        %get3A_957 = vector.shape_cast %get3A_956 : vector<1x16xf32> to vector<16xf32>
        %add3A_958 = arith.addf %add3A_918, %get3A_957 : vector<16xf32>
        %get3A_959 = arith.constant 0 : i32
        %get3A_960 = arith.constant 0 : i32
        %get3A_961 = tpu.memref_slice %arg6[%scan3A_307, %get3A_959, %get3A_960] : memref<6x200x64xf32, #tpu.memory_space<vmem>> -> memref<1x200x64xf32, #tpu.memory_space<vmem>>
        %get3A_962 = tpu.memref_squeeze %get3A_961 : memref<1x200x64xf32, #tpu.memory_space<vmem>> -> memref<200x64xf32, #tpu.memory_space<vmem>>
        %get3A_963 = arith.index_cast %add3A_940 : i32 to index
        %get3A_964 = arith.constant 32 : index
        %get3A_965 = tpu.vector_load %get3A_962[%get3A_963, %get3A_964] {strides = array<i32>} : memref<200x64xf32, #tpu.memory_space<vmem>>, vector<1x16xf32>,
        %get3A_966 = vector.shape_cast %get3A_965 : vector<1x16xf32> to vector<16xf32>
        %add3A_967 = arith.addf %add3A_927, %get3A_966 : vector<16xf32>
        %get3A_968 = arith.constant 0 : i32
        %get3A_969 = arith.constant 0 : i32
        %get3A_970 = tpu.memref_slice %arg6[%scan3A_307, %get3A_968, %get3A_969] : memref<6x200x64xf32, #tpu.memory_space<vmem>> -> memref<1x200x64xf32, #tpu.memory_space<vmem>>
        %get3A_971 = tpu.memref_squeeze %get3A_970 : memref<1x200x64xf32, #tpu.memory_space<vmem>> -> memref<200x64xf32, #tpu.memory_space<vmem>>
        %get3A_972 = arith.index_cast %add3A_940 : i32 to index
        %get3A_973 = arith.constant 48 : index
        %get3A_974 = tpu.vector_load %get3A_971[%get3A_972, %get3A_973] {strides = array<i32>} : memref<200x64xf32, #tpu.memory_space<vmem>>, vector<1x16xf32>,
        %get3A_975 = vector.shape_cast %get3A_974 : vector<1x16xf32> to vector<16xf32>
        %add3A_976 = arith.addf %add3A_936, %get3A_975 : vector<16xf32>
        %mul3A_977 = arith.constant 8 : i32
        %mul3A_978 = arith.muli %scan3A_773, %mul3A_977 : i32
        %add3A_979 = arith.constant 5 : i32
        %add3A_980 = arith.addi %mul3A_978, %add3A_979 : i32
        %get3A_981 = arith.constant 0 : i32
        %get3A_982 = arith.constant 0 : i32
        %get3A_983 = tpu.memref_slice %arg6[%scan3A_307, %get3A_981, %get3A_982] : memref<6x200x64xf32, #tpu.memory_space<vmem>> -> memref<1x200x64xf32, #tpu.memory_space<vmem>>
        %get3A_984 = tpu.memref_squeeze %get3A_983 : memref<1x200x64xf32, #tpu.memory_space<vmem>> -> memref<200x64xf32, #tpu.memory_space<vmem>>
        %get3A_985 = arith.index_cast %add3A_980 : i32 to index
        %get3A_986 = arith.constant 0 : index
        %get3A_987 = tpu.vector_load %get3A_984[%get3A_985, %get3A_986] {strides = array<i32>} : memref<200x64xf32, #tpu.memory_space<vmem>>, vector<1x16xf32>,
        %get3A_988 = vector.shape_cast %get3A_987 : vector<1x16xf32> to vector<16xf32>
        %add3A_989 = arith.addf %add3A_949, %get3A_988 : vector<16xf32>
        %get3A_990 = arith.constant 0 : i32
        %get3A_991 = arith.constant 0 : i32
        %get3A_992 = tpu.memref_slice %arg6[%scan3A_307, %get3A_990, %get3A_991] : memref<6x200x64xf32, #tpu.memory_space<vmem>> -> memref<1x200x64xf32, #tpu.memory_space<vmem>>
        %get3A_993 = tpu.memref_squeeze %get3A_992 : memref<1x200x64xf32, #tpu.memory_space<vmem>> -> memref<200x64xf32, #tpu.memory_space<vmem>>
        %get3A_994 = arith.index_cast %add3A_980 : i32 to index
        %get3A_995 = arith.constant 16 : index
        %get3A_996 = tpu.vector_load %get3A_993[%get3A_994, %get3A_995] {strides = array<i32>} : memref<200x64xf32, #tpu.memory_space<vmem>>, vector<1x16xf32>,
        %get3A_997 = vector.shape_cast %get3A_996 : vector<1x16xf32> to vector<16xf32>
        %add3A_998 = arith.addf %add3A_958, %get3A_997 : vector<16xf32>
        %get3A_999 = arith.constant 0 : i32
        %get3A_1000 = arith.constant 0 : i32
        %get3A_1001 = tpu.memref_slice %arg6[%scan3A_307, %get3A_999, %get3A_1000] : memref<6x200x64xf32, #tpu.memory_space<vmem>> -> memref<1x200x64xf32, #tpu.memory_space<vmem>>
        %get3A_1002 = tpu.memref_squeeze %get3A_1001 : memref<1x200x64xf32, #tpu.memory_space<vmem>> -> memref<200x64xf32, #tpu.memory_space<vmem>>
        %get3A_1003 = arith.index_cast %add3A_980 : i32 to index
        %get3A_1004 = arith.constant 32 : index
        %get3A_1005 = tpu.vector_load %get3A_1002[%get3A_1003, %get3A_1004] {strides = array<i32>} : memref<200x64xf32, #tpu.memory_space<vmem>>, vector<1x16xf32>,
        %get3A_1006 = vector.shape_cast %get3A_1005 : vector<1x16xf32> to vector<16xf32>
        %add3A_1007 = arith.addf %add3A_967, %get3A_1006 : vector<16xf32>
        %get3A_1008 = arith.constant 0 : i32
        %get3A_1009 = arith.constant 0 : i32
        %get3A_1010 = tpu.memref_slice %arg6[%scan3A_307, %get3A_1008, %get3A_1009] : memref<6x200x64xf32, #tpu.memory_space<vmem>> -> memref<1x200x64xf32, #tpu.memory_space<vmem>>
        %get3A_1011 = tpu.memref_squeeze %get3A_1010 : memref<1x200x64xf32, #tpu.memory_space<vmem>> -> memref<200x64xf32, #tpu.memory_space<vmem>>
        %get3A_1012 = arith.index_cast %add3A_980 : i32 to index
        %get3A_1013 = arith.constant 48 : index
        %get3A_1014 = tpu.vector_load %get3A_1011[%get3A_1012, %get3A_1013] {strides = array<i32>} : memref<200x64xf32, #tpu.memory_space<vmem>>, vector<1x16xf32>,
        %get3A_1015 = vector.shape_cast %get3A_1014 : vector<1x16xf32> to vector<16xf32>
        %add3A_1016 = arith.addf %add3A_976, %get3A_1015 : vector<16xf32>
        %mul3A_1017 = arith.constant 8 : i32
        %mul3A_1018 = arith.muli %scan3A_773, %mul3A_1017 : i32
        %add3A_1019 = arith.constant 6 : i32
        %add3A_1020 = arith.addi %mul3A_1018, %add3A_1019 : i32
        %get3A_1021 = arith.constant 0 : i32
        %get3A_1022 = arith.constant 0 : i32
        %get3A_1023 = tpu.memref_slice %arg6[%scan3A_307, %get3A_1021, %get3A_1022] : memref<6x200x64xf32, #tpu.memory_space<vmem>> -> memref<1x200x64xf32, #tpu.memory_space<vmem>>
        %get3A_1024 = tpu.memref_squeeze %get3A_1023 : memref<1x200x64xf32, #tpu.memory_space<vmem>> -> memref<200x64xf32, #tpu.memory_space<vmem>>
        %get3A_1025 = arith.index_cast %add3A_1020 : i32 to index
        %get3A_1026 = arith.constant 0 : index
        %get3A_1027 = tpu.vector_load %get3A_1024[%get3A_1025, %get3A_1026] {strides = array<i32>} : memref<200x64xf32, #tpu.memory_space<vmem>>, vector<1x16xf32>,
        %get3A_1028 = vector.shape_cast %get3A_1027 : vector<1x16xf32> to vector<16xf32>
        %add3A_1029 = arith.addf %add3A_989, %get3A_1028 : vector<16xf32>
        %get3A_1030 = arith.constant 0 : i32
        %get3A_1031 = arith.constant 0 : i32
        %get3A_1032 = tpu.memref_slice %arg6[%scan3A_307, %get3A_1030, %get3A_1031] : memref<6x200x64xf32, #tpu.memory_space<vmem>> -> memref<1x200x64xf32, #tpu.memory_space<vmem>>
        %get3A_1033 = tpu.memref_squeeze %get3A_1032 : memref<1x200x64xf32, #tpu.memory_space<vmem>> -> memref<200x64xf32, #tpu.memory_space<vmem>>
        %get3A_1034 = arith.index_cast %add3A_1020 : i32 to index
        %get3A_1035 = arith.constant 16 : index
        %get3A_1036 = tpu.vector_load %get3A_1033[%get3A_1034, %get3A_1035] {strides = array<i32>} : memref<200x64xf32, #tpu.memory_space<vmem>>, vector<1x16xf32>,
        %get3A_1037 = vector.shape_cast %get3A_1036 : vector<1x16xf32> to vector<16xf32>
        %add3A_1038 = arith.addf %add3A_998, %get3A_1037 : vector<16xf32>
        %get3A_1039 = arith.constant 0 : i32
        %get3A_1040 = arith.constant 0 : i32
        %get3A_1041 = tpu.memref_slice %arg6[%scan3A_307, %get3A_1039, %get3A_1040] : memref<6x200x64xf32, #tpu.memory_space<vmem>> -> memref<1x200x64xf32, #tpu.memory_space<vmem>>
        %get3A_1042 = tpu.memref_squeeze %get3A_1041 : memref<1x200x64xf32, #tpu.memory_space<vmem>> -> memref<200x64xf32, #tpu.memory_space<vmem>>
        %get3A_1043 = arith.index_cast %add3A_1020 : i32 to index
        %get3A_1044 = arith.constant 32 : index
        %get3A_1045 = tpu.vector_load %get3A_1042[%get3A_1043, %get3A_1044] {strides = array<i32>} : memref<200x64xf32, #tpu.memory_space<vmem>>, vector<1x16xf32>,
        %get3A_1046 = vector.shape_cast %get3A_1045 : vector<1x16xf32> to vector<16xf32>
        %add3A_1047 = arith.addf %add3A_1007, %get3A_1046 : vector<16xf32>
        %get3A_1048 = arith.constant 0 : i32
        %get3A_1049 = arith.constant 0 : i32
        %get3A_1050 = tpu.memref_slice %arg6[%scan3A_307, %get3A_1048, %get3A_1049] : memref<6x200x64xf32, #tpu.memory_space<vmem>> -> memref<1x200x64xf32, #tpu.memory_space<vmem>>
        %get3A_1051 = tpu.memref_squeeze %get3A_1050 : memref<1x200x64xf32, #tpu.memory_space<vmem>> -> memref<200x64xf32, #tpu.memory_space<vmem>>
        %get3A_1052 = arith.index_cast %add3A_1020 : i32 to index
        %get3A_1053 = arith.constant 48 : index
        %get3A_1054 = tpu.vector_load %get3A_1051[%get3A_1052, %get3A_1053] {strides = array<i32>} : memref<200x64xf32, #tpu.memory_space<vmem>>, vector<1x16xf32>,
        %get3A_1055 = vector.shape_cast %get3A_1054 : vector<1x16xf32> to vector<16xf32>
        %add3A_1056 = arith.addf %add3A_1016, %get3A_1055 : vector<16xf32>
        %mul3A_1057 = arith.constant 8 : i32
        %mul3A_1058 = arith.muli %scan3A_773, %mul3A_1057 : i32
        %add3A_1059 = arith.constant 7 : i32
        %add3A_1060 = arith.addi %mul3A_1058, %add3A_1059 : i32
        %get3A_1061 = arith.constant 0 : i32
        %get3A_1062 = arith.constant 0 : i32
        %get3A_1063 = tpu.memref_slice %arg6[%scan3A_307, %get3A_1061, %get3A_1062] : memref<6x200x64xf32, #tpu.memory_space<vmem>> -> memref<1x200x64xf32, #tpu.memory_space<vmem>>
        %get3A_1064 = tpu.memref_squeeze %get3A_1063 : memref<1x200x64xf32, #tpu.memory_space<vmem>> -> memref<200x64xf32, #tpu.memory_space<vmem>>
        %get3A_1065 = arith.index_cast %add3A_1060 : i32 to index
        %get3A_1066 = arith.constant 0 : index
        %get3A_1067 = tpu.vector_load %get3A_1064[%get3A_1065, %get3A_1066] {strides = array<i32>} : memref<200x64xf32, #tpu.memory_space<vmem>>, vector<1x16xf32>,
        %get3A_1068 = vector.shape_cast %get3A_1067 : vector<1x16xf32> to vector<16xf32>
        %add3A_1069 = arith.addf %add3A_1029, %get3A_1068 : vector<16xf32>
        %get3A_1070 = arith.constant 0 : i32
        %get3A_1071 = arith.constant 0 : i32
        %get3A_1072 = tpu.memref_slice %arg6[%scan3A_307, %get3A_1070, %get3A_1071] : memref<6x200x64xf32, #tpu.memory_space<vmem>> -> memref<1x200x64xf32, #tpu.memory_space<vmem>>
        %get3A_1073 = tpu.memref_squeeze %get3A_1072 : memref<1x200x64xf32, #tpu.memory_space<vmem>> -> memref<200x64xf32, #tpu.memory_space<vmem>>
        %get3A_1074 = arith.index_cast %add3A_1060 : i32 to index
        %get3A_1075 = arith.constant 16 : index
        %get3A_1076 = tpu.vector_load %get3A_1073[%get3A_1074, %get3A_1075] {strides = array<i32>} : memref<200x64xf32, #tpu.memory_space<vmem>>, vector<1x16xf32>,
        %get3A_1077 = vector.shape_cast %get3A_1076 : vector<1x16xf32> to vector<16xf32>
        %add3A_1078 = arith.addf %add3A_1038, %get3A_1077 : vector<16xf32>
        %get3A_1079 = arith.constant 0 : i32
        %get3A_1080 = arith.constant 0 : i32
        %get3A_1081 = tpu.memref_slice %arg6[%scan3A_307, %get3A_1079, %get3A_1080] : memref<6x200x64xf32, #tpu.memory_space<vmem>> -> memref<1x200x64xf32, #tpu.memory_space<vmem>>
        %get3A_1082 = tpu.memref_squeeze %get3A_1081 : memref<1x200x64xf32, #tpu.memory_space<vmem>> -> memref<200x64xf32, #tpu.memory_space<vmem>>
        %get3A_1083 = arith.index_cast %add3A_1060 : i32 to index
        %get3A_1084 = arith.constant 32 : index
        %get3A_1085 = tpu.vector_load %get3A_1082[%get3A_1083, %get3A_1084] {strides = array<i32>} : memref<200x64xf32, #tpu.memory_space<vmem>>, vector<1x16xf32>,
        %get3A_1086 = vector.shape_cast %get3A_1085 : vector<1x16xf32> to vector<16xf32>
        %add3A_1087 = arith.addf %add3A_1047, %get3A_1086 : vector<16xf32>
        %get3A_1088 = arith.constant 0 : i32
        %get3A_1089 = arith.constant 0 : i32
        %get3A_1090 = tpu.memref_slice %arg6[%scan3A_307, %get3A_1088, %get3A_1089] : memref<6x200x64xf32, #tpu.memory_space<vmem>> -> memref<1x200x64xf32, #tpu.memory_space<vmem>>
        %get3A_1091 = tpu.memref_squeeze %get3A_1090 : memref<1x200x64xf32, #tpu.memory_space<vmem>> -> memref<200x64xf32, #tpu.memory_space<vmem>>
        %get3A_1092 = arith.index_cast %add3A_1060 : i32 to index
        %get3A_1093 = arith.constant 48 : index
        %get3A_1094 = tpu.vector_load %get3A_1091[%get3A_1092, %get3A_1093] {strides = array<i32>} : memref<200x64xf32, #tpu.memory_space<vmem>>, vector<1x16xf32>,
        %get3A_1095 = vector.shape_cast %get3A_1094 : vector<1x16xf32> to vector<16xf32>
        %add3A_1096 = arith.addf %add3A_1056, %get3A_1095 : vector<16xf32>
        scf.yield %add3A_1069, %add3A_1078, %add3A_1087, %add3A_1096 : vector<16xf32>, vector<16xf32>, vector<16xf32>, vector<16xf32>
      }
      %scan3A_575 = arith.constant 25 : i32
      %swap3A_576 = arith.index_cast %add3A_538 : i32 to index
      %swap3A_577 = arith.constant 0 : index
      %swap3A_578 = tpu.vector_load %arg7[%swap3A_576, %swap3A_577] {strides = array<i32>} : memref<128x64xf32, #tpu.memory_space<vmem>>, vector<1x16xf32>,
      %swap3A_579 = vector.shape_cast %swap3A_578 : vector<1x16xf32> to vector<16xf32>
      %swap3A_580 = vector.shape_cast %scan3A_574#0 : vector<16xf32> to vector<1x16xf32>
      tpu.vector_store %arg7[%swap3A_576, %swap3A_577], %swap3A_580 {strides = array<i32>} : memref<128x64xf32, #tpu.memory_space<vmem>>, vector<1x16xf32>,
      %swap3A_581 = arith.index_cast %add3A_538 : i32 to index
      %swap3A_582 = arith.constant 16 : index
      %swap3A_583 = tpu.vector_load %arg7[%swap3A_581, %swap3A_582] {strides = array<i32>} : memref<128x64xf32, #tpu.memory_space<vmem>>, vector<1x16xf32>,
      %swap3A_584 = vector.shape_cast %swap3A_583 : vector<1x16xf32> to vector<16xf32>
      %swap3A_585 = vector.shape_cast %scan3A_574#1 : vector<16xf32> to vector<1x16xf32>
      tpu.vector_store %arg7[%swap3A_581, %swap3A_582], %swap3A_585 {strides = array<i32>} : memref<128x64xf32, #tpu.memory_space<vmem>>, vector<1x16xf32>,
      %swap3A_586 = arith.index_cast %add3A_538 : i32 to index
      %swap3A_587 = arith.constant 32 : index
      %swap3A_588 = tpu.vector_load %arg7[%swap3A_586, %swap3A_587] {strides = array<i32>} : memref<128x64xf32, #tpu.memory_space<vmem>>, vector<1x16xf32>,
      %swap3A_589 = vector.shape_cast %swap3A_588 : vector<1x16xf32> to vector<16xf32>
      %swap3A_590 = vector.shape_cast %scan3A_574#2 : vector<16xf32> to vector<1x16xf32>
      tpu.vector_store %arg7[%swap3A_586, %swap3A_587], %swap3A_590 {strides = array<i32>} : memref<128x64xf32, #tpu.memory_space<vmem>>, vector<1x16xf32>,
      %swap3A_591 = arith.index_cast %add3A_538 : i32 to index
      %swap3A_592 = arith.constant 48 : index
      %swap3A_593 = tpu.vector_load %arg7[%swap3A_591, %swap3A_592] {strides = array<i32>} : memref<128x64xf32, #tpu.memory_space<vmem>>, vector<1x16xf32>,
      %swap3A_594 = vector.shape_cast %swap3A_593 : vector<1x16xf32> to vector<16xf32>
      %swap3A_595 = vector.shape_cast %scan3A_574#3 : vector<16xf32> to vector<1x16xf32>
      tpu.vector_store %arg7[%swap3A_591, %swap3A_592], %swap3A_595 {strides = array<i32>} : memref<128x64xf32, #tpu.memory_space<vmem>>, vector<1x16xf32>,
      %add3A_596 = arith.constant 3 : i32
      %add3A_597 = arith.addi %mul3A_422, %add3A_596 : i32
      %add3A_598 = arith.constant 6 : i32
      %add3A_599 = arith.addi %add3A_597, %add3A_598 : i32
      %sub3A_600 = arith.constant 1 : i32
      %sub3A_601 = arith.subi %add3A_599, %sub3A_600 : i32
      %lt3A_602 = arith.constant 128 : i32
      %lt3A_603 = arith.cmpi slt, %sub3A_601, %lt3A_602 : i32
      %convert_element_type3A_604 = arith.extui %lt3A_603 : i1 to i32
      %cond3A_605 = arith.constant 0 : i32
      %cond3A_606 = arith.cmpi ne, %convert_element_type3A_604, %cond3A_605 : i32
      scf.if %cond3A_606 {
        %add3A_773 = arith.constant 6 : i32
        %add3A_774 = arith.addi %add3A_597, %add3A_773 : i32
        %sub3A_775 = arith.constant 1 : i32
        %sub3A_776 = arith.subi %add3A_774, %sub3A_775 : i32
        %mul3A_777 = arith.constant 4 : i32
        %mul3A_778 = arith.muli %mul3A_777, %sub3A_776 : i32
        %add3A_779 = arith.constant 0 : i32
        %add3A_780 = arith.addi %mul3A_778, %add3A_779 : i32
        %dma_start3A_781 = arith.constant 0 : i32
        %dma_start3A_782 = arith.constant 0 : i32
        %dma_start3A_783 = tpu.memref_slice %arg6[%scan3A_307, %dma_start3A_781, %dma_start3A_782] : memref<6x200x64xf32, #tpu.memory_space<vmem>> -> memref<1x200x64xf32, #tpu.memory_space<vmem>>
        %dma_start3A_784 = tpu.memref_squeeze %dma_start3A_783 : memref<1x200x64xf32, #tpu.memory_space<vmem>> -> memref<200x64xf32, #tpu.memory_space<vmem>>
        %dma_start3A_785 = arith.constant 0 : i32
        %dma_start3A_786 = arith.constant 0 : i32
        %dma_start3A_787 = tpu.memref_slice %dma_start3A_784[%dma_start3A_785, %dma_start3A_786] : memref<200x64xf32, #tpu.memory_space<vmem>> -> memref<64x64xf32, #tpu.memory_space<vmem>>
        %dma_start3A_788 = arith.constant 0 : i32
        %dma_start3A_789 = tpu.memref_slice %arg5[%add3A_780, %dma_start3A_788] : memref<512x64xi32, #tpu.memory_space<vmem>> -> memref<1x64xi32, #tpu.memory_space<vmem>>
        %dma_start3A_790 = tpu.memref_squeeze %dma_start3A_789 : memref<1x64xi32, #tpu.memory_space<vmem>> -> memref<64xi32, #tpu.memory_space<vmem>>
        %dma_start3A_791 = arith.constant 0 : i32
        %dma_start3A_792 = arith.constant 0 : i32
        %dma_start3A_793 = tpu.memref_slice %arg3[%dma_start3A_791, %dma_start3A_792] : memref<1000001x64xf32, #tpu.memory_space<hbm>> -> memref<1000001x64xf32, #tpu.memory_space<hbm>>
        tpu.enqueue_indirect_dma source(%dma_start3A_793 : memref<1000001x64xf32, #tpu.memory_space<hbm>>) target(%dma_start3A_787 : memref<64x64xf32, #tpu.memory_space<vmem>>) offsets(%dma_start3A_790 : memref<64xi32, #tpu.memory_space<vmem>>) semaphore(%arg10 : memref<!tpu.dma_semaphore, #tpu.memory_space<semaphore_mem>>)
        %mul3A_794 = arith.constant 4 : i32
        %mul3A_795 = arith.muli %mul3A_794, %sub3A_776 : i32
        %add3A_796 = arith.constant 1 : i32
        %add3A_797 = arith.addi %mul3A_795, %add3A_796 : i32
        %dma_start3A_798 = arith.constant 0 : i32
        %dma_start3A_799 = arith.constant 0 : i32
        %dma_start3A_800 = tpu.memref_slice %arg6[%scan3A_307, %dma_start3A_798, %dma_start3A_799] : memref<6x200x64xf32, #tpu.memory_space<vmem>> -> memref<1x200x64xf32, #tpu.memory_space<vmem>>
        %dma_start3A_801 = tpu.memref_squeeze %dma_start3A_800 : memref<1x200x64xf32, #tpu.memory_space<vmem>> -> memref<200x64xf32, #tpu.memory_space<vmem>>
        %dma_start3A_802 = arith.constant 64 : i32
        %dma_start3A_803 = arith.constant 0 : i32
        %dma_start3A_804 = tpu.memref_slice %dma_start3A_801[%dma_start3A_802, %dma_start3A_803] : memref<200x64xf32, #tpu.memory_space<vmem>> -> memref<64x64xf32, #tpu.memory_space<vmem>>
        %dma_start3A_805 = arith.constant 0 : i32
        %dma_start3A_806 = tpu.memref_slice %arg5[%add3A_797, %dma_start3A_805] : memref<512x64xi32, #tpu.memory_space<vmem>> -> memref<1x64xi32, #tpu.memory_space<vmem>>
        %dma_start3A_807 = tpu.memref_squeeze %dma_start3A_806 : memref<1x64xi32, #tpu.memory_space<vmem>> -> memref<64xi32, #tpu.memory_space<vmem>>
        %dma_start3A_808 = arith.constant 0 : i32
        %dma_start3A_809 = arith.constant 0 : i32
        %dma_start3A_810 = tpu.memref_slice %arg3[%dma_start3A_808, %dma_start3A_809] : memref<1000001x64xf32, #tpu.memory_space<hbm>> -> memref<1000001x64xf32, #tpu.memory_space<hbm>>
        tpu.enqueue_indirect_dma source(%dma_start3A_810 : memref<1000001x64xf32, #tpu.memory_space<hbm>>) target(%dma_start3A_804 : memref<64x64xf32, #tpu.memory_space<vmem>>) offsets(%dma_start3A_807 : memref<64xi32, #tpu.memory_space<vmem>>) semaphore(%arg10 : memref<!tpu.dma_semaphore, #tpu.memory_space<semaphore_mem>>)
        %mul3A_811 = arith.constant 4 : i32
        %mul3A_812 = arith.muli %mul3A_811, %sub3A_776 : i32
        %add3A_813 = arith.constant 2 : i32
        %add3A_814 = arith.addi %mul3A_812, %add3A_813 : i32
        %dma_start3A_815 = arith.constant 0 : i32
        %dma_start3A_816 = arith.constant 0 : i32
        %dma_start3A_817 = tpu.memref_slice %arg6[%scan3A_307, %dma_start3A_815, %dma_start3A_816] : memref<6x200x64xf32, #tpu.memory_space<vmem>> -> memref<1x200x64xf32, #tpu.memory_space<vmem>>
        %dma_start3A_818 = tpu.memref_squeeze %dma_start3A_817 : memref<1x200x64xf32, #tpu.memory_space<vmem>> -> memref<200x64xf32, #tpu.memory_space<vmem>>
        %dma_start3A_819 = arith.constant 128 : i32
        %dma_start3A_820 = arith.constant 0 : i32
        %dma_start3A_821 = tpu.memref_slice %dma_start3A_818[%dma_start3A_819, %dma_start3A_820] : memref<200x64xf32, #tpu.memory_space<vmem>> -> memref<64x64xf32, #tpu.memory_space<vmem>>
        %dma_start3A_822 = arith.constant 0 : i32
        %dma_start3A_823 = tpu.memref_slice %arg5[%add3A_814, %dma_start3A_822] : memref<512x64xi32, #tpu.memory_space<vmem>> -> memref<1x64xi32, #tpu.memory_space<vmem>>
        %dma_start3A_824 = tpu.memref_squeeze %dma_start3A_823 : memref<1x64xi32, #tpu.memory_space<vmem>> -> memref<64xi32, #tpu.memory_space<vmem>>
        %dma_start3A_825 = arith.constant 0 : i32
        %dma_start3A_826 = arith.constant 0 : i32
        %dma_start3A_827 = tpu.memref_slice %arg3[%dma_start3A_825, %dma_start3A_826] : memref<1000001x64xf32, #tpu.memory_space<hbm>> -> memref<1000001x64xf32, #tpu.memory_space<hbm>>
        tpu.enqueue_indirect_dma source(%dma_start3A_827 : memref<1000001x64xf32, #tpu.memory_space<hbm>>) target(%dma_start3A_821 : memref<64x64xf32, #tpu.memory_space<vmem>>) offsets(%dma_start3A_824 : memref<64xi32, #tpu.memory_space<vmem>>) semaphore(%arg10 : memref<!tpu.dma_semaphore, #tpu.memory_space<semaphore_mem>>)
        %mul3A_828 = arith.constant 4 : i32
        %mul3A_829 = arith.muli %mul3A_828, %sub3A_776 : i32
        %add3A_830 = arith.constant 3 : i32
        %add3A_831 = arith.addi %mul3A_829, %add3A_830 : i32
        %dma_start3A_832 = arith.constant 0 : i32
        %dma_start3A_833 = arith.constant 0 : i32
        %dma_start3A_834 = tpu.memref_slice %arg6[%scan3A_307, %dma_start3A_832, %dma_start3A_833] : memref<6x200x64xf32, #tpu.memory_space<vmem>> -> memref<1x200x64xf32, #tpu.memory_space<vmem>>
        %dma_start3A_835 = tpu.memref_squeeze %dma_start3A_834 : memref<1x200x64xf32, #tpu.memory_space<vmem>> -> memref<200x64xf32, #tpu.memory_space<vmem>>
        %dma_start3A_836 = arith.constant 192 : i32
        %dma_start3A_837 = arith.constant 0 : i32
        %dma_start3A_838 = tpu.memref_slice %dma_start3A_835[%dma_start3A_836, %dma_start3A_837] : memref<200x64xf32, #tpu.memory_space<vmem>> -> memref<8x64xf32, #tpu.memory_space<vmem>>
        %dma_start3A_839 = arith.constant 0 : i32
        %dma_start3A_840 = tpu.memref_slice %arg5[%add3A_831, %dma_start3A_839] : memref<512x64xi32, #tpu.memory_space<vmem>> -> memref<1x8xi32, #tpu.memory_space<vmem>>
        %dma_start3A_841 = tpu.memref_squeeze %dma_start3A_840 : memref<1x8xi32, #tpu.memory_space<vmem>> -> memref<8xi32, #tpu.memory_space<vmem>>
        %dma_start3A_842 = arith.constant 0 : i32
        %dma_start3A_843 = arith.constant 0 : i32
        %dma_start3A_844 = tpu.memref_slice %arg3[%dma_start3A_842, %dma_start3A_843] : memref<1000001x64xf32, #tpu.memory_space<hbm>> -> memref<1000001x64xf32, #tpu.memory_space<hbm>>
        tpu.enqueue_indirect_dma source(%dma_start3A_844 : memref<1000001x64xf32, #tpu.memory_space<hbm>>) target(%dma_start3A_838 : memref<8x64xf32, #tpu.memory_space<vmem>>) offsets(%dma_start3A_841 : memref<8xi32, #tpu.memory_space<vmem>>) semaphore(%arg10 : memref<!tpu.dma_semaphore, #tpu.memory_space<semaphore_mem>>)
      } else {
      }
      %dma_wait3A_607 = arith.constant 0 : i32
      %dma_wait3A_608 = arith.constant 0 : i32
      %dma_wait3A_609 = tpu.memref_slice %arg6[%scan3A_308, %dma_wait3A_607, %dma_wait3A_608] : memref<6x200x64xf32, #tpu.memory_space<vmem>> -> memref<1x200x64xf32, #tpu.memory_space<vmem>>
      %dma_wait3A_610 = tpu.memref_squeeze %dma_wait3A_609 : memref<1x200x64xf32, #tpu.memory_space<vmem>> -> memref<200x64xf32, #tpu.memory_space<vmem>>
      %dma_wait3A_611 = arith.constant 0 : i32
      %dma_wait3A_612 = arith.constant 0 : i32
      %dma_wait3A_613 = tpu.memref_slice %arg3[%dma_wait3A_611, %dma_wait3A_612] : memref<1000001x64xf32, #tpu.memory_space<hbm>> -> memref<200x64xf32, #tpu.memory_space<hbm>>
      %dma_wait3A_614 = arith.constant 0 : i32
      %dma_wait3A_615 = arith.constant 0 : i32
      %dma_wait3A_616 = tpu.memref_slice %arg6[%scan3A_308, %dma_wait3A_614, %dma_wait3A_615] : memref<6x200x64xf32, #tpu.memory_space<vmem>> -> memref<1x200x64xf32, #tpu.memory_space<vmem>>
      %dma_wait3A_617 = tpu.memref_squeeze %dma_wait3A_616 : memref<1x200x64xf32, #tpu.memory_space<vmem>> -> memref<200x64xf32, #tpu.memory_space<vmem>>
      %dma_wait3A_618 = arith.constant 0 : i32
      %dma_wait3A_619 = arith.constant 0 : i32
      %dma_wait3A_620 = tpu.memref_slice %arg3[%dma_wait3A_618, %dma_wait3A_619] : memref<1000001x64xf32, #tpu.memory_space<hbm>> -> memref<200x64xf32, #tpu.memory_space<hbm>>
      tpu.wait_dma2 semaphore(%arg11 : memref<!tpu.dma_semaphore, #tpu.memory_space<semaphore_mem>>) src(%dma_wait3A_620 : memref<200x64xf32, #tpu.memory_space<hbm>>) dst(%dma_wait3A_617 : memref<200x64xf32, #tpu.memory_space<vmem>>)
      %broadcast_in_dim3A_621 = arith.constant 0.000000e+00 : f32
      %broadcast_in_dim3A_622 = vector.broadcast %broadcast_in_dim3A_621 : f32 to vector<16xf32>
      %broadcast_in_dim3A_623 = arith.constant 0.000000e+00 : f32
      %broadcast_in_dim3A_624 = vector.broadcast %broadcast_in_dim3A_623 : f32 to vector<16xf32>
      %broadcast_in_dim3A_625 = arith.constant 0.000000e+00 : f32
      %broadcast_in_dim3A_626 = vector.broadcast %broadcast_in_dim3A_625 : f32 to vector<16xf32>
      %broadcast_in_dim3A_627 = arith.constant 0.000000e+00 : f32
      %broadcast_in_dim3A_628 = vector.broadcast %broadcast_in_dim3A_627 : f32 to vector<16xf32>
      %scan3A_629 = arith.constant 0 : i32
      %scan3A_630 = arith.constant 25 : i32
      %scan3A_631 = arith.addi %scan3A_629, %scan3A_630 : i32
      %scan3A_632 = arith.constant 1 : i32
      %scan3A_633:4 = scf.for %scan3A_773 = %scan3A_629 to %scan3A_631 step %scan3A_632 iter_args(%scan3A_774 = %broadcast_in_dim3A_622, %scan3A_775 = %broadcast_in_dim3A_624, %scan3A_776 = %broadcast_in_dim3A_626, %scan3A_777 = %broadcast_in_dim3A_628) -> (vector<16xf32>, vector<16xf32>, vector<16xf32>, vector<16xf32>)  : i32 {
        %mul3A_778 = arith.constant 8 : i32
        %mul3A_779 = arith.muli %scan3A_773, %mul3A_778 : i32
        %add3A_780 = arith.constant 0 : i32
        %add3A_781 = arith.addi %mul3A_779, %add3A_780 : i32
        %get3A = arith.constant 0 : i32
        %get3A_782 = arith.constant 0 : i32
        %get3A_783 = tpu.memref_slice %arg6[%scan3A_308, %get3A, %get3A_782] : memref<6x200x64xf32, #tpu.memory_space<vmem>> -> memref<1x200x64xf32, #tpu.memory_space<vmem>>
        %get3A_784 = tpu.memref_squeeze %get3A_783 : memref<1x200x64xf32, #tpu.memory_space<vmem>> -> memref<200x64xf32, #tpu.memory_space<vmem>>
        %get3A_785 = arith.index_cast %add3A_781 : i32 to index
        %get3A_786 = arith.constant 0 : index
        %get3A_787 = tpu.vector_load %get3A_784[%get3A_785, %get3A_786] {strides = array<i32>} : memref<200x64xf32, #tpu.memory_space<vmem>>, vector<1x16xf32>,
        %get3A_788 = vector.shape_cast %get3A_787 : vector<1x16xf32> to vector<16xf32>
        %add3A_789 = arith.addf %scan3A_774, %get3A_788 : vector<16xf32>
        %get3A_790 = arith.constant 0 : i32
        %get3A_791 = arith.constant 0 : i32
        %get3A_792 = tpu.memref_slice %arg6[%scan3A_308, %get3A_790, %get3A_791] : memref<6x200x64xf32, #tpu.memory_space<vmem>> -> memref<1x200x64xf32, #tpu.memory_space<vmem>>
        %get3A_793 = tpu.memref_squeeze %get3A_792 : memref<1x200x64xf32, #tpu.memory_space<vmem>> -> memref<200x64xf32, #tpu.memory_space<vmem>>
        %get3A_794 = arith.index_cast %add3A_781 : i32 to index
        %get3A_795 = arith.constant 16 : index
        %get3A_796 = tpu.vector_load %get3A_793[%get3A_794, %get3A_795] {strides = array<i32>} : memref<200x64xf32, #tpu.memory_space<vmem>>, vector<1x16xf32>,
        %get3A_797 = vector.shape_cast %get3A_796 : vector<1x16xf32> to vector<16xf32>
        %add3A_798 = arith.addf %scan3A_775, %get3A_797 : vector<16xf32>
        %get3A_799 = arith.constant 0 : i32
        %get3A_800 = arith.constant 0 : i32
        %get3A_801 = tpu.memref_slice %arg6[%scan3A_308, %get3A_799, %get3A_800] : memref<6x200x64xf32, #tpu.memory_space<vmem>> -> memref<1x200x64xf32, #tpu.memory_space<vmem>>
        %get3A_802 = tpu.memref_squeeze %get3A_801 : memref<1x200x64xf32, #tpu.memory_space<vmem>> -> memref<200x64xf32, #tpu.memory_space<vmem>>
        %get3A_803 = arith.index_cast %add3A_781 : i32 to index
        %get3A_804 = arith.constant 32 : index
        %get3A_805 = tpu.vector_load %get3A_802[%get3A_803, %get3A_804] {strides = array<i32>} : memref<200x64xf32, #tpu.memory_space<vmem>>, vector<1x16xf32>,
        %get3A_806 = vector.shape_cast %get3A_805 : vector<1x16xf32> to vector<16xf32>
        %add3A_807 = arith.addf %scan3A_776, %get3A_806 : vector<16xf32>
        %get3A_808 = arith.constant 0 : i32
        %get3A_809 = arith.constant 0 : i32
        %get3A_810 = tpu.memref_slice %arg6[%scan3A_308, %get3A_808, %get3A_809] : memref<6x200x64xf32, #tpu.memory_space<vmem>> -> memref<1x200x64xf32, #tpu.memory_space<vmem>>
        %get3A_811 = tpu.memref_squeeze %get3A_810 : memref<1x200x64xf32, #tpu.memory_space<vmem>> -> memref<200x64xf32, #tpu.memory_space<vmem>>
        %get3A_812 = arith.index_cast %add3A_781 : i32 to index
        %get3A_813 = arith.constant 48 : index
        %get3A_814 = tpu.vector_load %get3A_811[%get3A_812, %get3A_813] {strides = array<i32>} : memref<200x64xf32, #tpu.memory_space<vmem>>, vector<1x16xf32>,
        %get3A_815 = vector.shape_cast %get3A_814 : vector<1x16xf32> to vector<16xf32>
        %add3A_816 = arith.addf %scan3A_777, %get3A_815 : vector<16xf32>
        %mul3A_817 = arith.constant 8 : i32
        %mul3A_818 = arith.muli %scan3A_773, %mul3A_817 : i32
        %add3A_819 = arith.constant 1 : i32
        %add3A_820 = arith.addi %mul3A_818, %add3A_819 : i32
        %get3A_821 = arith.constant 0 : i32
        %get3A_822 = arith.constant 0 : i32
        %get3A_823 = tpu.memref_slice %arg6[%scan3A_308, %get3A_821, %get3A_822] : memref<6x200x64xf32, #tpu.memory_space<vmem>> -> memref<1x200x64xf32, #tpu.memory_space<vmem>>
        %get3A_824 = tpu.memref_squeeze %get3A_823 : memref<1x200x64xf32, #tpu.memory_space<vmem>> -> memref<200x64xf32, #tpu.memory_space<vmem>>
        %get3A_825 = arith.index_cast %add3A_820 : i32 to index
        %get3A_826 = arith.constant 0 : index
        %get3A_827 = tpu.vector_load %get3A_824[%get3A_825, %get3A_826] {strides = array<i32>} : memref<200x64xf32, #tpu.memory_space<vmem>>, vector<1x16xf32>,
        %get3A_828 = vector.shape_cast %get3A_827 : vector<1x16xf32> to vector<16xf32>
        %add3A_829 = arith.addf %add3A_789, %get3A_828 : vector<16xf32>
        %get3A_830 = arith.constant 0 : i32
        %get3A_831 = arith.constant 0 : i32
        %get3A_832 = tpu.memref_slice %arg6[%scan3A_308, %get3A_830, %get3A_831] : memref<6x200x64xf32, #tpu.memory_space<vmem>> -> memref<1x200x64xf32, #tpu.memory_space<vmem>>
        %get3A_833 = tpu.memref_squeeze %get3A_832 : memref<1x200x64xf32, #tpu.memory_space<vmem>> -> memref<200x64xf32, #tpu.memory_space<vmem>>
        %get3A_834 = arith.index_cast %add3A_820 : i32 to index
        %get3A_835 = arith.constant 16 : index
        %get3A_836 = tpu.vector_load %get3A_833[%get3A_834, %get3A_835] {strides = array<i32>} : memref<200x64xf32, #tpu.memory_space<vmem>>, vector<1x16xf32>,
        %get3A_837 = vector.shape_cast %get3A_836 : vector<1x16xf32> to vector<16xf32>
        %add3A_838 = arith.addf %add3A_798, %get3A_837 : vector<16xf32>
        %get3A_839 = arith.constant 0 : i32
        %get3A_840 = arith.constant 0 : i32
        %get3A_841 = tpu.memref_slice %arg6[%scan3A_308, %get3A_839, %get3A_840] : memref<6x200x64xf32, #tpu.memory_space<vmem>> -> memref<1x200x64xf32, #tpu.memory_space<vmem>>
        %get3A_842 = tpu.memref_squeeze %get3A_841 : memref<1x200x64xf32, #tpu.memory_space<vmem>> -> memref<200x64xf32, #tpu.memory_space<vmem>>
        %get3A_843 = arith.index_cast %add3A_820 : i32 to index
        %get3A_844 = arith.constant 32 : index
        %get3A_845 = tpu.vector_load %get3A_842[%get3A_843, %get3A_844] {strides = array<i32>} : memref<200x64xf32, #tpu.memory_space<vmem>>, vector<1x16xf32>,
        %get3A_846 = vector.shape_cast %get3A_845 : vector<1x16xf32> to vector<16xf32>
        %add3A_847 = arith.addf %add3A_807, %get3A_846 : vector<16xf32>
        %get3A_848 = arith.constant 0 : i32
        %get3A_849 = arith.constant 0 : i32
        %get3A_850 = tpu.memref_slice %arg6[%scan3A_308, %get3A_848, %get3A_849] : memref<6x200x64xf32, #tpu.memory_space<vmem>> -> memref<1x200x64xf32, #tpu.memory_space<vmem>>
        %get3A_851 = tpu.memref_squeeze %get3A_850 : memref<1x200x64xf32, #tpu.memory_space<vmem>> -> memref<200x64xf32, #tpu.memory_space<vmem>>
        %get3A_852 = arith.index_cast %add3A_820 : i32 to index
        %get3A_853 = arith.constant 48 : index
        %get3A_854 = tpu.vector_load %get3A_851[%get3A_852, %get3A_853] {strides = array<i32>} : memref<200x64xf32, #tpu.memory_space<vmem>>, vector<1x16xf32>,
        %get3A_855 = vector.shape_cast %get3A_854 : vector<1x16xf32> to vector<16xf32>
        %add3A_856 = arith.addf %add3A_816, %get3A_855 : vector<16xf32>
        %mul3A_857 = arith.constant 8 : i32
        %mul3A_858 = arith.muli %scan3A_773, %mul3A_857 : i32
        %add3A_859 = arith.constant 2 : i32
        %add3A_860 = arith.addi %mul3A_858, %add3A_859 : i32
        %get3A_861 = arith.constant 0 : i32
        %get3A_862 = arith.constant 0 : i32
        %get3A_863 = tpu.memref_slice %arg6[%scan3A_308, %get3A_861, %get3A_862] : memref<6x200x64xf32, #tpu.memory_space<vmem>> -> memref<1x200x64xf32, #tpu.memory_space<vmem>>
        %get3A_864 = tpu.memref_squeeze %get3A_863 : memref<1x200x64xf32, #tpu.memory_space<vmem>> -> memref<200x64xf32, #tpu.memory_space<vmem>>
        %get3A_865 = arith.index_cast %add3A_860 : i32 to index
        %get3A_866 = arith.constant 0 : index
        %get3A_867 = tpu.vector_load %get3A_864[%get3A_865, %get3A_866] {strides = array<i32>} : memref<200x64xf32, #tpu.memory_space<vmem>>, vector<1x16xf32>,
        %get3A_868 = vector.shape_cast %get3A_867 : vector<1x16xf32> to vector<16xf32>
        %add3A_869 = arith.addf %add3A_829, %get3A_868 : vector<16xf32>
        %get3A_870 = arith.constant 0 : i32
        %get3A_871 = arith.constant 0 : i32
        %get3A_872 = tpu.memref_slice %arg6[%scan3A_308, %get3A_870, %get3A_871] : memref<6x200x64xf32, #tpu.memory_space<vmem>> -> memref<1x200x64xf32, #tpu.memory_space<vmem>>
        %get3A_873 = tpu.memref_squeeze %get3A_872 : memref<1x200x64xf32, #tpu.memory_space<vmem>> -> memref<200x64xf32, #tpu.memory_space<vmem>>
        %get3A_874 = arith.index_cast %add3A_860 : i32 to index
        %get3A_875 = arith.constant 16 : index
        %get3A_876 = tpu.vector_load %get3A_873[%get3A_874, %get3A_875] {strides = array<i32>} : memref<200x64xf32, #tpu.memory_space<vmem>>, vector<1x16xf32>,
        %get3A_877 = vector.shape_cast %get3A_876 : vector<1x16xf32> to vector<16xf32>
        %add3A_878 = arith.addf %add3A_838, %get3A_877 : vector<16xf32>
        %get3A_879 = arith.constant 0 : i32
        %get3A_880 = arith.constant 0 : i32
        %get3A_881 = tpu.memref_slice %arg6[%scan3A_308, %get3A_879, %get3A_880] : memref<6x200x64xf32, #tpu.memory_space<vmem>> -> memref<1x200x64xf32, #tpu.memory_space<vmem>>
        %get3A_882 = tpu.memref_squeeze %get3A_881 : memref<1x200x64xf32, #tpu.memory_space<vmem>> -> memref<200x64xf32, #tpu.memory_space<vmem>>
        %get3A_883 = arith.index_cast %add3A_860 : i32 to index
        %get3A_884 = arith.constant 32 : index
        %get3A_885 = tpu.vector_load %get3A_882[%get3A_883, %get3A_884] {strides = array<i32>} : memref<200x64xf32, #tpu.memory_space<vmem>>, vector<1x16xf32>,
        %get3A_886 = vector.shape_cast %get3A_885 : vector<1x16xf32> to vector<16xf32>
        %add3A_887 = arith.addf %add3A_847, %get3A_886 : vector<16xf32>
        %get3A_888 = arith.constant 0 : i32
        %get3A_889 = arith.constant 0 : i32
        %get3A_890 = tpu.memref_slice %arg6[%scan3A_308, %get3A_888, %get3A_889] : memref<6x200x64xf32, #tpu.memory_space<vmem>> -> memref<1x200x64xf32, #tpu.memory_space<vmem>>
        %get3A_891 = tpu.memref_squeeze %get3A_890 : memref<1x200x64xf32, #tpu.memory_space<vmem>> -> memref<200x64xf32, #tpu.memory_space<vmem>>
        %get3A_892 = arith.index_cast %add3A_860 : i32 to index
        %get3A_893 = arith.constant 48 : index
        %get3A_894 = tpu.vector_load %get3A_891[%get3A_892, %get3A_893] {strides = array<i32>} : memref<200x64xf32, #tpu.memory_space<vmem>>, vector<1x16xf32>,
        %get3A_895 = vector.shape_cast %get3A_894 : vector<1x16xf32> to vector<16xf32>
        %add3A_896 = arith.addf %add3A_856, %get3A_895 : vector<16xf32>
        %mul3A_897 = arith.constant 8 : i32
        %mul3A_898 = arith.muli %scan3A_773, %mul3A_897 : i32
        %add3A_899 = arith.constant 3 : i32
        %add3A_900 = arith.addi %mul3A_898, %add3A_899 : i32
        %get3A_901 = arith.constant 0 : i32
        %get3A_902 = arith.constant 0 : i32
        %get3A_903 = tpu.memref_slice %arg6[%scan3A_308, %get3A_901, %get3A_902] : memref<6x200x64xf32, #tpu.memory_space<vmem>> -> memref<1x200x64xf32, #tpu.memory_space<vmem>>
        %get3A_904 = tpu.memref_squeeze %get3A_903 : memref<1x200x64xf32, #tpu.memory_space<vmem>> -> memref<200x64xf32, #tpu.memory_space<vmem>>
        %get3A_905 = arith.index_cast %add3A_900 : i32 to index
        %get3A_906 = arith.constant 0 : index
        %get3A_907 = tpu.vector_load %get3A_904[%get3A_905, %get3A_906] {strides = array<i32>} : memref<200x64xf32, #tpu.memory_space<vmem>>, vector<1x16xf32>,
        %get3A_908 = vector.shape_cast %get3A_907 : vector<1x16xf32> to vector<16xf32>
        %add3A_909 = arith.addf %add3A_869, %get3A_908 : vector<16xf32>
        %get3A_910 = arith.constant 0 : i32
        %get3A_911 = arith.constant 0 : i32
        %get3A_912 = tpu.memref_slice %arg6[%scan3A_308, %get3A_910, %get3A_911] : memref<6x200x64xf32, #tpu.memory_space<vmem>> -> memref<1x200x64xf32, #tpu.memory_space<vmem>>
        %get3A_913 = tpu.memref_squeeze %get3A_912 : memref<1x200x64xf32, #tpu.memory_space<vmem>> -> memref<200x64xf32, #tpu.memory_space<vmem>>
        %get3A_914 = arith.index_cast %add3A_900 : i32 to index
        %get3A_915 = arith.constant 16 : index
        %get3A_916 = tpu.vector_load %get3A_913[%get3A_914, %get3A_915] {strides = array<i32>} : memref<200x64xf32, #tpu.memory_space<vmem>>, vector<1x16xf32>,
        %get3A_917 = vector.shape_cast %get3A_916 : vector<1x16xf32> to vector<16xf32>
        %add3A_918 = arith.addf %add3A_878, %get3A_917 : vector<16xf32>
        %get3A_919 = arith.constant 0 : i32
        %get3A_920 = arith.constant 0 : i32
        %get3A_921 = tpu.memref_slice %arg6[%scan3A_308, %get3A_919, %get3A_920] : memref<6x200x64xf32, #tpu.memory_space<vmem>> -> memref<1x200x64xf32, #tpu.memory_space<vmem>>
        %get3A_922 = tpu.memref_squeeze %get3A_921 : memref<1x200x64xf32, #tpu.memory_space<vmem>> -> memref<200x64xf32, #tpu.memory_space<vmem>>
        %get3A_923 = arith.index_cast %add3A_900 : i32 to index
        %get3A_924 = arith.constant 32 : index
        %get3A_925 = tpu.vector_load %get3A_922[%get3A_923, %get3A_924] {strides = array<i32>} : memref<200x64xf32, #tpu.memory_space<vmem>>, vector<1x16xf32>,
        %get3A_926 = vector.shape_cast %get3A_925 : vector<1x16xf32> to vector<16xf32>
        %add3A_927 = arith.addf %add3A_887, %get3A_926 : vector<16xf32>
        %get3A_928 = arith.constant 0 : i32
        %get3A_929 = arith.constant 0 : i32
        %get3A_930 = tpu.memref_slice %arg6[%scan3A_308, %get3A_928, %get3A_929] : memref<6x200x64xf32, #tpu.memory_space<vmem>> -> memref<1x200x64xf32, #tpu.memory_space<vmem>>
        %get3A_931 = tpu.memref_squeeze %get3A_930 : memref<1x200x64xf32, #tpu.memory_space<vmem>> -> memref<200x64xf32, #tpu.memory_space<vmem>>
        %get3A_932 = arith.index_cast %add3A_900 : i32 to index
        %get3A_933 = arith.constant 48 : index
        %get3A_934 = tpu.vector_load %get3A_931[%get3A_932, %get3A_933] {strides = array<i32>} : memref<200x64xf32, #tpu.memory_space<vmem>>, vector<1x16xf32>,
        %get3A_935 = vector.shape_cast %get3A_934 : vector<1x16xf32> to vector<16xf32>
        %add3A_936 = arith.addf %add3A_896, %get3A_935 : vector<16xf32>
        %mul3A_937 = arith.constant 8 : i32
        %mul3A_938 = arith.muli %scan3A_773, %mul3A_937 : i32
        %add3A_939 = arith.constant 4 : i32
        %add3A_940 = arith.addi %mul3A_938, %add3A_939 : i32
        %get3A_941 = arith.constant 0 : i32
        %get3A_942 = arith.constant 0 : i32
        %get3A_943 = tpu.memref_slice %arg6[%scan3A_308, %get3A_941, %get3A_942] : memref<6x200x64xf32, #tpu.memory_space<vmem>> -> memref<1x200x64xf32, #tpu.memory_space<vmem>>
        %get3A_944 = tpu.memref_squeeze %get3A_943 : memref<1x200x64xf32, #tpu.memory_space<vmem>> -> memref<200x64xf32, #tpu.memory_space<vmem>>
        %get3A_945 = arith.index_cast %add3A_940 : i32 to index
        %get3A_946 = arith.constant 0 : index
        %get3A_947 = tpu.vector_load %get3A_944[%get3A_945, %get3A_946] {strides = array<i32>} : memref<200x64xf32, #tpu.memory_space<vmem>>, vector<1x16xf32>,
        %get3A_948 = vector.shape_cast %get3A_947 : vector<1x16xf32> to vector<16xf32>
        %add3A_949 = arith.addf %add3A_909, %get3A_948 : vector<16xf32>
        %get3A_950 = arith.constant 0 : i32
        %get3A_951 = arith.constant 0 : i32
        %get3A_952 = tpu.memref_slice %arg6[%scan3A_308, %get3A_950, %get3A_951] : memref<6x200x64xf32, #tpu.memory_space<vmem>> -> memref<1x200x64xf32, #tpu.memory_space<vmem>>
        %get3A_953 = tpu.memref_squeeze %get3A_952 : memref<1x200x64xf32, #tpu.memory_space<vmem>> -> memref<200x64xf32, #tpu.memory_space<vmem>>
        %get3A_954 = arith.index_cast %add3A_940 : i32 to index
        %get3A_955 = arith.constant 16 : index
        %get3A_956 = tpu.vector_load %get3A_953[%get3A_954, %get3A_955] {strides = array<i32>} : memref<200x64xf32, #tpu.memory_space<vmem>>, vector<1x16xf32>,
        %get3A_957 = vector.shape_cast %get3A_956 : vector<1x16xf32> to vector<16xf32>
        %add3A_958 = arith.addf %add3A_918, %get3A_957 : vector<16xf32>
        %get3A_959 = arith.constant 0 : i32
        %get3A_960 = arith.constant 0 : i32
        %get3A_961 = tpu.memref_slice %arg6[%scan3A_308, %get3A_959, %get3A_960] : memref<6x200x64xf32, #tpu.memory_space<vmem>> -> memref<1x200x64xf32, #tpu.memory_space<vmem>>
        %get3A_962 = tpu.memref_squeeze %get3A_961 : memref<1x200x64xf32, #tpu.memory_space<vmem>> -> memref<200x64xf32, #tpu.memory_space<vmem>>
        %get3A_963 = arith.index_cast %add3A_940 : i32 to index
        %get3A_964 = arith.constant 32 : index
        %get3A_965 = tpu.vector_load %get3A_962[%get3A_963, %get3A_964] {strides = array<i32>} : memref<200x64xf32, #tpu.memory_space<vmem>>, vector<1x16xf32>,
        %get3A_966 = vector.shape_cast %get3A_965 : vector<1x16xf32> to vector<16xf32>
        %add3A_967 = arith.addf %add3A_927, %get3A_966 : vector<16xf32>
        %get3A_968 = arith.constant 0 : i32
        %get3A_969 = arith.constant 0 : i32
        %get3A_970 = tpu.memref_slice %arg6[%scan3A_308, %get3A_968, %get3A_969] : memref<6x200x64xf32, #tpu.memory_space<vmem>> -> memref<1x200x64xf32, #tpu.memory_space<vmem>>
        %get3A_971 = tpu.memref_squeeze %get3A_970 : memref<1x200x64xf32, #tpu.memory_space<vmem>> -> memref<200x64xf32, #tpu.memory_space<vmem>>
        %get3A_972 = arith.index_cast %add3A_940 : i32 to index
        %get3A_973 = arith.constant 48 : index
        %get3A_974 = tpu.vector_load %get3A_971[%get3A_972, %get3A_973] {strides = array<i32>} : memref<200x64xf32, #tpu.memory_space<vmem>>, vector<1x16xf32>,
        %get3A_975 = vector.shape_cast %get3A_974 : vector<1x16xf32> to vector<16xf32>
        %add3A_976 = arith.addf %add3A_936, %get3A_975 : vector<16xf32>
        %mul3A_977 = arith.constant 8 : i32
        %mul3A_978 = arith.muli %scan3A_773, %mul3A_977 : i32
        %add3A_979 = arith.constant 5 : i32
        %add3A_980 = arith.addi %mul3A_978, %add3A_979 : i32
        %get3A_981 = arith.constant 0 : i32
        %get3A_982 = arith.constant 0 : i32
        %get3A_983 = tpu.memref_slice %arg6[%scan3A_308, %get3A_981, %get3A_982] : memref<6x200x64xf32, #tpu.memory_space<vmem>> -> memref<1x200x64xf32, #tpu.memory_space<vmem>>
        %get3A_984 = tpu.memref_squeeze %get3A_983 : memref<1x200x64xf32, #tpu.memory_space<vmem>> -> memref<200x64xf32, #tpu.memory_space<vmem>>
        %get3A_985 = arith.index_cast %add3A_980 : i32 to index
        %get3A_986 = arith.constant 0 : index
        %get3A_987 = tpu.vector_load %get3A_984[%get3A_985, %get3A_986] {strides = array<i32>} : memref<200x64xf32, #tpu.memory_space<vmem>>, vector<1x16xf32>,
        %get3A_988 = vector.shape_cast %get3A_987 : vector<1x16xf32> to vector<16xf32>
        %add3A_989 = arith.addf %add3A_949, %get3A_988 : vector<16xf32>
        %get3A_990 = arith.constant 0 : i32
        %get3A_991 = arith.constant 0 : i32
        %get3A_992 = tpu.memref_slice %arg6[%scan3A_308, %get3A_990, %get3A_991] : memref<6x200x64xf32, #tpu.memory_space<vmem>> -> memref<1x200x64xf32, #tpu.memory_space<vmem>>
        %get3A_993 = tpu.memref_squeeze %get3A_992 : memref<1x200x64xf32, #tpu.memory_space<vmem>> -> memref<200x64xf32, #tpu.memory_space<vmem>>
        %get3A_994 = arith.index_cast %add3A_980 : i32 to index
        %get3A_995 = arith.constant 16 : index
        %get3A_996 = tpu.vector_load %get3A_993[%get3A_994, %get3A_995] {strides = array<i32>} : memref<200x64xf32, #tpu.memory_space<vmem>>, vector<1x16xf32>,
        %get3A_997 = vector.shape_cast %get3A_996 : vector<1x16xf32> to vector<16xf32>
        %add3A_998 = arith.addf %add3A_958, %get3A_997 : vector<16xf32>
        %get3A_999 = arith.constant 0 : i32
        %get3A_1000 = arith.constant 0 : i32
        %get3A_1001 = tpu.memref_slice %arg6[%scan3A_308, %get3A_999, %get3A_1000] : memref<6x200x64xf32, #tpu.memory_space<vmem>> -> memref<1x200x64xf32, #tpu.memory_space<vmem>>
        %get3A_1002 = tpu.memref_squeeze %get3A_1001 : memref<1x200x64xf32, #tpu.memory_space<vmem>> -> memref<200x64xf32, #tpu.memory_space<vmem>>
        %get3A_1003 = arith.index_cast %add3A_980 : i32 to index
        %get3A_1004 = arith.constant 32 : index
        %get3A_1005 = tpu.vector_load %get3A_1002[%get3A_1003, %get3A_1004] {strides = array<i32>} : memref<200x64xf32, #tpu.memory_space<vmem>>, vector<1x16xf32>,
        %get3A_1006 = vector.shape_cast %get3A_1005 : vector<1x16xf32> to vector<16xf32>
        %add3A_1007 = arith.addf %add3A_967, %get3A_1006 : vector<16xf32>
        %get3A_1008 = arith.constant 0 : i32
        %get3A_1009 = arith.constant 0 : i32
        %get3A_1010 = tpu.memref_slice %arg6[%scan3A_308, %get3A_1008, %get3A_1009] : memref<6x200x64xf32, #tpu.memory_space<vmem>> -> memref<1x200x64xf32, #tpu.memory_space<vmem>>
        %get3A_1011 = tpu.memref_squeeze %get3A_1010 : memref<1x200x64xf32, #tpu.memory_space<vmem>> -> memref<200x64xf32, #tpu.memory_space<vmem>>
        %get3A_1012 = arith.index_cast %add3A_980 : i32 to index
        %get3A_1013 = arith.constant 48 : index
        %get3A_1014 = tpu.vector_load %get3A_1011[%get3A_1012, %get3A_1013] {strides = array<i32>} : memref<200x64xf32, #tpu.memory_space<vmem>>, vector<1x16xf32>,
        %get3A_1015 = vector.shape_cast %get3A_1014 : vector<1x16xf32> to vector<16xf32>
        %add3A_1016 = arith.addf %add3A_976, %get3A_1015 : vector<16xf32>
        %mul3A_1017 = arith.constant 8 : i32
        %mul3A_1018 = arith.muli %scan3A_773, %mul3A_1017 : i32
        %add3A_1019 = arith.constant 6 : i32
        %add3A_1020 = arith.addi %mul3A_1018, %add3A_1019 : i32
        %get3A_1021 = arith.constant 0 : i32
        %get3A_1022 = arith.constant 0 : i32
        %get3A_1023 = tpu.memref_slice %arg6[%scan3A_308, %get3A_1021, %get3A_1022] : memref<6x200x64xf32, #tpu.memory_space<vmem>> -> memref<1x200x64xf32, #tpu.memory_space<vmem>>
        %get3A_1024 = tpu.memref_squeeze %get3A_1023 : memref<1x200x64xf32, #tpu.memory_space<vmem>> -> memref<200x64xf32, #tpu.memory_space<vmem>>
        %get3A_1025 = arith.index_cast %add3A_1020 : i32 to index
        %get3A_1026 = arith.constant 0 : index
        %get3A_1027 = tpu.vector_load %get3A_1024[%get3A_1025, %get3A_1026] {strides = array<i32>} : memref<200x64xf32, #tpu.memory_space<vmem>>, vector<1x16xf32>,
        %get3A_1028 = vector.shape_cast %get3A_1027 : vector<1x16xf32> to vector<16xf32>
        %add3A_1029 = arith.addf %add3A_989, %get3A_1028 : vector<16xf32>
        %get3A_1030 = arith.constant 0 : i32
        %get3A_1031 = arith.constant 0 : i32
        %get3A_1032 = tpu.memref_slice %arg6[%scan3A_308, %get3A_1030, %get3A_1031] : memref<6x200x64xf32, #tpu.memory_space<vmem>> -> memref<1x200x64xf32, #tpu.memory_space<vmem>>
        %get3A_1033 = tpu.memref_squeeze %get3A_1032 : memref<1x200x64xf32, #tpu.memory_space<vmem>> -> memref<200x64xf32, #tpu.memory_space<vmem>>
        %get3A_1034 = arith.index_cast %add3A_1020 : i32 to index
        %get3A_1035 = arith.constant 16 : index
        %get3A_1036 = tpu.vector_load %get3A_1033[%get3A_1034, %get3A_1035] {strides = array<i32>} : memref<200x64xf32, #tpu.memory_space<vmem>>, vector<1x16xf32>,
        %get3A_1037 = vector.shape_cast %get3A_1036 : vector<1x16xf32> to vector<16xf32>
        %add3A_1038 = arith.addf %add3A_998, %get3A_1037 : vector<16xf32>
        %get3A_1039 = arith.constant 0 : i32
        %get3A_1040 = arith.constant 0 : i32
        %get3A_1041 = tpu.memref_slice %arg6[%scan3A_308, %get3A_1039, %get3A_1040] : memref<6x200x64xf32, #tpu.memory_space<vmem>> -> memref<1x200x64xf32, #tpu.memory_space<vmem>>
        %get3A_1042 = tpu.memref_squeeze %get3A_1041 : memref<1x200x64xf32, #tpu.memory_space<vmem>> -> memref<200x64xf32, #tpu.memory_space<vmem>>
        %get3A_1043 = arith.index_cast %add3A_1020 : i32 to index
        %get3A_1044 = arith.constant 32 : index
        %get3A_1045 = tpu.vector_load %get3A_1042[%get3A_1043, %get3A_1044] {strides = array<i32>} : memref<200x64xf32, #tpu.memory_space<vmem>>, vector<1x16xf32>,
        %get3A_1046 = vector.shape_cast %get3A_1045 : vector<1x16xf32> to vector<16xf32>
        %add3A_1047 = arith.addf %add3A_1007, %get3A_1046 : vector<16xf32>
        %get3A_1048 = arith.constant 0 : i32
        %get3A_1049 = arith.constant 0 : i32
        %get3A_1050 = tpu.memref_slice %arg6[%scan3A_308, %get3A_1048, %get3A_1049] : memref<6x200x64xf32, #tpu.memory_space<vmem>> -> memref<1x200x64xf32, #tpu.memory_space<vmem>>
        %get3A_1051 = tpu.memref_squeeze %get3A_1050 : memref<1x200x64xf32, #tpu.memory_space<vmem>> -> memref<200x64xf32, #tpu.memory_space<vmem>>
        %get3A_1052 = arith.index_cast %add3A_1020 : i32 to index
        %get3A_1053 = arith.constant 48 : index
        %get3A_1054 = tpu.vector_load %get3A_1051[%get3A_1052, %get3A_1053] {strides = array<i32>} : memref<200x64xf32, #tpu.memory_space<vmem>>, vector<1x16xf32>,
        %get3A_1055 = vector.shape_cast %get3A_1054 : vector<1x16xf32> to vector<16xf32>
        %add3A_1056 = arith.addf %add3A_1016, %get3A_1055 : vector<16xf32>
        %mul3A_1057 = arith.constant 8 : i32
        %mul3A_1058 = arith.muli %scan3A_773, %mul3A_1057 : i32
        %add3A_1059 = arith.constant 7 : i32
        %add3A_1060 = arith.addi %mul3A_1058, %add3A_1059 : i32
        %get3A_1061 = arith.constant 0 : i32
        %get3A_1062 = arith.constant 0 : i32
        %get3A_1063 = tpu.memref_slice %arg6[%scan3A_308, %get3A_1061, %get3A_1062] : memref<6x200x64xf32, #tpu.memory_space<vmem>> -> memref<1x200x64xf32, #tpu.memory_space<vmem>>
        %get3A_1064 = tpu.memref_squeeze %get3A_1063 : memref<1x200x64xf32, #tpu.memory_space<vmem>> -> memref<200x64xf32, #tpu.memory_space<vmem>>
        %get3A_1065 = arith.index_cast %add3A_1060 : i32 to index
        %get3A_1066 = arith.constant 0 : index
        %get3A_1067 = tpu.vector_load %get3A_1064[%get3A_1065, %get3A_1066] {strides = array<i32>} : memref<200x64xf32, #tpu.memory_space<vmem>>, vector<1x16xf32>,
        %get3A_1068 = vector.shape_cast %get3A_1067 : vector<1x16xf32> to vector<16xf32>
        %add3A_1069 = arith.addf %add3A_1029, %get3A_1068 : vector<16xf32>
        %get3A_1070 = arith.constant 0 : i32
        %get3A_1071 = arith.constant 0 : i32
        %get3A_1072 = tpu.memref_slice %arg6[%scan3A_308, %get3A_1070, %get3A_1071] : memref<6x200x64xf32, #tpu.memory_space<vmem>> -> memref<1x200x64xf32, #tpu.memory_space<vmem>>
        %get3A_1073 = tpu.memref_squeeze %get3A_1072 : memref<1x200x64xf32, #tpu.memory_space<vmem>> -> memref<200x64xf32, #tpu.memory_space<vmem>>
        %get3A_1074 = arith.index_cast %add3A_1060 : i32 to index
        %get3A_1075 = arith.constant 16 : index
        %get3A_1076 = tpu.vector_load %get3A_1073[%get3A_1074, %get3A_1075] {strides = array<i32>} : memref<200x64xf32, #tpu.memory_space<vmem>>, vector<1x16xf32>,
        %get3A_1077 = vector.shape_cast %get3A_1076 : vector<1x16xf32> to vector<16xf32>
        %add3A_1078 = arith.addf %add3A_1038, %get3A_1077 : vector<16xf32>
        %get3A_1079 = arith.constant 0 : i32
        %get3A_1080 = arith.constant 0 : i32
        %get3A_1081 = tpu.memref_slice %arg6[%scan3A_308, %get3A_1079, %get3A_1080] : memref<6x200x64xf32, #tpu.memory_space<vmem>> -> memref<1x200x64xf32, #tpu.memory_space<vmem>>
        %get3A_1082 = tpu.memref_squeeze %get3A_1081 : memref<1x200x64xf32, #tpu.memory_space<vmem>> -> memref<200x64xf32, #tpu.memory_space<vmem>>
        %get3A_1083 = arith.index_cast %add3A_1060 : i32 to index
        %get3A_1084 = arith.constant 32 : index
        %get3A_1085 = tpu.vector_load %get3A_1082[%get3A_1083, %get3A_1084] {strides = array<i32>} : memref<200x64xf32, #tpu.memory_space<vmem>>, vector<1x16xf32>,
        %get3A_1086 = vector.shape_cast %get3A_1085 : vector<1x16xf32> to vector<16xf32>
        %add3A_1087 = arith.addf %add3A_1047, %get3A_1086 : vector<16xf32>
        %get3A_1088 = arith.constant 0 : i32
        %get3A_1089 = arith.constant 0 : i32
        %get3A_1090 = tpu.memref_slice %arg6[%scan3A_308, %get3A_1088, %get3A_1089] : memref<6x200x64xf32, #tpu.memory_space<vmem>> -> memref<1x200x64xf32, #tpu.memory_space<vmem>>
        %get3A_1091 = tpu.memref_squeeze %get3A_1090 : memref<1x200x64xf32, #tpu.memory_space<vmem>> -> memref<200x64xf32, #tpu.memory_space<vmem>>
        %get3A_1092 = arith.index_cast %add3A_1060 : i32 to index
        %get3A_1093 = arith.constant 48 : index
        %get3A_1094 = tpu.vector_load %get3A_1091[%get3A_1092, %get3A_1093] {strides = array<i32>} : memref<200x64xf32, #tpu.memory_space<vmem>>, vector<1x16xf32>,
        %get3A_1095 = vector.shape_cast %get3A_1094 : vector<1x16xf32> to vector<16xf32>
        %add3A_1096 = arith.addf %add3A_1056, %get3A_1095 : vector<16xf32>
        scf.yield %add3A_1069, %add3A_1078, %add3A_1087, %add3A_1096 : vector<16xf32>, vector<16xf32>, vector<16xf32>, vector<16xf32>
      }
      %scan3A_634 = arith.constant 25 : i32
      %swap3A_635 = arith.index_cast %add3A_597 : i32 to index
      %swap3A_636 = arith.constant 0 : index
      %swap3A_637 = tpu.vector_load %arg7[%swap3A_635, %swap3A_636] {strides = array<i32>} : memref<128x64xf32, #tpu.memory_space<vmem>>, vector<1x16xf32>,
      %swap3A_638 = vector.shape_cast %swap3A_637 : vector<1x16xf32> to vector<16xf32>
      %swap3A_639 = vector.shape_cast %scan3A_633#0 : vector<16xf32> to vector<1x16xf32>
      tpu.vector_store %arg7[%swap3A_635, %swap3A_636], %swap3A_639 {strides = array<i32>} : memref<128x64xf32, #tpu.memory_space<vmem>>, vector<1x16xf32>,
      %swap3A_640 = arith.index_cast %add3A_597 : i32 to index
      %swap3A_641 = arith.constant 16 : index
      %swap3A_642 = tpu.vector_load %arg7[%swap3A_640, %swap3A_641] {strides = array<i32>} : memref<128x64xf32, #tpu.memory_space<vmem>>, vector<1x16xf32>,
      %swap3A_643 = vector.shape_cast %swap3A_642 : vector<1x16xf32> to vector<16xf32>
      %swap3A_644 = vector.shape_cast %scan3A_633#1 : vector<16xf32> to vector<1x16xf32>
      tpu.vector_store %arg7[%swap3A_640, %swap3A_641], %swap3A_644 {strides = array<i32>} : memref<128x64xf32, #tpu.memory_space<vmem>>, vector<1x16xf32>,
      %swap3A_645 = arith.index_cast %add3A_597 : i32 to index
      %swap3A_646 = arith.constant 32 : index
      %swap3A_647 = tpu.vector_load %arg7[%swap3A_645, %swap3A_646] {strides = array<i32>} : memref<128x64xf32, #tpu.memory_space<vmem>>, vector<1x16xf32>,
      %swap3A_648 = vector.shape_cast %swap3A_647 : vector<1x16xf32> to vector<16xf32>
      %swap3A_649 = vector.shape_cast %scan3A_633#2 : vector<16xf32> to vector<1x16xf32>
      tpu.vector_store %arg7[%swap3A_645, %swap3A_646], %swap3A_649 {strides = array<i32>} : memref<128x64xf32, #tpu.memory_space<vmem>>, vector<1x16xf32>,
      %swap3A_650 = arith.index_cast %add3A_597 : i32 to index
      %swap3A_651 = arith.constant 48 : index
      %swap3A_652 = tpu.vector_load %arg7[%swap3A_650, %swap3A_651] {strides = array<i32>} : memref<128x64xf32, #tpu.memory_space<vmem>>, vector<1x16xf32>,
      %swap3A_653 = vector.shape_cast %swap3A_652 : vector<1x16xf32> to vector<16xf32>
      %swap3A_654 = vector.shape_cast %scan3A_633#3 : vector<16xf32> to vector<1x16xf32>
      tpu.vector_store %arg7[%swap3A_650, %swap3A_651], %swap3A_654 {strides = array<i32>} : memref<128x64xf32, #tpu.memory_space<vmem>>, vector<1x16xf32>,
      %add3A_655 = arith.constant 4 : i32
      %add3A_656 = arith.addi %mul3A_422, %add3A_655 : i32
      %add3A_657 = arith.constant 6 : i32
      %add3A_658 = arith.addi %add3A_656, %add3A_657 : i32
      %sub3A_659 = arith.constant 1 : i32
      %sub3A_660 = arith.subi %add3A_658, %sub3A_659 : i32
      %lt3A_661 = arith.constant 128 : i32
      %lt3A_662 = arith.cmpi slt, %sub3A_660, %lt3A_661 : i32
      %convert_element_type3A_663 = arith.extui %lt3A_662 : i1 to i32
      %cond3A_664 = arith.constant 0 : i32
      %cond3A_665 = arith.cmpi ne, %convert_element_type3A_663, %cond3A_664 : i32
      scf.if %cond3A_665 {
        %add3A_773 = arith.constant 6 : i32
        %add3A_774 = arith.addi %add3A_656, %add3A_773 : i32
        %sub3A_775 = arith.constant 1 : i32
        %sub3A_776 = arith.subi %add3A_774, %sub3A_775 : i32
        %mul3A_777 = arith.constant 4 : i32
        %mul3A_778 = arith.muli %mul3A_777, %sub3A_776 : i32
        %add3A_779 = arith.constant 0 : i32
        %add3A_780 = arith.addi %mul3A_778, %add3A_779 : i32
        %dma_start3A_781 = arith.constant 0 : i32
        %dma_start3A_782 = arith.constant 0 : i32
        %dma_start3A_783 = tpu.memref_slice %arg6[%scan3A_308, %dma_start3A_781, %dma_start3A_782] : memref<6x200x64xf32, #tpu.memory_space<vmem>> -> memref<1x200x64xf32, #tpu.memory_space<vmem>>
        %dma_start3A_784 = tpu.memref_squeeze %dma_start3A_783 : memref<1x200x64xf32, #tpu.memory_space<vmem>> -> memref<200x64xf32, #tpu.memory_space<vmem>>
        %dma_start3A_785 = arith.constant 0 : i32
        %dma_start3A_786 = arith.constant 0 : i32
        %dma_start3A_787 = tpu.memref_slice %dma_start3A_784[%dma_start3A_785, %dma_start3A_786] : memref<200x64xf32, #tpu.memory_space<vmem>> -> memref<64x64xf32, #tpu.memory_space<vmem>>
        %dma_start3A_788 = arith.constant 0 : i32
        %dma_start3A_789 = tpu.memref_slice %arg5[%add3A_780, %dma_start3A_788] : memref<512x64xi32, #tpu.memory_space<vmem>> -> memref<1x64xi32, #tpu.memory_space<vmem>>
        %dma_start3A_790 = tpu.memref_squeeze %dma_start3A_789 : memref<1x64xi32, #tpu.memory_space<vmem>> -> memref<64xi32, #tpu.memory_space<vmem>>
        %dma_start3A_791 = arith.constant 0 : i32
        %dma_start3A_792 = arith.constant 0 : i32
        %dma_start3A_793 = tpu.memref_slice %arg3[%dma_start3A_791, %dma_start3A_792] : memref<1000001x64xf32, #tpu.memory_space<hbm>> -> memref<1000001x64xf32, #tpu.memory_space<hbm>>
        tpu.enqueue_indirect_dma source(%dma_start3A_793 : memref<1000001x64xf32, #tpu.memory_space<hbm>>) target(%dma_start3A_787 : memref<64x64xf32, #tpu.memory_space<vmem>>) offsets(%dma_start3A_790 : memref<64xi32, #tpu.memory_space<vmem>>) semaphore(%arg11 : memref<!tpu.dma_semaphore, #tpu.memory_space<semaphore_mem>>)
        %mul3A_794 = arith.constant 4 : i32
        %mul3A_795 = arith.muli %mul3A_794, %sub3A_776 : i32
        %add3A_796 = arith.constant 1 : i32
        %add3A_797 = arith.addi %mul3A_795, %add3A_796 : i32
        %dma_start3A_798 = arith.constant 0 : i32
        %dma_start3A_799 = arith.constant 0 : i32
        %dma_start3A_800 = tpu.memref_slice %arg6[%scan3A_308, %dma_start3A_798, %dma_start3A_799] : memref<6x200x64xf32, #tpu.memory_space<vmem>> -> memref<1x200x64xf32, #tpu.memory_space<vmem>>
        %dma_start3A_801 = tpu.memref_squeeze %dma_start3A_800 : memref<1x200x64xf32, #tpu.memory_space<vmem>> -> memref<200x64xf32, #tpu.memory_space<vmem>>
        %dma_start3A_802 = arith.constant 64 : i32
        %dma_start3A_803 = arith.constant 0 : i32
        %dma_start3A_804 = tpu.memref_slice %dma_start3A_801[%dma_start3A_802, %dma_start3A_803] : memref<200x64xf32, #tpu.memory_space<vmem>> -> memref<64x64xf32, #tpu.memory_space<vmem>>
        %dma_start3A_805 = arith.constant 0 : i32
        %dma_start3A_806 = tpu.memref_slice %arg5[%add3A_797, %dma_start3A_805] : memref<512x64xi32, #tpu.memory_space<vmem>> -> memref<1x64xi32, #tpu.memory_space<vmem>>
        %dma_start3A_807 = tpu.memref_squeeze %dma_start3A_806 : memref<1x64xi32, #tpu.memory_space<vmem>> -> memref<64xi32, #tpu.memory_space<vmem>>
        %dma_start3A_808 = arith.constant 0 : i32
        %dma_start3A_809 = arith.constant 0 : i32
        %dma_start3A_810 = tpu.memref_slice %arg3[%dma_start3A_808, %dma_start3A_809] : memref<1000001x64xf32, #tpu.memory_space<hbm>> -> memref<1000001x64xf32, #tpu.memory_space<hbm>>
        tpu.enqueue_indirect_dma source(%dma_start3A_810 : memref<1000001x64xf32, #tpu.memory_space<hbm>>) target(%dma_start3A_804 : memref<64x64xf32, #tpu.memory_space<vmem>>) offsets(%dma_start3A_807 : memref<64xi32, #tpu.memory_space<vmem>>) semaphore(%arg11 : memref<!tpu.dma_semaphore, #tpu.memory_space<semaphore_mem>>)
        %mul3A_811 = arith.constant 4 : i32
        %mul3A_812 = arith.muli %mul3A_811, %sub3A_776 : i32
        %add3A_813 = arith.constant 2 : i32
        %add3A_814 = arith.addi %mul3A_812, %add3A_813 : i32
        %dma_start3A_815 = arith.constant 0 : i32
        %dma_start3A_816 = arith.constant 0 : i32
        %dma_start3A_817 = tpu.memref_slice %arg6[%scan3A_308, %dma_start3A_815, %dma_start3A_816] : memref<6x200x64xf32, #tpu.memory_space<vmem>> -> memref<1x200x64xf32, #tpu.memory_space<vmem>>
        %dma_start3A_818 = tpu.memref_squeeze %dma_start3A_817 : memref<1x200x64xf32, #tpu.memory_space<vmem>> -> memref<200x64xf32, #tpu.memory_space<vmem>>
        %dma_start3A_819 = arith.constant 128 : i32
        %dma_start3A_820 = arith.constant 0 : i32
        %dma_start3A_821 = tpu.memref_slice %dma_start3A_818[%dma_start3A_819, %dma_start3A_820] : memref<200x64xf32, #tpu.memory_space<vmem>> -> memref<64x64xf32, #tpu.memory_space<vmem>>
        %dma_start3A_822 = arith.constant 0 : i32
        %dma_start3A_823 = tpu.memref_slice %arg5[%add3A_814, %dma_start3A_822] : memref<512x64xi32, #tpu.memory_space<vmem>> -> memref<1x64xi32, #tpu.memory_space<vmem>>
        %dma_start3A_824 = tpu.memref_squeeze %dma_start3A_823 : memref<1x64xi32, #tpu.memory_space<vmem>> -> memref<64xi32, #tpu.memory_space<vmem>>
        %dma_start3A_825 = arith.constant 0 : i32
        %dma_start3A_826 = arith.constant 0 : i32
        %dma_start3A_827 = tpu.memref_slice %arg3[%dma_start3A_825, %dma_start3A_826] : memref<1000001x64xf32, #tpu.memory_space<hbm>> -> memref<1000001x64xf32, #tpu.memory_space<hbm>>
        tpu.enqueue_indirect_dma source(%dma_start3A_827 : memref<1000001x64xf32, #tpu.memory_space<hbm>>) target(%dma_start3A_821 : memref<64x64xf32, #tpu.memory_space<vmem>>) offsets(%dma_start3A_824 : memref<64xi32, #tpu.memory_space<vmem>>) semaphore(%arg11 : memref<!tpu.dma_semaphore, #tpu.memory_space<semaphore_mem>>)
        %mul3A_828 = arith.constant 4 : i32
        %mul3A_829 = arith.muli %mul3A_828, %sub3A_776 : i32
        %add3A_830 = arith.constant 3 : i32
        %add3A_831 = arith.addi %mul3A_829, %add3A_830 : i32
        %dma_start3A_832 = arith.constant 0 : i32
        %dma_start3A_833 = arith.constant 0 : i32
        %dma_start3A_834 = tpu.memref_slice %arg6[%scan3A_308, %dma_start3A_832, %dma_start3A_833] : memref<6x200x64xf32, #tpu.memory_space<vmem>> -> memref<1x200x64xf32, #tpu.memory_space<vmem>>
        %dma_start3A_835 = tpu.memref_squeeze %dma_start3A_834 : memref<1x200x64xf32, #tpu.memory_space<vmem>> -> memref<200x64xf32, #tpu.memory_space<vmem>>
        %dma_start3A_836 = arith.constant 192 : i32
        %dma_start3A_837 = arith.constant 0 : i32
        %dma_start3A_838 = tpu.memref_slice %dma_start3A_835[%dma_start3A_836, %dma_start3A_837] : memref<200x64xf32, #tpu.memory_space<vmem>> -> memref<8x64xf32, #tpu.memory_space<vmem>>
        %dma_start3A_839 = arith.constant 0 : i32
        %dma_start3A_840 = tpu.memref_slice %arg5[%add3A_831, %dma_start3A_839] : memref<512x64xi32, #tpu.memory_space<vmem>> -> memref<1x8xi32, #tpu.memory_space<vmem>>
        %dma_start3A_841 = tpu.memref_squeeze %dma_start3A_840 : memref<1x8xi32, #tpu.memory_space<vmem>> -> memref<8xi32, #tpu.memory_space<vmem>>
        %dma_start3A_842 = arith.constant 0 : i32
        %dma_start3A_843 = arith.constant 0 : i32
        %dma_start3A_844 = tpu.memref_slice %arg3[%dma_start3A_842, %dma_start3A_843] : memref<1000001x64xf32, #tpu.memory_space<hbm>> -> memref<1000001x64xf32, #tpu.memory_space<hbm>>
        tpu.enqueue_indirect_dma source(%dma_start3A_844 : memref<1000001x64xf32, #tpu.memory_space<hbm>>) target(%dma_start3A_838 : memref<8x64xf32, #tpu.memory_space<vmem>>) offsets(%dma_start3A_841 : memref<8xi32, #tpu.memory_space<vmem>>) semaphore(%arg11 : memref<!tpu.dma_semaphore, #tpu.memory_space<semaphore_mem>>)
      } else {
      }
      %dma_wait3A_666 = arith.constant 0 : i32
      %dma_wait3A_667 = arith.constant 0 : i32
      %dma_wait3A_668 = tpu.memref_slice %arg6[%scan3A_309, %dma_wait3A_666, %dma_wait3A_667] : memref<6x200x64xf32, #tpu.memory_space<vmem>> -> memref<1x200x64xf32, #tpu.memory_space<vmem>>
      %dma_wait3A_669 = tpu.memref_squeeze %dma_wait3A_668 : memref<1x200x64xf32, #tpu.memory_space<vmem>> -> memref<200x64xf32, #tpu.memory_space<vmem>>
      %dma_wait3A_670 = arith.constant 0 : i32
      %dma_wait3A_671 = arith.constant 0 : i32
      %dma_wait3A_672 = tpu.memref_slice %arg3[%dma_wait3A_670, %dma_wait3A_671] : memref<1000001x64xf32, #tpu.memory_space<hbm>> -> memref<200x64xf32, #tpu.memory_space<hbm>>
      %dma_wait3A_673 = arith.constant 0 : i32
      %dma_wait3A_674 = arith.constant 0 : i32
      %dma_wait3A_675 = tpu.memref_slice %arg6[%scan3A_309, %dma_wait3A_673, %dma_wait3A_674] : memref<6x200x64xf32, #tpu.memory_space<vmem>> -> memref<1x200x64xf32, #tpu.memory_space<vmem>>
      %dma_wait3A_676 = tpu.memref_squeeze %dma_wait3A_675 : memref<1x200x64xf32, #tpu.memory_space<vmem>> -> memref<200x64xf32, #tpu.memory_space<vmem>>
      %dma_wait3A_677 = arith.constant 0 : i32
      %dma_wait3A_678 = arith.constant 0 : i32
      %dma_wait3A_679 = tpu.memref_slice %arg3[%dma_wait3A_677, %dma_wait3A_678] : memref<1000001x64xf32, #tpu.memory_space<hbm>> -> memref<200x64xf32, #tpu.memory_space<hbm>>
      tpu.wait_dma2 semaphore(%arg12 : memref<!tpu.dma_semaphore, #tpu.memory_space<semaphore_mem>>) src(%dma_wait3A_679 : memref<200x64xf32, #tpu.memory_space<hbm>>) dst(%dma_wait3A_676 : memref<200x64xf32, #tpu.memory_space<vmem>>)
      %broadcast_in_dim3A_680 = arith.constant 0.000000e+00 : f32
      %broadcast_in_dim3A_681 = vector.broadcast %broadcast_in_dim3A_680 : f32 to vector<16xf32>
      %broadcast_in_dim3A_682 = arith.constant 0.000000e+00 : f32
      %broadcast_in_dim3A_683 = vector.broadcast %broadcast_in_dim3A_682 : f32 to vector<16xf32>
      %broadcast_in_dim3A_684 = arith.constant 0.000000e+00 : f32
      %broadcast_in_dim3A_685 = vector.broadcast %broadcast_in_dim3A_684 : f32 to vector<16xf32>
      %broadcast_in_dim3A_686 = arith.constant 0.000000e+00 : f32
      %broadcast_in_dim3A_687 = vector.broadcast %broadcast_in_dim3A_686 : f32 to vector<16xf32>
      %scan3A_688 = arith.constant 0 : i32
      %scan3A_689 = arith.constant 25 : i32
      %scan3A_690 = arith.addi %scan3A_688, %scan3A_689 : i32
      %scan3A_691 = arith.constant 1 : i32
      %scan3A_692:4 = scf.for %scan3A_773 = %scan3A_688 to %scan3A_690 step %scan3A_691 iter_args(%scan3A_774 = %broadcast_in_dim3A_681, %scan3A_775 = %broadcast_in_dim3A_683, %scan3A_776 = %broadcast_in_dim3A_685, %scan3A_777 = %broadcast_in_dim3A_687) -> (vector<16xf32>, vector<16xf32>, vector<16xf32>, vector<16xf32>)  : i32 {
        %mul3A_778 = arith.constant 8 : i32
        %mul3A_779 = arith.muli %scan3A_773, %mul3A_778 : i32
        %add3A_780 = arith.constant 0 : i32
        %add3A_781 = arith.addi %mul3A_779, %add3A_780 : i32
        %get3A = arith.constant 0 : i32
        %get3A_782 = arith.constant 0 : i32
        %get3A_783 = tpu.memref_slice %arg6[%scan3A_309, %get3A, %get3A_782] : memref<6x200x64xf32, #tpu.memory_space<vmem>> -> memref<1x200x64xf32, #tpu.memory_space<vmem>>
        %get3A_784 = tpu.memref_squeeze %get3A_783 : memref<1x200x64xf32, #tpu.memory_space<vmem>> -> memref<200x64xf32, #tpu.memory_space<vmem>>
        %get3A_785 = arith.index_cast %add3A_781 : i32 to index
        %get3A_786 = arith.constant 0 : index
        %get3A_787 = tpu.vector_load %get3A_784[%get3A_785, %get3A_786] {strides = array<i32>} : memref<200x64xf32, #tpu.memory_space<vmem>>, vector<1x16xf32>,
        %get3A_788 = vector.shape_cast %get3A_787 : vector<1x16xf32> to vector<16xf32>
        %add3A_789 = arith.addf %scan3A_774, %get3A_788 : vector<16xf32>
        %get3A_790 = arith.constant 0 : i32
        %get3A_791 = arith.constant 0 : i32
        %get3A_792 = tpu.memref_slice %arg6[%scan3A_309, %get3A_790, %get3A_791] : memref<6x200x64xf32, #tpu.memory_space<vmem>> -> memref<1x200x64xf32, #tpu.memory_space<vmem>>
        %get3A_793 = tpu.memref_squeeze %get3A_792 : memref<1x200x64xf32, #tpu.memory_space<vmem>> -> memref<200x64xf32, #tpu.memory_space<vmem>>
        %get3A_794 = arith.index_cast %add3A_781 : i32 to index
        %get3A_795 = arith.constant 16 : index
        %get3A_796 = tpu.vector_load %get3A_793[%get3A_794, %get3A_795] {strides = array<i32>} : memref<200x64xf32, #tpu.memory_space<vmem>>, vector<1x16xf32>,
        %get3A_797 = vector.shape_cast %get3A_796 : vector<1x16xf32> to vector<16xf32>
        %add3A_798 = arith.addf %scan3A_775, %get3A_797 : vector<16xf32>
        %get3A_799 = arith.constant 0 : i32
        %get3A_800 = arith.constant 0 : i32
        %get3A_801 = tpu.memref_slice %arg6[%scan3A_309, %get3A_799, %get3A_800] : memref<6x200x64xf32, #tpu.memory_space<vmem>> -> memref<1x200x64xf32, #tpu.memory_space<vmem>>
        %get3A_802 = tpu.memref_squeeze %get3A_801 : memref<1x200x64xf32, #tpu.memory_space<vmem>> -> memref<200x64xf32, #tpu.memory_space<vmem>>
        %get3A_803 = arith.index_cast %add3A_781 : i32 to index
        %get3A_804 = arith.constant 32 : index
        %get3A_805 = tpu.vector_load %get3A_802[%get3A_803, %get3A_804] {strides = array<i32>} : memref<200x64xf32, #tpu.memory_space<vmem>>, vector<1x16xf32>,
        %get3A_806 = vector.shape_cast %get3A_805 : vector<1x16xf32> to vector<16xf32>
        %add3A_807 = arith.addf %scan3A_776, %get3A_806 : vector<16xf32>
        %get3A_808 = arith.constant 0 : i32
        %get3A_809 = arith.constant 0 : i32
        %get3A_810 = tpu.memref_slice %arg6[%scan3A_309, %get3A_808, %get3A_809] : memref<6x200x64xf32, #tpu.memory_space<vmem>> -> memref<1x200x64xf32, #tpu.memory_space<vmem>>
        %get3A_811 = tpu.memref_squeeze %get3A_810 : memref<1x200x64xf32, #tpu.memory_space<vmem>> -> memref<200x64xf32, #tpu.memory_space<vmem>>
        %get3A_812 = arith.index_cast %add3A_781 : i32 to index
        %get3A_813 = arith.constant 48 : index
        %get3A_814 = tpu.vector_load %get3A_811[%get3A_812, %get3A_813] {strides = array<i32>} : memref<200x64xf32, #tpu.memory_space<vmem>>, vector<1x16xf32>,
        %get3A_815 = vector.shape_cast %get3A_814 : vector<1x16xf32> to vector<16xf32>
        %add3A_816 = arith.addf %scan3A_777, %get3A_815 : vector<16xf32>
        %mul3A_817 = arith.constant 8 : i32
        %mul3A_818 = arith.muli %scan3A_773, %mul3A_817 : i32
        %add3A_819 = arith.constant 1 : i32
        %add3A_820 = arith.addi %mul3A_818, %add3A_819 : i32
        %get3A_821 = arith.constant 0 : i32
        %get3A_822 = arith.constant 0 : i32
        %get3A_823 = tpu.memref_slice %arg6[%scan3A_309, %get3A_821, %get3A_822] : memref<6x200x64xf32, #tpu.memory_space<vmem>> -> memref<1x200x64xf32, #tpu.memory_space<vmem>>
        %get3A_824 = tpu.memref_squeeze %get3A_823 : memref<1x200x64xf32, #tpu.memory_space<vmem>> -> memref<200x64xf32, #tpu.memory_space<vmem>>
        %get3A_825 = arith.index_cast %add3A_820 : i32 to index
        %get3A_826 = arith.constant 0 : index
        %get3A_827 = tpu.vector_load %get3A_824[%get3A_825, %get3A_826] {strides = array<i32>} : memref<200x64xf32, #tpu.memory_space<vmem>>, vector<1x16xf32>,
        %get3A_828 = vector.shape_cast %get3A_827 : vector<1x16xf32> to vector<16xf32>
        %add3A_829 = arith.addf %add3A_789, %get3A_828 : vector<16xf32>
        %get3A_830 = arith.constant 0 : i32
        %get3A_831 = arith.constant 0 : i32
        %get3A_832 = tpu.memref_slice %arg6[%scan3A_309, %get3A_830, %get3A_831] : memref<6x200x64xf32, #tpu.memory_space<vmem>> -> memref<1x200x64xf32, #tpu.memory_space<vmem>>
        %get3A_833 = tpu.memref_squeeze %get3A_832 : memref<1x200x64xf32, #tpu.memory_space<vmem>> -> memref<200x64xf32, #tpu.memory_space<vmem>>
        %get3A_834 = arith.index_cast %add3A_820 : i32 to index
        %get3A_835 = arith.constant 16 : index
        %get3A_836 = tpu.vector_load %get3A_833[%get3A_834, %get3A_835] {strides = array<i32>} : memref<200x64xf32, #tpu.memory_space<vmem>>, vector<1x16xf32>,
        %get3A_837 = vector.shape_cast %get3A_836 : vector<1x16xf32> to vector<16xf32>
        %add3A_838 = arith.addf %add3A_798, %get3A_837 : vector<16xf32>
        %get3A_839 = arith.constant 0 : i32
        %get3A_840 = arith.constant 0 : i32
        %get3A_841 = tpu.memref_slice %arg6[%scan3A_309, %get3A_839, %get3A_840] : memref<6x200x64xf32, #tpu.memory_space<vmem>> -> memref<1x200x64xf32, #tpu.memory_space<vmem>>
        %get3A_842 = tpu.memref_squeeze %get3A_841 : memref<1x200x64xf32, #tpu.memory_space<vmem>> -> memref<200x64xf32, #tpu.memory_space<vmem>>
        %get3A_843 = arith.index_cast %add3A_820 : i32 to index
        %get3A_844 = arith.constant 32 : index
        %get3A_845 = tpu.vector_load %get3A_842[%get3A_843, %get3A_844] {strides = array<i32>} : memref<200x64xf32, #tpu.memory_space<vmem>>, vector<1x16xf32>,
        %get3A_846 = vector.shape_cast %get3A_845 : vector<1x16xf32> to vector<16xf32>
        %add3A_847 = arith.addf %add3A_807, %get3A_846 : vector<16xf32>
        %get3A_848 = arith.constant 0 : i32
        %get3A_849 = arith.constant 0 : i32
        %get3A_850 = tpu.memref_slice %arg6[%scan3A_309, %get3A_848, %get3A_849] : memref<6x200x64xf32, #tpu.memory_space<vmem>> -> memref<1x200x64xf32, #tpu.memory_space<vmem>>
        %get3A_851 = tpu.memref_squeeze %get3A_850 : memref<1x200x64xf32, #tpu.memory_space<vmem>> -> memref<200x64xf32, #tpu.memory_space<vmem>>
        %get3A_852 = arith.index_cast %add3A_820 : i32 to index
        %get3A_853 = arith.constant 48 : index
        %get3A_854 = tpu.vector_load %get3A_851[%get3A_852, %get3A_853] {strides = array<i32>} : memref<200x64xf32, #tpu.memory_space<vmem>>, vector<1x16xf32>,
        %get3A_855 = vector.shape_cast %get3A_854 : vector<1x16xf32> to vector<16xf32>
        %add3A_856 = arith.addf %add3A_816, %get3A_855 : vector<16xf32>
        %mul3A_857 = arith.constant 8 : i32
        %mul3A_858 = arith.muli %scan3A_773, %mul3A_857 : i32
        %add3A_859 = arith.constant 2 : i32
        %add3A_860 = arith.addi %mul3A_858, %add3A_859 : i32
        %get3A_861 = arith.constant 0 : i32
        %get3A_862 = arith.constant 0 : i32
        %get3A_863 = tpu.memref_slice %arg6[%scan3A_309, %get3A_861, %get3A_862] : memref<6x200x64xf32, #tpu.memory_space<vmem>> -> memref<1x200x64xf32, #tpu.memory_space<vmem>>
        %get3A_864 = tpu.memref_squeeze %get3A_863 : memref<1x200x64xf32, #tpu.memory_space<vmem>> -> memref<200x64xf32, #tpu.memory_space<vmem>>
        %get3A_865 = arith.index_cast %add3A_860 : i32 to index
        %get3A_866 = arith.constant 0 : index
        %get3A_867 = tpu.vector_load %get3A_864[%get3A_865, %get3A_866] {strides = array<i32>} : memref<200x64xf32, #tpu.memory_space<vmem>>, vector<1x16xf32>,
        %get3A_868 = vector.shape_cast %get3A_867 : vector<1x16xf32> to vector<16xf32>
        %add3A_869 = arith.addf %add3A_829, %get3A_868 : vector<16xf32>
        %get3A_870 = arith.constant 0 : i32
        %get3A_871 = arith.constant 0 : i32
        %get3A_872 = tpu.memref_slice %arg6[%scan3A_309, %get3A_870, %get3A_871] : memref<6x200x64xf32, #tpu.memory_space<vmem>> -> memref<1x200x64xf32, #tpu.memory_space<vmem>>
        %get3A_873 = tpu.memref_squeeze %get3A_872 : memref<1x200x64xf32, #tpu.memory_space<vmem>> -> memref<200x64xf32, #tpu.memory_space<vmem>>
        %get3A_874 = arith.index_cast %add3A_860 : i32 to index
        %get3A_875 = arith.constant 16 : index
        %get3A_876 = tpu.vector_load %get3A_873[%get3A_874, %get3A_875] {strides = array<i32>} : memref<200x64xf32, #tpu.memory_space<vmem>>, vector<1x16xf32>,
        %get3A_877 = vector.shape_cast %get3A_876 : vector<1x16xf32> to vector<16xf32>
        %add3A_878 = arith.addf %add3A_838, %get3A_877 : vector<16xf32>
        %get3A_879 = arith.constant 0 : i32
        %get3A_880 = arith.constant 0 : i32
        %get3A_881 = tpu.memref_slice %arg6[%scan3A_309, %get3A_879, %get3A_880] : memref<6x200x64xf32, #tpu.memory_space<vmem>> -> memref<1x200x64xf32, #tpu.memory_space<vmem>>
        %get3A_882 = tpu.memref_squeeze %get3A_881 : memref<1x200x64xf32, #tpu.memory_space<vmem>> -> memref<200x64xf32, #tpu.memory_space<vmem>>
        %get3A_883 = arith.index_cast %add3A_860 : i32 to index
        %get3A_884 = arith.constant 32 : index
        %get3A_885 = tpu.vector_load %get3A_882[%get3A_883, %get3A_884] {strides = array<i32>} : memref<200x64xf32, #tpu.memory_space<vmem>>, vector<1x16xf32>,
        %get3A_886 = vector.shape_cast %get3A_885 : vector<1x16xf32> to vector<16xf32>
        %add3A_887 = arith.addf %add3A_847, %get3A_886 : vector<16xf32>
        %get3A_888 = arith.constant 0 : i32
        %get3A_889 = arith.constant 0 : i32
        %get3A_890 = tpu.memref_slice %arg6[%scan3A_309, %get3A_888, %get3A_889] : memref<6x200x64xf32, #tpu.memory_space<vmem>> -> memref<1x200x64xf32, #tpu.memory_space<vmem>>
        %get3A_891 = tpu.memref_squeeze %get3A_890 : memref<1x200x64xf32, #tpu.memory_space<vmem>> -> memref<200x64xf32, #tpu.memory_space<vmem>>
        %get3A_892 = arith.index_cast %add3A_860 : i32 to index
        %get3A_893 = arith.constant 48 : index
        %get3A_894 = tpu.vector_load %get3A_891[%get3A_892, %get3A_893] {strides = array<i32>} : memref<200x64xf32, #tpu.memory_space<vmem>>, vector<1x16xf32>,
        %get3A_895 = vector.shape_cast %get3A_894 : vector<1x16xf32> to vector<16xf32>
        %add3A_896 = arith.addf %add3A_856, %get3A_895 : vector<16xf32>
        %mul3A_897 = arith.constant 8 : i32
        %mul3A_898 = arith.muli %scan3A_773, %mul3A_897 : i32
        %add3A_899 = arith.constant 3 : i32
        %add3A_900 = arith.addi %mul3A_898, %add3A_899 : i32
        %get3A_901 = arith.constant 0 : i32
        %get3A_902 = arith.constant 0 : i32
        %get3A_903 = tpu.memref_slice %arg6[%scan3A_309, %get3A_901, %get3A_902] : memref<6x200x64xf32, #tpu.memory_space<vmem>> -> memref<1x200x64xf32, #tpu.memory_space<vmem>>
        %get3A_904 = tpu.memref_squeeze %get3A_903 : memref<1x200x64xf32, #tpu.memory_space<vmem>> -> memref<200x64xf32, #tpu.memory_space<vmem>>
        %get3A_905 = arith.index_cast %add3A_900 : i32 to index
        %get3A_906 = arith.constant 0 : index
        %get3A_907 = tpu.vector_load %get3A_904[%get3A_905, %get3A_906] {strides = array<i32>} : memref<200x64xf32, #tpu.memory_space<vmem>>, vector<1x16xf32>,
        %get3A_908 = vector.shape_cast %get3A_907 : vector<1x16xf32> to vector<16xf32>
        %add3A_909 = arith.addf %add3A_869, %get3A_908 : vector<16xf32>
        %get3A_910 = arith.constant 0 : i32
        %get3A_911 = arith.constant 0 : i32
        %get3A_912 = tpu.memref_slice %arg6[%scan3A_309, %get3A_910, %get3A_911] : memref<6x200x64xf32, #tpu.memory_space<vmem>> -> memref<1x200x64xf32, #tpu.memory_space<vmem>>
        %get3A_913 = tpu.memref_squeeze %get3A_912 : memref<1x200x64xf32, #tpu.memory_space<vmem>> -> memref<200x64xf32, #tpu.memory_space<vmem>>
        %get3A_914 = arith.index_cast %add3A_900 : i32 to index
        %get3A_915 = arith.constant 16 : index
        %get3A_916 = tpu.vector_load %get3A_913[%get3A_914, %get3A_915] {strides = array<i32>} : memref<200x64xf32, #tpu.memory_space<vmem>>, vector<1x16xf32>,
        %get3A_917 = vector.shape_cast %get3A_916 : vector<1x16xf32> to vector<16xf32>
        %add3A_918 = arith.addf %add3A_878, %get3A_917 : vector<16xf32>
        %get3A_919 = arith.constant 0 : i32
        %get3A_920 = arith.constant 0 : i32
        %get3A_921 = tpu.memref_slice %arg6[%scan3A_309, %get3A_919, %get3A_920] : memref<6x200x64xf32, #tpu.memory_space<vmem>> -> memref<1x200x64xf32, #tpu.memory_space<vmem>>
        %get3A_922 = tpu.memref_squeeze %get3A_921 : memref<1x200x64xf32, #tpu.memory_space<vmem>> -> memref<200x64xf32, #tpu.memory_space<vmem>>
        %get3A_923 = arith.index_cast %add3A_900 : i32 to index
        %get3A_924 = arith.constant 32 : index
        %get3A_925 = tpu.vector_load %get3A_922[%get3A_923, %get3A_924] {strides = array<i32>} : memref<200x64xf32, #tpu.memory_space<vmem>>, vector<1x16xf32>,
        %get3A_926 = vector.shape_cast %get3A_925 : vector<1x16xf32> to vector<16xf32>
        %add3A_927 = arith.addf %add3A_887, %get3A_926 : vector<16xf32>
        %get3A_928 = arith.constant 0 : i32
        %get3A_929 = arith.constant 0 : i32
        %get3A_930 = tpu.memref_slice %arg6[%scan3A_309, %get3A_928, %get3A_929] : memref<6x200x64xf32, #tpu.memory_space<vmem>> -> memref<1x200x64xf32, #tpu.memory_space<vmem>>
        %get3A_931 = tpu.memref_squeeze %get3A_930 : memref<1x200x64xf32, #tpu.memory_space<vmem>> -> memref<200x64xf32, #tpu.memory_space<vmem>>
        %get3A_932 = arith.index_cast %add3A_900 : i32 to index
        %get3A_933 = arith.constant 48 : index
        %get3A_934 = tpu.vector_load %get3A_931[%get3A_932, %get3A_933] {strides = array<i32>} : memref<200x64xf32, #tpu.memory_space<vmem>>, vector<1x16xf32>,
        %get3A_935 = vector.shape_cast %get3A_934 : vector<1x16xf32> to vector<16xf32>
        %add3A_936 = arith.addf %add3A_896, %get3A_935 : vector<16xf32>
        %mul3A_937 = arith.constant 8 : i32
        %mul3A_938 = arith.muli %scan3A_773, %mul3A_937 : i32
        %add3A_939 = arith.constant 4 : i32
        %add3A_940 = arith.addi %mul3A_938, %add3A_939 : i32
        %get3A_941 = arith.constant 0 : i32
        %get3A_942 = arith.constant 0 : i32
        %get3A_943 = tpu.memref_slice %arg6[%scan3A_309, %get3A_941, %get3A_942] : memref<6x200x64xf32, #tpu.memory_space<vmem>> -> memref<1x200x64xf32, #tpu.memory_space<vmem>>
        %get3A_944 = tpu.memref_squeeze %get3A_943 : memref<1x200x64xf32, #tpu.memory_space<vmem>> -> memref<200x64xf32, #tpu.memory_space<vmem>>
        %get3A_945 = arith.index_cast %add3A_940 : i32 to index
        %get3A_946 = arith.constant 0 : index
        %get3A_947 = tpu.vector_load %get3A_944[%get3A_945, %get3A_946] {strides = array<i32>} : memref<200x64xf32, #tpu.memory_space<vmem>>, vector<1x16xf32>,
        %get3A_948 = vector.shape_cast %get3A_947 : vector<1x16xf32> to vector<16xf32>
        %add3A_949 = arith.addf %add3A_909, %get3A_948 : vector<16xf32>
        %get3A_950 = arith.constant 0 : i32
        %get3A_951 = arith.constant 0 : i32
        %get3A_952 = tpu.memref_slice %arg6[%scan3A_309, %get3A_950, %get3A_951] : memref<6x200x64xf32, #tpu.memory_space<vmem>> -> memref<1x200x64xf32, #tpu.memory_space<vmem>>
        %get3A_953 = tpu.memref_squeeze %get3A_952 : memref<1x200x64xf32, #tpu.memory_space<vmem>> -> memref<200x64xf32, #tpu.memory_space<vmem>>
        %get3A_954 = arith.index_cast %add3A_940 : i32 to index
        %get3A_955 = arith.constant 16 : index
        %get3A_956 = tpu.vector_load %get3A_953[%get3A_954, %get3A_955] {strides = array<i32>} : memref<200x64xf32, #tpu.memory_space<vmem>>, vector<1x16xf32>,
        %get3A_957 = vector.shape_cast %get3A_956 : vector<1x16xf32> to vector<16xf32>
        %add3A_958 = arith.addf %add3A_918, %get3A_957 : vector<16xf32>
        %get3A_959 = arith.constant 0 : i32
        %get3A_960 = arith.constant 0 : i32
        %get3A_961 = tpu.memref_slice %arg6[%scan3A_309, %get3A_959, %get3A_960] : memref<6x200x64xf32, #tpu.memory_space<vmem>> -> memref<1x200x64xf32, #tpu.memory_space<vmem>>
        %get3A_962 = tpu.memref_squeeze %get3A_961 : memref<1x200x64xf32, #tpu.memory_space<vmem>> -> memref<200x64xf32, #tpu.memory_space<vmem>>
        %get3A_963 = arith.index_cast %add3A_940 : i32 to index
        %get3A_964 = arith.constant 32 : index
        %get3A_965 = tpu.vector_load %get3A_962[%get3A_963, %get3A_964] {strides = array<i32>} : memref<200x64xf32, #tpu.memory_space<vmem>>, vector<1x16xf32>,
        %get3A_966 = vector.shape_cast %get3A_965 : vector<1x16xf32> to vector<16xf32>
        %add3A_967 = arith.addf %add3A_927, %get3A_966 : vector<16xf32>
        %get3A_968 = arith.constant 0 : i32
        %get3A_969 = arith.constant 0 : i32
        %get3A_970 = tpu.memref_slice %arg6[%scan3A_309, %get3A_968, %get3A_969] : memref<6x200x64xf32, #tpu.memory_space<vmem>> -> memref<1x200x64xf32, #tpu.memory_space<vmem>>
        %get3A_971 = tpu.memref_squeeze %get3A_970 : memref<1x200x64xf32, #tpu.memory_space<vmem>> -> memref<200x64xf32, #tpu.memory_space<vmem>>
        %get3A_972 = arith.index_cast %add3A_940 : i32 to index
        %get3A_973 = arith.constant 48 : index
        %get3A_974 = tpu.vector_load %get3A_971[%get3A_972, %get3A_973] {strides = array<i32>} : memref<200x64xf32, #tpu.memory_space<vmem>>, vector<1x16xf32>,
        %get3A_975 = vector.shape_cast %get3A_974 : vector<1x16xf32> to vector<16xf32>
        %add3A_976 = arith.addf %add3A_936, %get3A_975 : vector<16xf32>
        %mul3A_977 = arith.constant 8 : i32
        %mul3A_978 = arith.muli %scan3A_773, %mul3A_977 : i32
        %add3A_979 = arith.constant 5 : i32
        %add3A_980 = arith.addi %mul3A_978, %add3A_979 : i32
        %get3A_981 = arith.constant 0 : i32
        %get3A_982 = arith.constant 0 : i32
        %get3A_983 = tpu.memref_slice %arg6[%scan3A_309, %get3A_981, %get3A_982] : memref<6x200x64xf32, #tpu.memory_space<vmem>> -> memref<1x200x64xf32, #tpu.memory_space<vmem>>
        %get3A_984 = tpu.memref_squeeze %get3A_983 : memref<1x200x64xf32, #tpu.memory_space<vmem>> -> memref<200x64xf32, #tpu.memory_space<vmem>>
        %get3A_985 = arith.index_cast %add3A_980 : i32 to index
        %get3A_986 = arith.constant 0 : index
        %get3A_987 = tpu.vector_load %get3A_984[%get3A_985, %get3A_986] {strides = array<i32>} : memref<200x64xf32, #tpu.memory_space<vmem>>, vector<1x16xf32>,
        %get3A_988 = vector.shape_cast %get3A_987 : vector<1x16xf32> to vector<16xf32>
        %add3A_989 = arith.addf %add3A_949, %get3A_988 : vector<16xf32>
        %get3A_990 = arith.constant 0 : i32
        %get3A_991 = arith.constant 0 : i32
        %get3A_992 = tpu.memref_slice %arg6[%scan3A_309, %get3A_990, %get3A_991] : memref<6x200x64xf32, #tpu.memory_space<vmem>> -> memref<1x200x64xf32, #tpu.memory_space<vmem>>
        %get3A_993 = tpu.memref_squeeze %get3A_992 : memref<1x200x64xf32, #tpu.memory_space<vmem>> -> memref<200x64xf32, #tpu.memory_space<vmem>>
        %get3A_994 = arith.index_cast %add3A_980 : i32 to index
        %get3A_995 = arith.constant 16 : index
        %get3A_996 = tpu.vector_load %get3A_993[%get3A_994, %get3A_995] {strides = array<i32>} : memref<200x64xf32, #tpu.memory_space<vmem>>, vector<1x16xf32>,
        %get3A_997 = vector.shape_cast %get3A_996 : vector<1x16xf32> to vector<16xf32>
        %add3A_998 = arith.addf %add3A_958, %get3A_997 : vector<16xf32>
        %get3A_999 = arith.constant 0 : i32
        %get3A_1000 = arith.constant 0 : i32
        %get3A_1001 = tpu.memref_slice %arg6[%scan3A_309, %get3A_999, %get3A_1000] : memref<6x200x64xf32, #tpu.memory_space<vmem>> -> memref<1x200x64xf32, #tpu.memory_space<vmem>>
        %get3A_1002 = tpu.memref_squeeze %get3A_1001 : memref<1x200x64xf32, #tpu.memory_space<vmem>> -> memref<200x64xf32, #tpu.memory_space<vmem>>
        %get3A_1003 = arith.index_cast %add3A_980 : i32 to index
        %get3A_1004 = arith.constant 32 : index
        %get3A_1005 = tpu.vector_load %get3A_1002[%get3A_1003, %get3A_1004] {strides = array<i32>} : memref<200x64xf32, #tpu.memory_space<vmem>>, vector<1x16xf32>,
        %get3A_1006 = vector.shape_cast %get3A_1005 : vector<1x16xf32> to vector<16xf32>
        %add3A_1007 = arith.addf %add3A_967, %get3A_1006 : vector<16xf32>
        %get3A_1008 = arith.constant 0 : i32
        %get3A_1009 = arith.constant 0 : i32
        %get3A_1010 = tpu.memref_slice %arg6[%scan3A_309, %get3A_1008, %get3A_1009] : memref<6x200x64xf32, #tpu.memory_space<vmem>> -> memref<1x200x64xf32, #tpu.memory_space<vmem>>
        %get3A_1011 = tpu.memref_squeeze %get3A_1010 : memref<1x200x64xf32, #tpu.memory_space<vmem>> -> memref<200x64xf32, #tpu.memory_space<vmem>>
        %get3A_1012 = arith.index_cast %add3A_980 : i32 to index
        %get3A_1013 = arith.constant 48 : index
        %get3A_1014 = tpu.vector_load %get3A_1011[%get3A_1012, %get3A_1013] {strides = array<i32>} : memref<200x64xf32, #tpu.memory_space<vmem>>, vector<1x16xf32>,
        %get3A_1015 = vector.shape_cast %get3A_1014 : vector<1x16xf32> to vector<16xf32>
        %add3A_1016 = arith.addf %add3A_976, %get3A_1015 : vector<16xf32>
        %mul3A_1017 = arith.constant 8 : i32
        %mul3A_1018 = arith.muli %scan3A_773, %mul3A_1017 : i32
        %add3A_1019 = arith.constant 6 : i32
        %add3A_1020 = arith.addi %mul3A_1018, %add3A_1019 : i32
        %get3A_1021 = arith.constant 0 : i32
        %get3A_1022 = arith.constant 0 : i32
        %get3A_1023 = tpu.memref_slice %arg6[%scan3A_309, %get3A_1021, %get3A_1022] : memref<6x200x64xf32, #tpu.memory_space<vmem>> -> memref<1x200x64xf32, #tpu.memory_space<vmem>>
        %get3A_1024 = tpu.memref_squeeze %get3A_1023 : memref<1x200x64xf32, #tpu.memory_space<vmem>> -> memref<200x64xf32, #tpu.memory_space<vmem>>
        %get3A_1025 = arith.index_cast %add3A_1020 : i32 to index
        %get3A_1026 = arith.constant 0 : index
        %get3A_1027 = tpu.vector_load %get3A_1024[%get3A_1025, %get3A_1026] {strides = array<i32>} : memref<200x64xf32, #tpu.memory_space<vmem>>, vector<1x16xf32>,
        %get3A_1028 = vector.shape_cast %get3A_1027 : vector<1x16xf32> to vector<16xf32>
        %add3A_1029 = arith.addf %add3A_989, %get3A_1028 : vector<16xf32>
        %get3A_1030 = arith.constant 0 : i32
        %get3A_1031 = arith.constant 0 : i32
        %get3A_1032 = tpu.memref_slice %arg6[%scan3A_309, %get3A_1030, %get3A_1031] : memref<6x200x64xf32, #tpu.memory_space<vmem>> -> memref<1x200x64xf32, #tpu.memory_space<vmem>>
        %get3A_1033 = tpu.memref_squeeze %get3A_1032 : memref<1x200x64xf32, #tpu.memory_space<vmem>> -> memref<200x64xf32, #tpu.memory_space<vmem>>
        %get3A_1034 = arith.index_cast %add3A_1020 : i32 to index
        %get3A_1035 = arith.constant 16 : index
        %get3A_1036 = tpu.vector_load %get3A_1033[%get3A_1034, %get3A_1035] {strides = array<i32>} : memref<200x64xf32, #tpu.memory_space<vmem>>, vector<1x16xf32>,
        %get3A_1037 = vector.shape_cast %get3A_1036 : vector<1x16xf32> to vector<16xf32>
        %add3A_1038 = arith.addf %add3A_998, %get3A_1037 : vector<16xf32>
        %get3A_1039 = arith.constant 0 : i32
        %get3A_1040 = arith.constant 0 : i32
        %get3A_1041 = tpu.memref_slice %arg6[%scan3A_309, %get3A_1039, %get3A_1040] : memref<6x200x64xf32, #tpu.memory_space<vmem>> -> memref<1x200x64xf32, #tpu.memory_space<vmem>>
        %get3A_1042 = tpu.memref_squeeze %get3A_1041 : memref<1x200x64xf32, #tpu.memory_space<vmem>> -> memref<200x64xf32, #tpu.memory_space<vmem>>
        %get3A_1043 = arith.index_cast %add3A_1020 : i32 to index
        %get3A_1044 = arith.constant 32 : index
        %get3A_1045 = tpu.vector_load %get3A_1042[%get3A_1043, %get3A_1044] {strides = array<i32>} : memref<200x64xf32, #tpu.memory_space<vmem>>, vector<1x16xf32>,
        %get3A_1046 = vector.shape_cast %get3A_1045 : vector<1x16xf32> to vector<16xf32>
        %add3A_1047 = arith.addf %add3A_1007, %get3A_1046 : vector<16xf32>
        %get3A_1048 = arith.constant 0 : i32
        %get3A_1049 = arith.constant 0 : i32
        %get3A_1050 = tpu.memref_slice %arg6[%scan3A_309, %get3A_1048, %get3A_1049] : memref<6x200x64xf32, #tpu.memory_space<vmem>> -> memref<1x200x64xf32, #tpu.memory_space<vmem>>
        %get3A_1051 = tpu.memref_squeeze %get3A_1050 : memref<1x200x64xf32, #tpu.memory_space<vmem>> -> memref<200x64xf32, #tpu.memory_space<vmem>>
        %get3A_1052 = arith.index_cast %add3A_1020 : i32 to index
        %get3A_1053 = arith.constant 48 : index
        %get3A_1054 = tpu.vector_load %get3A_1051[%get3A_1052, %get3A_1053] {strides = array<i32>} : memref<200x64xf32, #tpu.memory_space<vmem>>, vector<1x16xf32>,
        %get3A_1055 = vector.shape_cast %get3A_1054 : vector<1x16xf32> to vector<16xf32>
        %add3A_1056 = arith.addf %add3A_1016, %get3A_1055 : vector<16xf32>
        %mul3A_1057 = arith.constant 8 : i32
        %mul3A_1058 = arith.muli %scan3A_773, %mul3A_1057 : i32
        %add3A_1059 = arith.constant 7 : i32
        %add3A_1060 = arith.addi %mul3A_1058, %add3A_1059 : i32
        %get3A_1061 = arith.constant 0 : i32
        %get3A_1062 = arith.constant 0 : i32
        %get3A_1063 = tpu.memref_slice %arg6[%scan3A_309, %get3A_1061, %get3A_1062] : memref<6x200x64xf32, #tpu.memory_space<vmem>> -> memref<1x200x64xf32, #tpu.memory_space<vmem>>
        %get3A_1064 = tpu.memref_squeeze %get3A_1063 : memref<1x200x64xf32, #tpu.memory_space<vmem>> -> memref<200x64xf32, #tpu.memory_space<vmem>>
        %get3A_1065 = arith.index_cast %add3A_1060 : i32 to index
        %get3A_1066 = arith.constant 0 : index
        %get3A_1067 = tpu.vector_load %get3A_1064[%get3A_1065, %get3A_1066] {strides = array<i32>} : memref<200x64xf32, #tpu.memory_space<vmem>>, vector<1x16xf32>,
        %get3A_1068 = vector.shape_cast %get3A_1067 : vector<1x16xf32> to vector<16xf32>
        %add3A_1069 = arith.addf %add3A_1029, %get3A_1068 : vector<16xf32>
        %get3A_1070 = arith.constant 0 : i32
        %get3A_1071 = arith.constant 0 : i32
        %get3A_1072 = tpu.memref_slice %arg6[%scan3A_309, %get3A_1070, %get3A_1071] : memref<6x200x64xf32, #tpu.memory_space<vmem>> -> memref<1x200x64xf32, #tpu.memory_space<vmem>>
        %get3A_1073 = tpu.memref_squeeze %get3A_1072 : memref<1x200x64xf32, #tpu.memory_space<vmem>> -> memref<200x64xf32, #tpu.memory_space<vmem>>
        %get3A_1074 = arith.index_cast %add3A_1060 : i32 to index
        %get3A_1075 = arith.constant 16 : index
        %get3A_1076 = tpu.vector_load %get3A_1073[%get3A_1074, %get3A_1075] {strides = array<i32>} : memref<200x64xf32, #tpu.memory_space<vmem>>, vector<1x16xf32>,
        %get3A_1077 = vector.shape_cast %get3A_1076 : vector<1x16xf32> to vector<16xf32>
        %add3A_1078 = arith.addf %add3A_1038, %get3A_1077 : vector<16xf32>
        %get3A_1079 = arith.constant 0 : i32
        %get3A_1080 = arith.constant 0 : i32
        %get3A_1081 = tpu.memref_slice %arg6[%scan3A_309, %get3A_1079, %get3A_1080] : memref<6x200x64xf32, #tpu.memory_space<vmem>> -> memref<1x200x64xf32, #tpu.memory_space<vmem>>
        %get3A_1082 = tpu.memref_squeeze %get3A_1081 : memref<1x200x64xf32, #tpu.memory_space<vmem>> -> memref<200x64xf32, #tpu.memory_space<vmem>>
        %get3A_1083 = arith.index_cast %add3A_1060 : i32 to index
        %get3A_1084 = arith.constant 32 : index
        %get3A_1085 = tpu.vector_load %get3A_1082[%get3A_1083, %get3A_1084] {strides = array<i32>} : memref<200x64xf32, #tpu.memory_space<vmem>>, vector<1x16xf32>,
        %get3A_1086 = vector.shape_cast %get3A_1085 : vector<1x16xf32> to vector<16xf32>
        %add3A_1087 = arith.addf %add3A_1047, %get3A_1086 : vector<16xf32>
        %get3A_1088 = arith.constant 0 : i32
        %get3A_1089 = arith.constant 0 : i32
        %get3A_1090 = tpu.memref_slice %arg6[%scan3A_309, %get3A_1088, %get3A_1089] : memref<6x200x64xf32, #tpu.memory_space<vmem>> -> memref<1x200x64xf32, #tpu.memory_space<vmem>>
        %get3A_1091 = tpu.memref_squeeze %get3A_1090 : memref<1x200x64xf32, #tpu.memory_space<vmem>> -> memref<200x64xf32, #tpu.memory_space<vmem>>
        %get3A_1092 = arith.index_cast %add3A_1060 : i32 to index
        %get3A_1093 = arith.constant 48 : index
        %get3A_1094 = tpu.vector_load %get3A_1091[%get3A_1092, %get3A_1093] {strides = array<i32>} : memref<200x64xf32, #tpu.memory_space<vmem>>, vector<1x16xf32>,
        %get3A_1095 = vector.shape_cast %get3A_1094 : vector<1x16xf32> to vector<16xf32>
        %add3A_1096 = arith.addf %add3A_1056, %get3A_1095 : vector<16xf32>
        scf.yield %add3A_1069, %add3A_1078, %add3A_1087, %add3A_1096 : vector<16xf32>, vector<16xf32>, vector<16xf32>, vector<16xf32>
      }
      %scan3A_693 = arith.constant 25 : i32
      %swap3A_694 = arith.index_cast %add3A_656 : i32 to index
      %swap3A_695 = arith.constant 0 : index
      %swap3A_696 = tpu.vector_load %arg7[%swap3A_694, %swap3A_695] {strides = array<i32>} : memref<128x64xf32, #tpu.memory_space<vmem>>, vector<1x16xf32>,
      %swap3A_697 = vector.shape_cast %swap3A_696 : vector<1x16xf32> to vector<16xf32>
      %swap3A_698 = vector.shape_cast %scan3A_692#0 : vector<16xf32> to vector<1x16xf32>
      tpu.vector_store %arg7[%swap3A_694, %swap3A_695], %swap3A_698 {strides = array<i32>} : memref<128x64xf32, #tpu.memory_space<vmem>>, vector<1x16xf32>,
      %swap3A_699 = arith.index_cast %add3A_656 : i32 to index
      %swap3A_700 = arith.constant 16 : index
      %swap3A_701 = tpu.vector_load %arg7[%swap3A_699, %swap3A_700] {strides = array<i32>} : memref<128x64xf32, #tpu.memory_space<vmem>>, vector<1x16xf32>,
      %swap3A_702 = vector.shape_cast %swap3A_701 : vector<1x16xf32> to vector<16xf32>
      %swap3A_703 = vector.shape_cast %scan3A_692#1 : vector<16xf32> to vector<1x16xf32>
      tpu.vector_store %arg7[%swap3A_699, %swap3A_700], %swap3A_703 {strides = array<i32>} : memref<128x64xf32, #tpu.memory_space<vmem>>, vector<1x16xf32>,
      %swap3A_704 = arith.index_cast %add3A_656 : i32 to index
      %swap3A_705 = arith.constant 32 : index
      %swap3A_706 = tpu.vector_load %arg7[%swap3A_704, %swap3A_705] {strides = array<i32>} : memref<128x64xf32, #tpu.memory_space<vmem>>, vector<1x16xf32>,
      %swap3A_707 = vector.shape_cast %swap3A_706 : vector<1x16xf32> to vector<16xf32>
      %swap3A_708 = vector.shape_cast %scan3A_692#2 : vector<16xf32> to vector<1x16xf32>
      tpu.vector_store %arg7[%swap3A_704, %swap3A_705], %swap3A_708 {strides = array<i32>} : memref<128x64xf32, #tpu.memory_space<vmem>>, vector<1x16xf32>,
      %swap3A_709 = arith.index_cast %add3A_656 : i32 to index
      %swap3A_710 = arith.constant 48 : index
      %swap3A_711 = tpu.vector_load %arg7[%swap3A_709, %swap3A_710] {strides = array<i32>} : memref<128x64xf32, #tpu.memory_space<vmem>>, vector<1x16xf32>,
      %swap3A_712 = vector.shape_cast %swap3A_711 : vector<1x16xf32> to vector<16xf32>
      %swap3A_713 = vector.shape_cast %scan3A_692#3 : vector<16xf32> to vector<1x16xf32>
      tpu.vector_store %arg7[%swap3A_709, %swap3A_710], %swap3A_713 {strides = array<i32>} : memref<128x64xf32, #tpu.memory_space<vmem>>, vector<1x16xf32>,
      %add3A_714 = arith.constant 5 : i32
      %add3A_715 = arith.addi %mul3A_422, %add3A_714 : i32
      %add3A_716 = arith.constant 6 : i32
      %add3A_717 = arith.addi %add3A_715, %add3A_716 : i32
      %sub3A_718 = arith.constant 1 : i32
      %sub3A_719 = arith.subi %add3A_717, %sub3A_718 : i32
      %lt3A_720 = arith.constant 128 : i32
      %lt3A_721 = arith.cmpi slt, %sub3A_719, %lt3A_720 : i32
      %convert_element_type3A_722 = arith.extui %lt3A_721 : i1 to i32
      %cond3A_723 = arith.constant 0 : i32
      %cond3A_724 = arith.cmpi ne, %convert_element_type3A_722, %cond3A_723 : i32
      scf.if %cond3A_724 {
        %add3A_773 = arith.constant 6 : i32
        %add3A_774 = arith.addi %add3A_715, %add3A_773 : i32
        %sub3A_775 = arith.constant 1 : i32
        %sub3A_776 = arith.subi %add3A_774, %sub3A_775 : i32
        %mul3A_777 = arith.constant 4 : i32
        %mul3A_778 = arith.muli %mul3A_777, %sub3A_776 : i32
        %add3A_779 = arith.constant 0 : i32
        %add3A_780 = arith.addi %mul3A_778, %add3A_779 : i32
        %dma_start3A_781 = arith.constant 0 : i32
        %dma_start3A_782 = arith.constant 0 : i32
        %dma_start3A_783 = tpu.memref_slice %arg6[%scan3A_309, %dma_start3A_781, %dma_start3A_782] : memref<6x200x64xf32, #tpu.memory_space<vmem>> -> memref<1x200x64xf32, #tpu.memory_space<vmem>>
        %dma_start3A_784 = tpu.memref_squeeze %dma_start3A_783 : memref<1x200x64xf32, #tpu.memory_space<vmem>> -> memref<200x64xf32, #tpu.memory_space<vmem>>
        %dma_start3A_785 = arith.constant 0 : i32
        %dma_start3A_786 = arith.constant 0 : i32
        %dma_start3A_787 = tpu.memref_slice %dma_start3A_784[%dma_start3A_785, %dma_start3A_786] : memref<200x64xf32, #tpu.memory_space<vmem>> -> memref<64x64xf32, #tpu.memory_space<vmem>>
        %dma_start3A_788 = arith.constant 0 : i32
        %dma_start3A_789 = tpu.memref_slice %arg5[%add3A_780, %dma_start3A_788] : memref<512x64xi32, #tpu.memory_space<vmem>> -> memref<1x64xi32, #tpu.memory_space<vmem>>
        %dma_start3A_790 = tpu.memref_squeeze %dma_start3A_789 : memref<1x64xi32, #tpu.memory_space<vmem>> -> memref<64xi32, #tpu.memory_space<vmem>>
        %dma_start3A_791 = arith.constant 0 : i32
        %dma_start3A_792 = arith.constant 0 : i32
        %dma_start3A_793 = tpu.memref_slice %arg3[%dma_start3A_791, %dma_start3A_792] : memref<1000001x64xf32, #tpu.memory_space<hbm>> -> memref<1000001x64xf32, #tpu.memory_space<hbm>>
        tpu.enqueue_indirect_dma source(%dma_start3A_793 : memref<1000001x64xf32, #tpu.memory_space<hbm>>) target(%dma_start3A_787 : memref<64x64xf32, #tpu.memory_space<vmem>>) offsets(%dma_start3A_790 : memref<64xi32, #tpu.memory_space<vmem>>) semaphore(%arg12 : memref<!tpu.dma_semaphore, #tpu.memory_space<semaphore_mem>>)
        %mul3A_794 = arith.constant 4 : i32
        %mul3A_795 = arith.muli %mul3A_794, %sub3A_776 : i32
        %add3A_796 = arith.constant 1 : i32
        %add3A_797 = arith.addi %mul3A_795, %add3A_796 : i32
        %dma_start3A_798 = arith.constant 0 : i32
        %dma_start3A_799 = arith.constant 0 : i32
        %dma_start3A_800 = tpu.memref_slice %arg6[%scan3A_309, %dma_start3A_798, %dma_start3A_799] : memref<6x200x64xf32, #tpu.memory_space<vmem>> -> memref<1x200x64xf32, #tpu.memory_space<vmem>>
        %dma_start3A_801 = tpu.memref_squeeze %dma_start3A_800 : memref<1x200x64xf32, #tpu.memory_space<vmem>> -> memref<200x64xf32, #tpu.memory_space<vmem>>
        %dma_start3A_802 = arith.constant 64 : i32
        %dma_start3A_803 = arith.constant 0 : i32
        %dma_start3A_804 = tpu.memref_slice %dma_start3A_801[%dma_start3A_802, %dma_start3A_803] : memref<200x64xf32, #tpu.memory_space<vmem>> -> memref<64x64xf32, #tpu.memory_space<vmem>>
        %dma_start3A_805 = arith.constant 0 : i32
        %dma_start3A_806 = tpu.memref_slice %arg5[%add3A_797, %dma_start3A_805] : memref<512x64xi32, #tpu.memory_space<vmem>> -> memref<1x64xi32, #tpu.memory_space<vmem>>
        %dma_start3A_807 = tpu.memref_squeeze %dma_start3A_806 : memref<1x64xi32, #tpu.memory_space<vmem>> -> memref<64xi32, #tpu.memory_space<vmem>>
        %dma_start3A_808 = arith.constant 0 : i32
        %dma_start3A_809 = arith.constant 0 : i32
        %dma_start3A_810 = tpu.memref_slice %arg3[%dma_start3A_808, %dma_start3A_809] : memref<1000001x64xf32, #tpu.memory_space<hbm>> -> memref<1000001x64xf32, #tpu.memory_space<hbm>>
        tpu.enqueue_indirect_dma source(%dma_start3A_810 : memref<1000001x64xf32, #tpu.memory_space<hbm>>) target(%dma_start3A_804 : memref<64x64xf32, #tpu.memory_space<vmem>>) offsets(%dma_start3A_807 : memref<64xi32, #tpu.memory_space<vmem>>) semaphore(%arg12 : memref<!tpu.dma_semaphore, #tpu.memory_space<semaphore_mem>>)
        %mul3A_811 = arith.constant 4 : i32
        %mul3A_812 = arith.muli %mul3A_811, %sub3A_776 : i32
        %add3A_813 = arith.constant 2 : i32
        %add3A_814 = arith.addi %mul3A_812, %add3A_813 : i32
        %dma_start3A_815 = arith.constant 0 : i32
        %dma_start3A_816 = arith.constant 0 : i32
        %dma_start3A_817 = tpu.memref_slice %arg6[%scan3A_309, %dma_start3A_815, %dma_start3A_816] : memref<6x200x64xf32, #tpu.memory_space<vmem>> -> memref<1x200x64xf32, #tpu.memory_space<vmem>>
        %dma_start3A_818 = tpu.memref_squeeze %dma_start3A_817 : memref<1x200x64xf32, #tpu.memory_space<vmem>> -> memref<200x64xf32, #tpu.memory_space<vmem>>
        %dma_start3A_819 = arith.constant 128 : i32
        %dma_start3A_820 = arith.constant 0 : i32
        %dma_start3A_821 = tpu.memref_slice %dma_start3A_818[%dma_start3A_819, %dma_start3A_820] : memref<200x64xf32, #tpu.memory_space<vmem>> -> memref<64x64xf32, #tpu.memory_space<vmem>>
        %dma_start3A_822 = arith.constant 0 : i32
        %dma_start3A_823 = tpu.memref_slice %arg5[%add3A_814, %dma_start3A_822] : memref<512x64xi32, #tpu.memory_space<vmem>> -> memref<1x64xi32, #tpu.memory_space<vmem>>
        %dma_start3A_824 = tpu.memref_squeeze %dma_start3A_823 : memref<1x64xi32, #tpu.memory_space<vmem>> -> memref<64xi32, #tpu.memory_space<vmem>>
        %dma_start3A_825 = arith.constant 0 : i32
        %dma_start3A_826 = arith.constant 0 : i32
        %dma_start3A_827 = tpu.memref_slice %arg3[%dma_start3A_825, %dma_start3A_826] : memref<1000001x64xf32, #tpu.memory_space<hbm>> -> memref<1000001x64xf32, #tpu.memory_space<hbm>>
        tpu.enqueue_indirect_dma source(%dma_start3A_827 : memref<1000001x64xf32, #tpu.memory_space<hbm>>) target(%dma_start3A_821 : memref<64x64xf32, #tpu.memory_space<vmem>>) offsets(%dma_start3A_824 : memref<64xi32, #tpu.memory_space<vmem>>) semaphore(%arg12 : memref<!tpu.dma_semaphore, #tpu.memory_space<semaphore_mem>>)
        %mul3A_828 = arith.constant 4 : i32
        %mul3A_829 = arith.muli %mul3A_828, %sub3A_776 : i32
        %add3A_830 = arith.constant 3 : i32
        %add3A_831 = arith.addi %mul3A_829, %add3A_830 : i32
        %dma_start3A_832 = arith.constant 0 : i32
        %dma_start3A_833 = arith.constant 0 : i32
        %dma_start3A_834 = tpu.memref_slice %arg6[%scan3A_309, %dma_start3A_832, %dma_start3A_833] : memref<6x200x64xf32, #tpu.memory_space<vmem>> -> memref<1x200x64xf32, #tpu.memory_space<vmem>>
        %dma_start3A_835 = tpu.memref_squeeze %dma_start3A_834 : memref<1x200x64xf32, #tpu.memory_space<vmem>> -> memref<200x64xf32, #tpu.memory_space<vmem>>
        %dma_start3A_836 = arith.constant 192 : i32
        %dma_start3A_837 = arith.constant 0 : i32
        %dma_start3A_838 = tpu.memref_slice %dma_start3A_835[%dma_start3A_836, %dma_start3A_837] : memref<200x64xf32, #tpu.memory_space<vmem>> -> memref<8x64xf32, #tpu.memory_space<vmem>>
        %dma_start3A_839 = arith.constant 0 : i32
        %dma_start3A_840 = tpu.memref_slice %arg5[%add3A_831, %dma_start3A_839] : memref<512x64xi32, #tpu.memory_space<vmem>> -> memref<1x8xi32, #tpu.memory_space<vmem>>
        %dma_start3A_841 = tpu.memref_squeeze %dma_start3A_840 : memref<1x8xi32, #tpu.memory_space<vmem>> -> memref<8xi32, #tpu.memory_space<vmem>>
        %dma_start3A_842 = arith.constant 0 : i32
        %dma_start3A_843 = arith.constant 0 : i32
        %dma_start3A_844 = tpu.memref_slice %arg3[%dma_start3A_842, %dma_start3A_843] : memref<1000001x64xf32, #tpu.memory_space<hbm>> -> memref<1000001x64xf32, #tpu.memory_space<hbm>>
        tpu.enqueue_indirect_dma source(%dma_start3A_844 : memref<1000001x64xf32, #tpu.memory_space<hbm>>) target(%dma_start3A_838 : memref<8x64xf32, #tpu.memory_space<vmem>>) offsets(%dma_start3A_841 : memref<8xi32, #tpu.memory_space<vmem>>) semaphore(%arg12 : memref<!tpu.dma_semaphore, #tpu.memory_space<semaphore_mem>>)
      } else {
      }
      %dma_wait3A_725 = arith.constant 0 : i32
      %dma_wait3A_726 = arith.constant 0 : i32
      %dma_wait3A_727 = tpu.memref_slice %arg6[%scan3A_304, %dma_wait3A_725, %dma_wait3A_726] : memref<6x200x64xf32, #tpu.memory_space<vmem>> -> memref<1x200x64xf32, #tpu.memory_space<vmem>>
      %dma_wait3A_728 = tpu.memref_squeeze %dma_wait3A_727 : memref<1x200x64xf32, #tpu.memory_space<vmem>> -> memref<200x64xf32, #tpu.memory_space<vmem>>
      %dma_wait3A_729 = arith.constant 0 : i32
      %dma_wait3A_730 = arith.constant 0 : i32
      %dma_wait3A_731 = tpu.memref_slice %arg3[%dma_wait3A_729, %dma_wait3A_730] : memref<1000001x64xf32, #tpu.memory_space<hbm>> -> memref<200x64xf32, #tpu.memory_space<hbm>>
      %dma_wait3A_732 = arith.constant 0 : i32
      %dma_wait3A_733 = arith.constant 0 : i32
      %dma_wait3A_734 = tpu.memref_slice %arg6[%scan3A_304, %dma_wait3A_732, %dma_wait3A_733] : memref<6x200x64xf32, #tpu.memory_space<vmem>> -> memref<1x200x64xf32, #tpu.memory_space<vmem>>
      %dma_wait3A_735 = tpu.memref_squeeze %dma_wait3A_734 : memref<1x200x64xf32, #tpu.memory_space<vmem>> -> memref<200x64xf32, #tpu.memory_space<vmem>>
      %dma_wait3A_736 = arith.constant 0 : i32
      %dma_wait3A_737 = arith.constant 0 : i32
      %dma_wait3A_738 = tpu.memref_slice %arg3[%dma_wait3A_736, %dma_wait3A_737] : memref<1000001x64xf32, #tpu.memory_space<hbm>> -> memref<200x64xf32, #tpu.memory_space<hbm>>
      tpu.wait_dma2 semaphore(%arg13 : memref<!tpu.dma_semaphore, #tpu.memory_space<semaphore_mem>>) src(%dma_wait3A_738 : memref<200x64xf32, #tpu.memory_space<hbm>>) dst(%dma_wait3A_735 : memref<200x64xf32, #tpu.memory_space<vmem>>)
      %broadcast_in_dim3A_739 = arith.constant 0.000000e+00 : f32
      %broadcast_in_dim3A_740 = vector.broadcast %broadcast_in_dim3A_739 : f32 to vector<16xf32>
      %broadcast_in_dim3A_741 = arith.constant 0.000000e+00 : f32
      %broadcast_in_dim3A_742 = vector.broadcast %broadcast_in_dim3A_741 : f32 to vector<16xf32>
      %broadcast_in_dim3A_743 = arith.constant 0.000000e+00 : f32
      %broadcast_in_dim3A_744 = vector.broadcast %broadcast_in_dim3A_743 : f32 to vector<16xf32>
      %broadcast_in_dim3A_745 = arith.constant 0.000000e+00 : f32
      %broadcast_in_dim3A_746 = vector.broadcast %broadcast_in_dim3A_745 : f32 to vector<16xf32>
      %scan3A_747 = arith.constant 0 : i32
      %scan3A_748 = arith.constant 25 : i32
      %scan3A_749 = arith.addi %scan3A_747, %scan3A_748 : i32
      %scan3A_750 = arith.constant 1 : i32
      %scan3A_751:4 = scf.for %scan3A_773 = %scan3A_747 to %scan3A_749 step %scan3A_750 iter_args(%scan3A_774 = %broadcast_in_dim3A_740, %scan3A_775 = %broadcast_in_dim3A_742, %scan3A_776 = %broadcast_in_dim3A_744, %scan3A_777 = %broadcast_in_dim3A_746) -> (vector<16xf32>, vector<16xf32>, vector<16xf32>, vector<16xf32>)  : i32 {
        %mul3A_778 = arith.constant 8 : i32
        %mul3A_779 = arith.muli %scan3A_773, %mul3A_778 : i32
        %add3A_780 = arith.constant 0 : i32
        %add3A_781 = arith.addi %mul3A_779, %add3A_780 : i32
        %get3A = arith.constant 0 : i32
        %get3A_782 = arith.constant 0 : i32
        %get3A_783 = tpu.memref_slice %arg6[%scan3A_304, %get3A, %get3A_782] : memref<6x200x64xf32, #tpu.memory_space<vmem>> -> memref<1x200x64xf32, #tpu.memory_space<vmem>>
        %get3A_784 = tpu.memref_squeeze %get3A_783 : memref<1x200x64xf32, #tpu.memory_space<vmem>> -> memref<200x64xf32, #tpu.memory_space<vmem>>
        %get3A_785 = arith.index_cast %add3A_781 : i32 to index
        %get3A_786 = arith.constant 0 : index
        %get3A_787 = tpu.vector_load %get3A_784[%get3A_785, %get3A_786] {strides = array<i32>} : memref<200x64xf32, #tpu.memory_space<vmem>>, vector<1x16xf32>,
        %get3A_788 = vector.shape_cast %get3A_787 : vector<1x16xf32> to vector<16xf32>
        %add3A_789 = arith.addf %scan3A_774, %get3A_788 : vector<16xf32>
        %get3A_790 = arith.constant 0 : i32
        %get3A_791 = arith.constant 0 : i32
        %get3A_792 = tpu.memref_slice %arg6[%scan3A_304, %get3A_790, %get3A_791] : memref<6x200x64xf32, #tpu.memory_space<vmem>> -> memref<1x200x64xf32, #tpu.memory_space<vmem>>
        %get3A_793 = tpu.memref_squeeze %get3A_792 : memref<1x200x64xf32, #tpu.memory_space<vmem>> -> memref<200x64xf32, #tpu.memory_space<vmem>>
        %get3A_794 = arith.index_cast %add3A_781 : i32 to index
        %get3A_795 = arith.constant 16 : index
        %get3A_796 = tpu.vector_load %get3A_793[%get3A_794, %get3A_795] {strides = array<i32>} : memref<200x64xf32, #tpu.memory_space<vmem>>, vector<1x16xf32>,
        %get3A_797 = vector.shape_cast %get3A_796 : vector<1x16xf32> to vector<16xf32>
        %add3A_798 = arith.addf %scan3A_775, %get3A_797 : vector<16xf32>
        %get3A_799 = arith.constant 0 : i32
        %get3A_800 = arith.constant 0 : i32
        %get3A_801 = tpu.memref_slice %arg6[%scan3A_304, %get3A_799, %get3A_800] : memref<6x200x64xf32, #tpu.memory_space<vmem>> -> memref<1x200x64xf32, #tpu.memory_space<vmem>>
        %get3A_802 = tpu.memref_squeeze %get3A_801 : memref<1x200x64xf32, #tpu.memory_space<vmem>> -> memref<200x64xf32, #tpu.memory_space<vmem>>
        %get3A_803 = arith.index_cast %add3A_781 : i32 to index
        %get3A_804 = arith.constant 32 : index
        %get3A_805 = tpu.vector_load %get3A_802[%get3A_803, %get3A_804] {strides = array<i32>} : memref<200x64xf32, #tpu.memory_space<vmem>>, vector<1x16xf32>,
        %get3A_806 = vector.shape_cast %get3A_805 : vector<1x16xf32> to vector<16xf32>
        %add3A_807 = arith.addf %scan3A_776, %get3A_806 : vector<16xf32>
        %get3A_808 = arith.constant 0 : i32
        %get3A_809 = arith.constant 0 : i32
        %get3A_810 = tpu.memref_slice %arg6[%scan3A_304, %get3A_808, %get3A_809] : memref<6x200x64xf32, #tpu.memory_space<vmem>> -> memref<1x200x64xf32, #tpu.memory_space<vmem>>
        %get3A_811 = tpu.memref_squeeze %get3A_810 : memref<1x200x64xf32, #tpu.memory_space<vmem>> -> memref<200x64xf32, #tpu.memory_space<vmem>>
        %get3A_812 = arith.index_cast %add3A_781 : i32 to index
        %get3A_813 = arith.constant 48 : index
        %get3A_814 = tpu.vector_load %get3A_811[%get3A_812, %get3A_813] {strides = array<i32>} : memref<200x64xf32, #tpu.memory_space<vmem>>, vector<1x16xf32>,
        %get3A_815 = vector.shape_cast %get3A_814 : vector<1x16xf32> to vector<16xf32>
        %add3A_816 = arith.addf %scan3A_777, %get3A_815 : vector<16xf32>
        %mul3A_817 = arith.constant 8 : i32
        %mul3A_818 = arith.muli %scan3A_773, %mul3A_817 : i32
        %add3A_819 = arith.constant 1 : i32
        %add3A_820 = arith.addi %mul3A_818, %add3A_819 : i32
        %get3A_821 = arith.constant 0 : i32
        %get3A_822 = arith.constant 0 : i32
        %get3A_823 = tpu.memref_slice %arg6[%scan3A_304, %get3A_821, %get3A_822] : memref<6x200x64xf32, #tpu.memory_space<vmem>> -> memref<1x200x64xf32, #tpu.memory_space<vmem>>
        %get3A_824 = tpu.memref_squeeze %get3A_823 : memref<1x200x64xf32, #tpu.memory_space<vmem>> -> memref<200x64xf32, #tpu.memory_space<vmem>>
        %get3A_825 = arith.index_cast %add3A_820 : i32 to index
        %get3A_826 = arith.constant 0 : index
        %get3A_827 = tpu.vector_load %get3A_824[%get3A_825, %get3A_826] {strides = array<i32>} : memref<200x64xf32, #tpu.memory_space<vmem>>, vector<1x16xf32>,
        %get3A_828 = vector.shape_cast %get3A_827 : vector<1x16xf32> to vector<16xf32>
        %add3A_829 = arith.addf %add3A_789, %get3A_828 : vector<16xf32>
        %get3A_830 = arith.constant 0 : i32
        %get3A_831 = arith.constant 0 : i32
        %get3A_832 = tpu.memref_slice %arg6[%scan3A_304, %get3A_830, %get3A_831] : memref<6x200x64xf32, #tpu.memory_space<vmem>> -> memref<1x200x64xf32, #tpu.memory_space<vmem>>
        %get3A_833 = tpu.memref_squeeze %get3A_832 : memref<1x200x64xf32, #tpu.memory_space<vmem>> -> memref<200x64xf32, #tpu.memory_space<vmem>>
        %get3A_834 = arith.index_cast %add3A_820 : i32 to index
        %get3A_835 = arith.constant 16 : index
        %get3A_836 = tpu.vector_load %get3A_833[%get3A_834, %get3A_835] {strides = array<i32>} : memref<200x64xf32, #tpu.memory_space<vmem>>, vector<1x16xf32>,
        %get3A_837 = vector.shape_cast %get3A_836 : vector<1x16xf32> to vector<16xf32>
        %add3A_838 = arith.addf %add3A_798, %get3A_837 : vector<16xf32>
        %get3A_839 = arith.constant 0 : i32
        %get3A_840 = arith.constant 0 : i32
        %get3A_841 = tpu.memref_slice %arg6[%scan3A_304, %get3A_839, %get3A_840] : memref<6x200x64xf32, #tpu.memory_space<vmem>> -> memref<1x200x64xf32, #tpu.memory_space<vmem>>
        %get3A_842 = tpu.memref_squeeze %get3A_841 : memref<1x200x64xf32, #tpu.memory_space<vmem>> -> memref<200x64xf32, #tpu.memory_space<vmem>>
        %get3A_843 = arith.index_cast %add3A_820 : i32 to index
        %get3A_844 = arith.constant 32 : index
        %get3A_845 = tpu.vector_load %get3A_842[%get3A_843, %get3A_844] {strides = array<i32>} : memref<200x64xf32, #tpu.memory_space<vmem>>, vector<1x16xf32>,
        %get3A_846 = vector.shape_cast %get3A_845 : vector<1x16xf32> to vector<16xf32>
        %add3A_847 = arith.addf %add3A_807, %get3A_846 : vector<16xf32>
        %get3A_848 = arith.constant 0 : i32
        %get3A_849 = arith.constant 0 : i32
        %get3A_850 = tpu.memref_slice %arg6[%scan3A_304, %get3A_848, %get3A_849] : memref<6x200x64xf32, #tpu.memory_space<vmem>> -> memref<1x200x64xf32, #tpu.memory_space<vmem>>
        %get3A_851 = tpu.memref_squeeze %get3A_850 : memref<1x200x64xf32, #tpu.memory_space<vmem>> -> memref<200x64xf32, #tpu.memory_space<vmem>>
        %get3A_852 = arith.index_cast %add3A_820 : i32 to index
        %get3A_853 = arith.constant 48 : index
        %get3A_854 = tpu.vector_load %get3A_851[%get3A_852, %get3A_853] {strides = array<i32>} : memref<200x64xf32, #tpu.memory_space<vmem>>, vector<1x16xf32>,
        %get3A_855 = vector.shape_cast %get3A_854 : vector<1x16xf32> to vector<16xf32>
        %add3A_856 = arith.addf %add3A_816, %get3A_855 : vector<16xf32>
        %mul3A_857 = arith.constant 8 : i32
        %mul3A_858 = arith.muli %scan3A_773, %mul3A_857 : i32
        %add3A_859 = arith.constant 2 : i32
        %add3A_860 = arith.addi %mul3A_858, %add3A_859 : i32
        %get3A_861 = arith.constant 0 : i32
        %get3A_862 = arith.constant 0 : i32
        %get3A_863 = tpu.memref_slice %arg6[%scan3A_304, %get3A_861, %get3A_862] : memref<6x200x64xf32, #tpu.memory_space<vmem>> -> memref<1x200x64xf32, #tpu.memory_space<vmem>>
        %get3A_864 = tpu.memref_squeeze %get3A_863 : memref<1x200x64xf32, #tpu.memory_space<vmem>> -> memref<200x64xf32, #tpu.memory_space<vmem>>
        %get3A_865 = arith.index_cast %add3A_860 : i32 to index
        %get3A_866 = arith.constant 0 : index
        %get3A_867 = tpu.vector_load %get3A_864[%get3A_865, %get3A_866] {strides = array<i32>} : memref<200x64xf32, #tpu.memory_space<vmem>>, vector<1x16xf32>,
        %get3A_868 = vector.shape_cast %get3A_867 : vector<1x16xf32> to vector<16xf32>
        %add3A_869 = arith.addf %add3A_829, %get3A_868 : vector<16xf32>
        %get3A_870 = arith.constant 0 : i32
        %get3A_871 = arith.constant 0 : i32
        %get3A_872 = tpu.memref_slice %arg6[%scan3A_304, %get3A_870, %get3A_871] : memref<6x200x64xf32, #tpu.memory_space<vmem>> -> memref<1x200x64xf32, #tpu.memory_space<vmem>>
        %get3A_873 = tpu.memref_squeeze %get3A_872 : memref<1x200x64xf32, #tpu.memory_space<vmem>> -> memref<200x64xf32, #tpu.memory_space<vmem>>
        %get3A_874 = arith.index_cast %add3A_860 : i32 to index
        %get3A_875 = arith.constant 16 : index
        %get3A_876 = tpu.vector_load %get3A_873[%get3A_874, %get3A_875] {strides = array<i32>} : memref<200x64xf32, #tpu.memory_space<vmem>>, vector<1x16xf32>,
        %get3A_877 = vector.shape_cast %get3A_876 : vector<1x16xf32> to vector<16xf32>
        %add3A_878 = arith.addf %add3A_838, %get3A_877 : vector<16xf32>
        %get3A_879 = arith.constant 0 : i32
        %get3A_880 = arith.constant 0 : i32
        %get3A_881 = tpu.memref_slice %arg6[%scan3A_304, %get3A_879, %get3A_880] : memref<6x200x64xf32, #tpu.memory_space<vmem>> -> memref<1x200x64xf32, #tpu.memory_space<vmem>>
        %get3A_882 = tpu.memref_squeeze %get3A_881 : memref<1x200x64xf32, #tpu.memory_space<vmem>> -> memref<200x64xf32, #tpu.memory_space<vmem>>
        %get3A_883 = arith.index_cast %add3A_860 : i32 to index
        %get3A_884 = arith.constant 32 : index
        %get3A_885 = tpu.vector_load %get3A_882[%get3A_883, %get3A_884] {strides = array<i32>} : memref<200x64xf32, #tpu.memory_space<vmem>>, vector<1x16xf32>,
        %get3A_886 = vector.shape_cast %get3A_885 : vector<1x16xf32> to vector<16xf32>
        %add3A_887 = arith.addf %add3A_847, %get3A_886 : vector<16xf32>
        %get3A_888 = arith.constant 0 : i32
        %get3A_889 = arith.constant 0 : i32
        %get3A_890 = tpu.memref_slice %arg6[%scan3A_304, %get3A_888, %get3A_889] : memref<6x200x64xf32, #tpu.memory_space<vmem>> -> memref<1x200x64xf32, #tpu.memory_space<vmem>>
        %get3A_891 = tpu.memref_squeeze %get3A_890 : memref<1x200x64xf32, #tpu.memory_space<vmem>> -> memref<200x64xf32, #tpu.memory_space<vmem>>
        %get3A_892 = arith.index_cast %add3A_860 : i32 to index
        %get3A_893 = arith.constant 48 : index
        %get3A_894 = tpu.vector_load %get3A_891[%get3A_892, %get3A_893] {strides = array<i32>} : memref<200x64xf32, #tpu.memory_space<vmem>>, vector<1x16xf32>,
        %get3A_895 = vector.shape_cast %get3A_894 : vector<1x16xf32> to vector<16xf32>
        %add3A_896 = arith.addf %add3A_856, %get3A_895 : vector<16xf32>
        %mul3A_897 = arith.constant 8 : i32
        %mul3A_898 = arith.muli %scan3A_773, %mul3A_897 : i32
        %add3A_899 = arith.constant 3 : i32
        %add3A_900 = arith.addi %mul3A_898, %add3A_899 : i32
        %get3A_901 = arith.constant 0 : i32
        %get3A_902 = arith.constant 0 : i32
        %get3A_903 = tpu.memref_slice %arg6[%scan3A_304, %get3A_901, %get3A_902] : memref<6x200x64xf32, #tpu.memory_space<vmem>> -> memref<1x200x64xf32, #tpu.memory_space<vmem>>
        %get3A_904 = tpu.memref_squeeze %get3A_903 : memref<1x200x64xf32, #tpu.memory_space<vmem>> -> memref<200x64xf32, #tpu.memory_space<vmem>>
        %get3A_905 = arith.index_cast %add3A_900 : i32 to index
        %get3A_906 = arith.constant 0 : index
        %get3A_907 = tpu.vector_load %get3A_904[%get3A_905, %get3A_906] {strides = array<i32>} : memref<200x64xf32, #tpu.memory_space<vmem>>, vector<1x16xf32>,
        %get3A_908 = vector.shape_cast %get3A_907 : vector<1x16xf32> to vector<16xf32>
        %add3A_909 = arith.addf %add3A_869, %get3A_908 : vector<16xf32>
        %get3A_910 = arith.constant 0 : i32
        %get3A_911 = arith.constant 0 : i32
        %get3A_912 = tpu.memref_slice %arg6[%scan3A_304, %get3A_910, %get3A_911] : memref<6x200x64xf32, #tpu.memory_space<vmem>> -> memref<1x200x64xf32, #tpu.memory_space<vmem>>
        %get3A_913 = tpu.memref_squeeze %get3A_912 : memref<1x200x64xf32, #tpu.memory_space<vmem>> -> memref<200x64xf32, #tpu.memory_space<vmem>>
        %get3A_914 = arith.index_cast %add3A_900 : i32 to index
        %get3A_915 = arith.constant 16 : index
        %get3A_916 = tpu.vector_load %get3A_913[%get3A_914, %get3A_915] {strides = array<i32>} : memref<200x64xf32, #tpu.memory_space<vmem>>, vector<1x16xf32>,
        %get3A_917 = vector.shape_cast %get3A_916 : vector<1x16xf32> to vector<16xf32>
        %add3A_918 = arith.addf %add3A_878, %get3A_917 : vector<16xf32>
        %get3A_919 = arith.constant 0 : i32
        %get3A_920 = arith.constant 0 : i32
        %get3A_921 = tpu.memref_slice %arg6[%scan3A_304, %get3A_919, %get3A_920] : memref<6x200x64xf32, #tpu.memory_space<vmem>> -> memref<1x200x64xf32, #tpu.memory_space<vmem>>
        %get3A_922 = tpu.memref_squeeze %get3A_921 : memref<1x200x64xf32, #tpu.memory_space<vmem>> -> memref<200x64xf32, #tpu.memory_space<vmem>>
        %get3A_923 = arith.index_cast %add3A_900 : i32 to index
        %get3A_924 = arith.constant 32 : index
        %get3A_925 = tpu.vector_load %get3A_922[%get3A_923, %get3A_924] {strides = array<i32>} : memref<200x64xf32, #tpu.memory_space<vmem>>, vector<1x16xf32>,
        %get3A_926 = vector.shape_cast %get3A_925 : vector<1x16xf32> to vector<16xf32>
        %add3A_927 = arith.addf %add3A_887, %get3A_926 : vector<16xf32>
        %get3A_928 = arith.constant 0 : i32
        %get3A_929 = arith.constant 0 : i32
        %get3A_930 = tpu.memref_slice %arg6[%scan3A_304, %get3A_928, %get3A_929] : memref<6x200x64xf32, #tpu.memory_space<vmem>> -> memref<1x200x64xf32, #tpu.memory_space<vmem>>
        %get3A_931 = tpu.memref_squeeze %get3A_930 : memref<1x200x64xf32, #tpu.memory_space<vmem>> -> memref<200x64xf32, #tpu.memory_space<vmem>>
        %get3A_932 = arith.index_cast %add3A_900 : i32 to index
        %get3A_933 = arith.constant 48 : index
        %get3A_934 = tpu.vector_load %get3A_931[%get3A_932, %get3A_933] {strides = array<i32>} : memref<200x64xf32, #tpu.memory_space<vmem>>, vector<1x16xf32>,
        %get3A_935 = vector.shape_cast %get3A_934 : vector<1x16xf32> to vector<16xf32>
        %add3A_936 = arith.addf %add3A_896, %get3A_935 : vector<16xf32>
        %mul3A_937 = arith.constant 8 : i32
        %mul3A_938 = arith.muli %scan3A_773, %mul3A_937 : i32
        %add3A_939 = arith.constant 4 : i32
        %add3A_940 = arith.addi %mul3A_938, %add3A_939 : i32
        %get3A_941 = arith.constant 0 : i32
        %get3A_942 = arith.constant 0 : i32
        %get3A_943 = tpu.memref_slice %arg6[%scan3A_304, %get3A_941, %get3A_942] : memref<6x200x64xf32, #tpu.memory_space<vmem>> -> memref<1x200x64xf32, #tpu.memory_space<vmem>>
        %get3A_944 = tpu.memref_squeeze %get3A_943 : memref<1x200x64xf32, #tpu.memory_space<vmem>> -> memref<200x64xf32, #tpu.memory_space<vmem>>
        %get3A_945 = arith.index_cast %add3A_940 : i32 to index
        %get3A_946 = arith.constant 0 : index
        %get3A_947 = tpu.vector_load %get3A_944[%get3A_945, %get3A_946] {strides = array<i32>} : memref<200x64xf32, #tpu.memory_space<vmem>>, vector<1x16xf32>,
        %get3A_948 = vector.shape_cast %get3A_947 : vector<1x16xf32> to vector<16xf32>
        %add3A_949 = arith.addf %add3A_909, %get3A_948 : vector<16xf32>
        %get3A_950 = arith.constant 0 : i32
        %get3A_951 = arith.constant 0 : i32
        %get3A_952 = tpu.memref_slice %arg6[%scan3A_304, %get3A_950, %get3A_951] : memref<6x200x64xf32, #tpu.memory_space<vmem>> -> memref<1x200x64xf32, #tpu.memory_space<vmem>>
        %get3A_953 = tpu.memref_squeeze %get3A_952 : memref<1x200x64xf32, #tpu.memory_space<vmem>> -> memref<200x64xf32, #tpu.memory_space<vmem>>
        %get3A_954 = arith.index_cast %add3A_940 : i32 to index
        %get3A_955 = arith.constant 16 : index
        %get3A_956 = tpu.vector_load %get3A_953[%get3A_954, %get3A_955] {strides = array<i32>} : memref<200x64xf32, #tpu.memory_space<vmem>>, vector<1x16xf32>,
        %get3A_957 = vector.shape_cast %get3A_956 : vector<1x16xf32> to vector<16xf32>
        %add3A_958 = arith.addf %add3A_918, %get3A_957 : vector<16xf32>
        %get3A_959 = arith.constant 0 : i32
        %get3A_960 = arith.constant 0 : i32
        %get3A_961 = tpu.memref_slice %arg6[%scan3A_304, %get3A_959, %get3A_960] : memref<6x200x64xf32, #tpu.memory_space<vmem>> -> memref<1x200x64xf32, #tpu.memory_space<vmem>>
        %get3A_962 = tpu.memref_squeeze %get3A_961 : memref<1x200x64xf32, #tpu.memory_space<vmem>> -> memref<200x64xf32, #tpu.memory_space<vmem>>
        %get3A_963 = arith.index_cast %add3A_940 : i32 to index
        %get3A_964 = arith.constant 32 : index
        %get3A_965 = tpu.vector_load %get3A_962[%get3A_963, %get3A_964] {strides = array<i32>} : memref<200x64xf32, #tpu.memory_space<vmem>>, vector<1x16xf32>,
        %get3A_966 = vector.shape_cast %get3A_965 : vector<1x16xf32> to vector<16xf32>
        %add3A_967 = arith.addf %add3A_927, %get3A_966 : vector<16xf32>
        %get3A_968 = arith.constant 0 : i32
        %get3A_969 = arith.constant 0 : i32
        %get3A_970 = tpu.memref_slice %arg6[%scan3A_304, %get3A_968, %get3A_969] : memref<6x200x64xf32, #tpu.memory_space<vmem>> -> memref<1x200x64xf32, #tpu.memory_space<vmem>>
        %get3A_971 = tpu.memref_squeeze %get3A_970 : memref<1x200x64xf32, #tpu.memory_space<vmem>> -> memref<200x64xf32, #tpu.memory_space<vmem>>
        %get3A_972 = arith.index_cast %add3A_940 : i32 to index
        %get3A_973 = arith.constant 48 : index
        %get3A_974 = tpu.vector_load %get3A_971[%get3A_972, %get3A_973] {strides = array<i32>} : memref<200x64xf32, #tpu.memory_space<vmem>>, vector<1x16xf32>,
        %get3A_975 = vector.shape_cast %get3A_974 : vector<1x16xf32> to vector<16xf32>
        %add3A_976 = arith.addf %add3A_936, %get3A_975 : vector<16xf32>
        %mul3A_977 = arith.constant 8 : i32
        %mul3A_978 = arith.muli %scan3A_773, %mul3A_977 : i32
        %add3A_979 = arith.constant 5 : i32
        %add3A_980 = arith.addi %mul3A_978, %add3A_979 : i32
        %get3A_981 = arith.constant 0 : i32
        %get3A_982 = arith.constant 0 : i32
        %get3A_983 = tpu.memref_slice %arg6[%scan3A_304, %get3A_981, %get3A_982] : memref<6x200x64xf32, #tpu.memory_space<vmem>> -> memref<1x200x64xf32, #tpu.memory_space<vmem>>
        %get3A_984 = tpu.memref_squeeze %get3A_983 : memref<1x200x64xf32, #tpu.memory_space<vmem>> -> memref<200x64xf32, #tpu.memory_space<vmem>>
        %get3A_985 = arith.index_cast %add3A_980 : i32 to index
        %get3A_986 = arith.constant 0 : index
        %get3A_987 = tpu.vector_load %get3A_984[%get3A_985, %get3A_986] {strides = array<i32>} : memref<200x64xf32, #tpu.memory_space<vmem>>, vector<1x16xf32>,
        %get3A_988 = vector.shape_cast %get3A_987 : vector<1x16xf32> to vector<16xf32>
        %add3A_989 = arith.addf %add3A_949, %get3A_988 : vector<16xf32>
        %get3A_990 = arith.constant 0 : i32
        %get3A_991 = arith.constant 0 : i32
        %get3A_992 = tpu.memref_slice %arg6[%scan3A_304, %get3A_990, %get3A_991] : memref<6x200x64xf32, #tpu.memory_space<vmem>> -> memref<1x200x64xf32, #tpu.memory_space<vmem>>
        %get3A_993 = tpu.memref_squeeze %get3A_992 : memref<1x200x64xf32, #tpu.memory_space<vmem>> -> memref<200x64xf32, #tpu.memory_space<vmem>>
        %get3A_994 = arith.index_cast %add3A_980 : i32 to index
        %get3A_995 = arith.constant 16 : index
        %get3A_996 = tpu.vector_load %get3A_993[%get3A_994, %get3A_995] {strides = array<i32>} : memref<200x64xf32, #tpu.memory_space<vmem>>, vector<1x16xf32>,
        %get3A_997 = vector.shape_cast %get3A_996 : vector<1x16xf32> to vector<16xf32>
        %add3A_998 = arith.addf %add3A_958, %get3A_997 : vector<16xf32>
        %get3A_999 = arith.constant 0 : i32
        %get3A_1000 = arith.constant 0 : i32
        %get3A_1001 = tpu.memref_slice %arg6[%scan3A_304, %get3A_999, %get3A_1000] : memref<6x200x64xf32, #tpu.memory_space<vmem>> -> memref<1x200x64xf32, #tpu.memory_space<vmem>>
        %get3A_1002 = tpu.memref_squeeze %get3A_1001 : memref<1x200x64xf32, #tpu.memory_space<vmem>> -> memref<200x64xf32, #tpu.memory_space<vmem>>
        %get3A_1003 = arith.index_cast %add3A_980 : i32 to index
        %get3A_1004 = arith.constant 32 : index
        %get3A_1005 = tpu.vector_load %get3A_1002[%get3A_1003, %get3A_1004] {strides = array<i32>} : memref<200x64xf32, #tpu.memory_space<vmem>>, vector<1x16xf32>,
        %get3A_1006 = vector.shape_cast %get3A_1005 : vector<1x16xf32> to vector<16xf32>
        %add3A_1007 = arith.addf %add3A_967, %get3A_1006 : vector<16xf32>
        %get3A_1008 = arith.constant 0 : i32
        %get3A_1009 = arith.constant 0 : i32
        %get3A_1010 = tpu.memref_slice %arg6[%scan3A_304, %get3A_1008, %get3A_1009] : memref<6x200x64xf32, #tpu.memory_space<vmem>> -> memref<1x200x64xf32, #tpu.memory_space<vmem>>
        %get3A_1011 = tpu.memref_squeeze %get3A_1010 : memref<1x200x64xf32, #tpu.memory_space<vmem>> -> memref<200x64xf32, #tpu.memory_space<vmem>>
        %get3A_1012 = arith.index_cast %add3A_980 : i32 to index
        %get3A_1013 = arith.constant 48 : index
        %get3A_1014 = tpu.vector_load %get3A_1011[%get3A_1012, %get3A_1013] {strides = array<i32>} : memref<200x64xf32, #tpu.memory_space<vmem>>, vector<1x16xf32>,
        %get3A_1015 = vector.shape_cast %get3A_1014 : vector<1x16xf32> to vector<16xf32>
        %add3A_1016 = arith.addf %add3A_976, %get3A_1015 : vector<16xf32>
        %mul3A_1017 = arith.constant 8 : i32
        %mul3A_1018 = arith.muli %scan3A_773, %mul3A_1017 : i32
        %add3A_1019 = arith.constant 6 : i32
        %add3A_1020 = arith.addi %mul3A_1018, %add3A_1019 : i32
        %get3A_1021 = arith.constant 0 : i32
        %get3A_1022 = arith.constant 0 : i32
        %get3A_1023 = tpu.memref_slice %arg6[%scan3A_304, %get3A_1021, %get3A_1022] : memref<6x200x64xf32, #tpu.memory_space<vmem>> -> memref<1x200x64xf32, #tpu.memory_space<vmem>>
        %get3A_1024 = tpu.memref_squeeze %get3A_1023 : memref<1x200x64xf32, #tpu.memory_space<vmem>> -> memref<200x64xf32, #tpu.memory_space<vmem>>
        %get3A_1025 = arith.index_cast %add3A_1020 : i32 to index
        %get3A_1026 = arith.constant 0 : index
        %get3A_1027 = tpu.vector_load %get3A_1024[%get3A_1025, %get3A_1026] {strides = array<i32>} : memref<200x64xf32, #tpu.memory_space<vmem>>, vector<1x16xf32>,
        %get3A_1028 = vector.shape_cast %get3A_1027 : vector<1x16xf32> to vector<16xf32>
        %add3A_1029 = arith.addf %add3A_989, %get3A_1028 : vector<16xf32>
        %get3A_1030 = arith.constant 0 : i32
        %get3A_1031 = arith.constant 0 : i32
        %get3A_1032 = tpu.memref_slice %arg6[%scan3A_304, %get3A_1030, %get3A_1031] : memref<6x200x64xf32, #tpu.memory_space<vmem>> -> memref<1x200x64xf32, #tpu.memory_space<vmem>>
        %get3A_1033 = tpu.memref_squeeze %get3A_1032 : memref<1x200x64xf32, #tpu.memory_space<vmem>> -> memref<200x64xf32, #tpu.memory_space<vmem>>
        %get3A_1034 = arith.index_cast %add3A_1020 : i32 to index
        %get3A_1035 = arith.constant 16 : index
        %get3A_1036 = tpu.vector_load %get3A_1033[%get3A_1034, %get3A_1035] {strides = array<i32>} : memref<200x64xf32, #tpu.memory_space<vmem>>, vector<1x16xf32>,
        %get3A_1037 = vector.shape_cast %get3A_1036 : vector<1x16xf32> to vector<16xf32>
        %add3A_1038 = arith.addf %add3A_998, %get3A_1037 : vector<16xf32>
        %get3A_1039 = arith.constant 0 : i32
        %get3A_1040 = arith.constant 0 : i32
        %get3A_1041 = tpu.memref_slice %arg6[%scan3A_304, %get3A_1039, %get3A_1040] : memref<6x200x64xf32, #tpu.memory_space<vmem>> -> memref<1x200x64xf32, #tpu.memory_space<vmem>>
        %get3A_1042 = tpu.memref_squeeze %get3A_1041 : memref<1x200x64xf32, #tpu.memory_space<vmem>> -> memref<200x64xf32, #tpu.memory_space<vmem>>
        %get3A_1043 = arith.index_cast %add3A_1020 : i32 to index
        %get3A_1044 = arith.constant 32 : index
        %get3A_1045 = tpu.vector_load %get3A_1042[%get3A_1043, %get3A_1044] {strides = array<i32>} : memref<200x64xf32, #tpu.memory_space<vmem>>, vector<1x16xf32>,
        %get3A_1046 = vector.shape_cast %get3A_1045 : vector<1x16xf32> to vector<16xf32>
        %add3A_1047 = arith.addf %add3A_1007, %get3A_1046 : vector<16xf32>
        %get3A_1048 = arith.constant 0 : i32
        %get3A_1049 = arith.constant 0 : i32
        %get3A_1050 = tpu.memref_slice %arg6[%scan3A_304, %get3A_1048, %get3A_1049] : memref<6x200x64xf32, #tpu.memory_space<vmem>> -> memref<1x200x64xf32, #tpu.memory_space<vmem>>
        %get3A_1051 = tpu.memref_squeeze %get3A_1050 : memref<1x200x64xf32, #tpu.memory_space<vmem>> -> memref<200x64xf32, #tpu.memory_space<vmem>>
        %get3A_1052 = arith.index_cast %add3A_1020 : i32 to index
        %get3A_1053 = arith.constant 48 : index
        %get3A_1054 = tpu.vector_load %get3A_1051[%get3A_1052, %get3A_1053] {strides = array<i32>} : memref<200x64xf32, #tpu.memory_space<vmem>>, vector<1x16xf32>,
        %get3A_1055 = vector.shape_cast %get3A_1054 : vector<1x16xf32> to vector<16xf32>
        %add3A_1056 = arith.addf %add3A_1016, %get3A_1055 : vector<16xf32>
        %mul3A_1057 = arith.constant 8 : i32
        %mul3A_1058 = arith.muli %scan3A_773, %mul3A_1057 : i32
        %add3A_1059 = arith.constant 7 : i32
        %add3A_1060 = arith.addi %mul3A_1058, %add3A_1059 : i32
        %get3A_1061 = arith.constant 0 : i32
        %get3A_1062 = arith.constant 0 : i32
        %get3A_1063 = tpu.memref_slice %arg6[%scan3A_304, %get3A_1061, %get3A_1062] : memref<6x200x64xf32, #tpu.memory_space<vmem>> -> memref<1x200x64xf32, #tpu.memory_space<vmem>>
        %get3A_1064 = tpu.memref_squeeze %get3A_1063 : memref<1x200x64xf32, #tpu.memory_space<vmem>> -> memref<200x64xf32, #tpu.memory_space<vmem>>
        %get3A_1065 = arith.index_cast %add3A_1060 : i32 to index
        %get3A_1066 = arith.constant 0 : index
        %get3A_1067 = tpu.vector_load %get3A_1064[%get3A_1065, %get3A_1066] {strides = array<i32>} : memref<200x64xf32, #tpu.memory_space<vmem>>, vector<1x16xf32>,
        %get3A_1068 = vector.shape_cast %get3A_1067 : vector<1x16xf32> to vector<16xf32>
        %add3A_1069 = arith.addf %add3A_1029, %get3A_1068 : vector<16xf32>
        %get3A_1070 = arith.constant 0 : i32
        %get3A_1071 = arith.constant 0 : i32
        %get3A_1072 = tpu.memref_slice %arg6[%scan3A_304, %get3A_1070, %get3A_1071] : memref<6x200x64xf32, #tpu.memory_space<vmem>> -> memref<1x200x64xf32, #tpu.memory_space<vmem>>
        %get3A_1073 = tpu.memref_squeeze %get3A_1072 : memref<1x200x64xf32, #tpu.memory_space<vmem>> -> memref<200x64xf32, #tpu.memory_space<vmem>>
        %get3A_1074 = arith.index_cast %add3A_1060 : i32 to index
        %get3A_1075 = arith.constant 16 : index
        %get3A_1076 = tpu.vector_load %get3A_1073[%get3A_1074, %get3A_1075] {strides = array<i32>} : memref<200x64xf32, #tpu.memory_space<vmem>>, vector<1x16xf32>,
        %get3A_1077 = vector.shape_cast %get3A_1076 : vector<1x16xf32> to vector<16xf32>
        %add3A_1078 = arith.addf %add3A_1038, %get3A_1077 : vector<16xf32>
        %get3A_1079 = arith.constant 0 : i32
        %get3A_1080 = arith.constant 0 : i32
        %get3A_1081 = tpu.memref_slice %arg6[%scan3A_304, %get3A_1079, %get3A_1080] : memref<6x200x64xf32, #tpu.memory_space<vmem>> -> memref<1x200x64xf32, #tpu.memory_space<vmem>>
        %get3A_1082 = tpu.memref_squeeze %get3A_1081 : memref<1x200x64xf32, #tpu.memory_space<vmem>> -> memref<200x64xf32, #tpu.memory_space<vmem>>
        %get3A_1083 = arith.index_cast %add3A_1060 : i32 to index
        %get3A_1084 = arith.constant 32 : index
        %get3A_1085 = tpu.vector_load %get3A_1082[%get3A_1083, %get3A_1084] {strides = array<i32>} : memref<200x64xf32, #tpu.memory_space<vmem>>, vector<1x16xf32>,
        %get3A_1086 = vector.shape_cast %get3A_1085 : vector<1x16xf32> to vector<16xf32>
        %add3A_1087 = arith.addf %add3A_1047, %get3A_1086 : vector<16xf32>
        %get3A_1088 = arith.constant 0 : i32
        %get3A_1089 = arith.constant 0 : i32
        %get3A_1090 = tpu.memref_slice %arg6[%scan3A_304, %get3A_1088, %get3A_1089] : memref<6x200x64xf32, #tpu.memory_space<vmem>> -> memref<1x200x64xf32, #tpu.memory_space<vmem>>
        %get3A_1091 = tpu.memref_squeeze %get3A_1090 : memref<1x200x64xf32, #tpu.memory_space<vmem>> -> memref<200x64xf32, #tpu.memory_space<vmem>>
        %get3A_1092 = arith.index_cast %add3A_1060 : i32 to index
        %get3A_1093 = arith.constant 48 : index
        %get3A_1094 = tpu.vector_load %get3A_1091[%get3A_1092, %get3A_1093] {strides = array<i32>} : memref<200x64xf32, #tpu.memory_space<vmem>>, vector<1x16xf32>,
        %get3A_1095 = vector.shape_cast %get3A_1094 : vector<1x16xf32> to vector<16xf32>
        %add3A_1096 = arith.addf %add3A_1056, %get3A_1095 : vector<16xf32>
        scf.yield %add3A_1069, %add3A_1078, %add3A_1087, %add3A_1096 : vector<16xf32>, vector<16xf32>, vector<16xf32>, vector<16xf32>
      }
      %scan3A_752 = arith.constant 25 : i32
      %swap3A_753 = arith.index_cast %add3A_715 : i32 to index
      %swap3A_754 = arith.constant 0 : index
      %swap3A_755 = tpu.vector_load %arg7[%swap3A_753, %swap3A_754] {strides = array<i32>} : memref<128x64xf32, #tpu.memory_space<vmem>>, vector<1x16xf32>,
      %swap3A_756 = vector.shape_cast %swap3A_755 : vector<1x16xf32> to vector<16xf32>
      %swap3A_757 = vector.shape_cast %scan3A_751#0 : vector<16xf32> to vector<1x16xf32>
      tpu.vector_store %arg7[%swap3A_753, %swap3A_754], %swap3A_757 {strides = array<i32>} : memref<128x64xf32, #tpu.memory_space<vmem>>, vector<1x16xf32>,
      %swap3A_758 = arith.index_cast %add3A_715 : i32 to index
      %swap3A_759 = arith.constant 16 : index
      %swap3A_760 = tpu.vector_load %arg7[%swap3A_758, %swap3A_759] {strides = array<i32>} : memref<128x64xf32, #tpu.memory_space<vmem>>, vector<1x16xf32>,
      %swap3A_761 = vector.shape_cast %swap3A_760 : vector<1x16xf32> to vector<16xf32>
      %swap3A_762 = vector.shape_cast %scan3A_751#1 : vector<16xf32> to vector<1x16xf32>
      tpu.vector_store %arg7[%swap3A_758, %swap3A_759], %swap3A_762 {strides = array<i32>} : memref<128x64xf32, #tpu.memory_space<vmem>>, vector<1x16xf32>,
      %swap3A_763 = arith.index_cast %add3A_715 : i32 to index
      %swap3A_764 = arith.constant 32 : index
      %swap3A_765 = tpu.vector_load %arg7[%swap3A_763, %swap3A_764] {strides = array<i32>} : memref<128x64xf32, #tpu.memory_space<vmem>>, vector<1x16xf32>,
      %swap3A_766 = vector.shape_cast %swap3A_765 : vector<1x16xf32> to vector<16xf32>
      %swap3A_767 = vector.shape_cast %scan3A_751#2 : vector<16xf32> to vector<1x16xf32>
      tpu.vector_store %arg7[%swap3A_763, %swap3A_764], %swap3A_767 {strides = array<i32>} : memref<128x64xf32, #tpu.memory_space<vmem>>, vector<1x16xf32>,
      %swap3A_768 = arith.index_cast %add3A_715 : i32 to index
      %swap3A_769 = arith.constant 48 : index
      %swap3A_770 = tpu.vector_load %arg7[%swap3A_768, %swap3A_769] {strides = array<i32>} : memref<128x64xf32, #tpu.memory_space<vmem>>, vector<1x16xf32>,
      %swap3A_771 = vector.shape_cast %swap3A_770 : vector<1x16xf32> to vector<16xf32>
      %swap3A_772 = vector.shape_cast %scan3A_751#3 : vector<16xf32> to vector<1x16xf32>
      tpu.vector_store %arg7[%swap3A_768, %swap3A_769], %swap3A_772 {strides = array<i32>} : memref<128x64xf32, #tpu.memory_space<vmem>>, vector<1x16xf32>,
    }
    %scan3A_314 = arith.constant 21 : i32
    %dma_wait3A = arith.constant 0 : i32
    %dma_wait3A_315 = arith.constant 0 : i32
    %dma_wait3A_316 = arith.constant 0 : i32
    %dma_wait3A_317 = tpu.memref_slice %arg6[%dma_wait3A, %dma_wait3A_315, %dma_wait3A_316] : memref<6x200x64xf32, #tpu.memory_space<vmem>> -> memref<1x200x64xf32, #tpu.memory_space<vmem>>
    %dma_wait3A_318 = tpu.memref_squeeze %dma_wait3A_317 : memref<1x200x64xf32, #tpu.memory_space<vmem>> -> memref<200x64xf32, #tpu.memory_space<vmem>>
    %dma_wait3A_319 = arith.constant 0 : i32
    %dma_wait3A_320 = arith.constant 0 : i32
    %dma_wait3A_321 = tpu.memref_slice %arg3[%dma_wait3A_319, %dma_wait3A_320] : memref<1000001x64xf32, #tpu.memory_space<hbm>> -> memref<200x64xf32, #tpu.memory_space<hbm>>
    %dma_wait3A_322 = arith.constant 0 : i32
    %dma_wait3A_323 = arith.constant 0 : i32
    %dma_wait3A_324 = tpu.memref_slice %arg6[%dma_wait3A, %dma_wait3A_322, %dma_wait3A_323] : memref<6x200x64xf32, #tpu.memory_space<vmem>> -> memref<1x200x64xf32, #tpu.memory_space<vmem>>
    %dma_wait3A_325 = tpu.memref_squeeze %dma_wait3A_324 : memref<1x200x64xf32, #tpu.memory_space<vmem>> -> memref<200x64xf32, #tpu.memory_space<vmem>>
    %dma_wait3A_326 = arith.constant 0 : i32
    %dma_wait3A_327 = arith.constant 0 : i32
    %dma_wait3A_328 = tpu.memref_slice %arg3[%dma_wait3A_326, %dma_wait3A_327] : memref<1000001x64xf32, #tpu.memory_space<hbm>> -> memref<200x64xf32, #tpu.memory_space<hbm>>
    tpu.wait_dma2 semaphore(%arg8 : memref<!tpu.dma_semaphore, #tpu.memory_space<semaphore_mem>>) src(%dma_wait3A_328 : memref<200x64xf32, #tpu.memory_space<hbm>>) dst(%dma_wait3A_325 : memref<200x64xf32, #tpu.memory_space<vmem>>)
    %broadcast_in_dim3A = arith.constant 0.000000e+00 : f32
    %broadcast_in_dim3A_329 = vector.broadcast %broadcast_in_dim3A : f32 to vector<16xf32>
    %broadcast_in_dim3A_330 = arith.constant 0.000000e+00 : f32
    %broadcast_in_dim3A_331 = vector.broadcast %broadcast_in_dim3A_330 : f32 to vector<16xf32>
    %broadcast_in_dim3A_332 = arith.constant 0.000000e+00 : f32
    %broadcast_in_dim3A_333 = vector.broadcast %broadcast_in_dim3A_332 : f32 to vector<16xf32>
    %broadcast_in_dim3A_334 = arith.constant 0.000000e+00 : f32
    %broadcast_in_dim3A_335 = vector.broadcast %broadcast_in_dim3A_334 : f32 to vector<16xf32>
    %scan3A_336 = arith.constant 0 : i32
    %scan3A_337 = arith.constant 0 : i32
    %scan3A_338 = arith.constant 25 : i32
    %scan3A_339 = arith.addi %scan3A_337, %scan3A_338 : i32
    %scan3A_340 = arith.constant 1 : i32
    %scan3A_341:4 = scf.for %scan3A_420 = %scan3A_337 to %scan3A_339 step %scan3A_340 iter_args(%scan3A_421 = %broadcast_in_dim3A_329, %scan3A_422 = %broadcast_in_dim3A_331, %scan3A_423 = %broadcast_in_dim3A_333, %scan3A_424 = %broadcast_in_dim3A_335) -> (vector<16xf32>, vector<16xf32>, vector<16xf32>, vector<16xf32>)  : i32 {
      %mul3A_425 = arith.constant 8 : i32
      %mul3A_426 = arith.muli %scan3A_420, %mul3A_425 : i32
      %add3A_427 = arith.constant 0 : i32
      %add3A_428 = arith.addi %mul3A_426, %add3A_427 : i32
      %get3A = arith.constant 0 : i32
      %get3A_429 = arith.constant 0 : i32
      %get3A_430 = tpu.memref_slice %arg6[%scan3A_336, %get3A, %get3A_429] : memref<6x200x64xf32, #tpu.memory_space<vmem>> -> memref<1x200x64xf32, #tpu.memory_space<vmem>>
      %get3A_431 = tpu.memref_squeeze %get3A_430 : memref<1x200x64xf32, #tpu.memory_space<vmem>> -> memref<200x64xf32, #tpu.memory_space<vmem>>
      %get3A_432 = arith.index_cast %add3A_428 : i32 to index
      %get3A_433 = arith.constant 0 : index
      %get3A_434 = tpu.vector_load %get3A_431[%get3A_432, %get3A_433] {strides = array<i32>} : memref<200x64xf32, #tpu.memory_space<vmem>>, vector<1x16xf32>,
      %get3A_435 = vector.shape_cast %get3A_434 : vector<1x16xf32> to vector<16xf32>
      %add3A_436 = arith.addf %scan3A_421, %get3A_435 : vector<16xf32>
      %get3A_437 = arith.constant 0 : i32
      %get3A_438 = arith.constant 0 : i32
      %get3A_439 = tpu.memref_slice %arg6[%scan3A_336, %get3A_437, %get3A_438] : memref<6x200x64xf32, #tpu.memory_space<vmem>> -> memref<1x200x64xf32, #tpu.memory_space<vmem>>
      %get3A_440 = tpu.memref_squeeze %get3A_439 : memref<1x200x64xf32, #tpu.memory_space<vmem>> -> memref<200x64xf32, #tpu.memory_space<vmem>>
      %get3A_441 = arith.index_cast %add3A_428 : i32 to index
      %get3A_442 = arith.constant 16 : index
      %get3A_443 = tpu.vector_load %get3A_440[%get3A_441, %get3A_442] {strides = array<i32>} : memref<200x64xf32, #tpu.memory_space<vmem>>, vector<1x16xf32>,
      %get3A_444 = vector.shape_cast %get3A_443 : vector<1x16xf32> to vector<16xf32>
      %add3A_445 = arith.addf %scan3A_422, %get3A_444 : vector<16xf32>
      %get3A_446 = arith.constant 0 : i32
      %get3A_447 = arith.constant 0 : i32
      %get3A_448 = tpu.memref_slice %arg6[%scan3A_336, %get3A_446, %get3A_447] : memref<6x200x64xf32, #tpu.memory_space<vmem>> -> memref<1x200x64xf32, #tpu.memory_space<vmem>>
      %get3A_449 = tpu.memref_squeeze %get3A_448 : memref<1x200x64xf32, #tpu.memory_space<vmem>> -> memref<200x64xf32, #tpu.memory_space<vmem>>
      %get3A_450 = arith.index_cast %add3A_428 : i32 to index
      %get3A_451 = arith.constant 32 : index
      %get3A_452 = tpu.vector_load %get3A_449[%get3A_450, %get3A_451] {strides = array<i32>} : memref<200x64xf32, #tpu.memory_space<vmem>>, vector<1x16xf32>,
      %get3A_453 = vector.shape_cast %get3A_452 : vector<1x16xf32> to vector<16xf32>
      %add3A_454 = arith.addf %scan3A_423, %get3A_453 : vector<16xf32>
      %get3A_455 = arith.constant 0 : i32
      %get3A_456 = arith.constant 0 : i32
      %get3A_457 = tpu.memref_slice %arg6[%scan3A_336, %get3A_455, %get3A_456] : memref<6x200x64xf32, #tpu.memory_space<vmem>> -> memref<1x200x64xf32, #tpu.memory_space<vmem>>
      %get3A_458 = tpu.memref_squeeze %get3A_457 : memref<1x200x64xf32, #tpu.memory_space<vmem>> -> memref<200x64xf32, #tpu.memory_space<vmem>>
      %get3A_459 = arith.index_cast %add3A_428 : i32 to index
      %get3A_460 = arith.constant 48 : index
      %get3A_461 = tpu.vector_load %get3A_458[%get3A_459, %get3A_460] {strides = array<i32>} : memref<200x64xf32, #tpu.memory_space<vmem>>, vector<1x16xf32>,
      %get3A_462 = vector.shape_cast %get3A_461 : vector<1x16xf32> to vector<16xf32>
      %add3A_463 = arith.addf %scan3A_424, %get3A_462 : vector<16xf32>
      %mul3A_464 = arith.constant 8 : i32
      %mul3A_465 = arith.muli %scan3A_420, %mul3A_464 : i32
      %add3A_466 = arith.constant 1 : i32
      %add3A_467 = arith.addi %mul3A_465, %add3A_466 : i32
      %get3A_468 = arith.constant 0 : i32
      %get3A_469 = arith.constant 0 : i32
      %get3A_470 = tpu.memref_slice %arg6[%scan3A_336, %get3A_468, %get3A_469] : memref<6x200x64xf32, #tpu.memory_space<vmem>> -> memref<1x200x64xf32, #tpu.memory_space<vmem>>
      %get3A_471 = tpu.memref_squeeze %get3A_470 : memref<1x200x64xf32, #tpu.memory_space<vmem>> -> memref<200x64xf32, #tpu.memory_space<vmem>>
      %get3A_472 = arith.index_cast %add3A_467 : i32 to index
      %get3A_473 = arith.constant 0 : index
      %get3A_474 = tpu.vector_load %get3A_471[%get3A_472, %get3A_473] {strides = array<i32>} : memref<200x64xf32, #tpu.memory_space<vmem>>, vector<1x16xf32>,
      %get3A_475 = vector.shape_cast %get3A_474 : vector<1x16xf32> to vector<16xf32>
      %add3A_476 = arith.addf %add3A_436, %get3A_475 : vector<16xf32>
      %get3A_477 = arith.constant 0 : i32
      %get3A_478 = arith.constant 0 : i32
      %get3A_479 = tpu.memref_slice %arg6[%scan3A_336, %get3A_477, %get3A_478] : memref<6x200x64xf32, #tpu.memory_space<vmem>> -> memref<1x200x64xf32, #tpu.memory_space<vmem>>
      %get3A_480 = tpu.memref_squeeze %get3A_479 : memref<1x200x64xf32, #tpu.memory_space<vmem>> -> memref<200x64xf32, #tpu.memory_space<vmem>>
      %get3A_481 = arith.index_cast %add3A_467 : i32 to index
      %get3A_482 = arith.constant 16 : index
      %get3A_483 = tpu.vector_load %get3A_480[%get3A_481, %get3A_482] {strides = array<i32>} : memref<200x64xf32, #tpu.memory_space<vmem>>, vector<1x16xf32>,
      %get3A_484 = vector.shape_cast %get3A_483 : vector<1x16xf32> to vector<16xf32>
      %add3A_485 = arith.addf %add3A_445, %get3A_484 : vector<16xf32>
      %get3A_486 = arith.constant 0 : i32
      %get3A_487 = arith.constant 0 : i32
      %get3A_488 = tpu.memref_slice %arg6[%scan3A_336, %get3A_486, %get3A_487] : memref<6x200x64xf32, #tpu.memory_space<vmem>> -> memref<1x200x64xf32, #tpu.memory_space<vmem>>
      %get3A_489 = tpu.memref_squeeze %get3A_488 : memref<1x200x64xf32, #tpu.memory_space<vmem>> -> memref<200x64xf32, #tpu.memory_space<vmem>>
      %get3A_490 = arith.index_cast %add3A_467 : i32 to index
      %get3A_491 = arith.constant 32 : index
      %get3A_492 = tpu.vector_load %get3A_489[%get3A_490, %get3A_491] {strides = array<i32>} : memref<200x64xf32, #tpu.memory_space<vmem>>, vector<1x16xf32>,
      %get3A_493 = vector.shape_cast %get3A_492 : vector<1x16xf32> to vector<16xf32>
      %add3A_494 = arith.addf %add3A_454, %get3A_493 : vector<16xf32>
      %get3A_495 = arith.constant 0 : i32
      %get3A_496 = arith.constant 0 : i32
      %get3A_497 = tpu.memref_slice %arg6[%scan3A_336, %get3A_495, %get3A_496] : memref<6x200x64xf32, #tpu.memory_space<vmem>> -> memref<1x200x64xf32, #tpu.memory_space<vmem>>
      %get3A_498 = tpu.memref_squeeze %get3A_497 : memref<1x200x64xf32, #tpu.memory_space<vmem>> -> memref<200x64xf32, #tpu.memory_space<vmem>>
      %get3A_499 = arith.index_cast %add3A_467 : i32 to index
      %get3A_500 = arith.constant 48 : index
      %get3A_501 = tpu.vector_load %get3A_498[%get3A_499, %get3A_500] {strides = array<i32>} : memref<200x64xf32, #tpu.memory_space<vmem>>, vector<1x16xf32>,
      %get3A_502 = vector.shape_cast %get3A_501 : vector<1x16xf32> to vector<16xf32>
      %add3A_503 = arith.addf %add3A_463, %get3A_502 : vector<16xf32>
      %mul3A_504 = arith.constant 8 : i32
      %mul3A_505 = arith.muli %scan3A_420, %mul3A_504 : i32
      %add3A_506 = arith.constant 2 : i32
      %add3A_507 = arith.addi %mul3A_505, %add3A_506 : i32
      %get3A_508 = arith.constant 0 : i32
      %get3A_509 = arith.constant 0 : i32
      %get3A_510 = tpu.memref_slice %arg6[%scan3A_336, %get3A_508, %get3A_509] : memref<6x200x64xf32, #tpu.memory_space<vmem>> -> memref<1x200x64xf32, #tpu.memory_space<vmem>>
      %get3A_511 = tpu.memref_squeeze %get3A_510 : memref<1x200x64xf32, #tpu.memory_space<vmem>> -> memref<200x64xf32, #tpu.memory_space<vmem>>
      %get3A_512 = arith.index_cast %add3A_507 : i32 to index
      %get3A_513 = arith.constant 0 : index
      %get3A_514 = tpu.vector_load %get3A_511[%get3A_512, %get3A_513] {strides = array<i32>} : memref<200x64xf32, #tpu.memory_space<vmem>>, vector<1x16xf32>,
      %get3A_515 = vector.shape_cast %get3A_514 : vector<1x16xf32> to vector<16xf32>
      %add3A_516 = arith.addf %add3A_476, %get3A_515 : vector<16xf32>
      %get3A_517 = arith.constant 0 : i32
      %get3A_518 = arith.constant 0 : i32
      %get3A_519 = tpu.memref_slice %arg6[%scan3A_336, %get3A_517, %get3A_518] : memref<6x200x64xf32, #tpu.memory_space<vmem>> -> memref<1x200x64xf32, #tpu.memory_space<vmem>>
      %get3A_520 = tpu.memref_squeeze %get3A_519 : memref<1x200x64xf32, #tpu.memory_space<vmem>> -> memref<200x64xf32, #tpu.memory_space<vmem>>
      %get3A_521 = arith.index_cast %add3A_507 : i32 to index
      %get3A_522 = arith.constant 16 : index
      %get3A_523 = tpu.vector_load %get3A_520[%get3A_521, %get3A_522] {strides = array<i32>} : memref<200x64xf32, #tpu.memory_space<vmem>>, vector<1x16xf32>,
      %get3A_524 = vector.shape_cast %get3A_523 : vector<1x16xf32> to vector<16xf32>
      %add3A_525 = arith.addf %add3A_485, %get3A_524 : vector<16xf32>
      %get3A_526 = arith.constant 0 : i32
      %get3A_527 = arith.constant 0 : i32
      %get3A_528 = tpu.memref_slice %arg6[%scan3A_336, %get3A_526, %get3A_527] : memref<6x200x64xf32, #tpu.memory_space<vmem>> -> memref<1x200x64xf32, #tpu.memory_space<vmem>>
      %get3A_529 = tpu.memref_squeeze %get3A_528 : memref<1x200x64xf32, #tpu.memory_space<vmem>> -> memref<200x64xf32, #tpu.memory_space<vmem>>
      %get3A_530 = arith.index_cast %add3A_507 : i32 to index
      %get3A_531 = arith.constant 32 : index
      %get3A_532 = tpu.vector_load %get3A_529[%get3A_530, %get3A_531] {strides = array<i32>} : memref<200x64xf32, #tpu.memory_space<vmem>>, vector<1x16xf32>,
      %get3A_533 = vector.shape_cast %get3A_532 : vector<1x16xf32> to vector<16xf32>
      %add3A_534 = arith.addf %add3A_494, %get3A_533 : vector<16xf32>
      %get3A_535 = arith.constant 0 : i32
      %get3A_536 = arith.constant 0 : i32
      %get3A_537 = tpu.memref_slice %arg6[%scan3A_336, %get3A_535, %get3A_536] : memref<6x200x64xf32, #tpu.memory_space<vmem>> -> memref<1x200x64xf32, #tpu.memory_space<vmem>>
      %get3A_538 = tpu.memref_squeeze %get3A_537 : memref<1x200x64xf32, #tpu.memory_space<vmem>> -> memref<200x64xf32, #tpu.memory_space<vmem>>
      %get3A_539 = arith.index_cast %add3A_507 : i32 to index
      %get3A_540 = arith.constant 48 : index
      %get3A_541 = tpu.vector_load %get3A_538[%get3A_539, %get3A_540] {strides = array<i32>} : memref<200x64xf32, #tpu.memory_space<vmem>>, vector<1x16xf32>,
      %get3A_542 = vector.shape_cast %get3A_541 : vector<1x16xf32> to vector<16xf32>
      %add3A_543 = arith.addf %add3A_503, %get3A_542 : vector<16xf32>
      %mul3A_544 = arith.constant 8 : i32
      %mul3A_545 = arith.muli %scan3A_420, %mul3A_544 : i32
      %add3A_546 = arith.constant 3 : i32
      %add3A_547 = arith.addi %mul3A_545, %add3A_546 : i32
      %get3A_548 = arith.constant 0 : i32
      %get3A_549 = arith.constant 0 : i32
      %get3A_550 = tpu.memref_slice %arg6[%scan3A_336, %get3A_548, %get3A_549] : memref<6x200x64xf32, #tpu.memory_space<vmem>> -> memref<1x200x64xf32, #tpu.memory_space<vmem>>
      %get3A_551 = tpu.memref_squeeze %get3A_550 : memref<1x200x64xf32, #tpu.memory_space<vmem>> -> memref<200x64xf32, #tpu.memory_space<vmem>>
      %get3A_552 = arith.index_cast %add3A_547 : i32 to index
      %get3A_553 = arith.constant 0 : index
      %get3A_554 = tpu.vector_load %get3A_551[%get3A_552, %get3A_553] {strides = array<i32>} : memref<200x64xf32, #tpu.memory_space<vmem>>, vector<1x16xf32>,
      %get3A_555 = vector.shape_cast %get3A_554 : vector<1x16xf32> to vector<16xf32>
      %add3A_556 = arith.addf %add3A_516, %get3A_555 : vector<16xf32>
      %get3A_557 = arith.constant 0 : i32
      %get3A_558 = arith.constant 0 : i32
      %get3A_559 = tpu.memref_slice %arg6[%scan3A_336, %get3A_557, %get3A_558] : memref<6x200x64xf32, #tpu.memory_space<vmem>> -> memref<1x200x64xf32, #tpu.memory_space<vmem>>
      %get3A_560 = tpu.memref_squeeze %get3A_559 : memref<1x200x64xf32, #tpu.memory_space<vmem>> -> memref<200x64xf32, #tpu.memory_space<vmem>>
      %get3A_561 = arith.index_cast %add3A_547 : i32 to index
      %get3A_562 = arith.constant 16 : index
      %get3A_563 = tpu.vector_load %get3A_560[%get3A_561, %get3A_562] {strides = array<i32>} : memref<200x64xf32, #tpu.memory_space<vmem>>, vector<1x16xf32>,
      %get3A_564 = vector.shape_cast %get3A_563 : vector<1x16xf32> to vector<16xf32>
      %add3A_565 = arith.addf %add3A_525, %get3A_564 : vector<16xf32>
      %get3A_566 = arith.constant 0 : i32
      %get3A_567 = arith.constant 0 : i32
      %get3A_568 = tpu.memref_slice %arg6[%scan3A_336, %get3A_566, %get3A_567] : memref<6x200x64xf32, #tpu.memory_space<vmem>> -> memref<1x200x64xf32, #tpu.memory_space<vmem>>
      %get3A_569 = tpu.memref_squeeze %get3A_568 : memref<1x200x64xf32, #tpu.memory_space<vmem>> -> memref<200x64xf32, #tpu.memory_space<vmem>>
      %get3A_570 = arith.index_cast %add3A_547 : i32 to index
      %get3A_571 = arith.constant 32 : index
      %get3A_572 = tpu.vector_load %get3A_569[%get3A_570, %get3A_571] {strides = array<i32>} : memref<200x64xf32, #tpu.memory_space<vmem>>, vector<1x16xf32>,
      %get3A_573 = vector.shape_cast %get3A_572 : vector<1x16xf32> to vector<16xf32>
      %add3A_574 = arith.addf %add3A_534, %get3A_573 : vector<16xf32>
      %get3A_575 = arith.constant 0 : i32
      %get3A_576 = arith.constant 0 : i32
      %get3A_577 = tpu.memref_slice %arg6[%scan3A_336, %get3A_575, %get3A_576] : memref<6x200x64xf32, #tpu.memory_space<vmem>> -> memref<1x200x64xf32, #tpu.memory_space<vmem>>
      %get3A_578 = tpu.memref_squeeze %get3A_577 : memref<1x200x64xf32, #tpu.memory_space<vmem>> -> memref<200x64xf32, #tpu.memory_space<vmem>>
      %get3A_579 = arith.index_cast %add3A_547 : i32 to index
      %get3A_580 = arith.constant 48 : index
      %get3A_581 = tpu.vector_load %get3A_578[%get3A_579, %get3A_580] {strides = array<i32>} : memref<200x64xf32, #tpu.memory_space<vmem>>, vector<1x16xf32>,
      %get3A_582 = vector.shape_cast %get3A_581 : vector<1x16xf32> to vector<16xf32>
      %add3A_583 = arith.addf %add3A_543, %get3A_582 : vector<16xf32>
      %mul3A_584 = arith.constant 8 : i32
      %mul3A_585 = arith.muli %scan3A_420, %mul3A_584 : i32
      %add3A_586 = arith.constant 4 : i32
      %add3A_587 = arith.addi %mul3A_585, %add3A_586 : i32
      %get3A_588 = arith.constant 0 : i32
      %get3A_589 = arith.constant 0 : i32
      %get3A_590 = tpu.memref_slice %arg6[%scan3A_336, %get3A_588, %get3A_589] : memref<6x200x64xf32, #tpu.memory_space<vmem>> -> memref<1x200x64xf32, #tpu.memory_space<vmem>>
      %get3A_591 = tpu.memref_squeeze %get3A_590 : memref<1x200x64xf32, #tpu.memory_space<vmem>> -> memref<200x64xf32, #tpu.memory_space<vmem>>
      %get3A_592 = arith.index_cast %add3A_587 : i32 to index
      %get3A_593 = arith.constant 0 : index
      %get3A_594 = tpu.vector_load %get3A_591[%get3A_592, %get3A_593] {strides = array<i32>} : memref<200x64xf32, #tpu.memory_space<vmem>>, vector<1x16xf32>,
      %get3A_595 = vector.shape_cast %get3A_594 : vector<1x16xf32> to vector<16xf32>
      %add3A_596 = arith.addf %add3A_556, %get3A_595 : vector<16xf32>
      %get3A_597 = arith.constant 0 : i32
      %get3A_598 = arith.constant 0 : i32
      %get3A_599 = tpu.memref_slice %arg6[%scan3A_336, %get3A_597, %get3A_598] : memref<6x200x64xf32, #tpu.memory_space<vmem>> -> memref<1x200x64xf32, #tpu.memory_space<vmem>>
      %get3A_600 = tpu.memref_squeeze %get3A_599 : memref<1x200x64xf32, #tpu.memory_space<vmem>> -> memref<200x64xf32, #tpu.memory_space<vmem>>
      %get3A_601 = arith.index_cast %add3A_587 : i32 to index
      %get3A_602 = arith.constant 16 : index
      %get3A_603 = tpu.vector_load %get3A_600[%get3A_601, %get3A_602] {strides = array<i32>} : memref<200x64xf32, #tpu.memory_space<vmem>>, vector<1x16xf32>,
      %get3A_604 = vector.shape_cast %get3A_603 : vector<1x16xf32> to vector<16xf32>
      %add3A_605 = arith.addf %add3A_565, %get3A_604 : vector<16xf32>
      %get3A_606 = arith.constant 0 : i32
      %get3A_607 = arith.constant 0 : i32
      %get3A_608 = tpu.memref_slice %arg6[%scan3A_336, %get3A_606, %get3A_607] : memref<6x200x64xf32, #tpu.memory_space<vmem>> -> memref<1x200x64xf32, #tpu.memory_space<vmem>>
      %get3A_609 = tpu.memref_squeeze %get3A_608 : memref<1x200x64xf32, #tpu.memory_space<vmem>> -> memref<200x64xf32, #tpu.memory_space<vmem>>
      %get3A_610 = arith.index_cast %add3A_587 : i32 to index
      %get3A_611 = arith.constant 32 : index
      %get3A_612 = tpu.vector_load %get3A_609[%get3A_610, %get3A_611] {strides = array<i32>} : memref<200x64xf32, #tpu.memory_space<vmem>>, vector<1x16xf32>,
      %get3A_613 = vector.shape_cast %get3A_612 : vector<1x16xf32> to vector<16xf32>
      %add3A_614 = arith.addf %add3A_574, %get3A_613 : vector<16xf32>
      %get3A_615 = arith.constant 0 : i32
      %get3A_616 = arith.constant 0 : i32
      %get3A_617 = tpu.memref_slice %arg6[%scan3A_336, %get3A_615, %get3A_616] : memref<6x200x64xf32, #tpu.memory_space<vmem>> -> memref<1x200x64xf32, #tpu.memory_space<vmem>>
      %get3A_618 = tpu.memref_squeeze %get3A_617 : memref<1x200x64xf32, #tpu.memory_space<vmem>> -> memref<200x64xf32, #tpu.memory_space<vmem>>
      %get3A_619 = arith.index_cast %add3A_587 : i32 to index
      %get3A_620 = arith.constant 48 : index
      %get3A_621 = tpu.vector_load %get3A_618[%get3A_619, %get3A_620] {strides = array<i32>} : memref<200x64xf32, #tpu.memory_space<vmem>>, vector<1x16xf32>,
      %get3A_622 = vector.shape_cast %get3A_621 : vector<1x16xf32> to vector<16xf32>
      %add3A_623 = arith.addf %add3A_583, %get3A_622 : vector<16xf32>
      %mul3A_624 = arith.constant 8 : i32
      %mul3A_625 = arith.muli %scan3A_420, %mul3A_624 : i32
      %add3A_626 = arith.constant 5 : i32
      %add3A_627 = arith.addi %mul3A_625, %add3A_626 : i32
      %get3A_628 = arith.constant 0 : i32
      %get3A_629 = arith.constant 0 : i32
      %get3A_630 = tpu.memref_slice %arg6[%scan3A_336, %get3A_628, %get3A_629] : memref<6x200x64xf32, #tpu.memory_space<vmem>> -> memref<1x200x64xf32, #tpu.memory_space<vmem>>
      %get3A_631 = tpu.memref_squeeze %get3A_630 : memref<1x200x64xf32, #tpu.memory_space<vmem>> -> memref<200x64xf32, #tpu.memory_space<vmem>>
      %get3A_632 = arith.index_cast %add3A_627 : i32 to index
      %get3A_633 = arith.constant 0 : index
      %get3A_634 = tpu.vector_load %get3A_631[%get3A_632, %get3A_633] {strides = array<i32>} : memref<200x64xf32, #tpu.memory_space<vmem>>, vector<1x16xf32>,
      %get3A_635 = vector.shape_cast %get3A_634 : vector<1x16xf32> to vector<16xf32>
      %add3A_636 = arith.addf %add3A_596, %get3A_635 : vector<16xf32>
      %get3A_637 = arith.constant 0 : i32
      %get3A_638 = arith.constant 0 : i32
      %get3A_639 = tpu.memref_slice %arg6[%scan3A_336, %get3A_637, %get3A_638] : memref<6x200x64xf32, #tpu.memory_space<vmem>> -> memref<1x200x64xf32, #tpu.memory_space<vmem>>
      %get3A_640 = tpu.memref_squeeze %get3A_639 : memref<1x200x64xf32, #tpu.memory_space<vmem>> -> memref<200x64xf32, #tpu.memory_space<vmem>>
      %get3A_641 = arith.index_cast %add3A_627 : i32 to index
      %get3A_642 = arith.constant 16 : index
      %get3A_643 = tpu.vector_load %get3A_640[%get3A_641, %get3A_642] {strides = array<i32>} : memref<200x64xf32, #tpu.memory_space<vmem>>, vector<1x16xf32>,
      %get3A_644 = vector.shape_cast %get3A_643 : vector<1x16xf32> to vector<16xf32>
      %add3A_645 = arith.addf %add3A_605, %get3A_644 : vector<16xf32>
      %get3A_646 = arith.constant 0 : i32
      %get3A_647 = arith.constant 0 : i32
      %get3A_648 = tpu.memref_slice %arg6[%scan3A_336, %get3A_646, %get3A_647] : memref<6x200x64xf32, #tpu.memory_space<vmem>> -> memref<1x200x64xf32, #tpu.memory_space<vmem>>
      %get3A_649 = tpu.memref_squeeze %get3A_648 : memref<1x200x64xf32, #tpu.memory_space<vmem>> -> memref<200x64xf32, #tpu.memory_space<vmem>>
      %get3A_650 = arith.index_cast %add3A_627 : i32 to index
      %get3A_651 = arith.constant 32 : index
      %get3A_652 = tpu.vector_load %get3A_649[%get3A_650, %get3A_651] {strides = array<i32>} : memref<200x64xf32, #tpu.memory_space<vmem>>, vector<1x16xf32>,
      %get3A_653 = vector.shape_cast %get3A_652 : vector<1x16xf32> to vector<16xf32>
      %add3A_654 = arith.addf %add3A_614, %get3A_653 : vector<16xf32>
      %get3A_655 = arith.constant 0 : i32
      %get3A_656 = arith.constant 0 : i32
      %get3A_657 = tpu.memref_slice %arg6[%scan3A_336, %get3A_655, %get3A_656] : memref<6x200x64xf32, #tpu.memory_space<vmem>> -> memref<1x200x64xf32, #tpu.memory_space<vmem>>
      %get3A_658 = tpu.memref_squeeze %get3A_657 : memref<1x200x64xf32, #tpu.memory_space<vmem>> -> memref<200x64xf32, #tpu.memory_space<vmem>>
      %get3A_659 = arith.index_cast %add3A_627 : i32 to index
      %get3A_660 = arith.constant 48 : index
      %get3A_661 = tpu.vector_load %get3A_658[%get3A_659, %get3A_660] {strides = array<i32>} : memref<200x64xf32, #tpu.memory_space<vmem>>, vector<1x16xf32>,
      %get3A_662 = vector.shape_cast %get3A_661 : vector<1x16xf32> to vector<16xf32>
      %add3A_663 = arith.addf %add3A_623, %get3A_662 : vector<16xf32>
      %mul3A_664 = arith.constant 8 : i32
      %mul3A_665 = arith.muli %scan3A_420, %mul3A_664 : i32
      %add3A_666 = arith.constant 6 : i32
      %add3A_667 = arith.addi %mul3A_665, %add3A_666 : i32
      %get3A_668 = arith.constant 0 : i32
      %get3A_669 = arith.constant 0 : i32
      %get3A_670 = tpu.memref_slice %arg6[%scan3A_336, %get3A_668, %get3A_669] : memref<6x200x64xf32, #tpu.memory_space<vmem>> -> memref<1x200x64xf32, #tpu.memory_space<vmem>>
      %get3A_671 = tpu.memref_squeeze %get3A_670 : memref<1x200x64xf32, #tpu.memory_space<vmem>> -> memref<200x64xf32, #tpu.memory_space<vmem>>
      %get3A_672 = arith.index_cast %add3A_667 : i32 to index
      %get3A_673 = arith.constant 0 : index
      %get3A_674 = tpu.vector_load %get3A_671[%get3A_672, %get3A_673] {strides = array<i32>} : memref<200x64xf32, #tpu.memory_space<vmem>>, vector<1x16xf32>,
      %get3A_675 = vector.shape_cast %get3A_674 : vector<1x16xf32> to vector<16xf32>
      %add3A_676 = arith.addf %add3A_636, %get3A_675 : vector<16xf32>
      %get3A_677 = arith.constant 0 : i32
      %get3A_678 = arith.constant 0 : i32
      %get3A_679 = tpu.memref_slice %arg6[%scan3A_336, %get3A_677, %get3A_678] : memref<6x200x64xf32, #tpu.memory_space<vmem>> -> memref<1x200x64xf32, #tpu.memory_space<vmem>>
      %get3A_680 = tpu.memref_squeeze %get3A_679 : memref<1x200x64xf32, #tpu.memory_space<vmem>> -> memref<200x64xf32, #tpu.memory_space<vmem>>
      %get3A_681 = arith.index_cast %add3A_667 : i32 to index
      %get3A_682 = arith.constant 16 : index
      %get3A_683 = tpu.vector_load %get3A_680[%get3A_681, %get3A_682] {strides = array<i32>} : memref<200x64xf32, #tpu.memory_space<vmem>>, vector<1x16xf32>,
      %get3A_684 = vector.shape_cast %get3A_683 : vector<1x16xf32> to vector<16xf32>
      %add3A_685 = arith.addf %add3A_645, %get3A_684 : vector<16xf32>
      %get3A_686 = arith.constant 0 : i32
      %get3A_687 = arith.constant 0 : i32
      %get3A_688 = tpu.memref_slice %arg6[%scan3A_336, %get3A_686, %get3A_687] : memref<6x200x64xf32, #tpu.memory_space<vmem>> -> memref<1x200x64xf32, #tpu.memory_space<vmem>>
      %get3A_689 = tpu.memref_squeeze %get3A_688 : memref<1x200x64xf32, #tpu.memory_space<vmem>> -> memref<200x64xf32, #tpu.memory_space<vmem>>
      %get3A_690 = arith.index_cast %add3A_667 : i32 to index
      %get3A_691 = arith.constant 32 : index
      %get3A_692 = tpu.vector_load %get3A_689[%get3A_690, %get3A_691] {strides = array<i32>} : memref<200x64xf32, #tpu.memory_space<vmem>>, vector<1x16xf32>,
      %get3A_693 = vector.shape_cast %get3A_692 : vector<1x16xf32> to vector<16xf32>
      %add3A_694 = arith.addf %add3A_654, %get3A_693 : vector<16xf32>
      %get3A_695 = arith.constant 0 : i32
      %get3A_696 = arith.constant 0 : i32
      %get3A_697 = tpu.memref_slice %arg6[%scan3A_336, %get3A_695, %get3A_696] : memref<6x200x64xf32, #tpu.memory_space<vmem>> -> memref<1x200x64xf32, #tpu.memory_space<vmem>>
      %get3A_698 = tpu.memref_squeeze %get3A_697 : memref<1x200x64xf32, #tpu.memory_space<vmem>> -> memref<200x64xf32, #tpu.memory_space<vmem>>
      %get3A_699 = arith.index_cast %add3A_667 : i32 to index
      %get3A_700 = arith.constant 48 : index
      %get3A_701 = tpu.vector_load %get3A_698[%get3A_699, %get3A_700] {strides = array<i32>} : memref<200x64xf32, #tpu.memory_space<vmem>>, vector<1x16xf32>,
      %get3A_702 = vector.shape_cast %get3A_701 : vector<1x16xf32> to vector<16xf32>
      %add3A_703 = arith.addf %add3A_663, %get3A_702 : vector<16xf32>
      %mul3A_704 = arith.constant 8 : i32
      %mul3A_705 = arith.muli %scan3A_420, %mul3A_704 : i32
      %add3A_706 = arith.constant 7 : i32
      %add3A_707 = arith.addi %mul3A_705, %add3A_706 : i32
      %get3A_708 = arith.constant 0 : i32
      %get3A_709 = arith.constant 0 : i32
      %get3A_710 = tpu.memref_slice %arg6[%scan3A_336, %get3A_708, %get3A_709] : memref<6x200x64xf32, #tpu.memory_space<vmem>> -> memref<1x200x64xf32, #tpu.memory_space<vmem>>
      %get3A_711 = tpu.memref_squeeze %get3A_710 : memref<1x200x64xf32, #tpu.memory_space<vmem>> -> memref<200x64xf32, #tpu.memory_space<vmem>>
      %get3A_712 = arith.index_cast %add3A_707 : i32 to index
      %get3A_713 = arith.constant 0 : index
      %get3A_714 = tpu.vector_load %get3A_711[%get3A_712, %get3A_713] {strides = array<i32>} : memref<200x64xf32, #tpu.memory_space<vmem>>, vector<1x16xf32>,
      %get3A_715 = vector.shape_cast %get3A_714 : vector<1x16xf32> to vector<16xf32>
      %add3A_716 = arith.addf %add3A_676, %get3A_715 : vector<16xf32>
      %get3A_717 = arith.constant 0 : i32
      %get3A_718 = arith.constant 0 : i32
      %get3A_719 = tpu.memref_slice %arg6[%scan3A_336, %get3A_717, %get3A_718] : memref<6x200x64xf32, #tpu.memory_space<vmem>> -> memref<1x200x64xf32, #tpu.memory_space<vmem>>
      %get3A_720 = tpu.memref_squeeze %get3A_719 : memref<1x200x64xf32, #tpu.memory_space<vmem>> -> memref<200x64xf32, #tpu.memory_space<vmem>>
      %get3A_721 = arith.index_cast %add3A_707 : i32 to index
      %get3A_722 = arith.constant 16 : index
      %get3A_723 = tpu.vector_load %get3A_720[%get3A_721, %get3A_722] {strides = array<i32>} : memref<200x64xf32, #tpu.memory_space<vmem>>, vector<1x16xf32>,
      %get3A_724 = vector.shape_cast %get3A_723 : vector<1x16xf32> to vector<16xf32>
      %add3A_725 = arith.addf %add3A_685, %get3A_724 : vector<16xf32>
      %get3A_726 = arith.constant 0 : i32
      %get3A_727 = arith.constant 0 : i32
      %get3A_728 = tpu.memref_slice %arg6[%scan3A_336, %get3A_726, %get3A_727] : memref<6x200x64xf32, #tpu.memory_space<vmem>> -> memref<1x200x64xf32, #tpu.memory_space<vmem>>
      %get3A_729 = tpu.memref_squeeze %get3A_728 : memref<1x200x64xf32, #tpu.memory_space<vmem>> -> memref<200x64xf32, #tpu.memory_space<vmem>>
      %get3A_730 = arith.index_cast %add3A_707 : i32 to index
      %get3A_731 = arith.constant 32 : index
      %get3A_732 = tpu.vector_load %get3A_729[%get3A_730, %get3A_731] {strides = array<i32>} : memref<200x64xf32, #tpu.memory_space<vmem>>, vector<1x16xf32>,
      %get3A_733 = vector.shape_cast %get3A_732 : vector<1x16xf32> to vector<16xf32>
      %add3A_734 = arith.addf %add3A_694, %get3A_733 : vector<16xf32>
      %get3A_735 = arith.constant 0 : i32
      %get3A_736 = arith.constant 0 : i32
      %get3A_737 = tpu.memref_slice %arg6[%scan3A_336, %get3A_735, %get3A_736] : memref<6x200x64xf32, #tpu.memory_space<vmem>> -> memref<1x200x64xf32, #tpu.memory_space<vmem>>
      %get3A_738 = tpu.memref_squeeze %get3A_737 : memref<1x200x64xf32, #tpu.memory_space<vmem>> -> memref<200x64xf32, #tpu.memory_space<vmem>>
      %get3A_739 = arith.index_cast %add3A_707 : i32 to index
      %get3A_740 = arith.constant 48 : index
      %get3A_741 = tpu.vector_load %get3A_738[%get3A_739, %get3A_740] {strides = array<i32>} : memref<200x64xf32, #tpu.memory_space<vmem>>, vector<1x16xf32>,
      %get3A_742 = vector.shape_cast %get3A_741 : vector<1x16xf32> to vector<16xf32>
      %add3A_743 = arith.addf %add3A_703, %get3A_742 : vector<16xf32>
      scf.yield %add3A_716, %add3A_725, %add3A_734, %add3A_743 : vector<16xf32>, vector<16xf32>, vector<16xf32>, vector<16xf32>
    }
    %scan3A_342 = arith.constant 25 : i32
    %swap3A = arith.constant 126 : i32
    %swap3A_343 = arith.index_cast %swap3A : i32 to index
    %swap3A_344 = arith.constant 0 : index
    %swap3A_345 = tpu.vector_load %arg7[%swap3A_343, %swap3A_344] {strides = array<i32>} : memref<128x64xf32, #tpu.memory_space<vmem>>, vector<1x16xf32>,
    %swap3A_346 = vector.shape_cast %swap3A_345 : vector<1x16xf32> to vector<16xf32>
    %swap3A_347 = vector.shape_cast %scan3A_341#0 : vector<16xf32> to vector<1x16xf32>
    tpu.vector_store %arg7[%swap3A_343, %swap3A_344], %swap3A_347 {strides = array<i32>} : memref<128x64xf32, #tpu.memory_space<vmem>>, vector<1x16xf32>,
    %swap3A_348 = arith.constant 126 : i32
    %swap3A_349 = arith.index_cast %swap3A_348 : i32 to index
    %swap3A_350 = arith.constant 16 : index
    %swap3A_351 = tpu.vector_load %arg7[%swap3A_349, %swap3A_350] {strides = array<i32>} : memref<128x64xf32, #tpu.memory_space<vmem>>, vector<1x16xf32>,
    %swap3A_352 = vector.shape_cast %swap3A_351 : vector<1x16xf32> to vector<16xf32>
    %swap3A_353 = vector.shape_cast %scan3A_341#1 : vector<16xf32> to vector<1x16xf32>
    tpu.vector_store %arg7[%swap3A_349, %swap3A_350], %swap3A_353 {strides = array<i32>} : memref<128x64xf32, #tpu.memory_space<vmem>>, vector<1x16xf32>,
    %swap3A_354 = arith.constant 126 : i32
    %swap3A_355 = arith.index_cast %swap3A_354 : i32 to index
    %swap3A_356 = arith.constant 32 : index
    %swap3A_357 = tpu.vector_load %arg7[%swap3A_355, %swap3A_356] {strides = array<i32>} : memref<128x64xf32, #tpu.memory_space<vmem>>, vector<1x16xf32>,
    %swap3A_358 = vector.shape_cast %swap3A_357 : vector<1x16xf32> to vector<16xf32>
    %swap3A_359 = vector.shape_cast %scan3A_341#2 : vector<16xf32> to vector<1x16xf32>
    tpu.vector_store %arg7[%swap3A_355, %swap3A_356], %swap3A_359 {strides = array<i32>} : memref<128x64xf32, #tpu.memory_space<vmem>>, vector<1x16xf32>,
    %swap3A_360 = arith.constant 126 : i32
    %swap3A_361 = arith.index_cast %swap3A_360 : i32 to index
    %swap3A_362 = arith.constant 48 : index
    %swap3A_363 = tpu.vector_load %arg7[%swap3A_361, %swap3A_362] {strides = array<i32>} : memref<128x64xf32, #tpu.memory_space<vmem>>, vector<1x16xf32>,
    %swap3A_364 = vector.shape_cast %swap3A_363 : vector<1x16xf32> to vector<16xf32>
    %swap3A_365 = vector.shape_cast %scan3A_341#3 : vector<16xf32> to vector<1x16xf32>
    tpu.vector_store %arg7[%swap3A_361, %swap3A_362], %swap3A_365 {strides = array<i32>} : memref<128x64xf32, #tpu.memory_space<vmem>>, vector<1x16xf32>,
    %dma_wait3A_366 = arith.constant 1 : i32
    %dma_wait3A_367 = arith.constant 0 : i32
    %dma_wait3A_368 = arith.constant 0 : i32
    %dma_wait3A_369 = tpu.memref_slice %arg6[%dma_wait3A_366, %dma_wait3A_367, %dma_wait3A_368] : memref<6x200x64xf32, #tpu.memory_space<vmem>> -> memref<1x200x64xf32, #tpu.memory_space<vmem>>
    %dma_wait3A_370 = tpu.memref_squeeze %dma_wait3A_369 : memref<1x200x64xf32, #tpu.memory_space<vmem>> -> memref<200x64xf32, #tpu.memory_space<vmem>>
    %dma_wait3A_371 = arith.constant 0 : i32
    %dma_wait3A_372 = arith.constant 0 : i32
    %dma_wait3A_373 = tpu.memref_slice %arg3[%dma_wait3A_371, %dma_wait3A_372] : memref<1000001x64xf32, #tpu.memory_space<hbm>> -> memref<200x64xf32, #tpu.memory_space<hbm>>
    %dma_wait3A_374 = arith.constant 0 : i32
    %dma_wait3A_375 = arith.constant 0 : i32
    %dma_wait3A_376 = tpu.memref_slice %arg6[%dma_wait3A_366, %dma_wait3A_374, %dma_wait3A_375] : memref<6x200x64xf32, #tpu.memory_space<vmem>> -> memref<1x200x64xf32, #tpu.memory_space<vmem>>
    %dma_wait3A_377 = tpu.memref_squeeze %dma_wait3A_376 : memref<1x200x64xf32, #tpu.memory_space<vmem>> -> memref<200x64xf32, #tpu.memory_space<vmem>>
    %dma_wait3A_378 = arith.constant 0 : i32
    %dma_wait3A_379 = arith.constant 0 : i32
    %dma_wait3A_380 = tpu.memref_slice %arg3[%dma_wait3A_378, %dma_wait3A_379] : memref<1000001x64xf32, #tpu.memory_space<hbm>> -> memref<200x64xf32, #tpu.memory_space<hbm>>
    tpu.wait_dma2 semaphore(%arg9 : memref<!tpu.dma_semaphore, #tpu.memory_space<semaphore_mem>>) src(%dma_wait3A_380 : memref<200x64xf32, #tpu.memory_space<hbm>>) dst(%dma_wait3A_377 : memref<200x64xf32, #tpu.memory_space<vmem>>)
    %broadcast_in_dim3A_381 = arith.constant 0.000000e+00 : f32
    %broadcast_in_dim3A_382 = vector.broadcast %broadcast_in_dim3A_381 : f32 to vector<16xf32>
    %broadcast_in_dim3A_383 = arith.constant 0.000000e+00 : f32
    %broadcast_in_dim3A_384 = vector.broadcast %broadcast_in_dim3A_383 : f32 to vector<16xf32>
    %broadcast_in_dim3A_385 = arith.constant 0.000000e+00 : f32
    %broadcast_in_dim3A_386 = vector.broadcast %broadcast_in_dim3A_385 : f32 to vector<16xf32>
    %broadcast_in_dim3A_387 = arith.constant 0.000000e+00 : f32
    %broadcast_in_dim3A_388 = vector.broadcast %broadcast_in_dim3A_387 : f32 to vector<16xf32>
    %scan3A_389 = arith.constant 1 : i32
    %scan3A_390 = arith.constant 0 : i32
    %scan3A_391 = arith.constant 25 : i32
    %scan3A_392 = arith.addi %scan3A_390, %scan3A_391 : i32
    %scan3A_393 = arith.constant 1 : i32
    %scan3A_394:4 = scf.for %scan3A_420 = %scan3A_390 to %scan3A_392 step %scan3A_393 iter_args(%scan3A_421 = %broadcast_in_dim3A_382, %scan3A_422 = %broadcast_in_dim3A_384, %scan3A_423 = %broadcast_in_dim3A_386, %scan3A_424 = %broadcast_in_dim3A_388) -> (vector<16xf32>, vector<16xf32>, vector<16xf32>, vector<16xf32>)  : i32 {
      %mul3A_425 = arith.constant 8 : i32
      %mul3A_426 = arith.muli %scan3A_420, %mul3A_425 : i32
      %add3A_427 = arith.constant 0 : i32
      %add3A_428 = arith.addi %mul3A_426, %add3A_427 : i32
      %get3A = arith.constant 0 : i32
      %get3A_429 = arith.constant 0 : i32
      %get3A_430 = tpu.memref_slice %arg6[%scan3A_389, %get3A, %get3A_429] : memref<6x200x64xf32, #tpu.memory_space<vmem>> -> memref<1x200x64xf32, #tpu.memory_space<vmem>>
      %get3A_431 = tpu.memref_squeeze %get3A_430 : memref<1x200x64xf32, #tpu.memory_space<vmem>> -> memref<200x64xf32, #tpu.memory_space<vmem>>
      %get3A_432 = arith.index_cast %add3A_428 : i32 to index
      %get3A_433 = arith.constant 0 : index
      %get3A_434 = tpu.vector_load %get3A_431[%get3A_432, %get3A_433] {strides = array<i32>} : memref<200x64xf32, #tpu.memory_space<vmem>>, vector<1x16xf32>,
      %get3A_435 = vector.shape_cast %get3A_434 : vector<1x16xf32> to vector<16xf32>
      %add3A_436 = arith.addf %scan3A_421, %get3A_435 : vector<16xf32>
      %get3A_437 = arith.constant 0 : i32
      %get3A_438 = arith.constant 0 : i32
      %get3A_439 = tpu.memref_slice %arg6[%scan3A_389, %get3A_437, %get3A_438] : memref<6x200x64xf32, #tpu.memory_space<vmem>> -> memref<1x200x64xf32, #tpu.memory_space<vmem>>
      %get3A_440 = tpu.memref_squeeze %get3A_439 : memref<1x200x64xf32, #tpu.memory_space<vmem>> -> memref<200x64xf32, #tpu.memory_space<vmem>>
      %get3A_441 = arith.index_cast %add3A_428 : i32 to index
      %get3A_442 = arith.constant 16 : index
      %get3A_443 = tpu.vector_load %get3A_440[%get3A_441, %get3A_442] {strides = array<i32>} : memref<200x64xf32, #tpu.memory_space<vmem>>, vector<1x16xf32>,
      %get3A_444 = vector.shape_cast %get3A_443 : vector<1x16xf32> to vector<16xf32>
      %add3A_445 = arith.addf %scan3A_422, %get3A_444 : vector<16xf32>
      %get3A_446 = arith.constant 0 : i32
      %get3A_447 = arith.constant 0 : i32
      %get3A_448 = tpu.memref_slice %arg6[%scan3A_389, %get3A_446, %get3A_447] : memref<6x200x64xf32, #tpu.memory_space<vmem>> -> memref<1x200x64xf32, #tpu.memory_space<vmem>>
      %get3A_449 = tpu.memref_squeeze %get3A_448 : memref<1x200x64xf32, #tpu.memory_space<vmem>> -> memref<200x64xf32, #tpu.memory_space<vmem>>
      %get3A_450 = arith.index_cast %add3A_428 : i32 to index
      %get3A_451 = arith.constant 32 : index
      %get3A_452 = tpu.vector_load %get3A_449[%get3A_450, %get3A_451] {strides = array<i32>} : memref<200x64xf32, #tpu.memory_space<vmem>>, vector<1x16xf32>,
      %get3A_453 = vector.shape_cast %get3A_452 : vector<1x16xf32> to vector<16xf32>
      %add3A_454 = arith.addf %scan3A_423, %get3A_453 : vector<16xf32>
      %get3A_455 = arith.constant 0 : i32
      %get3A_456 = arith.constant 0 : i32
      %get3A_457 = tpu.memref_slice %arg6[%scan3A_389, %get3A_455, %get3A_456] : memref<6x200x64xf32, #tpu.memory_space<vmem>> -> memref<1x200x64xf32, #tpu.memory_space<vmem>>
      %get3A_458 = tpu.memref_squeeze %get3A_457 : memref<1x200x64xf32, #tpu.memory_space<vmem>> -> memref<200x64xf32, #tpu.memory_space<vmem>>
      %get3A_459 = arith.index_cast %add3A_428 : i32 to index
      %get3A_460 = arith.constant 48 : index
      %get3A_461 = tpu.vector_load %get3A_458[%get3A_459, %get3A_460] {strides = array<i32>} : memref<200x64xf32, #tpu.memory_space<vmem>>, vector<1x16xf32>,
      %get3A_462 = vector.shape_cast %get3A_461 : vector<1x16xf32> to vector<16xf32>
      %add3A_463 = arith.addf %scan3A_424, %get3A_462 : vector<16xf32>
      %mul3A_464 = arith.constant 8 : i32
      %mul3A_465 = arith.muli %scan3A_420, %mul3A_464 : i32
      %add3A_466 = arith.constant 1 : i32
      %add3A_467 = arith.addi %mul3A_465, %add3A_466 : i32
      %get3A_468 = arith.constant 0 : i32
      %get3A_469 = arith.constant 0 : i32
      %get3A_470 = tpu.memref_slice %arg6[%scan3A_389, %get3A_468, %get3A_469] : memref<6x200x64xf32, #tpu.memory_space<vmem>> -> memref<1x200x64xf32, #tpu.memory_space<vmem>>
      %get3A_471 = tpu.memref_squeeze %get3A_470 : memref<1x200x64xf32, #tpu.memory_space<vmem>> -> memref<200x64xf32, #tpu.memory_space<vmem>>
      %get3A_472 = arith.index_cast %add3A_467 : i32 to index
      %get3A_473 = arith.constant 0 : index
      %get3A_474 = tpu.vector_load %get3A_471[%get3A_472, %get3A_473] {strides = array<i32>} : memref<200x64xf32, #tpu.memory_space<vmem>>, vector<1x16xf32>,
      %get3A_475 = vector.shape_cast %get3A_474 : vector<1x16xf32> to vector<16xf32>
      %add3A_476 = arith.addf %add3A_436, %get3A_475 : vector<16xf32>
      %get3A_477 = arith.constant 0 : i32
      %get3A_478 = arith.constant 0 : i32
      %get3A_479 = tpu.memref_slice %arg6[%scan3A_389, %get3A_477, %get3A_478] : memref<6x200x64xf32, #tpu.memory_space<vmem>> -> memref<1x200x64xf32, #tpu.memory_space<vmem>>
      %get3A_480 = tpu.memref_squeeze %get3A_479 : memref<1x200x64xf32, #tpu.memory_space<vmem>> -> memref<200x64xf32, #tpu.memory_space<vmem>>
      %get3A_481 = arith.index_cast %add3A_467 : i32 to index
      %get3A_482 = arith.constant 16 : index
      %get3A_483 = tpu.vector_load %get3A_480[%get3A_481, %get3A_482] {strides = array<i32>} : memref<200x64xf32, #tpu.memory_space<vmem>>, vector<1x16xf32>,
      %get3A_484 = vector.shape_cast %get3A_483 : vector<1x16xf32> to vector<16xf32>
      %add3A_485 = arith.addf %add3A_445, %get3A_484 : vector<16xf32>
      %get3A_486 = arith.constant 0 : i32
      %get3A_487 = arith.constant 0 : i32
      %get3A_488 = tpu.memref_slice %arg6[%scan3A_389, %get3A_486, %get3A_487] : memref<6x200x64xf32, #tpu.memory_space<vmem>> -> memref<1x200x64xf32, #tpu.memory_space<vmem>>
      %get3A_489 = tpu.memref_squeeze %get3A_488 : memref<1x200x64xf32, #tpu.memory_space<vmem>> -> memref<200x64xf32, #tpu.memory_space<vmem>>
      %get3A_490 = arith.index_cast %add3A_467 : i32 to index
      %get3A_491 = arith.constant 32 : index
      %get3A_492 = tpu.vector_load %get3A_489[%get3A_490, %get3A_491] {strides = array<i32>} : memref<200x64xf32, #tpu.memory_space<vmem>>, vector<1x16xf32>,
      %get3A_493 = vector.shape_cast %get3A_492 : vector<1x16xf32> to vector<16xf32>
      %add3A_494 = arith.addf %add3A_454, %get3A_493 : vector<16xf32>
      %get3A_495 = arith.constant 0 : i32
      %get3A_496 = arith.constant 0 : i32
      %get3A_497 = tpu.memref_slice %arg6[%scan3A_389, %get3A_495, %get3A_496] : memref<6x200x64xf32, #tpu.memory_space<vmem>> -> memref<1x200x64xf32, #tpu.memory_space<vmem>>
      %get3A_498 = tpu.memref_squeeze %get3A_497 : memref<1x200x64xf32, #tpu.memory_space<vmem>> -> memref<200x64xf32, #tpu.memory_space<vmem>>
      %get3A_499 = arith.index_cast %add3A_467 : i32 to index
      %get3A_500 = arith.constant 48 : index
      %get3A_501 = tpu.vector_load %get3A_498[%get3A_499, %get3A_500] {strides = array<i32>} : memref<200x64xf32, #tpu.memory_space<vmem>>, vector<1x16xf32>,
      %get3A_502 = vector.shape_cast %get3A_501 : vector<1x16xf32> to vector<16xf32>
      %add3A_503 = arith.addf %add3A_463, %get3A_502 : vector<16xf32>
      %mul3A_504 = arith.constant 8 : i32
      %mul3A_505 = arith.muli %scan3A_420, %mul3A_504 : i32
      %add3A_506 = arith.constant 2 : i32
      %add3A_507 = arith.addi %mul3A_505, %add3A_506 : i32
      %get3A_508 = arith.constant 0 : i32
      %get3A_509 = arith.constant 0 : i32
      %get3A_510 = tpu.memref_slice %arg6[%scan3A_389, %get3A_508, %get3A_509] : memref<6x200x64xf32, #tpu.memory_space<vmem>> -> memref<1x200x64xf32, #tpu.memory_space<vmem>>
      %get3A_511 = tpu.memref_squeeze %get3A_510 : memref<1x200x64xf32, #tpu.memory_space<vmem>> -> memref<200x64xf32, #tpu.memory_space<vmem>>
      %get3A_512 = arith.index_cast %add3A_507 : i32 to index
      %get3A_513 = arith.constant 0 : index
      %get3A_514 = tpu.vector_load %get3A_511[%get3A_512, %get3A_513] {strides = array<i32>} : memref<200x64xf32, #tpu.memory_space<vmem>>, vector<1x16xf32>,
      %get3A_515 = vector.shape_cast %get3A_514 : vector<1x16xf32> to vector<16xf32>
      %add3A_516 = arith.addf %add3A_476, %get3A_515 : vector<16xf32>
      %get3A_517 = arith.constant 0 : i32
      %get3A_518 = arith.constant 0 : i32
      %get3A_519 = tpu.memref_slice %arg6[%scan3A_389, %get3A_517, %get3A_518] : memref<6x200x64xf32, #tpu.memory_space<vmem>> -> memref<1x200x64xf32, #tpu.memory_space<vmem>>
      %get3A_520 = tpu.memref_squeeze %get3A_519 : memref<1x200x64xf32, #tpu.memory_space<vmem>> -> memref<200x64xf32, #tpu.memory_space<vmem>>
      %get3A_521 = arith.index_cast %add3A_507 : i32 to index
      %get3A_522 = arith.constant 16 : index
      %get3A_523 = tpu.vector_load %get3A_520[%get3A_521, %get3A_522] {strides = array<i32>} : memref<200x64xf32, #tpu.memory_space<vmem>>, vector<1x16xf32>,
      %get3A_524 = vector.shape_cast %get3A_523 : vector<1x16xf32> to vector<16xf32>
      %add3A_525 = arith.addf %add3A_485, %get3A_524 : vector<16xf32>
      %get3A_526 = arith.constant 0 : i32
      %get3A_527 = arith.constant 0 : i32
      %get3A_528 = tpu.memref_slice %arg6[%scan3A_389, %get3A_526, %get3A_527] : memref<6x200x64xf32, #tpu.memory_space<vmem>> -> memref<1x200x64xf32, #tpu.memory_space<vmem>>
      %get3A_529 = tpu.memref_squeeze %get3A_528 : memref<1x200x64xf32, #tpu.memory_space<vmem>> -> memref<200x64xf32, #tpu.memory_space<vmem>>
      %get3A_530 = arith.index_cast %add3A_507 : i32 to index
      %get3A_531 = arith.constant 32 : index
      %get3A_532 = tpu.vector_load %get3A_529[%get3A_530, %get3A_531] {strides = array<i32>} : memref<200x64xf32, #tpu.memory_space<vmem>>, vector<1x16xf32>,
      %get3A_533 = vector.shape_cast %get3A_532 : vector<1x16xf32> to vector<16xf32>
      %add3A_534 = arith.addf %add3A_494, %get3A_533 : vector<16xf32>
      %get3A_535 = arith.constant 0 : i32
      %get3A_536 = arith.constant 0 : i32
      %get3A_537 = tpu.memref_slice %arg6[%scan3A_389, %get3A_535, %get3A_536] : memref<6x200x64xf32, #tpu.memory_space<vmem>> -> memref<1x200x64xf32, #tpu.memory_space<vmem>>
      %get3A_538 = tpu.memref_squeeze %get3A_537 : memref<1x200x64xf32, #tpu.memory_space<vmem>> -> memref<200x64xf32, #tpu.memory_space<vmem>>
      %get3A_539 = arith.index_cast %add3A_507 : i32 to index
      %get3A_540 = arith.constant 48 : index
      %get3A_541 = tpu.vector_load %get3A_538[%get3A_539, %get3A_540] {strides = array<i32>} : memref<200x64xf32, #tpu.memory_space<vmem>>, vector<1x16xf32>,
      %get3A_542 = vector.shape_cast %get3A_541 : vector<1x16xf32> to vector<16xf32>
      %add3A_543 = arith.addf %add3A_503, %get3A_542 : vector<16xf32>
      %mul3A_544 = arith.constant 8 : i32
      %mul3A_545 = arith.muli %scan3A_420, %mul3A_544 : i32
      %add3A_546 = arith.constant 3 : i32
      %add3A_547 = arith.addi %mul3A_545, %add3A_546 : i32
      %get3A_548 = arith.constant 0 : i32
      %get3A_549 = arith.constant 0 : i32
      %get3A_550 = tpu.memref_slice %arg6[%scan3A_389, %get3A_548, %get3A_549] : memref<6x200x64xf32, #tpu.memory_space<vmem>> -> memref<1x200x64xf32, #tpu.memory_space<vmem>>
      %get3A_551 = tpu.memref_squeeze %get3A_550 : memref<1x200x64xf32, #tpu.memory_space<vmem>> -> memref<200x64xf32, #tpu.memory_space<vmem>>
      %get3A_552 = arith.index_cast %add3A_547 : i32 to index
      %get3A_553 = arith.constant 0 : index
      %get3A_554 = tpu.vector_load %get3A_551[%get3A_552, %get3A_553] {strides = array<i32>} : memref<200x64xf32, #tpu.memory_space<vmem>>, vector<1x16xf32>,
      %get3A_555 = vector.shape_cast %get3A_554 : vector<1x16xf32> to vector<16xf32>
      %add3A_556 = arith.addf %add3A_516, %get3A_555 : vector<16xf32>
      %get3A_557 = arith.constant 0 : i32
      %get3A_558 = arith.constant 0 : i32
      %get3A_559 = tpu.memref_slice %arg6[%scan3A_389, %get3A_557, %get3A_558] : memref<6x200x64xf32, #tpu.memory_space<vmem>> -> memref<1x200x64xf32, #tpu.memory_space<vmem>>
      %get3A_560 = tpu.memref_squeeze %get3A_559 : memref<1x200x64xf32, #tpu.memory_space<vmem>> -> memref<200x64xf32, #tpu.memory_space<vmem>>
      %get3A_561 = arith.index_cast %add3A_547 : i32 to index
      %get3A_562 = arith.constant 16 : index
      %get3A_563 = tpu.vector_load %get3A_560[%get3A_561, %get3A_562] {strides = array<i32>} : memref<200x64xf32, #tpu.memory_space<vmem>>, vector<1x16xf32>,
      %get3A_564 = vector.shape_cast %get3A_563 : vector<1x16xf32> to vector<16xf32>
      %add3A_565 = arith.addf %add3A_525, %get3A_564 : vector<16xf32>
      %get3A_566 = arith.constant 0 : i32
      %get3A_567 = arith.constant 0 : i32
      %get3A_568 = tpu.memref_slice %arg6[%scan3A_389, %get3A_566, %get3A_567] : memref<6x200x64xf32, #tpu.memory_space<vmem>> -> memref<1x200x64xf32, #tpu.memory_space<vmem>>
      %get3A_569 = tpu.memref_squeeze %get3A_568 : memref<1x200x64xf32, #tpu.memory_space<vmem>> -> memref<200x64xf32, #tpu.memory_space<vmem>>
      %get3A_570 = arith.index_cast %add3A_547 : i32 to index
      %get3A_571 = arith.constant 32 : index
      %get3A_572 = tpu.vector_load %get3A_569[%get3A_570, %get3A_571] {strides = array<i32>} : memref<200x64xf32, #tpu.memory_space<vmem>>, vector<1x16xf32>,
      %get3A_573 = vector.shape_cast %get3A_572 : vector<1x16xf32> to vector<16xf32>
      %add3A_574 = arith.addf %add3A_534, %get3A_573 : vector<16xf32>
      %get3A_575 = arith.constant 0 : i32
      %get3A_576 = arith.constant 0 : i32
      %get3A_577 = tpu.memref_slice %arg6[%scan3A_389, %get3A_575, %get3A_576] : memref<6x200x64xf32, #tpu.memory_space<vmem>> -> memref<1x200x64xf32, #tpu.memory_space<vmem>>
      %get3A_578 = tpu.memref_squeeze %get3A_577 : memref<1x200x64xf32, #tpu.memory_space<vmem>> -> memref<200x64xf32, #tpu.memory_space<vmem>>
      %get3A_579 = arith.index_cast %add3A_547 : i32 to index
      %get3A_580 = arith.constant 48 : index
      %get3A_581 = tpu.vector_load %get3A_578[%get3A_579, %get3A_580] {strides = array<i32>} : memref<200x64xf32, #tpu.memory_space<vmem>>, vector<1x16xf32>,
      %get3A_582 = vector.shape_cast %get3A_581 : vector<1x16xf32> to vector<16xf32>
      %add3A_583 = arith.addf %add3A_543, %get3A_582 : vector<16xf32>
      %mul3A_584 = arith.constant 8 : i32
      %mul3A_585 = arith.muli %scan3A_420, %mul3A_584 : i32
      %add3A_586 = arith.constant 4 : i32
      %add3A_587 = arith.addi %mul3A_585, %add3A_586 : i32
      %get3A_588 = arith.constant 0 : i32
      %get3A_589 = arith.constant 0 : i32
      %get3A_590 = tpu.memref_slice %arg6[%scan3A_389, %get3A_588, %get3A_589] : memref<6x200x64xf32, #tpu.memory_space<vmem>> -> memref<1x200x64xf32, #tpu.memory_space<vmem>>
      %get3A_591 = tpu.memref_squeeze %get3A_590 : memref<1x200x64xf32, #tpu.memory_space<vmem>> -> memref<200x64xf32, #tpu.memory_space<vmem>>
      %get3A_592 = arith.index_cast %add3A_587 : i32 to index
      %get3A_593 = arith.constant 0 : index
      %get3A_594 = tpu.vector_load %get3A_591[%get3A_592, %get3A_593] {strides = array<i32>} : memref<200x64xf32, #tpu.memory_space<vmem>>, vector<1x16xf32>,
      %get3A_595 = vector.shape_cast %get3A_594 : vector<1x16xf32> to vector<16xf32>
      %add3A_596 = arith.addf %add3A_556, %get3A_595 : vector<16xf32>
      %get3A_597 = arith.constant 0 : i32
      %get3A_598 = arith.constant 0 : i32
      %get3A_599 = tpu.memref_slice %arg6[%scan3A_389, %get3A_597, %get3A_598] : memref<6x200x64xf32, #tpu.memory_space<vmem>> -> memref<1x200x64xf32, #tpu.memory_space<vmem>>
      %get3A_600 = tpu.memref_squeeze %get3A_599 : memref<1x200x64xf32, #tpu.memory_space<vmem>> -> memref<200x64xf32, #tpu.memory_space<vmem>>
      %get3A_601 = arith.index_cast %add3A_587 : i32 to index
      %get3A_602 = arith.constant 16 : index
      %get3A_603 = tpu.vector_load %get3A_600[%get3A_601, %get3A_602] {strides = array<i32>} : memref<200x64xf32, #tpu.memory_space<vmem>>, vector<1x16xf32>,
      %get3A_604 = vector.shape_cast %get3A_603 : vector<1x16xf32> to vector<16xf32>
      %add3A_605 = arith.addf %add3A_565, %get3A_604 : vector<16xf32>
      %get3A_606 = arith.constant 0 : i32
      %get3A_607 = arith.constant 0 : i32
      %get3A_608 = tpu.memref_slice %arg6[%scan3A_389, %get3A_606, %get3A_607] : memref<6x200x64xf32, #tpu.memory_space<vmem>> -> memref<1x200x64xf32, #tpu.memory_space<vmem>>
      %get3A_609 = tpu.memref_squeeze %get3A_608 : memref<1x200x64xf32, #tpu.memory_space<vmem>> -> memref<200x64xf32, #tpu.memory_space<vmem>>
      %get3A_610 = arith.index_cast %add3A_587 : i32 to index
      %get3A_611 = arith.constant 32 : index
      %get3A_612 = tpu.vector_load %get3A_609[%get3A_610, %get3A_611] {strides = array<i32>} : memref<200x64xf32, #tpu.memory_space<vmem>>, vector<1x16xf32>,
      %get3A_613 = vector.shape_cast %get3A_612 : vector<1x16xf32> to vector<16xf32>
      %add3A_614 = arith.addf %add3A_574, %get3A_613 : vector<16xf32>
      %get3A_615 = arith.constant 0 : i32
      %get3A_616 = arith.constant 0 : i32
      %get3A_617 = tpu.memref_slice %arg6[%scan3A_389, %get3A_615, %get3A_616] : memref<6x200x64xf32, #tpu.memory_space<vmem>> -> memref<1x200x64xf32, #tpu.memory_space<vmem>>
      %get3A_618 = tpu.memref_squeeze %get3A_617 : memref<1x200x64xf32, #tpu.memory_space<vmem>> -> memref<200x64xf32, #tpu.memory_space<vmem>>
      %get3A_619 = arith.index_cast %add3A_587 : i32 to index
      %get3A_620 = arith.constant 48 : index
      %get3A_621 = tpu.vector_load %get3A_618[%get3A_619, %get3A_620] {strides = array<i32>} : memref<200x64xf32, #tpu.memory_space<vmem>>, vector<1x16xf32>,
      %get3A_622 = vector.shape_cast %get3A_621 : vector<1x16xf32> to vector<16xf32>
      %add3A_623 = arith.addf %add3A_583, %get3A_622 : vector<16xf32>
      %mul3A_624 = arith.constant 8 : i32
      %mul3A_625 = arith.muli %scan3A_420, %mul3A_624 : i32
      %add3A_626 = arith.constant 5 : i32
      %add3A_627 = arith.addi %mul3A_625, %add3A_626 : i32
      %get3A_628 = arith.constant 0 : i32
      %get3A_629 = arith.constant 0 : i32
      %get3A_630 = tpu.memref_slice %arg6[%scan3A_389, %get3A_628, %get3A_629] : memref<6x200x64xf32, #tpu.memory_space<vmem>> -> memref<1x200x64xf32, #tpu.memory_space<vmem>>
      %get3A_631 = tpu.memref_squeeze %get3A_630 : memref<1x200x64xf32, #tpu.memory_space<vmem>> -> memref<200x64xf32, #tpu.memory_space<vmem>>
      %get3A_632 = arith.index_cast %add3A_627 : i32 to index
      %get3A_633 = arith.constant 0 : index
      %get3A_634 = tpu.vector_load %get3A_631[%get3A_632, %get3A_633] {strides = array<i32>} : memref<200x64xf32, #tpu.memory_space<vmem>>, vector<1x16xf32>,
      %get3A_635 = vector.shape_cast %get3A_634 : vector<1x16xf32> to vector<16xf32>
      %add3A_636 = arith.addf %add3A_596, %get3A_635 : vector<16xf32>
      %get3A_637 = arith.constant 0 : i32
      %get3A_638 = arith.constant 0 : i32
      %get3A_639 = tpu.memref_slice %arg6[%scan3A_389, %get3A_637, %get3A_638] : memref<6x200x64xf32, #tpu.memory_space<vmem>> -> memref<1x200x64xf32, #tpu.memory_space<vmem>>
      %get3A_640 = tpu.memref_squeeze %get3A_639 : memref<1x200x64xf32, #tpu.memory_space<vmem>> -> memref<200x64xf32, #tpu.memory_space<vmem>>
      %get3A_641 = arith.index_cast %add3A_627 : i32 to index
      %get3A_642 = arith.constant 16 : index
      %get3A_643 = tpu.vector_load %get3A_640[%get3A_641, %get3A_642] {strides = array<i32>} : memref<200x64xf32, #tpu.memory_space<vmem>>, vector<1x16xf32>,
      %get3A_644 = vector.shape_cast %get3A_643 : vector<1x16xf32> to vector<16xf32>
      %add3A_645 = arith.addf %add3A_605, %get3A_644 : vector<16xf32>
      %get3A_646 = arith.constant 0 : i32
      %get3A_647 = arith.constant 0 : i32
      %get3A_648 = tpu.memref_slice %arg6[%scan3A_389, %get3A_646, %get3A_647] : memref<6x200x64xf32, #tpu.memory_space<vmem>> -> memref<1x200x64xf32, #tpu.memory_space<vmem>>
      %get3A_649 = tpu.memref_squeeze %get3A_648 : memref<1x200x64xf32, #tpu.memory_space<vmem>> -> memref<200x64xf32, #tpu.memory_space<vmem>>
      %get3A_650 = arith.index_cast %add3A_627 : i32 to index
      %get3A_651 = arith.constant 32 : index
      %get3A_652 = tpu.vector_load %get3A_649[%get3A_650, %get3A_651] {strides = array<i32>} : memref<200x64xf32, #tpu.memory_space<vmem>>, vector<1x16xf32>,
      %get3A_653 = vector.shape_cast %get3A_652 : vector<1x16xf32> to vector<16xf32>
      %add3A_654 = arith.addf %add3A_614, %get3A_653 : vector<16xf32>
      %get3A_655 = arith.constant 0 : i32
      %get3A_656 = arith.constant 0 : i32
      %get3A_657 = tpu.memref_slice %arg6[%scan3A_389, %get3A_655, %get3A_656] : memref<6x200x64xf32, #tpu.memory_space<vmem>> -> memref<1x200x64xf32, #tpu.memory_space<vmem>>
      %get3A_658 = tpu.memref_squeeze %get3A_657 : memref<1x200x64xf32, #tpu.memory_space<vmem>> -> memref<200x64xf32, #tpu.memory_space<vmem>>
      %get3A_659 = arith.index_cast %add3A_627 : i32 to index
      %get3A_660 = arith.constant 48 : index
      %get3A_661 = tpu.vector_load %get3A_658[%get3A_659, %get3A_660] {strides = array<i32>} : memref<200x64xf32, #tpu.memory_space<vmem>>, vector<1x16xf32>,
      %get3A_662 = vector.shape_cast %get3A_661 : vector<1x16xf32> to vector<16xf32>
      %add3A_663 = arith.addf %add3A_623, %get3A_662 : vector<16xf32>
      %mul3A_664 = arith.constant 8 : i32
      %mul3A_665 = arith.muli %scan3A_420, %mul3A_664 : i32
      %add3A_666 = arith.constant 6 : i32
      %add3A_667 = arith.addi %mul3A_665, %add3A_666 : i32
      %get3A_668 = arith.constant 0 : i32
      %get3A_669 = arith.constant 0 : i32
      %get3A_670 = tpu.memref_slice %arg6[%scan3A_389, %get3A_668, %get3A_669] : memref<6x200x64xf32, #tpu.memory_space<vmem>> -> memref<1x200x64xf32, #tpu.memory_space<vmem>>
      %get3A_671 = tpu.memref_squeeze %get3A_670 : memref<1x200x64xf32, #tpu.memory_space<vmem>> -> memref<200x64xf32, #tpu.memory_space<vmem>>
      %get3A_672 = arith.index_cast %add3A_667 : i32 to index
      %get3A_673 = arith.constant 0 : index
      %get3A_674 = tpu.vector_load %get3A_671[%get3A_672, %get3A_673] {strides = array<i32>} : memref<200x64xf32, #tpu.memory_space<vmem>>, vector<1x16xf32>,
      %get3A_675 = vector.shape_cast %get3A_674 : vector<1x16xf32> to vector<16xf32>
      %add3A_676 = arith.addf %add3A_636, %get3A_675 : vector<16xf32>
      %get3A_677 = arith.constant 0 : i32
      %get3A_678 = arith.constant 0 : i32
      %get3A_679 = tpu.memref_slice %arg6[%scan3A_389, %get3A_677, %get3A_678] : memref<6x200x64xf32, #tpu.memory_space<vmem>> -> memref<1x200x64xf32, #tpu.memory_space<vmem>>
      %get3A_680 = tpu.memref_squeeze %get3A_679 : memref<1x200x64xf32, #tpu.memory_space<vmem>> -> memref<200x64xf32, #tpu.memory_space<vmem>>
      %get3A_681 = arith.index_cast %add3A_667 : i32 to index
      %get3A_682 = arith.constant 16 : index
      %get3A_683 = tpu.vector_load %get3A_680[%get3A_681, %get3A_682] {strides = array<i32>} : memref<200x64xf32, #tpu.memory_space<vmem>>, vector<1x16xf32>,
      %get3A_684 = vector.shape_cast %get3A_683 : vector<1x16xf32> to vector<16xf32>
      %add3A_685 = arith.addf %add3A_645, %get3A_684 : vector<16xf32>
      %get3A_686 = arith.constant 0 : i32
      %get3A_687 = arith.constant 0 : i32
      %get3A_688 = tpu.memref_slice %arg6[%scan3A_389, %get3A_686, %get3A_687] : memref<6x200x64xf32, #tpu.memory_space<vmem>> -> memref<1x200x64xf32, #tpu.memory_space<vmem>>
      %get3A_689 = tpu.memref_squeeze %get3A_688 : memref<1x200x64xf32, #tpu.memory_space<vmem>> -> memref<200x64xf32, #tpu.memory_space<vmem>>
      %get3A_690 = arith.index_cast %add3A_667 : i32 to index
      %get3A_691 = arith.constant 32 : index
      %get3A_692 = tpu.vector_load %get3A_689[%get3A_690, %get3A_691] {strides = array<i32>} : memref<200x64xf32, #tpu.memory_space<vmem>>, vector<1x16xf32>,
      %get3A_693 = vector.shape_cast %get3A_692 : vector<1x16xf32> to vector<16xf32>
      %add3A_694 = arith.addf %add3A_654, %get3A_693 : vector<16xf32>
      %get3A_695 = arith.constant 0 : i32
      %get3A_696 = arith.constant 0 : i32
      %get3A_697 = tpu.memref_slice %arg6[%scan3A_389, %get3A_695, %get3A_696] : memref<6x200x64xf32, #tpu.memory_space<vmem>> -> memref<1x200x64xf32, #tpu.memory_space<vmem>>
      %get3A_698 = tpu.memref_squeeze %get3A_697 : memref<1x200x64xf32, #tpu.memory_space<vmem>> -> memref<200x64xf32, #tpu.memory_space<vmem>>
      %get3A_699 = arith.index_cast %add3A_667 : i32 to index
      %get3A_700 = arith.constant 48 : index
      %get3A_701 = tpu.vector_load %get3A_698[%get3A_699, %get3A_700] {strides = array<i32>} : memref<200x64xf32, #tpu.memory_space<vmem>>, vector<1x16xf32>,
      %get3A_702 = vector.shape_cast %get3A_701 : vector<1x16xf32> to vector<16xf32>
      %add3A_703 = arith.addf %add3A_663, %get3A_702 : vector<16xf32>
      %mul3A_704 = arith.constant 8 : i32
      %mul3A_705 = arith.muli %scan3A_420, %mul3A_704 : i32
      %add3A_706 = arith.constant 7 : i32
      %add3A_707 = arith.addi %mul3A_705, %add3A_706 : i32
      %get3A_708 = arith.constant 0 : i32
      %get3A_709 = arith.constant 0 : i32
      %get3A_710 = tpu.memref_slice %arg6[%scan3A_389, %get3A_708, %get3A_709] : memref<6x200x64xf32, #tpu.memory_space<vmem>> -> memref<1x200x64xf32, #tpu.memory_space<vmem>>
      %get3A_711 = tpu.memref_squeeze %get3A_710 : memref<1x200x64xf32, #tpu.memory_space<vmem>> -> memref<200x64xf32, #tpu.memory_space<vmem>>
      %get3A_712 = arith.index_cast %add3A_707 : i32 to index
      %get3A_713 = arith.constant 0 : index
      %get3A_714 = tpu.vector_load %get3A_711[%get3A_712, %get3A_713] {strides = array<i32>} : memref<200x64xf32, #tpu.memory_space<vmem>>, vector<1x16xf32>,
      %get3A_715 = vector.shape_cast %get3A_714 : vector<1x16xf32> to vector<16xf32>
      %add3A_716 = arith.addf %add3A_676, %get3A_715 : vector<16xf32>
      %get3A_717 = arith.constant 0 : i32
      %get3A_718 = arith.constant 0 : i32
      %get3A_719 = tpu.memref_slice %arg6[%scan3A_389, %get3A_717, %get3A_718] : memref<6x200x64xf32, #tpu.memory_space<vmem>> -> memref<1x200x64xf32, #tpu.memory_space<vmem>>
      %get3A_720 = tpu.memref_squeeze %get3A_719 : memref<1x200x64xf32, #tpu.memory_space<vmem>> -> memref<200x64xf32, #tpu.memory_space<vmem>>
      %get3A_721 = arith.index_cast %add3A_707 : i32 to index
      %get3A_722 = arith.constant 16 : index
      %get3A_723 = tpu.vector_load %get3A_720[%get3A_721, %get3A_722] {strides = array<i32>} : memref<200x64xf32, #tpu.memory_space<vmem>>, vector<1x16xf32>,
      %get3A_724 = vector.shape_cast %get3A_723 : vector<1x16xf32> to vector<16xf32>
      %add3A_725 = arith.addf %add3A_685, %get3A_724 : vector<16xf32>
      %get3A_726 = arith.constant 0 : i32
      %get3A_727 = arith.constant 0 : i32
      %get3A_728 = tpu.memref_slice %arg6[%scan3A_389, %get3A_726, %get3A_727] : memref<6x200x64xf32, #tpu.memory_space<vmem>> -> memref<1x200x64xf32, #tpu.memory_space<vmem>>
      %get3A_729 = tpu.memref_squeeze %get3A_728 : memref<1x200x64xf32, #tpu.memory_space<vmem>> -> memref<200x64xf32, #tpu.memory_space<vmem>>
      %get3A_730 = arith.index_cast %add3A_707 : i32 to index
      %get3A_731 = arith.constant 32 : index
      %get3A_732 = tpu.vector_load %get3A_729[%get3A_730, %get3A_731] {strides = array<i32>} : memref<200x64xf32, #tpu.memory_space<vmem>>, vector<1x16xf32>,
      %get3A_733 = vector.shape_cast %get3A_732 : vector<1x16xf32> to vector<16xf32>
      %add3A_734 = arith.addf %add3A_694, %get3A_733 : vector<16xf32>
      %get3A_735 = arith.constant 0 : i32
      %get3A_736 = arith.constant 0 : i32
      %get3A_737 = tpu.memref_slice %arg6[%scan3A_389, %get3A_735, %get3A_736] : memref<6x200x64xf32, #tpu.memory_space<vmem>> -> memref<1x200x64xf32, #tpu.memory_space<vmem>>
      %get3A_738 = tpu.memref_squeeze %get3A_737 : memref<1x200x64xf32, #tpu.memory_space<vmem>> -> memref<200x64xf32, #tpu.memory_space<vmem>>
      %get3A_739 = arith.index_cast %add3A_707 : i32 to index
      %get3A_740 = arith.constant 48 : index
      %get3A_741 = tpu.vector_load %get3A_738[%get3A_739, %get3A_740] {strides = array<i32>} : memref<200x64xf32, #tpu.memory_space<vmem>>, vector<1x16xf32>,
      %get3A_742 = vector.shape_cast %get3A_741 : vector<1x16xf32> to vector<16xf32>
      %add3A_743 = arith.addf %add3A_703, %get3A_742 : vector<16xf32>
      scf.yield %add3A_716, %add3A_725, %add3A_734, %add3A_743 : vector<16xf32>, vector<16xf32>, vector<16xf32>, vector<16xf32>
    }
    %scan3A_395 = arith.constant 25 : i32
    %swap3A_396 = arith.constant 127 : i32
    %swap3A_397 = arith.index_cast %swap3A_396 : i32 to index
    %swap3A_398 = arith.constant 0 : index
    %swap3A_399 = tpu.vector_load %arg7[%swap3A_397, %swap3A_398] {strides = array<i32>} : memref<128x64xf32, #tpu.memory_space<vmem>>, vector<1x16xf32>,
    %swap3A_400 = vector.shape_cast %swap3A_399 : vector<1x16xf32> to vector<16xf32>
    %swap3A_401 = vector.shape_cast %scan3A_394#0 : vector<16xf32> to vector<1x16xf32>
    tpu.vector_store %arg7[%swap3A_397, %swap3A_398], %swap3A_401 {strides = array<i32>} : memref<128x64xf32, #tpu.memory_space<vmem>>, vector<1x16xf32>,
    %swap3A_402 = arith.constant 127 : i32
    %swap3A_403 = arith.index_cast %swap3A_402 : i32 to index
    %swap3A_404 = arith.constant 16 : index
    %swap3A_405 = tpu.vector_load %arg7[%swap3A_403, %swap3A_404] {strides = array<i32>} : memref<128x64xf32, #tpu.memory_space<vmem>>, vector<1x16xf32>,
    %swap3A_406 = vector.shape_cast %swap3A_405 : vector<1x16xf32> to vector<16xf32>
    %swap3A_407 = vector.shape_cast %scan3A_394#1 : vector<16xf32> to vector<1x16xf32>
    tpu.vector_store %arg7[%swap3A_403, %swap3A_404], %swap3A_407 {strides = array<i32>} : memref<128x64xf32, #tpu.memory_space<vmem>>, vector<1x16xf32>,
    %swap3A_408 = arith.constant 127 : i32
    %swap3A_409 = arith.index_cast %swap3A_408 : i32 to index
    %swap3A_410 = arith.constant 32 : index
    %swap3A_411 = tpu.vector_load %arg7[%swap3A_409, %swap3A_410] {strides = array<i32>} : memref<128x64xf32, #tpu.memory_space<vmem>>, vector<1x16xf32>,
    %swap3A_412 = vector.shape_cast %swap3A_411 : vector<1x16xf32> to vector<16xf32>
    %swap3A_413 = vector.shape_cast %scan3A_394#2 : vector<16xf32> to vector<1x16xf32>
    tpu.vector_store %arg7[%swap3A_409, %swap3A_410], %swap3A_413 {strides = array<i32>} : memref<128x64xf32, #tpu.memory_space<vmem>>, vector<1x16xf32>,
    %swap3A_414 = arith.constant 127 : i32
    %swap3A_415 = arith.index_cast %swap3A_414 : i32 to index
    %swap3A_416 = arith.constant 48 : index
    %swap3A_417 = tpu.vector_load %arg7[%swap3A_415, %swap3A_416] {strides = array<i32>} : memref<128x64xf32, #tpu.memory_space<vmem>>, vector<1x16xf32>,
    %swap3A_418 = vector.shape_cast %swap3A_417 : vector<1x16xf32> to vector<16xf32>
    %swap3A_419 = vector.shape_cast %scan3A_394#3 : vector<16xf32> to vector<1x16xf32>
    tpu.vector_store %arg7[%swap3A_415, %swap3A_416], %swap3A_419 {strides = array<i32>} : memref<128x64xf32, #tpu.memory_space<vmem>>, vector<1x16xf32>,
    "tpu.region"() ({
      %run_scoped3A = tpu.sem_alloc : memref<!tpu.dma_semaphore, #tpu.memory_space<semaphore_mem>>
      %dma_start3A_420 = arith.constant 0 : i32
      %dma_start3A_421 = tpu.memref_slice %arg4[%mul3A_2, %dma_start3A_420] : memref<4096x64xf32, #tpu.memory_space<hbm>> -> memref<128x64xf32, #tpu.memory_space<hbm>>
      %dma_start3A_422 = arith.constant 0 : i32
      %dma_start3A_423 = tpu.memref_slice %arg4[%mul3A_2, %dma_start3A_422] : memref<4096x64xf32, #tpu.memory_space<hbm>> -> memref<128x64xf32, #tpu.memory_space<hbm>>
      tpu.enqueue_dma source(%arg7 : memref<128x64xf32, #tpu.memory_space<vmem>>) target(%dma_start3A_423 : memref<128x64xf32, #tpu.memory_space<hbm>>) target_semaphore(%run_scoped3A : memref<!tpu.dma_semaphore, #tpu.memory_space<semaphore_mem>>)
      %dma_wait3A_424 = arith.constant 0 : i32
      %dma_wait3A_425 = tpu.memref_slice %arg4[%mul3A_2, %dma_wait3A_424] : memref<4096x64xf32, #tpu.memory_space<hbm>> -> memref<128x64xf32, #tpu.memory_space<hbm>>
      %dma_wait3A_426 = arith.constant 0 : i32
      %dma_wait3A_427 = tpu.memref_slice %arg4[%mul3A_2, %dma_wait3A_426] : memref<4096x64xf32, #tpu.memory_space<hbm>> -> memref<128x64xf32, #tpu.memory_space<hbm>>
      tpu.wait_dma2 semaphore(%run_scoped3A : memref<!tpu.dma_semaphore, #tpu.memory_space<semaphore_mem>>) src(%arg7 : memref<128x64xf32, #tpu.memory_space<vmem>>) dst(%dma_wait3A_427 : memref<128x64xf32, #tpu.memory_space<hbm>>)
      tpu.yield
    }) : () -> ()
    return
  }
}

</mosaic_0001>

<sc_bundles>
// kernel: kernel.3.cloned.1.call-start
scs
__scs_entry_jumppad:
0x0: {  	(pc) =	sbr.rel $0x88, $3  }
0x1: {  	(tag) =	ssettag $0x0;
	lr =	simm.s32 $0x1  }
0x2: {  	[smem:$0x3F9F] =	sst lr;
	_ =	strace $0xD0000000  }
0x3: {  	_ = 	snop  }
0x4: {  	_ = 	snop  }
0x5: {  	_ = 	snop  }
0x6: {  	_ = 	snop  }
0x7: {  	_ = 	snop  }
__scs_overlays_trampoline_lowered:
0x8: {  	[smem:$0x3FAE] =	sst s0  }
0x9: {  	[smem:$0x3FAF] =	sst s1  }
0xa: {  	[smem:$0x3FB0] =	sst s2  }
0xb: {  	[smem:$0x3FB1] =	sst s3  }
0xc: {  	[smem:$0x3FB2] =	sst s4  }
0xd: {  	[smem:$0x3FB3] =	sst s5  }
0xe: {  	[smem:$0x3FB4] =	sst s6  }
0xf: {  	[smem:$0x3FB5] =	sst s7  }
0x10: {  	[smem:$0x3FB6] =	sst s8  }
0x11: {  	[smem:$0x3FB7] =	sst s9;
	s0 =	simm.s32 @!p0 $0x0  }
0x12: {  	s1 =	sld [smem:$0x3F9D];
	s0 =	simm.s32 @p0 $0x1  }
0x13: {  	[smem:$0x3FB8] =	sst s0;
	s0 =	simm.s32 @!p1 $0x0  }
0x14: {  	s2 =	sld [smem:$0x3F9C];
	s0 =	simm.s32 @p1 $0x1  }
0x15: {  	[smem:$0x3FB9] =	sst s0;
	s0 =	simm.s32 @!p2 $0x0  }
0x16: {  	s3 =	sld [smem:$0x3FDB];
	s0 =	simm.s32 @p2 $0x1  }
0x17: {  	s4 =	simm.s32 $0x1BF5;
	[smem:$0x3FBB] =	sst s0  }
0x18: {  	s0 =	sld [smem:$0x3F9E];
	_ =	swait.ge [sflag:s4], $0x0  }
0x19: {  	s7 =	sld [smem:$0x3F9F]  }
0x1a: {  	s8 =	sadd.s32 $0xFFFFE003, lr  }
0x1b: {  	s9 =	sadd.s32 $0xFFFFFEF7, lr;
	s5 =	simm.s32 $0xFFFFFFFF;
	p2 =	slt.u32 s8, $0xFFFFF086  }
0x1c: {  	p1 =	slt.u32 s9, $0xF7A;
	s5 =	simm.s32 @!p2 $0x0  }
0x1d: {  	s5 =	simm.s32 @p1 $0x1;
	p0 =	seq.s32 s7, s2  }
0x1e: {  	s7 =	smul.u32 @!p0 $0xF7A, s2;
	p2 =	seq.s32 @!p0 s5, $0x0  }
0x1f: {  	s9 =	smul.u32 $0xF7A, s1;
	s8 =	simm.s32 @!p0 $0x1BF5;
	p2 =	por !p2, p0  }
0x20: {  	[sflag:s8] =	ssyncset.s32 @!p0 $0xFFFFF086;
	s6 =	sadd.s32 @!p0 s3, s7;
	s7 =	simm.s32 @!p0 $0x108  }
0x21: {  	s3 =	sadd.s32 s3, s9;
	s6 =	sadd.s32 @!p0 $0x88, s6;
	s7 =	simm.s32 @p2 $0x1082  }
0x22: {  	[simem:s7], [sflag:s8] =	dma.local @!p0 [hbm:s6], $0xF7A  }
0x23: {  	s9 =	sor.u32 $0xD0000000, s2;
	s6 =	simm.s32 $0x108;
	_ =	swait.ge @!p0 [sflag:s8], $0x0  }
0x24: {  	s3 =	sadd.s32 $0x88, s3;
	s6 =	simm.s32 @!p1 $0x1082;
	[sflag:s4] =	ssyncset.s32 $0xFFFFF086  }
0x25: {  	[simem:s6], [sflag:s4] =	dma.local [hbm:s3], $0xF7A  }
0x26: {  	[smem:$0x3F9F] =	sst s1;
	(tag) =	ssettag s2;
	_ =	strace s9  }
0x27: {  	s1 =	sld [smem:$0x3FAF]  }
0x28: {  	s2 =	sld [smem:$0x3FB0]  }
0x29: {  	s4 =	sld [smem:$0x3FB2]  }
0x2a: {  	p0 =	seq.s32 s5, $0x0;
	s5 =	sld [smem:$0x3FB3]  }
0x2b: {  	s6 =	sld [smem:$0x3FB4]  }
0x2c: {  	s7 =	sld [smem:$0x3FB5]  }
0x2d: {  	s3 =	simm.s32 $0x108;
	s8 =	sld [smem:$0x3FB6]  }
0x2e: {  	s3 =	simm.s32 @!p0 $0x1082;
	s9 =	sld [smem:$0x3FB7]  }
0x2f: {  	lr =	sadd.s32 s0, s3;
	s0 =	sld [smem:$0x3FAE]  }
0x30: {  	s3 =	sld [smem:$0x3FB1]  }
0x31: {  	[smem:$0x3FBA] =	sst s10  }
0x32: {  	s10 =	sld [smem:$0x3FB8];
	_ =	sdelay $0x3  }
0x33: {  	p0 =	seq.s32 s10, $0x1;
	s10 =	sld [smem:$0x3FBA];
	_ =	sdelay $0x3  }
0x34: {  	[smem:$0x3FBA] =	sst s10  }
0x35: {  	s10 =	sld [smem:$0x3FB9];
	_ =	sdelay $0x3  }
0x36: {  	p1 =	seq.s32 s10, $0x1;
	s10 =	sld [smem:$0x3FBA];
	_ =	sdelay $0x3  }
0x37: {  	[smem:$0x3FBA] =	sst s10  }
0x38: {  	s10 =	sld [smem:$0x3FBB]  }
0x39: {  	_ = 	snop;
	(pc) =	sbr.ind lr, $3  }
0x3a: {  	_ = 	snop  }
0x3b: {  	_ = 	snop  }
0x3c: {  	p2 =	seq.s32 s10, $0x1;
	s10 =	sld [smem:$0x3FBA]  }
0x3d: {  	_ =	shalt  }
0x3e: {  	_ =	shalt  }
0x3f: {  	_ =	shalt  }
0x40: {  	_ =	shalt  }
0x41: {  	_ =	shalt  }
0x42: {  	_ =	shalt  }
0x43: {  	_ =	shalt  }
0x44: {  	_ =	shalt  }
0x45: {  	_ =	shalt  }
0x46: {  	_ =	shalt  }
0x47: {  	_ =	shalt  }
0x48: {  	_ =	shalt  }
0x49: {  	_ =	shalt  }
0x4a: {  	_ =	shalt  }
0x4b: {  	_ =	shalt  }
0x4c: {  	_ =	shalt  }
0x4d: {  	_ =	shalt  }
0x4e: {  	_ =	shalt  }
0x4f: {  	_ =	shalt  }
0x50: {  	_ =	shalt  }
0x51: {  	_ =	shalt  }
0x52: {  	_ =	shalt  }
0x53: {  	_ =	shalt  }
0x54: {  	_ =	shalt  }
0x55: {  	_ =	shalt  }
0x56: {  	_ =	shalt  }
0x57: {  	_ =	shalt  }
0x58: {  	_ =	shalt  }
0x59: {  	_ =	shalt  }
0x5a: {  	_ =	shalt  }
0x5b: {  	_ =	shalt  }
0x5c: {  	_ =	shalt  }
0x5d: {  	_ =	shalt  }
0x5e: {  	_ =	shalt  }
0x5f: {  	_ =	shalt  }
0x60: {  	_ =	shalt  }
0x61: {  	_ =	shalt  }
0x62: {  	_ =	shalt  }
0x63: {  	_ =	shalt  }
0x64: {  	_ =	shalt  }
0x65: {  	_ =	shalt  }
0x66: {  	_ =	shalt  }
0x67: {  	_ =	shalt  }
0x68: {  	_ =	shalt  }
0x69: {  	_ =	shalt  }
0x6a: {  	_ =	shalt  }
0x6b: {  	_ =	shalt  }
0x6c: {  	_ =	shalt  }
0x6d: {  	_ =	shalt  }
0x6e: {  	_ =	shalt  }
0x6f: {  	_ =	shalt  }
0x70: {  	_ =	shalt  }
0x71: {  	_ =	shalt  }
0x72: {  	_ =	shalt  }
0x73: {  	_ =	shalt  }
0x74: {  	_ =	shalt  }
0x75: {  	_ =	shalt  }
0x76: {  	_ =	shalt  }
0x77: {  	_ =	shalt  }
0x78: {  	_ =	shalt  }
0x79: {  	_ =	shalt  }
0x7a: {  	_ =	shalt  }
0x7b: {  	_ =	shalt  }
0x7c: {  	_ =	shalt  }
0x7d: {  	_ =	shalt  }
0x7e: {  	_ =	shalt  }
0x7f: {  	_ =	shalt  }
0x80: {  	_ =	shalt  }
0x81: {  	_ =	shalt  }
0x82: {  	_ =	shalt  }
0x83: {  	_ =	shalt  }
0x84: {  	_ =	shalt  }
0x85: {  	_ =	shalt  }
0x86: {  	_ =	shalt  }
0x87: {  	_ =	shalt  }
.Lfunc_end0:
.L_simem_size_0:
called_computation_lowered:
.L_overlay_start_0:
0x88: {  	s2 =	sld [smem:$0x3FD9]  }
0x89: {  	s3 =	sld [smem:$0x3FFE];
	_ =	sdelay $0x1  }
0x8a: {  	s1 =	srdreg.scid  }
0x8b: {  	s0 =	sand.u32 $0x1, s1  }
0x8c: {  	s17 =	sshll.u32 s0, $0xA;
	s2 =	sadd.s32 s3, s2  }
0x8d: {  	s2 =	sadd.s32 s2, s17  }
0x8e: {  	[smem:$0x3FC6] =	sst s2  }
0x8f: {  	_ = 	snop  }
0x90: {  	s2 =	sld [smem:$0x3FD0];
	(tm) =	ssettm $0x1  }
0x91: {  	s18 =	sld [smem:$0x3FFB];
	_ =	sdelay $0x3  }
0x92: {  	_ =	strace s18  }
0x93: {  	s3 =	sld [smem:$0x3FFC];
	_ =	sdelay $0x3  }
0x94: {  	_ =	strace s3  }
0x95: {  	s3 =	sld [smem:$0x3FFD];
	_ =	sdelay $0x3  }
0x96: {  	_ =	strace s3  }
0x97: {  	_ =	strace $0x8FFFFFFF  }
0x98: {  	s19 =	sld [smem:$0x3FDB];
	_ =	sdelay $0x1  }
0x99: {  	s4 =	simm.s32 $_scs_section_size  }
0x9a: {  	s5 =	simm.s32 $_size__tile_overlayer_lowered;
	s6 =	simm.s32 $_tile_overlayer_lowered  }
0x9b: {  	s22 =	simm.s32 $0x1BFF;
	s21 =	sshll.u32 s6, $0x1;
	s3 =	sadd.s32 s4, s19  }
0x9c: {  	s7 =	simm.s32 $0x0;
	s20 =	sshll.u32 s5, $0x1;
	s5 =	sadd.s32 s21, s3  }
0x9d: {  	[timem:s7], [sflag:s22] =	dma.local [hbm:s5], s20  }
0x9e: {  	_ =	swait.ge [sflag:s22], s20  }
0x9f: {  	s4 =	ssub.s32 $0x0, s20;
	[sflag:s22] =	ssyncset.done $0x0  }
0xa0: {  	[sflag:s22] =	ssyncadd.s32 s4;
	_ =	sdelay $0x1  }
0xa1: {  	s23 =	simm.s32 $0x1B8B  }
0xa2: {  	_ =	swait.ge [sflag:s23], $0x1  }
0xa3: {  	[sflag:s23] =	ssyncset.done $0x0  }
0xa4: {  	s25 =	simm.s32 $0x1B8E;
	s24 =	sld [smem:$0x3FFE];
	[sflag:s23] =	ssyncadd.s32 $0xFFFFFFFF  }
0xa5: {  	s26 =	simm.s32 $execute0_lowered;
	[smem:$0x3FD2] =	sst s25  }
0xa6: {  	s5 =	sshll.u32 s26, $0x1;
	_ =	strace $0x80000046;
	[dreg:$0x1] =	wrdreg $0xFFFFFFFF  }
0xa7: {  	s28 =	simm.s32 $_size_execute0_lowered;
	s3 =	sadd.s32 s3, s5;
	[dreg:$0x0] =	wrdreg $0x0  }
0xa8: {  	s5 =	sshll.u32 s28, $0x1;
	[dreg:$0x2] =	wrdreg s3  }
0xa9: {  	[dreg:$0x3] =	wrdreg s5  }
0xaa: {  	[dreg:$0x4] =	wrdreg $0xC0  }
0xab: {  	_ =	task [dreg:s7], $0x5FFFF  }
0xac: {  	[dreg:$0x1] =	wrdreg $0xFFFFFFFF  }
0xad: {  	[dreg:$0x0] =	wrdreg $0x60  }
0xae: {  	[dreg:$0x2] =	wrdreg s24  }
0xaf: {  	[dreg:$0x3] =	wrdreg s2  }
0xb0: {  	[dreg:$0x4] =	wrdreg $0x9  }
0xb1: {  	_ =	task.clear_ibuf [dreg:s7], $0x5FFFF;
	_ =	strace $0x90000046  }
0xb2: {  	s29 =	simm.s32 $0x9;
	_ =	strace $0x80000048  }
0xb3: {  	_ =	swait.ge [sflag:s29], $0x1  }
0xb4: {  	[sflag:s29] =	ssyncadd.s32 $0xFFFFFFFF  }
0xb5: {  	_ =	strace $0x90000048  }
0xb6: {  	_ =	sfence  }
0xb7: {  	s30 =	sld [smem:$0x0];
	_ =	sdelay $0x2  }
0xb8: {  	s31 =	sshll.u32 s1, $0xD;
	s1 =	sshrl.u32 s1, $0x2  }
0xb9: {  	s3 =	sand.u32 $0x4000, s31;
	s1 =	sadd.s32 s1, s30  }
0xba: {  	s0 =	sor.u32 s3, s0;
	s1 =	sshll.u32 s1, $0x11  }
0xbb: {  	s0 =	sor.u32 s1, s0  }
0xbc: {  	s0 =	sadd.s32 $0x8F2B, s0  }
0xbd: {  	[sflag:s0] =	ssyncadd.remote.s32 $0x1  }
0xbe: {  	_ =	sfence.sel $0xFFFF  }
0xbf: {  	[dreg:$0x0] =	wrdreg $0xFFFFFFFF;
	(pc) =	sbr.abs _section_cstart, $3  }
0xc0: {  	[dreg:$0x1] =	wrdreg $0xFFFFFFFF  }
0xc1: {  	_ =	task.clear_ibuf [dreg:s7], $0x2FFFF;
	_ =	strace $0x9FFFFFFF  }
0xc2: {  	(tm) =	ssettm $0x7FFFFFFF  }
0xc3: {  	_ =	shalt  }
tec
execute0_lowered:
.L_overlay_start_1:
0x0: {  	(tag) =	ssettag $0x1  }
0x1: {  	s0 =	rddreg [dreg:$0x0]  }
0x2: {  	s1 =	srdreg.scid;
	s2 =	stileid.u32  }
0x3: {  	s4 =	rddreg [dreg:$0x1];
	s7 =	simm.s32 $0x7;
	s8 =	simm.s32 $0x40  }
0x4: {  	s9 =	simm.s32 $0x8000;
	s10 =	simm.s32 $0x9000;
	s12 =	simm.s32 $0xA000  }
0x5: {  	s13 =	simm.s32 $0x8;
	s15 =	simm.s32 $0xB000;
	s17 =	simm.s32 $0xB200  }
0x6: {  	s19 =	simm.s32 $0xC200;
	s21 =	simm.s32 $0xD200;
	s23 =	simm.s32 $0xE200  }
0x7: {  	s11 =	simm.s32 $0x17A00;
	s14 =	simm.s32 $0x18A00;
	s16 =	simm.s32 $0x19A00  }
0x8: {  	s18 =	simm.s32 $0x1AA00;
	s20 =	simm.s32 $0x1;
	s22 =	simm.s32 $0x2  }
0x9: {  	s24 =	simm.s32 $0x3;
	s1 =	sand.u32 $0x1, s1;
	s3 =	sshll.u32 s2, $0x1  }
0xa: {  	s25 =	simm.s32 $0x4;
	s2 =	simm.s32 $0x0;
	s5 =	sor.u32 s1, s3  }
0xb: {  	[smem:$0x7FF] =	sst s2;
	s1 =	ssub.s32 $0x2, s1;
	s3 =	sshll.u32 s5, $0xC  }
0xc: {  	_ =	strace $0x80000047;
	s26 =	sshrl.u32 s1, $0x1;
	s5 =	sshll.u32 s5, $0xA  }
0xd: {  	s6 =	sadd.s32 s3, s0;
	s3 =	sadd.s32 $0xF42C00, s0;
	s31 =	sadd.s32 s4, s5  }
0xe: {  	s0 =	ssub.s32 s1, s26;
	s29 =	sadd.s32 $0x600, s6;
	[dreg:$0x4] =	wrdreg s31  }
0xf: {  	s28 =	simm.s32 $0x6;
	s0 =	smax.u32 s0, $0x1;
	[dreg:$0x3] =	wrdreg s29  }
0x10: {  	s30 =	simm.s32 $0x0;
	s26 =	simm.s32 $0x5;
	[dreg:$0x5] =	wrdreg s0  }
.LBB2_1:
0x11: {  	s0 =	rddreg [dreg:$0x3]  }
0x12: {  	[tilespmem:s2], [sflag:$0x7] =	stream.linear.gather [hbm4b:s0+s2], $0x8000, $0x38;
	[tilespmem:$0x1CC00] =	vst v63  }
0x13: {  	_ =	swait.ge [sflag:s7], $0x8000  }
0x14: {  	[sflag:s7] =	ssyncset.done $0x0  }
0x15: {  	[sflag:s7] =	ssyncadd.s32 $0xFFFF8000  }
0x16: {  	[tilespmem:s9], [sflag:$0x1] =	stream.indirect.gather [hbm4b:s3+s8], $0x40, s2, s8, $0xb8;
	[tilespmem:$0x1CC00] =	vst v63  }
0x17: {  	_ = 	snop  }
0x18: {  	[tilespmem:s10], [sflag:$0x1] =	stream.indirect.gather [hbm4b:s3+s8], $0x40, s8, s8, $0xb8;
	[tilespmem:$0x1CC00] =	vst v63  }
0x19: {  	s4 =	simm.s32 $0x80  }
0x1a: {  	[tilespmem:s12], [sflag:$0x1] =	stream.indirect.gather [hbm4b:s3+s8], $0x40, s4, s8, $0xb8;
	[tilespmem:$0x1CC00] =	vst v63  }
0x1b: {  	s5 =	simm.s32 $0xC0  }
0x1c: {  	[tilespmem:s15], [sflag:$0x1] =	stream.indirect.gather [hbm4b:s3+s13], $0x40, s5, s13, $0xb8;
	[tilespmem:$0x1CC00] =	vst v63  }
0x1d: {  	s6 =	simm.s32 $0x100  }
0x1e: {  	[tilespmem:s17], [sflag:$0x2] =	stream.indirect.gather [hbm4b:s3+s8], $0x40, s6, s8, $0xb8;
	[tilespmem:$0x1CC00] =	vst v63  }
0x1f: {  	s29 =	simm.s32 $0x140  }
0x20: {  	[tilespmem:s19], [sflag:$0x2] =	stream.indirect.gather [hbm4b:s3+s8], $0x40, s29, s8, $0xb8;
	[tilespmem:$0x1CC00] =	vst v63  }
0x21: {  	s1 =	simm.s32 $0x180  }
0x22: {  	[tilespmem:s21], [sflag:$0x2] =	stream.indirect.gather [hbm4b:s3+s8], $0x40, s1, s8, $0xb8;
	[tilespmem:$0x1CC00] =	vst v63  }
0x23: {  	s4 =	simm.s32 $0x1C0  }
0x24: {  	[tilespmem:s23], [sflag:$0x2] =	stream.indirect.gather [hbm4b:s3+s13], $0x40, s4, s13, $0xb8;
	[tilespmem:$0x1CC00] =	vst v63  }
0x25: {  	s5 =	simm.s32 $0x200;
	s1 =	simm.s32 $0xE400  }
0x26: {  	[tilespmem:s1], [sflag:$0x3] =	stream.indirect.gather [hbm4b:s3+s8], $0x40, s5, s8, $0xb8;
	[tilespmem:$0x1CC00] =	vst v63  }
0x27: {  	s6 =	simm.s32 $0x240;
	s29 =	simm.s32 $0xF400  }
0x28: {  	[tilespmem:s29], [sflag:$0x3] =	stream.indirect.gather [hbm4b:s3+s8], $0x40, s6, s8, $0xb8;
	[tilespmem:$0x1CC00] =	vst v63  }
0x29: {  	s4 =	simm.s32 $0x280;
	s5 =	simm.s32 $0x10400  }
0x2a: {  	[tilespmem:s5], [sflag:$0x3] =	stream.indirect.gather [hbm4b:s3+s8], $0x40, s4, s8, $0xb8;
	[tilespmem:$0x1CC00] =	vst v63  }
0x2b: {  	s6 =	simm.s32 $0x2C0;
	s29 =	simm.s32 $0x11400  }
0x2c: {  	[tilespmem:s29], [sflag:$0x3] =	stream.indirect.gather [hbm4b:s3+s13], $0x40, s6, s13, $0xb8;
	[tilespmem:$0x1CC00] =	vst v63  }
0x2d: {  	s4 =	simm.s32 $0x300;
	s5 =	simm.s32 $0x11600  }
0x2e: {  	[tilespmem:s5], [sflag:$0x4] =	stream.indirect.gather [hbm4b:s3+s8], $0x40, s4, s8, $0xb8;
	[tilespmem:$0x1CC00] =	vst v63  }
0x2f: {  	s6 =	simm.s32 $0x340;
	s29 =	simm.s32 $0x12600  }
0x30: {  	[tilespmem:s29], [sflag:$0x4] =	stream.indirect.gather [hbm4b:s3+s8], $0x40, s6, s8, $0xb8;
	[tilespmem:$0x1CC00] =	vst v63  }
0x31: {  	s4 =	simm.s32 $0x380;
	s5 =	simm.s32 $0x13600  }
0x32: {  	[tilespmem:s5], [sflag:$0x4] =	stream.indirect.gather [hbm4b:s3+s8], $0x40, s4, s8, $0xb8;
	[tilespmem:$0x1CC00] =	vst v63  }
0x33: {  	s6 =	simm.s32 $0x3C0;
	s29 =	simm.s32 $0x14600  }
0x34: {  	[tilespmem:s29], [sflag:$0x4] =	stream.indirect.gather [hbm4b:s3+s13], $0x40, s6, s13, $0xb8;
	[tilespmem:$0x1CC00] =	vst v63  }
0x35: {  	s4 =	simm.s32 $0x400;
	s5 =	simm.s32 $0x14800  }
0x36: {  	[tilespmem:s5], [sflag:$0x5] =	stream.indirect.gather [hbm4b:s3+s8], $0x40, s4, s8, $0xb8;
	[tilespmem:$0x1CC00] =	vst v63  }
0x37: {  	s6 =	simm.s32 $0x440;
	s29 =	simm.s32 $0x15800  }
0x38: {  	[tilespmem:s29], [sflag:$0x5] =	stream.indirect.gather [hbm4b:s3+s8], $0x40, s6, s8, $0xb8;
	[tilespmem:$0x1CC00] =	vst v63  }
0x39: {  	s4 =	simm.s32 $0x480;
	s5 =	simm.s32 $0x16800  }
0x3a: {  	[tilespmem:s5], [sflag:$0x5] =	stream.indirect.gather [hbm4b:s3+s8], $0x40, s4, s8, $0xb8;
	[tilespmem:$0x1CC00] =	vst v63  }
0x3b: {  	s31 =	simm.s32 $0x0;
	s6 =	simm.s32 $0x4C0;
	s29 =	simm.s32 $0x17800  }
0x3c: {  	[tilespmem:s29], [sflag:$0x5] =	stream.indirect.gather [hbm4b:s3+s13], $0x40, s6, s13, $0xb8;
	[tilespmem:$0x1CC00] =	vst v63  }
.LBB2_2:
0x3d: {  	s0 =	smul.u32 $0x6, s31;
	_ =	sdelay $0x1  }
0x3e: {  	s1 =	sadd.s32 $0x5, s0  }
0x3f: {  	s0 =	sshll.u32 s1, $0x8  }
0x40: {  	s0 =	sand.u32 $0x3FFFFF00, s0  }
0x41: {  	[tilespmem:s11], [sflag:$0x6] =	stream.indirect.gather [hbm4b:s3+s8], $0x40, s0, s8, $0xb8;
	[tilespmem:$0x1CC00] =	vst v63  }
0x42: {  	s4 =	sor.u32 $0x40, s0  }
0x43: {  	[tilespmem:s14], [sflag:$0x6] =	stream.indirect.gather [hbm4b:s3+s8], $0x40, s4, s8, $0xb8;
	[tilespmem:$0x1CC00] =	vst v63  }
0x44: {  	s29 =	sor.u32 $0x80, s0  }
0x45: {  	[tilespmem:s16], [sflag:$0x6] =	stream.indirect.gather [hbm4b:s3+s8], $0x40, s29, s8, $0xb8;
	[tilespmem:$0x1CC00] =	vst v63  }
0x46: {  	s0 =	sor.u32 $0xC0, s0  }
0x47: {  	[tilespmem:s18], [sflag:$0x6] =	stream.indirect.gather [hbm4b:s3+s13], $0x40, s0, s13, $0xb8;
	[tilespmem:$0x1CC00] =	vst v63  }
0x48: {  	_ =	swait.ge [sflag:s20], $0x3200  }
0x49: {  	[sflag:s20] =	ssyncset.done $0x0  }
0x4a: {  	s0 =	simm.s32 $0x0;
	[sflag:s20] =	ssyncadd.s32 $0xFFFFCE00  }
0x4b: {  	v0 =	vld [tilespmem:s0+$0x81C0]  }
0x4c: {  	v1 =	vld [tilespmem:s0+$0x81D0]  }
0x4d: {  	v2 =	vld [tilespmem:s0+$0x8180]  }
0x4e: {  	v3 =	vld [tilespmem:s0+$0x8190]  }
0x4f: {  	v4 =	vld [tilespmem:s0+$0x8140]  }
0x50: {  	v5 =	vld [tilespmem:s0+$0x8150]  }
0x51: {  	v6 =	vld [tilespmem:s0+$0x8100]  }
0x52: {  	v7 =	vld [tilespmem:s0+$0x8110]  }
0x53: {  	v9 =	vld [tilespmem:s0+$0x80C0]  }
0x54: {  	v8 =	vld [tilespmem:s0+$0x80D0]  }
0x55: {  	v11 =	vld [tilespmem:s0+$0x8080]  }
0x56: {  	v10 =	vld [tilespmem:s0+$0x8090]  }
0x57: {  	v17 =	vld [tilespmem:s0+$0x8040]  }
0x58: {  	v16 =	vld [tilespmem:s0+$0x8050]  }
0x59: {  	v19 =	vld [tilespmem:s0+$0x8000]  }
0x5a: {  	v12 =	vimm.f32 $0.0e+00;
	v20 =	vld [tilespmem:s0+$0x8010]  }
0x5b: {  	v15 =	vimm.f32 $0.0e+00;
	v14 =	vimm.f32 $0.0e+00;
	v13 =	vimm.f32 $0.0e+00;
	s4 =	simm.s32 $0x800;
	v18 =	vld [tilespmem:s0+$0x8020]  }
.LBB2_3:
0x5c: {  	p0 =	sne.s32 s4, $0xC000;
	v21 =	vld [tilespmem:s0+$0x8030]  }
0x5d: {  	v22 =	vld [tilespmem:s0+$0x8060]  }
0x5e: {  	v23 =	vld [tilespmem:s0+$0x8070]  }
0x5f: {  	v24 =	vld [tilespmem:s0+$0x80A0]  }
0x60: {  	v12 =	vadd.f32 v19, v12;
	v15 =	vadd.f32 v20, v15;
	v19 =	vld [tilespmem:s0+$0x80B0]  }
0x61: {  	v14 =	vadd.f32 v18, v14;
	v13 =	vadd.f32 v21, v13;
	v18 =	vld [tilespmem:s0+$0x80E0]  }
0x62: {  	v12 =	vadd.f32 v17, v12;
	v15 =	vadd.f32 v16, v15;
	v16 =	vld [tilespmem:s0+$0x80F0]  }
0x63: {  	v14 =	vadd.f32 v22, v14;
	v13 =	vadd.f32 v23, v13;
	v17 =	vld [tilespmem:s0+$0x8120]  }
0x64: {  	v11 =	vadd.f32 v11, v12;
	v10 =	vadd.f32 v10, v15;
	v12 =	vld [tilespmem:s0+$0x8130]  }
0x65: {  	v14 =	vadd.f32 v24, v14;
	v13 =	vadd.f32 v19, v13;
	v15 =	vld [tilespmem:s0+$0x8160]  }
0x66: {  	v9 =	vadd.f32 v9, v11;
	v8 =	vadd.f32 v8, v10;
	v10 =	vld [tilespmem:s0+$0x8170]  }
0x67: {  	v11 =	vadd.f32 v18, v14;
	v13 =	vadd.f32 v16, v13;
	v14 =	vld [tilespmem:s0+$0x81A0]  }
0x68: {  	v6 =	vadd.f32 v6, v9;
	v7 =	vadd.f32 v7, v8;
	v8 =	vld [tilespmem:s0+$0x81B0]  }
0x69: {  	v9 =	vadd.f32 v17, v11;
	v11 =	vadd.f32 v12, v13;
	v13 =	vld [tilespmem:s0+$0x81E0]  }
0x6a: {  	v4 =	vadd.f32 v4, v6;
	v5 =	vadd.f32 v5, v7;
	v6 =	vld [tilespmem:s0+$0x81F0];
	s0 =	sshra.s32 s4, $0x2  }
0x6b: {  	v9 =	vadd.f32 v15, v9;
	v7 =	vld [tilespmem:s0+$0x81C0];
	v10 =	vadd.f32 v10, v11  }
0x6c: {  	v4 =	vadd.f32 v2, v4;
	v5 =	vadd.f32 v3, v5;
	v11 =	vld [tilespmem:s0+$0x81D0]  }
0x6d: {  	v9 =	vadd.f32 v14, v9;
	v2 =	vld [tilespmem:s0+$0x8180];
	v8 =	vadd.f32 v8, v10  }
0x6e: {  	v12 =	vadd.f32 v0, v4;
	v15 =	vadd.f32 v1, v5;
	v3 =	vld [tilespmem:s0+$0x8190]  }
0x6f: {  	v14 =	vadd.f32 v13, v9;
	v4 =	vld [tilespmem:s0+$0x8140];
	v13 =	vadd.f32 v6, v8  }
0x70: {  	v5 =	vld [tilespmem:s0+$0x8150];
	v0 =	vmov v7  }
0x71: {  	v6 =	vld [tilespmem:s0+$0x8100];
	v1 =	vmov v11  }
0x72: {  	v7 =	vld [tilespmem:s0+$0x8110]  }
0x73: {  	v9 =	vld [tilespmem:s0+$0x80C0]  }
0x74: {  	v8 =	vld [tilespmem:s0+$0x80D0]  }
0x75: {  	v11 =	vld [tilespmem:s0+$0x8080]  }
0x76: {  	v10 =	vld [tilespmem:s0+$0x8090]  }
.Ltmp0:
0x77: {  	v17 =	vld [tilespmem:s0+$0x8040];
	(pc) =	sbr.rel @p0 .LBB2_3-.Ltmp0, $4  }
0x78: {  	v16 =	vld [tilespmem:s0+$0x8050]  }
0x79: {  	v19 =	vld [tilespmem:s0+$0x8000]  }
0x7a: {  	v20 =	vld [tilespmem:s0+$0x8010]  }
0x7b: {  	s4 =	sadd.s32 $0x800, s4;
	v18 =	vld [tilespmem:s0+$0x8020]  }
0x7c: {  	v21 =	vld [tilespmem:s0+$0x8030]  }
0x7d: {  	v22 =	vld [tilespmem:s0+$0x8060]  }
0x7e: {  	v23 =	vld [tilespmem:s0+$0x8070];
	v12 =	vadd.f32 v19, v12  }
0x7f: {  	v19 =	vld [tilespmem:s0+$0x80A0];
	v15 =	vadd.f32 v20, v15  }
0x80: {  	v20 =	vld [tilespmem:s0+$0x80B0];
	v14 =	vadd.f32 v18, v14;
	v12 =	vadd.f32 v17, v12  }
0x81: {  	v17 =	vld [tilespmem:s0+$0x80E0];
	v13 =	vadd.f32 v21, v13;
	v15 =	vadd.f32 v16, v15  }
0x82: {  	v16 =	vld [tilespmem:s0+$0x80F0];
	v14 =	vadd.f32 v22, v14;
	v11 =	vadd.f32 v11, v12  }
0x83: {  	v12 =	vadd.f32 v23, v13;
	v13 =	vld [tilespmem:s0+$0x8120];
	v10 =	vadd.f32 v10, v15  }
0x84: {  	v15 =	vld [tilespmem:s0+$0x8130];
	v14 =	vadd.f32 v19, v14;
	v9 =	vadd.f32 v9, v11  }
0x85: {  	v11 =	vadd.f32 v20, v12;
	v12 =	vld [tilespmem:s0+$0x8160];
	v8 =	vadd.f32 v8, v10  }
0x86: {  	v10 =	vld [tilespmem:s0+$0x8170];
	v14 =	vadd.f32 v17, v14;
	v6 =	vadd.f32 v6, v9  }
0x87: {  	v9 =	vadd.f32 v16, v11;
	v11 =	vld [tilespmem:s0+$0x81A0];
	v7 =	vadd.f32 v7, v8  }
0x88: {  	v8 =	vld [tilespmem:s0+$0x81B0];
	v13 =	vadd.f32 v13, v14;
	v4 =	vadd.f32 v4, v6  }
0x89: {  	v6 =	vadd.f32 v15, v9;
	v9 =	vld [tilespmem:s0+$0x81E0];
	v5 =	vadd.f32 v5, v7  }
0x8a: {  	v7 =	vld [tilespmem:s0+$0x81F0];
	v12 =	vadd.f32 v12, v13;
	v2 =	vadd.f32 v2, v4  }
0x8b: {  	s4 =	smul.u32 $0x600, s31;
	v4 =	vadd.f32 v10, v6;
	v3 =	vadd.f32 v3, v5  }
0x8c: {  	v5 =	vadd.f32 v11, v12;
	v0 =	vadd.f32 v0, v2  }
0x8d: {  	s29 =	sshra.s32 s4, $0x2;
	v2 =	vadd.f32 v8, v4;
	v1 =	vadd.f32 v1, v3  }
0x8e: {  	s5 =	smul.u32 $0x1800, s31;
	v3 =	vadd.f32 v9, v5;
	[tilespmem:s29+$0x1AC00] =	vst v0  }
0x8f: {  	v0 =	vadd.f32 v7, v2;
	[tilespmem:s29+$0x1AC10] =	vst v1  }
0x90: {  	s0 =	sshra.s32 s5, $0x2;
	[tilespmem:s29+$0x1AC20] =	vst v3  }
0x91: {  	s4 =	sadd.s32 $0x600, s0;
	[tilespmem:s29+$0x1AC30] =	vst v0  }
0x92: {  	[tilespmem:s9], [sflag:$0x1] =	stream.indirect.gather [hbm4b:s3+s8], $0x40, s4, s8, $0xb8;
	[tilespmem:$0x1CC00] =	vst v63  }
0x93: {  	s6 =	sadd.s32 $0x640, s0  }
0x94: {  	[tilespmem:s10], [sflag:$0x1] =	stream.indirect.gather [hbm4b:s3+s8], $0x40, s6, s8, $0xb8;
	[tilespmem:$0x1CC00] =	vst v63  }
0x95: {  	s5 =	sadd.s32 $0x680, s0  }
0x96: {  	[tilespmem:s12], [sflag:$0x1] =	stream.indirect.gather [hbm4b:s3+s8], $0x40, s5, s8, $0xb8;
	[tilespmem:$0x1CC00] =	vst v63  }
0x97: {  	s6 =	sadd.s32 $0x6C0, s0  }
0x98: {  	[tilespmem:s15], [sflag:$0x1] =	stream.indirect.gather [hbm4b:s3+s13], $0x40, s6, s13, $0xb8;
	[tilespmem:$0x1CC00] =	vst v63  }
0x99: {  	_ =	swait.ge [sflag:s22], $0x3200  }
0x9a: {  	[sflag:s22] =	ssyncset.done $0x0  }
0x9b: {  	s4 =	simm.s32 $0x0;
	[sflag:s22] =	ssyncadd.s32 $0xFFFFCE00  }
0x9c: {  	v0 =	vld [tilespmem:s4+$0xB3C0]  }
0x9d: {  	v1 =	vld [tilespmem:s4+$0xB3D0]  }
0x9e: {  	v2 =	vld [tilespmem:s4+$0xB380]  }
0x9f: {  	v3 =	vld [tilespmem:s4+$0xB390]  }
0xa0: {  	v4 =	vld [tilespmem:s4+$0xB340]  }
0xa1: {  	v5 =	vld [tilespmem:s4+$0xB350]  }
0xa2: {  	v6 =	vld [tilespmem:s4+$0xB300]  }
0xa3: {  	v7 =	vld [tilespmem:s4+$0xB310]  }
0xa4: {  	v9 =	vld [tilespmem:s4+$0xB2C0]  }
0xa5: {  	v8 =	vld [tilespmem:s4+$0xB2D0]  }
0xa6: {  	v11 =	vld [tilespmem:s4+$0xB280]  }
0xa7: {  	v10 =	vld [tilespmem:s4+$0xB290]  }
0xa8: {  	v17 =	vld [tilespmem:s4+$0xB240]  }
0xa9: {  	v16 =	vld [tilespmem:s4+$0xB250]  }
0xaa: {  	v19 =	vld [tilespmem:s4+$0xB200]  }
0xab: {  	v14 =	vimm.f32 $0.0e+00;
	v20 =	vld [tilespmem:s4+$0xB210]  }
0xac: {  	v15 =	vimm.f32 $0.0e+00;
	v13 =	vimm.f32 $0.0e+00;
	v12 =	vimm.f32 $0.0e+00;
	s5 =	simm.s32 $0x800;
	v18 =	vld [tilespmem:s4+$0xB220]  }
.LBB2_5:
0xad: {  	p0 =	sne.s32 s5, $0xC000;
	v21 =	vld [tilespmem:s4+$0xB230]  }
0xae: {  	v22 =	vld [tilespmem:s4+$0xB260]  }
0xaf: {  	v23 =	vld [tilespmem:s4+$0xB270]  }
0xb0: {  	v24 =	vld [tilespmem:s4+$0xB2A0]  }
0xb1: {  	v12 =	vadd.f32 v19, v12;
	v15 =	vadd.f32 v20, v15;
	v19 =	vld [tilespmem:s4+$0xB2B0]  }
0xb2: {  	v14 =	vadd.f32 v18, v14;
	v13 =	vadd.f32 v21, v13;
	v18 =	vld [tilespmem:s4+$0xB2E0]  }
0xb3: {  	v12 =	vadd.f32 v17, v12;
	v15 =	vadd.f32 v16, v15;
	v16 =	vld [tilespmem:s4+$0xB2F0]  }
0xb4: {  	v14 =	vadd.f32 v22, v14;
	v13 =	vadd.f32 v23, v13;
	v17 =	vld [tilespmem:s4+$0xB320]  }
0xb5: {  	v11 =	vadd.f32 v11, v12;
	v10 =	vadd.f32 v10, v15;
	v12 =	vld [tilespmem:s4+$0xB330]  }
0xb6: {  	v14 =	vadd.f32 v24, v14;
	v13 =	vadd.f32 v19, v13;
	v15 =	vld [tilespmem:s4+$0xB360]  }
0xb7: {  	v9 =	vadd.f32 v9, v11;
	v8 =	vadd.f32 v8, v10;
	v10 =	vld [tilespmem:s4+$0xB370]  }
0xb8: {  	v11 =	vadd.f32 v18, v14;
	v13 =	vadd.f32 v16, v13;
	v14 =	vld [tilespmem:s4+$0xB3A0]  }
0xb9: {  	v6 =	vadd.f32 v6, v9;
	v7 =	vadd.f32 v7, v8;
	v8 =	vld [tilespmem:s4+$0xB3B0]  }
0xba: {  	v9 =	vadd.f32 v17, v11;
	v11 =	vadd.f32 v12, v13;
	v13 =	vld [tilespmem:s4+$0xB3E0]  }
0xbb: {  	v4 =	vadd.f32 v4, v6;
	v5 =	vadd.f32 v5, v7;
	v6 =	vld [tilespmem:s4+$0xB3F0];
	s4 =	sshra.s32 s5, $0x2  }
0xbc: {  	v9 =	vadd.f32 v15, v9;
	v7 =	vld [tilespmem:s4+$0xB3C0];
	v10 =	vadd.f32 v10, v11  }
0xbd: {  	v4 =	vadd.f32 v2, v4;
	v5 =	vadd.f32 v3, v5;
	v11 =	vld [tilespmem:s4+$0xB3D0]  }
0xbe: {  	v9 =	vadd.f32 v14, v9;
	v2 =	vld [tilespmem:s4+$0xB380];
	v8 =	vadd.f32 v8, v10  }
0xbf: {  	v12 =	vadd.f32 v0, v4;
	v15 =	vadd.f32 v1, v5;
	v3 =	vld [tilespmem:s4+$0xB390]  }
0xc0: {  	v14 =	vadd.f32 v13, v9;
	v4 =	vld [tilespmem:s4+$0xB340];
	v13 =	vadd.f32 v6, v8  }
0xc1: {  	v5 =	vld [tilespmem:s4+$0xB350];
	v0 =	vmov v7  }
0xc2: {  	v6 =	vld [tilespmem:s4+$0xB300];
	v1 =	vmov v11  }
0xc3: {  	v7 =	vld [tilespmem:s4+$0xB310]  }
0xc4: {  	v9 =	vld [tilespmem:s4+$0xB2C0]  }
0xc5: {  	v8 =	vld [tilespmem:s4+$0xB2D0]  }
0xc6: {  	v11 =	vld [tilespmem:s4+$0xB280]  }
0xc7: {  	v10 =	vld [tilespmem:s4+$0xB290]  }
.Ltmp1:
0xc8: {  	v17 =	vld [tilespmem:s4+$0xB240];
	(pc) =	sbr.rel @p0 .LBB2_5-.Ltmp1, $4  }
0xc9: {  	v16 =	vld [tilespmem:s4+$0xB250]  }
0xca: {  	v19 =	vld [tilespmem:s4+$0xB200]  }
0xcb: {  	v20 =	vld [tilespmem:s4+$0xB210]  }
0xcc: {  	s5 =	sadd.s32 $0x800, s5;
	v18 =	vld [tilespmem:s4+$0xB220]  }
0xcd: {  	v21 =	vld [tilespmem:s4+$0xB230]  }
0xce: {  	v22 =	vld [tilespmem:s4+$0xB260]  }
0xcf: {  	v23 =	vld [tilespmem:s4+$0xB270];
	v12 =	vadd.f32 v19, v12  }
0xd0: {  	v19 =	vld [tilespmem:s4+$0xB2A0];
	v15 =	vadd.f32 v20, v15  }
0xd1: {  	v20 =	vld [tilespmem:s4+$0xB2B0];
	v14 =	vadd.f32 v18, v14;
	v12 =	vadd.f32 v17, v12  }
0xd2: {  	v17 =	vld [tilespmem:s4+$0xB2E0];
	v13 =	vadd.f32 v21, v13;
	v15 =	vadd.f32 v16, v15  }
0xd3: {  	v16 =	vld [tilespmem:s4+$0xB2F0];
	v14 =	vadd.f32 v22, v14;
	v11 =	vadd.f32 v11, v12  }
0xd4: {  	v12 =	vadd.f32 v23, v13;
	v13 =	vld [tilespmem:s4+$0xB320];
	v10 =	vadd.f32 v10, v15  }
0xd5: {  	v15 =	vld [tilespmem:s4+$0xB330];
	v14 =	vadd.f32 v19, v14;
	v9 =	vadd.f32 v9, v11  }
0xd6: {  	v11 =	vadd.f32 v20, v12;
	v12 =	vld [tilespmem:s4+$0xB360];
	v8 =	vadd.f32 v8, v10  }
0xd7: {  	v10 =	vld [tilespmem:s4+$0xB370];
	v14 =	vadd.f32 v17, v14;
	v6 =	vadd.f32 v6, v9  }
0xd8: {  	v9 =	vadd.f32 v16, v11;
	v11 =	vld [tilespmem:s4+$0xB3A0];
	v7 =	vadd.f32 v7, v8  }
0xd9: {  	v8 =	vld [tilespmem:s4+$0xB3B0];
	v13 =	vadd.f32 v13, v14;
	v4 =	vadd.f32 v4, v6  }
0xda: {  	v6 =	vadd.f32 v15, v9;
	v9 =	vld [tilespmem:s4+$0xB3E0];
	v5 =	vadd.f32 v5, v7  }
0xdb: {  	v7 =	vld [tilespmem:s4+$0xB3F0];
	v12 =	vadd.f32 v12, v13;
	v2 =	vadd.f32 v2, v4  }
0xdc: {  	v4 =	vadd.f32 v10, v6;
	v3 =	vadd.f32 v3, v5  }
0xdd: {  	v5 =	vadd.f32 v11, v12;
	v0 =	vadd.f32 v0, v2  }
0xde: {  	v2 =	vadd.f32 v8, v4;
	v1 =	vadd.f32 v1, v3  }
0xdf: {  	v3 =	vadd.f32 v9, v5;
	[tilespmem:s29+$0x1AC40] =	vst v0  }
0xe0: {  	v0 =	vadd.f32 v7, v2;
	[tilespmem:s29+$0x1AC50] =	vst v1  }
0xe1: {  	[tilespmem:s29+$0x1AC60] =	vst v3  }
0xe2: {  	s5 =	sadd.s32 $0x700, s0;
	[tilespmem:s29+$0x1AC70] =	vst v0  }
0xe3: {  	[tilespmem:s17], [sflag:$0x2] =	stream.indirect.gather [hbm4b:s3+s8], $0x40, s5, s8, $0xb8;
	[tilespmem:$0x1CC00] =	vst v63  }
0xe4: {  	s6 =	sadd.s32 $0x740, s0  }
0xe5: {  	[tilespmem:s19], [sflag:$0x2] =	stream.indirect.gather [hbm4b:s3+s8], $0x40, s6, s8, $0xb8;
	[tilespmem:$0x1CC00] =	vst v63  }
0xe6: {  	s5 =	sadd.s32 $0x780, s0  }
0xe7: {  	[tilespmem:s21], [sflag:$0x2] =	stream.indirect.gather [hbm4b:s3+s8], $0x40, s5, s8, $0xb8;
	[tilespmem:$0x1CC00] =	vst v63  }
0xe8: {  	s6 =	sadd.s32 $0x7C0, s0  }
0xe9: {  	[tilespmem:s23], [sflag:$0x2] =	stream.indirect.gather [hbm4b:s3+s13], $0x40, s6, s13, $0xb8;
	[tilespmem:$0x1CC00] =	vst v63  }
0xea: {  	_ =	swait.ge [sflag:s24], $0x3200  }
0xeb: {  	[sflag:s24] =	ssyncset.done $0x0  }
0xec: {  	s4 =	simm.s32 $0x0;
	[sflag:s24] =	ssyncadd.s32 $0xFFFFCE00  }
0xed: {  	v0 =	vld [tilespmem:s4+$0xE5C0]  }
0xee: {  	v1 =	vld [tilespmem:s4+$0xE5D0]  }
0xef: {  	v2 =	vld [tilespmem:s4+$0xE580]  }
0xf0: {  	v3 =	vld [tilespmem:s4+$0xE590]  }
0xf1: {  	v4 =	vld [tilespmem:s4+$0xE540]  }
0xf2: {  	v5 =	vld [tilespmem:s4+$0xE550]  }
0xf3: {  	v6 =	vld [tilespmem:s4+$0xE500]  }
0xf4: {  	v7 =	vld [tilespmem:s4+$0xE510]  }
0xf5: {  	v9 =	vld [tilespmem:s4+$0xE4C0]  }
0xf6: {  	v8 =	vld [tilespmem:s4+$0xE4D0]  }
0xf7: {  	v11 =	vld [tilespmem:s4+$0xE480]  }
0xf8: {  	v10 =	vld [tilespmem:s4+$0xE490]  }
0xf9: {  	v17 =	vld [tilespmem:s4+$0xE440]  }
0xfa: {  	v16 =	vld [tilespmem:s4+$0xE450]  }
0xfb: {  	v19 =	vld [tilespmem:s4+$0xE400]  }
0xfc: {  	v14 =	vimm.f32 $0.0e+00;
	v20 =	vld [tilespmem:s4+$0xE410]  }
0xfd: {  	v15 =	vimm.f32 $0.0e+00;
	v13 =	vimm.f32 $0.0e+00;
	v12 =	vimm.f32 $0.0e+00;
	s5 =	simm.s32 $0x800;
	v18 =	vld [tilespmem:s4+$0xE420]  }
.LBB2_7:
0xfe: {  	p0 =	sne.s32 s5, $0xC000;
	v21 =	vld [tilespmem:s4+$0xE430]  }
0xff: {  	v22 =	vld [tilespmem:s4+$0xE460]  }
0x100: {  	v23 =	vld [tilespmem:s4+$0xE470]  }
0x101: {  	v24 =	vld [tilespmem:s4+$0xE4A0]  }
0x102: {  	v12 =	vadd.f32 v19, v12;
	v15 =	vadd.f32 v20, v15;
	v19 =	vld [tilespmem:s4+$0xE4B0]  }
0x103: {  	v14 =	vadd.f32 v18, v14;
	v13 =	vadd.f32 v21, v13;
	v18 =	vld [tilespmem:s4+$0xE4E0]  }
0x104: {  	v12 =	vadd.f32 v17, v12;
	v15 =	vadd.f32 v16, v15;
	v16 =	vld [tilespmem:s4+$0xE4F0]  }
0x105: {  	v14 =	vadd.f32 v22, v14;
	v13 =	vadd.f32 v23, v13;
	v17 =	vld [tilespmem:s4+$0xE520]  }
0x106: {  	v11 =	vadd.f32 v11, v12;
	v10 =	vadd.f32 v10, v15;
	v12 =	vld [tilespmem:s4+$0xE530]  }
0x107: {  	v14 =	vadd.f32 v24, v14;
	v13 =	vadd.f32 v19, v13;
	v15 =	vld [tilespmem:s4+$0xE560]  }
0x108: {  	v9 =	vadd.f32 v9, v11;
	v8 =	vadd.f32 v8, v10;
	v10 =	vld [tilespmem:s4+$0xE570]  }
0x109: {  	v11 =	vadd.f32 v18, v14;
	v13 =	vadd.f32 v16, v13;
	v14 =	vld [tilespmem:s4+$0xE5A0]  }
0x10a: {  	v6 =	vadd.f32 v6, v9;
	v7 =	vadd.f32 v7, v8;
	v8 =	vld [tilespmem:s4+$0xE5B0]  }
0x10b: {  	v9 =	vadd.f32 v17, v11;
	v11 =	vadd.f32 v12, v13;
	v13 =	vld [tilespmem:s4+$0xE5E0]  }
0x10c: {  	v4 =	vadd.f32 v4, v6;
	v5 =	vadd.f32 v5, v7;
	v6 =	vld [tilespmem:s4+$0xE5F0];
	s4 =	sshra.s32 s5, $0x2  }
0x10d: {  	v9 =	vadd.f32 v15, v9;
	v7 =	vld [tilespmem:s4+$0xE5C0];
	v10 =	vadd.f32 v10, v11  }
0x10e: {  	v4 =	vadd.f32 v2, v4;
	v5 =	vadd.f32 v3, v5;
	v11 =	vld [tilespmem:s4+$0xE5D0]  }
0x10f: {  	v9 =	vadd.f32 v14, v9;
	v2 =	vld [tilespmem:s4+$0xE580];
	v8 =	vadd.f32 v8, v10  }
0x110: {  	v12 =	vadd.f32 v0, v4;
	v15 =	vadd.f32 v1, v5;
	v3 =	vld [tilespmem:s4+$0xE590]  }
0x111: {  	v14 =	vadd.f32 v13, v9;
	v4 =	vld [tilespmem:s4+$0xE540];
	v13 =	vadd.f32 v6, v8  }
0x112: {  	v5 =	vld [tilespmem:s4+$0xE550];
	v0 =	vmov v7  }
0x113: {  	v6 =	vld [tilespmem:s4+$0xE500];
	v1 =	vmov v11  }
0x114: {  	v7 =	vld [tilespmem:s4+$0xE510]  }
0x115: {  	v9 =	vld [tilespmem:s4+$0xE4C0]  }
0x116: {  	v8 =	vld [tilespmem:s4+$0xE4D0]  }
0x117: {  	v11 =	vld [tilespmem:s4+$0xE480]  }
0x118: {  	v10 =	vld [tilespmem:s4+$0xE490]  }
.Ltmp2:
0x119: {  	v17 =	vld [tilespmem:s4+$0xE440];
	(pc) =	sbr.rel @p0 .LBB2_7-.Ltmp2, $4  }
0x11a: {  	v16 =	vld [tilespmem:s4+$0xE450]  }
0x11b: {  	v19 =	vld [tilespmem:s4+$0xE400]  }
0x11c: {  	v20 =	vld [tilespmem:s4+$0xE410]  }
0x11d: {  	s5 =	sadd.s32 $0x800, s5;
	v18 =	vld [tilespmem:s4+$0xE420]  }
0x11e: {  	v21 =	vld [tilespmem:s4+$0xE430]  }
0x11f: {  	v22 =	vld [tilespmem:s4+$0xE460]  }
0x120: {  	v23 =	vld [tilespmem:s4+$0xE470];
	v12 =	vadd.f32 v19, v12  }
0x121: {  	v19 =	vld [tilespmem:s4+$0xE4A0];
	v15 =	vadd.f32 v20, v15  }
0x122: {  	v20 =	vld [tilespmem:s4+$0xE4B0];
	v14 =	vadd.f32 v18, v14;
	v12 =	vadd.f32 v17, v12  }
0x123: {  	v17 =	vld [tilespmem:s4+$0xE4E0];
	v13 =	vadd.f32 v21, v13;
	v15 =	vadd.f32 v16, v15  }
0x124: {  	v16 =	vld [tilespmem:s4+$0xE4F0];
	v14 =	vadd.f32 v22, v14;
	v11 =	vadd.f32 v11, v12  }
0x125: {  	v12 =	vadd.f32 v23, v13;
	v13 =	vld [tilespmem:s4+$0xE520];
	v10 =	vadd.f32 v10, v15  }
0x126: {  	v15 =	vld [tilespmem:s4+$0xE530];
	v14 =	vadd.f32 v19, v14;
	v9 =	vadd.f32 v9, v11  }
0x127: {  	v11 =	vadd.f32 v20, v12;
	v12 =	vld [tilespmem:s4+$0xE560];
	v8 =	vadd.f32 v8, v10  }
0x128: {  	v10 =	vld [tilespmem:s4+$0xE570];
	v14 =	vadd.f32 v17, v14;
	v6 =	vadd.f32 v6, v9  }
0x129: {  	v9 =	vadd.f32 v16, v11;
	v11 =	vld [tilespmem:s4+$0xE5A0];
	v7 =	vadd.f32 v7, v8  }
0x12a: {  	v8 =	vld [tilespmem:s4+$0xE5B0];
	v13 =	vadd.f32 v13, v14;
	v4 =	vadd.f32 v4, v6  }
0x12b: {  	v6 =	vadd.f32 v15, v9;
	v9 =	vld [tilespmem:s4+$0xE5E0];
	v5 =	vadd.f32 v5, v7  }
0x12c: {  	v7 =	vld [tilespmem:s4+$0xE5F0];
	v12 =	vadd.f32 v12, v13;
	v2 =	vadd.f32 v2, v4  }
0x12d: {  	v4 =	vadd.f32 v10, v6;
	v3 =	vadd.f32 v3, v5  }
0x12e: {  	v5 =	vadd.f32 v11, v12;
	v0 =	vadd.f32 v0, v2  }
0x12f: {  	v2 =	vadd.f32 v8, v4;
	v1 =	vadd.f32 v1, v3  }
0x130: {  	v3 =	vadd.f32 v9, v5;
	[tilespmem:s29+$0x1AC80] =	vst v0  }
0x131: {  	v0 =	vadd.f32 v7, v2;
	[tilespmem:s29+$0x1AC90] =	vst v1  }
0x132: {  	p0 =	seq.s32 s31, $0x14;
	[tilespmem:s29+$0x1ACA0] =	vst v3  }
0x133: {  	s5 =	simm.s32 @!p0 $0x40;
	s6 =	simm.s32 @!p0 $0xE400;
	s4 =	sadd.s32 @!p0 $0x800, s0;
	[tilespmem:s29+$0x1ACB0] =	vst v0  }
0x134: {  	[tilespmem:s6], [sflag:$0x3] =	stream.indirect.gather @!p0 [hbm4b:s3+s5], $0x40, s4, s5, $0xb8;
	[tilespmem:$0x1CC00] =	vst v63  }
0x135: {  	s4 =	sadd.s32 @!p0 $0x840, s0;
	s6 =	simm.s32 @!p0 $0xF400  }
0x136: {  	[tilespmem:s6], [sflag:$0x3] =	stream.indirect.gather @!p0 [hbm4b:s3+s5], $0x40, s4, s5, $0xb8;
	[tilespmem:$0x1CC00] =	vst v63  }
0x137: {  	s4 =	sadd.s32 @!p0 $0x880, s0;
	s6 =	simm.s32 @!p0 $0x10400  }
0x138: {  	[tilespmem:s6], [sflag:$0x3] =	stream.indirect.gather @!p0 [hbm4b:s3+s5], $0x40, s4, s5, $0xb8;
	[tilespmem:$0x1CC00] =	vst v63  }
0x139: {  	s4 =	sadd.s32 @!p0 $0x8C0, s0;
	s5 =	simm.s32 @!p0 $0x8;
	s6 =	simm.s32 @!p0 $0x11400  }
0x13a: {  	[tilespmem:s6], [sflag:$0x3] =	stream.indirect.gather @!p0 [hbm4b:s3+s5], $0x40, s4, s5, $0xb8;
	[tilespmem:$0x1CC00] =	vst v63  }
0x13b: {  	_ =	swait.ge [sflag:s25], $0x3200  }
0x13c: {  	[sflag:s25] =	ssyncset.done $0x0  }
0x13d: {  	s4 =	simm.s32 $0x0;
	[sflag:s25] =	ssyncadd.s32 $0xFFFFCE00  }
0x13e: {  	v0 =	vld [tilespmem:s4+$0x117C0]  }
0x13f: {  	v1 =	vld [tilespmem:s4+$0x117D0]  }
0x140: {  	v2 =	vld [tilespmem:s4+$0x11780]  }
0x141: {  	v3 =	vld [tilespmem:s4+$0x11790]  }
0x142: {  	v4 =	vld [tilespmem:s4+$0x11740]  }
0x143: {  	v5 =	vld [tilespmem:s4+$0x11750]  }
0x144: {  	v6 =	vld [tilespmem:s4+$0x11700]  }
0x145: {  	v7 =	vld [tilespmem:s4+$0x11710]  }
0x146: {  	v9 =	vld [tilespmem:s4+$0x116C0]  }
0x147: {  	v8 =	vld [tilespmem:s4+$0x116D0]  }
0x148: {  	v11 =	vld [tilespmem:s4+$0x11680]  }
0x149: {  	v10 =	vld [tilespmem:s4+$0x11690]  }
0x14a: {  	v17 =	vld [tilespmem:s4+$0x11640]  }
0x14b: {  	v16 =	vld [tilespmem:s4+$0x11650]  }
0x14c: {  	v19 =	vld [tilespmem:s4+$0x11600]  }
0x14d: {  	v14 =	vimm.f32 $0.0e+00;
	v20 =	vld [tilespmem:s4+$0x11610]  }
0x14e: {  	v15 =	vimm.f32 $0.0e+00;
	v13 =	vimm.f32 $0.0e+00;
	v12 =	vimm.f32 $0.0e+00;
	s5 =	simm.s32 $0x800;
	v18 =	vld [tilespmem:s4+$0x11620]  }
.LBB2_9:
0x14f: {  	p1 =	sne.s32 s5, $0xC000;
	v21 =	vld [tilespmem:s4+$0x11630]  }
0x150: {  	v22 =	vld [tilespmem:s4+$0x11660]  }
0x151: {  	v23 =	vld [tilespmem:s4+$0x11670]  }
0x152: {  	v24 =	vld [tilespmem:s4+$0x116A0]  }
0x153: {  	v12 =	vadd.f32 v19, v12;
	v15 =	vadd.f32 v20, v15;
	v19 =	vld [tilespmem:s4+$0x116B0]  }
0x154: {  	v14 =	vadd.f32 v18, v14;
	v13 =	vadd.f32 v21, v13;
	v18 =	vld [tilespmem:s4+$0x116E0]  }
0x155: {  	v12 =	vadd.f32 v17, v12;
	v15 =	vadd.f32 v16, v15;
	v16 =	vld [tilespmem:s4+$0x116F0]  }
0x156: {  	v14 =	vadd.f32 v22, v14;
	v13 =	vadd.f32 v23, v13;
	v17 =	vld [tilespmem:s4+$0x11720]  }
0x157: {  	v11 =	vadd.f32 v11, v12;
	v10 =	vadd.f32 v10, v15;
	v12 =	vld [tilespmem:s4+$0x11730]  }
0x158: {  	v14 =	vadd.f32 v24, v14;
	v13 =	vadd.f32 v19, v13;
	v15 =	vld [tilespmem:s4+$0x11760]  }
0x159: {  	v9 =	vadd.f32 v9, v11;
	v8 =	vadd.f32 v8, v10;
	v10 =	vld [tilespmem:s4+$0x11770]  }
0x15a: {  	v11 =	vadd.f32 v18, v14;
	v13 =	vadd.f32 v16, v13;
	v14 =	vld [tilespmem:s4+$0x117A0]  }
0x15b: {  	v6 =	vadd.f32 v6, v9;
	v7 =	vadd.f32 v7, v8;
	v8 =	vld [tilespmem:s4+$0x117B0]  }
0x15c: {  	v9 =	vadd.f32 v17, v11;
	v11 =	vadd.f32 v12, v13;
	v13 =	vld [tilespmem:s4+$0x117E0]  }
0x15d: {  	v4 =	vadd.f32 v4, v6;
	v5 =	vadd.f32 v5, v7;
	v6 =	vld [tilespmem:s4+$0x117F0];
	s4 =	sshra.s32 s5, $0x2  }
0x15e: {  	v9 =	vadd.f32 v15, v9;
	v7 =	vld [tilespmem:s4+$0x117C0];
	v10 =	vadd.f32 v10, v11  }
0x15f: {  	v4 =	vadd.f32 v2, v4;
	v5 =	vadd.f32 v3, v5;
	v11 =	vld [tilespmem:s4+$0x117D0]  }
0x160: {  	v9 =	vadd.f32 v14, v9;
	v2 =	vld [tilespmem:s4+$0x11780];
	v8 =	vadd.f32 v8, v10  }
0x161: {  	v12 =	vadd.f32 v0, v4;
	v15 =	vadd.f32 v1, v5;
	v3 =	vld [tilespmem:s4+$0x11790]  }
0x162: {  	v14 =	vadd.f32 v13, v9;
	v4 =	vld [tilespmem:s4+$0x11740];
	v13 =	vadd.f32 v6, v8  }
0x163: {  	v5 =	vld [tilespmem:s4+$0x11750];
	v0 =	vmov v7  }
0x164: {  	v6 =	vld [tilespmem:s4+$0x11700];
	v1 =	vmov v11  }
0x165: {  	v7 =	vld [tilespmem:s4+$0x11710]  }
0x166: {  	v9 =	vld [tilespmem:s4+$0x116C0]  }
0x167: {  	v8 =	vld [tilespmem:s4+$0x116D0]  }
0x168: {  	v11 =	vld [tilespmem:s4+$0x11680]  }
0x169: {  	v10 =	vld [tilespmem:s4+$0x11690]  }
.Ltmp3:
0x16a: {  	v17 =	vld [tilespmem:s4+$0x11640];
	(pc) =	sbr.rel @p1 .LBB2_9-.Ltmp3, $4  }
0x16b: {  	v16 =	vld [tilespmem:s4+$0x11650]  }
0x16c: {  	v19 =	vld [tilespmem:s4+$0x11600]  }
0x16d: {  	v20 =	vld [tilespmem:s4+$0x11610]  }
0x16e: {  	s5 =	sadd.s32 $0x800, s5;
	v18 =	vld [tilespmem:s4+$0x11620]  }
0x16f: {  	v21 =	vld [tilespmem:s4+$0x11630]  }
0x170: {  	v22 =	vld [tilespmem:s4+$0x11660]  }
0x171: {  	v23 =	vld [tilespmem:s4+$0x11670];
	v12 =	vadd.f32 v19, v12  }
0x172: {  	v19 =	vld [tilespmem:s4+$0x116A0];
	v15 =	vadd.f32 v20, v15  }
0x173: {  	v20 =	vld [tilespmem:s4+$0x116B0];
	v14 =	vadd.f32 v18, v14;
	v12 =	vadd.f32 v17, v12  }
0x174: {  	v17 =	vld [tilespmem:s4+$0x116E0];
	v13 =	vadd.f32 v21, v13;
	v15 =	vadd.f32 v16, v15  }
0x175: {  	v16 =	vld [tilespmem:s4+$0x116F0];
	v14 =	vadd.f32 v22, v14;
	v11 =	vadd.f32 v11, v12  }
0x176: {  	v12 =	vadd.f32 v23, v13;
	v13 =	vld [tilespmem:s4+$0x11720];
	v10 =	vadd.f32 v10, v15  }
0x177: {  	v15 =	vld [tilespmem:s4+$0x11730];
	v14 =	vadd.f32 v19, v14;
	v9 =	vadd.f32 v9, v11  }
0x178: {  	v11 =	vadd.f32 v20, v12;
	v12 =	vld [tilespmem:s4+$0x11760];
	v8 =	vadd.f32 v8, v10  }
0x179: {  	v10 =	vld [tilespmem:s4+$0x11770];
	v14 =	vadd.f32 v17, v14;
	v6 =	vadd.f32 v6, v9  }
0x17a: {  	v9 =	vadd.f32 v16, v11;
	v11 =	vld [tilespmem:s4+$0x117A0];
	v7 =	vadd.f32 v7, v8  }
0x17b: {  	v8 =	vld [tilespmem:s4+$0x117B0];
	v13 =	vadd.f32 v13, v14;
	v4 =	vadd.f32 v4, v6  }
0x17c: {  	v6 =	vadd.f32 v15, v9;
	v9 =	vld [tilespmem:s4+$0x117E0];
	v5 =	vadd.f32 v5, v7  }
0x17d: {  	v7 =	vld [tilespmem:s4+$0x117F0];
	v12 =	vadd.f32 v12, v13;
	v2 =	vadd.f32 v2, v4  }
0x17e: {  	v4 =	vadd.f32 v10, v6;
	v3 =	vadd.f32 v3, v5  }
0x17f: {  	v5 =	vadd.f32 v11, v12;
	v0 =	vadd.f32 v0, v2  }
0x180: {  	v2 =	vadd.f32 v8, v4;
	v1 =	vadd.f32 v1, v3  }
0x181: {  	v3 =	vadd.f32 v9, v5;
	[tilespmem:s29+$0x1ACC0] =	vst v0  }
0x182: {  	v0 =	vadd.f32 v7, v2;
	[tilespmem:s29+$0x1ACD0] =	vst v1  }
0x183: {  	[tilespmem:s29+$0x1ACE0] =	vst v3  }
0x184: {  	s5 =	simm.s32 @!p0 $0x40;
	s6 =	simm.s32 @!p0 $0x11600;
	s4 =	sadd.s32 @!p0 $0x900, s0;
	[tilespmem:s29+$0x1ACF0] =	vst v0  }
0x185: {  	[tilespmem:s6], [sflag:$0x4] =	stream.indirect.gather @!p0 [hbm4b:s3+s5], $0x40, s4, s5, $0xb8;
	[tilespmem:$0x1CC00] =	vst v63  }
0x186: {  	s4 =	sadd.s32 @!p0 $0x940, s0;
	s6 =	simm.s32 @!p0 $0x12600  }
0x187: {  	[tilespmem:s6], [sflag:$0x4] =	stream.indirect.gather @!p0 [hbm4b:s3+s5], $0x40, s4, s5, $0xb8;
	[tilespmem:$0x1CC00] =	vst v63  }
0x188: {  	s4 =	sadd.s32 @!p0 $0x980, s0;
	s6 =	simm.s32 @!p0 $0x13600  }
0x189: {  	[tilespmem:s6], [sflag:$0x4] =	stream.indirect.gather @!p0 [hbm4b:s3+s5], $0x40, s4, s5, $0xb8;
	[tilespmem:$0x1CC00] =	vst v63  }
0x18a: {  	s4 =	sadd.s32 @!p0 $0x9C0, s0;
	s5 =	simm.s32 @!p0 $0x8;
	s6 =	simm.s32 @!p0 $0x14600  }
0x18b: {  	[tilespmem:s6], [sflag:$0x4] =	stream.indirect.gather @!p0 [hbm4b:s3+s5], $0x40, s4, s5, $0xb8;
	[tilespmem:$0x1CC00] =	vst v63  }
0x18c: {  	_ =	swait.ge [sflag:s26], $0x3200  }
0x18d: {  	[sflag:s26] =	ssyncset.done $0x0  }
0x18e: {  	s4 =	simm.s32 $0x0;
	[sflag:s26] =	ssyncadd.s32 $0xFFFFCE00  }
0x18f: {  	v0 =	vld [tilespmem:s4+$0x149C0]  }
0x190: {  	v1 =	vld [tilespmem:s4+$0x149D0]  }
0x191: {  	v2 =	vld [tilespmem:s4+$0x14980]  }
0x192: {  	v3 =	vld [tilespmem:s4+$0x14990]  }
0x193: {  	v4 =	vld [tilespmem:s4+$0x14940]  }
0x194: {  	v5 =	vld [tilespmem:s4+$0x14950]  }
0x195: {  	v6 =	vld [tilespmem:s4+$0x14900]  }
0x196: {  	v7 =	vld [tilespmem:s4+$0x14910]  }
0x197: {  	v9 =	vld [tilespmem:s4+$0x148C0]  }
0x198: {  	v8 =	vld [tilespmem:s4+$0x148D0]  }
0x199: {  	v11 =	vld [tilespmem:s4+$0x14880]  }
0x19a: {  	v10 =	vld [tilespmem:s4+$0x14890]  }
0x19b: {  	v17 =	vld [tilespmem:s4+$0x14840]  }
0x19c: {  	v16 =	vld [tilespmem:s4+$0x14850]  }
0x19d: {  	v19 =	vld [tilespmem:s4+$0x14800]  }
0x19e: {  	v14 =	vimm.f32 $0.0e+00;
	v20 =	vld [tilespmem:s4+$0x14810]  }
0x19f: {  	v15 =	vimm.f32 $0.0e+00;
	v13 =	vimm.f32 $0.0e+00;
	v12 =	vimm.f32 $0.0e+00;
	s5 =	simm.s32 $0x800;
	v18 =	vld [tilespmem:s4+$0x14820]  }
.LBB2_11:
0x1a0: {  	p1 =	sne.s32 s5, $0xC000;
	v21 =	vld [tilespmem:s4+$0x14830]  }
0x1a1: {  	v22 =	vld [tilespmem:s4+$0x14860]  }
0x1a2: {  	v23 =	vld [tilespmem:s4+$0x14870]  }
0x1a3: {  	v24 =	vld [tilespmem:s4+$0x148A0]  }
0x1a4: {  	v12 =	vadd.f32 v19, v12;
	v15 =	vadd.f32 v20, v15;
	v19 =	vld [tilespmem:s4+$0x148B0]  }
0x1a5: {  	v14 =	vadd.f32 v18, v14;
	v13 =	vadd.f32 v21, v13;
	v18 =	vld [tilespmem:s4+$0x148E0]  }
0x1a6: {  	v12 =	vadd.f32 v17, v12;
	v15 =	vadd.f32 v16, v15;
	v16 =	vld [tilespmem:s4+$0x148F0]  }
0x1a7: {  	v14 =	vadd.f32 v22, v14;
	v13 =	vadd.f32 v23, v13;
	v17 =	vld [tilespmem:s4+$0x14920]  }
0x1a8: {  	v11 =	vadd.f32 v11, v12;
	v10 =	vadd.f32 v10, v15;
	v12 =	vld [tilespmem:s4+$0x14930]  }
0x1a9: {  	v14 =	vadd.f32 v24, v14;
	v13 =	vadd.f32 v19, v13;
	v15 =	vld [tilespmem:s4+$0x14960]  }
0x1aa: {  	v9 =	vadd.f32 v9, v11;
	v8 =	vadd.f32 v8, v10;
	v10 =	vld [tilespmem:s4+$0x14970]  }
0x1ab: {  	v11 =	vadd.f32 v18, v14;
	v13 =	vadd.f32 v16, v13;
	v14 =	vld [tilespmem:s4+$0x149A0]  }
0x1ac: {  	v6 =	vadd.f32 v6, v9;
	v7 =	vadd.f32 v7, v8;
	v8 =	vld [tilespmem:s4+$0x149B0]  }
0x1ad: {  	v9 =	vadd.f32 v17, v11;
	v11 =	vadd.f32 v12, v13;
	v13 =	vld [tilespmem:s4+$0x149E0]  }
0x1ae: {  	v4 =	vadd.f32 v4, v6;
	v5 =	vadd.f32 v5, v7;
	v6 =	vld [tilespmem:s4+$0x149F0];
	s4 =	sshra.s32 s5, $0x2  }
0x1af: {  	v9 =	vadd.f32 v15, v9;
	v7 =	vld [tilespmem:s4+$0x149C0];
	v10 =	vadd.f32 v10, v11  }
0x1b0: {  	v4 =	vadd.f32 v2, v4;
	v5 =	vadd.f32 v3, v5;
	v11 =	vld [tilespmem:s4+$0x149D0]  }
0x1b1: {  	v9 =	vadd.f32 v14, v9;
	v2 =	vld [tilespmem:s4+$0x14980];
	v8 =	vadd.f32 v8, v10  }
0x1b2: {  	v12 =	vadd.f32 v0, v4;
	v15 =	vadd.f32 v1, v5;
	v3 =	vld [tilespmem:s4+$0x14990]  }
0x1b3: {  	v14 =	vadd.f32 v13, v9;
	v4 =	vld [tilespmem:s4+$0x14940];
	v13 =	vadd.f32 v6, v8  }
0x1b4: {  	v5 =	vld [tilespmem:s4+$0x14950];
	v0 =	vmov v7  }
0x1b5: {  	v6 =	vld [tilespmem:s4+$0x14900];
	v1 =	vmov v11  }
0x1b6: {  	v7 =	vld [tilespmem:s4+$0x14910]  }
0x1b7: {  	v9 =	vld [tilespmem:s4+$0x148C0]  }
0x1b8: {  	v8 =	vld [tilespmem:s4+$0x148D0]  }
0x1b9: {  	v11 =	vld [tilespmem:s4+$0x14880]  }
0x1ba: {  	v10 =	vld [tilespmem:s4+$0x14890]  }
.Ltmp4:
0x1bb: {  	v17 =	vld [tilespmem:s4+$0x14840];
	(pc) =	sbr.rel @p1 .LBB2_11-.Ltmp4, $4  }
0x1bc: {  	v16 =	vld [tilespmem:s4+$0x14850]  }
0x1bd: {  	v19 =	vld [tilespmem:s4+$0x14800]  }
0x1be: {  	v20 =	vld [tilespmem:s4+$0x14810]  }
0x1bf: {  	s5 =	sadd.s32 $0x800, s5;
	v18 =	vld [tilespmem:s4+$0x14820]  }
0x1c0: {  	v21 =	vld [tilespmem:s4+$0x14830]  }
0x1c1: {  	v22 =	vld [tilespmem:s4+$0x14860]  }
0x1c2: {  	v23 =	vld [tilespmem:s4+$0x14870];
	v12 =	vadd.f32 v19, v12  }
0x1c3: {  	v19 =	vld [tilespmem:s4+$0x148A0];
	v15 =	vadd.f32 v20, v15  }
0x1c4: {  	v20 =	vld [tilespmem:s4+$0x148B0];
	v14 =	vadd.f32 v18, v14;
	v12 =	vadd.f32 v17, v12  }
0x1c5: {  	v17 =	vld [tilespmem:s4+$0x148E0];
	v13 =	vadd.f32 v21, v13;
	v15 =	vadd.f32 v16, v15  }
0x1c6: {  	v16 =	vld [tilespmem:s4+$0x148F0];
	v14 =	vadd.f32 v22, v14;
	v11 =	vadd.f32 v11, v12  }
0x1c7: {  	v12 =	vadd.f32 v23, v13;
	v13 =	vld [tilespmem:s4+$0x14920];
	v10 =	vadd.f32 v10, v15  }
0x1c8: {  	v15 =	vld [tilespmem:s4+$0x14930];
	v14 =	vadd.f32 v19, v14;
	v9 =	vadd.f32 v9, v11  }
0x1c9: {  	v11 =	vadd.f32 v20, v12;
	v12 =	vld [tilespmem:s4+$0x14960];
	v8 =	vadd.f32 v8, v10  }
0x1ca: {  	v10 =	vld [tilespmem:s4+$0x14970];
	v14 =	vadd.f32 v17, v14;
	v6 =	vadd.f32 v6, v9  }
0x1cb: {  	v9 =	vadd.f32 v16, v11;
	v11 =	vld [tilespmem:s4+$0x149A0];
	v7 =	vadd.f32 v7, v8  }
0x1cc: {  	v8 =	vld [tilespmem:s4+$0x149B0];
	v13 =	vadd.f32 v13, v14;
	v4 =	vadd.f32 v4, v6  }
0x1cd: {  	v6 =	vadd.f32 v15, v9;
	v9 =	vld [tilespmem:s4+$0x149E0];
	v5 =	vadd.f32 v5, v7  }
0x1ce: {  	v7 =	vld [tilespmem:s4+$0x149F0];
	v12 =	vadd.f32 v12, v13;
	v2 =	vadd.f32 v2, v4  }
0x1cf: {  	v4 =	vadd.f32 v10, v6;
	v3 =	vadd.f32 v3, v5  }
0x1d0: {  	v5 =	vadd.f32 v11, v12;
	v0 =	vadd.f32 v0, v2  }
0x1d1: {  	v2 =	vadd.f32 v8, v4;
	v1 =	vadd.f32 v1, v3  }
0x1d2: {  	v3 =	vadd.f32 v9, v5;
	[tilespmem:s29+$0x1AD00] =	vst v0  }
0x1d3: {  	v0 =	vadd.f32 v7, v2;
	[tilespmem:s29+$0x1AD10] =	vst v1  }
0x1d4: {  	[tilespmem:s29+$0x1AD20] =	vst v3  }
0x1d5: {  	s5 =	simm.s32 @!p0 $0x40;
	s6 =	simm.s32 @!p0 $0x14800;
	s4 =	sadd.s32 @!p0 $0xA00, s0;
	[tilespmem:s29+$0x1AD30] =	vst v0  }
0x1d6: {  	[tilespmem:s6], [sflag:$0x5] =	stream.indirect.gather @!p0 [hbm4b:s3+s5], $0x40, s4, s5, $0xb8;
	[tilespmem:$0x1CC00] =	vst v63  }
0x1d7: {  	s4 =	sadd.s32 @!p0 $0xA40, s0;
	s6 =	simm.s32 @!p0 $0x15800  }
0x1d8: {  	[tilespmem:s6], [sflag:$0x5] =	stream.indirect.gather @!p0 [hbm4b:s3+s5], $0x40, s4, s5, $0xb8;
	[tilespmem:$0x1CC00] =	vst v63  }
0x1d9: {  	s4 =	sadd.s32 @!p0 $0xA80, s0;
	s6 =	simm.s32 @!p0 $0x16800  }
0x1da: {  	[tilespmem:s6], [sflag:$0x5] =	stream.indirect.gather @!p0 [hbm4b:s3+s5], $0x40, s4, s5, $0xb8;
	[tilespmem:$0x1CC00] =	vst v63  }
0x1db: {  	s0 =	sadd.s32 @!p0 $0xAC0, s0;
	s4 =	simm.s32 @!p0 $0x8;
	s5 =	simm.s32 @!p0 $0x17800  }
0x1dc: {  	[tilespmem:s5], [sflag:$0x5] =	stream.indirect.gather @!p0 [hbm4b:s3+s4], $0x40, s0, s4, $0xb8;
	[tilespmem:$0x1CC00] =	vst v63  }
0x1dd: {  	_ =	swait.ge [sflag:s28], $0x3200  }
0x1de: {  	[sflag:s28] =	ssyncset.done $0x0  }
0x1df: {  	s0 =	simm.s32 $0x0;
	[sflag:s28] =	ssyncadd.s32 $0xFFFFCE00  }
0x1e0: {  	v0 =	vld [tilespmem:s0+$0x17BC0]  }
0x1e1: {  	v1 =	vld [tilespmem:s0+$0x17BD0]  }
0x1e2: {  	v2 =	vld [tilespmem:s0+$0x17B80]  }
0x1e3: {  	v3 =	vld [tilespmem:s0+$0x17B90]  }
0x1e4: {  	v4 =	vld [tilespmem:s0+$0x17B40]  }
0x1e5: {  	v5 =	vld [tilespmem:s0+$0x17B50]  }
0x1e6: {  	v6 =	vld [tilespmem:s0+$0x17B00]  }
0x1e7: {  	v7 =	vld [tilespmem:s0+$0x17B10]  }
0x1e8: {  	v9 =	vld [tilespmem:s0+$0x17AC0]  }
0x1e9: {  	v8 =	vld [tilespmem:s0+$0x17AD0]  }
0x1ea: {  	v11 =	vld [tilespmem:s0+$0x17A80]  }
0x1eb: {  	v10 =	vld [tilespmem:s0+$0x17A90]  }
0x1ec: {  	v17 =	vld [tilespmem:s0+$0x17A40]  }
0x1ed: {  	v16 =	vld [tilespmem:s0+$0x17A50]  }
0x1ee: {  	v19 =	vld [tilespmem:s0+$0x17A00]  }
0x1ef: {  	v14 =	vimm.f32 $0.0e+00;
	v20 =	vld [tilespmem:s0+$0x17A10]  }
0x1f0: {  	v15 =	vimm.f32 $0.0e+00;
	v13 =	vimm.f32 $0.0e+00;
	v12 =	vimm.f32 $0.0e+00;
	s4 =	simm.s32 $0x800;
	v18 =	vld [tilespmem:s0+$0x17A20]  }
.LBB2_13:
0x1f1: {  	p0 =	sne.s32 s4, $0xC000;
	v21 =	vld [tilespmem:s0+$0x17A30]  }
0x1f2: {  	v22 =	vld [tilespmem:s0+$0x17A60]  }
0x1f3: {  	v23 =	vld [tilespmem:s0+$0x17A70]  }
0x1f4: {  	v24 =	vld [tilespmem:s0+$0x17AA0]  }
0x1f5: {  	v12 =	vadd.f32 v19, v12;
	v15 =	vadd.f32 v20, v15;
	v19 =	vld [tilespmem:s0+$0x17AB0]  }
0x1f6: {  	v14 =	vadd.f32 v18, v14;
	v13 =	vadd.f32 v21, v13;
	v18 =	vld [tilespmem:s0+$0x17AE0]  }
0x1f7: {  	v12 =	vadd.f32 v17, v12;
	v15 =	vadd.f32 v16, v15;
	v16 =	vld [tilespmem:s0+$0x17AF0]  }
0x1f8: {  	v14 =	vadd.f32 v22, v14;
	v13 =	vadd.f32 v23, v13;
	v17 =	vld [tilespmem:s0+$0x17B20]  }
0x1f9: {  	v11 =	vadd.f32 v11, v12;
	v10 =	vadd.f32 v10, v15;
	v12 =	vld [tilespmem:s0+$0x17B30]  }
0x1fa: {  	v14 =	vadd.f32 v24, v14;
	v13 =	vadd.f32 v19, v13;
	v15 =	vld [tilespmem:s0+$0x17B60]  }
0x1fb: {  	v9 =	vadd.f32 v9, v11;
	v8 =	vadd.f32 v8, v10;
	v10 =	vld [tilespmem:s0+$0x17B70]  }
0x1fc: {  	v11 =	vadd.f32 v18, v14;
	v13 =	vadd.f32 v16, v13;
	v14 =	vld [tilespmem:s0+$0x17BA0]  }
0x1fd: {  	v6 =	vadd.f32 v6, v9;
	v7 =	vadd.f32 v7, v8;
	v8 =	vld [tilespmem:s0+$0x17BB0]  }
0x1fe: {  	v9 =	vadd.f32 v17, v11;
	v11 =	vadd.f32 v12, v13;
	v13 =	vld [tilespmem:s0+$0x17BE0]  }
0x1ff: {  	v4 =	vadd.f32 v4, v6;
	v5 =	vadd.f32 v5, v7;
	v6 =	vld [tilespmem:s0+$0x17BF0];
	s0 =	sshra.s32 s4, $0x2  }
0x200: {  	v9 =	vadd.f32 v15, v9;
	v7 =	vld [tilespmem:s0+$0x17BC0];
	v10 =	vadd.f32 v10, v11  }
0x201: {  	v4 =	vadd.f32 v2, v4;
	v5 =	vadd.f32 v3, v5;
	v11 =	vld [tilespmem:s0+$0x17BD0]  }
0x202: {  	v9 =	vadd.f32 v14, v9;
	v2 =	vld [tilespmem:s0+$0x17B80];
	v8 =	vadd.f32 v8, v10  }
0x203: {  	v12 =	vadd.f32 v0, v4;
	v15 =	vadd.f32 v1, v5;
	v3 =	vld [tilespmem:s0+$0x17B90]  }
0x204: {  	v14 =	vadd.f32 v13, v9;
	v4 =	vld [tilespmem:s0+$0x17B40];
	v13 =	vadd.f32 v6, v8  }
0x205: {  	v5 =	vld [tilespmem:s0+$0x17B50];
	v0 =	vmov v7  }
0x206: {  	v6 =	vld [tilespmem:s0+$0x17B00];
	v1 =	vmov v11  }
0x207: {  	v7 =	vld [tilespmem:s0+$0x17B10]  }
0x208: {  	v9 =	vld [tilespmem:s0+$0x17AC0]  }
0x209: {  	v8 =	vld [tilespmem:s0+$0x17AD0]  }
0x20a: {  	v11 =	vld [tilespmem:s0+$0x17A80]  }
0x20b: {  	v10 =	vld [tilespmem:s0+$0x17A90]  }
.Ltmp5:
0x20c: {  	v17 =	vld [tilespmem:s0+$0x17A40];
	(pc) =	sbr.rel @p0 .LBB2_13-.Ltmp5, $4  }
0x20d: {  	v16 =	vld [tilespmem:s0+$0x17A50]  }
0x20e: {  	v19 =	vld [tilespmem:s0+$0x17A00]  }
0x20f: {  	v20 =	vld [tilespmem:s0+$0x17A10]  }
0x210: {  	s4 =	sadd.s32 $0x800, s4;
	v18 =	vld [tilespmem:s0+$0x17A20]  }
0x211: {  	v21 =	vld [tilespmem:s0+$0x17A30]  }
0x212: {  	v22 =	vld [tilespmem:s0+$0x17A60]  }
0x213: {  	v23 =	vld [tilespmem:s0+$0x17A70];
	v12 =	vadd.f32 v19, v12  }
0x214: {  	v43 =	vld [tilespmem:s0+$0x17AA0];
	v15 =	vadd.f32 v20, v15  }
0x215: {  	v44 =	vld [tilespmem:s0+$0x17AB0];
	v14 =	vadd.f32 v18, v14;
	v12 =	vadd.f32 v17, v12  }
0x216: {  	v45 =	vld [tilespmem:s0+$0x17AE0];
	v13 =	vadd.f32 v21, v13;
	v15 =	vadd.f32 v16, v15  }
0x217: {  	v46 =	vld [tilespmem:s0+$0x17AF0];
	v14 =	vadd.f32 v22, v14;
	v11 =	vadd.f32 v11, v12  }
0x218: {  	v48 =	vld [tilespmem:s0+$0x17B20];
	v47 =	vadd.f32 v23, v13;
	v10 =	vadd.f32 v10, v15  }
0x219: {  	v49 =	vld [tilespmem:s0+$0x17B30];
	v14 =	vadd.f32 v43, v14;
	v9 =	vadd.f32 v9, v11  }
0x21a: {  	v51 =	vld [tilespmem:s0+$0x17B60];
	v50 =	vadd.f32 v44, v47;
	v8 =	vadd.f32 v8, v10  }
0x21b: {  	v52 =	vld [tilespmem:s0+$0x17B70];
	v14 =	vadd.f32 v45, v14;
	v6 =	vadd.f32 v6, v9  }
0x21c: {  	v54 =	vld [tilespmem:s0+$0x17BA0];
	v53 =	vadd.f32 v46, v50;
	v7 =	vadd.f32 v7, v8  }
0x21d: {  	v55 =	vld [tilespmem:s0+$0x17BB0];
	v13 =	vadd.f32 v48, v14;
	v4 =	vadd.f32 v4, v6  }
0x21e: {  	v57 =	vld [tilespmem:s0+$0x17BE0];
	v56 =	vadd.f32 v49, v53;
	v5 =	vadd.f32 v5, v7  }
0x21f: {  	v58 =	vld [tilespmem:s0+$0x17BF0];
	v12 =	vadd.f32 v51, v13;
	v2 =	vadd.f32 v2, v4  }
0x220: {  	s31 =	sadd.s32 $0x1, s31;
	v59 =	vadd.f32 v52, v56;
	v3 =	vadd.f32 v3, v5  }
0x221: {  	s29 =	sshll.u32 s1, $0x6;
	p0 =	sne.s32 s31, $0x15;
	v60 =	vadd.f32 v54, v12;
	v0 =	vadd.f32 v0, v2  }
.Ltmp6:
0x222: {  	s0 =	sand.u32 $0x3FFFFFC0, s29;
	v61 =	vadd.f32 v55, v59;
	v1 =	vadd.f32 v1, v3;
	(pc) =	sbr.rel @p0 .LBB2_2-.Ltmp6, $4  }
0x223: {  	v62 =	vadd.f32 v57, v60;
	[tilespmem:s0+$0x1AC00] =	vst v0  }
0x224: {  	v63 =	vadd.f32 v58, v61;
	[tilespmem:s0+$0x1AC10] =	vst v1  }
0x225: {  	[tilespmem:s0+$0x1AC20] =	vst v62  }
0x226: {  	[tilespmem:s0+$0x1AC30] =	vst v63  }
0x227: {  	_ =	swait.ge [sflag:s20], $0x3200  }
0x228: {  	[sflag:s20] =	ssyncset.done $0x0  }
0x229: {  	s0 =	simm.s32 $0x0;
	[sflag:s20] =	ssyncadd.s32 $0xFFFFCE00  }
0x22a: {  	v0 =	vld [tilespmem:s0+$0x81C0]  }
0x22b: {  	v1 =	vld [tilespmem:s0+$0x81D0]  }
0x22c: {  	v2 =	vld [tilespmem:s0+$0x8180]  }
0x22d: {  	v3 =	vld [tilespmem:s0+$0x8190]  }
0x22e: {  	v4 =	vld [tilespmem:s0+$0x8140]  }
0x22f: {  	v5 =	vld [tilespmem:s0+$0x8150]  }
0x230: {  	v6 =	vld [tilespmem:s0+$0x8100]  }
0x231: {  	v7 =	vld [tilespmem:s0+$0x8110]  }
0x232: {  	v9 =	vld [tilespmem:s0+$0x80C0]  }
0x233: {  	v8 =	vld [tilespmem:s0+$0x80D0]  }
0x234: {  	v11 =	vld [tilespmem:s0+$0x8080]  }
0x235: {  	v10 =	vld [tilespmem:s0+$0x8090]  }
0x236: {  	v17 =	vld [tilespmem:s0+$0x8040]  }
0x237: {  	v16 =	vld [tilespmem:s0+$0x8050]  }
0x238: {  	v19 =	vld [tilespmem:s0+$0x8000]  }
0x239: {  	v12 =	vimm.f32 $0.0e+00;
	v20 =	vld [tilespmem:s0+$0x8010]  }
0x23a: {  	s1 =	simm.s32 $0x800;
	v15 =	vimm.f32 $0.0e+00;
	v14 =	vimm.f32 $0.0e+00;
	v13 =	vimm.f32 $0.0e+00;
	v18 =	vld [tilespmem:s0+$0x8020]  }
.LBB2_16:
0x23b: {  	p0 =	sne.s32 s1, $0xC000;
	v21 =	vld [tilespmem:s0+$0x8030]  }
0x23c: {  	v22 =	vld [tilespmem:s0+$0x8060]  }
0x23d: {  	v23 =	vld [tilespmem:s0+$0x8070]  }
0x23e: {  	v24 =	vld [tilespmem:s0+$0x80A0]  }
0x23f: {  	v12 =	vadd.f32 v19, v12;
	v15 =	vadd.f32 v20, v15;
	v19 =	vld [tilespmem:s0+$0x80B0]  }
0x240: {  	v14 =	vadd.f32 v18, v14;
	v13 =	vadd.f32 v21, v13;
	v18 =	vld [tilespmem:s0+$0x80E0]  }
0x241: {  	v12 =	vadd.f32 v17, v12;
	v15 =	vadd.f32 v16, v15;
	v16 =	vld [tilespmem:s0+$0x80F0]  }
0x242: {  	v14 =	vadd.f32 v22, v14;
	v13 =	vadd.f32 v23, v13;
	v17 =	vld [tilespmem:s0+$0x8120]  }
0x243: {  	v11 =	vadd.f32 v11, v12;
	v10 =	vadd.f32 v10, v15;
	v12 =	vld [tilespmem:s0+$0x8130]  }
0x244: {  	v14 =	vadd.f32 v24, v14;
	v13 =	vadd.f32 v19, v13;
	v15 =	vld [tilespmem:s0+$0x8160]  }
0x245: {  	v9 =	vadd.f32 v9, v11;
	v8 =	vadd.f32 v8, v10;
	v10 =	vld [tilespmem:s0+$0x8170]  }
0x246: {  	v11 =	vadd.f32 v18, v14;
	v13 =	vadd.f32 v16, v13;
	v14 =	vld [tilespmem:s0+$0x81A0]  }
0x247: {  	v6 =	vadd.f32 v6, v9;
	v7 =	vadd.f32 v7, v8;
	v8 =	vld [tilespmem:s0+$0x81B0]  }
0x248: {  	v9 =	vadd.f32 v17, v11;
	v11 =	vadd.f32 v12, v13;
	v13 =	vld [tilespmem:s0+$0x81E0]  }
0x249: {  	v4 =	vadd.f32 v4, v6;
	v5 =	vadd.f32 v5, v7;
	v6 =	vld [tilespmem:s0+$0x81F0];
	s0 =	sshra.s32 s1, $0x2  }
0x24a: {  	v9 =	vadd.f32 v15, v9;
	v7 =	vld [tilespmem:s0+$0x81C0];
	v10 =	vadd.f32 v10, v11  }
0x24b: {  	v4 =	vadd.f32 v2, v4;
	v5 =	vadd.f32 v3, v5;
	v11 =	vld [tilespmem:s0+$0x81D0]  }
0x24c: {  	v9 =	vadd.f32 v14, v9;
	v2 =	vld [tilespmem:s0+$0x8180];
	v8 =	vadd.f32 v8, v10  }
0x24d: {  	v12 =	vadd.f32 v0, v4;
	v15 =	vadd.f32 v1, v5;
	v3 =	vld [tilespmem:s0+$0x8190]  }
0x24e: {  	v14 =	vadd.f32 v13, v9;
	v4 =	vld [tilespmem:s0+$0x8140];
	v13 =	vadd.f32 v6, v8  }
0x24f: {  	v5 =	vld [tilespmem:s0+$0x8150];
	v0 =	vmov v7  }
0x250: {  	v6 =	vld [tilespmem:s0+$0x8100];
	v1 =	vmov v11  }
0x251: {  	v7 =	vld [tilespmem:s0+$0x8110]  }
0x252: {  	v9 =	vld [tilespmem:s0+$0x80C0]  }
0x253: {  	v8 =	vld [tilespmem:s0+$0x80D0]  }
0x254: {  	v11 =	vld [tilespmem:s0+$0x8080]  }
0x255: {  	v10 =	vld [tilespmem:s0+$0x8090]  }
.Ltmp7:
0x256: {  	v17 =	vld [tilespmem:s0+$0x8040];
	(pc) =	sbr.rel @p0 .LBB2_16-.Ltmp7, $4  }
0x257: {  	v16 =	vld [tilespmem:s0+$0x8050]  }
0x258: {  	v19 =	vld [tilespmem:s0+$0x8000]  }
0x259: {  	v20 =	vld [tilespmem:s0+$0x8010]  }
0x25a: {  	s1 =	sadd.s32 $0x800, s1;
	v18 =	vld [tilespmem:s0+$0x8020]  }
0x25b: {  	v21 =	vld [tilespmem:s0+$0x8030]  }
0x25c: {  	v22 =	vld [tilespmem:s0+$0x8060]  }
0x25d: {  	v23 =	vld [tilespmem:s0+$0x8070];
	v12 =	vadd.f32 v19, v12  }
0x25e: {  	v19 =	vld [tilespmem:s0+$0x80A0];
	v15 =	vadd.f32 v20, v15  }
0x25f: {  	v20 =	vld [tilespmem:s0+$0x80B0];
	v14 =	vadd.f32 v18, v14;
	v12 =	vadd.f32 v17, v12  }
0x260: {  	v17 =	vld [tilespmem:s0+$0x80E0];
	v13 =	vadd.f32 v21, v13;
	v15 =	vadd.f32 v16, v15  }
0x261: {  	v16 =	vld [tilespmem:s0+$0x80F0];
	v14 =	vadd.f32 v22, v14;
	v11 =	vadd.f32 v11, v12  }
0x262: {  	v12 =	vadd.f32 v23, v13;
	v13 =	vld [tilespmem:s0+$0x8120];
	v10 =	vadd.f32 v10, v15  }
0x263: {  	v15 =	vld [tilespmem:s0+$0x8130];
	v14 =	vadd.f32 v19, v14;
	v9 =	vadd.f32 v9, v11  }
0x264: {  	v11 =	vadd.f32 v20, v12;
	v12 =	vld [tilespmem:s0+$0x8160];
	v8 =	vadd.f32 v8, v10  }
0x265: {  	v10 =	vld [tilespmem:s0+$0x8170];
	v14 =	vadd.f32 v17, v14;
	v6 =	vadd.f32 v6, v9  }
0x266: {  	v9 =	vadd.f32 v16, v11;
	v11 =	vld [tilespmem:s0+$0x81A0];
	v7 =	vadd.f32 v7, v8  }
0x267: {  	v8 =	vld [tilespmem:s0+$0x81B0];
	v13 =	vadd.f32 v13, v14;
	v4 =	vadd.f32 v4, v6  }
0x268: {  	v6 =	vadd.f32 v15, v9;
	v9 =	vld [tilespmem:s0+$0x81E0];
	v5 =	vadd.f32 v5, v7  }
0x269: {  	v7 =	vld [tilespmem:s0+$0x81F0];
	v12 =	vadd.f32 v12, v13;
	v2 =	vadd.f32 v2, v4  }
0x26a: {  	v4 =	vadd.f32 v10, v6;
	v3 =	vadd.f32 v3, v5  }
0x26b: {  	v5 =	vadd.f32 v11, v12;
	v0 =	vadd.f32 v0, v2  }
0x26c: {  	v2 =	vadd.f32 v8, v4;
	v1 =	vadd.f32 v1, v3  }
0x26d: {  	v3 =	vadd.f32 v9, v5;
	[tilespmem:$0x1CB80] =	vst v0  }
0x26e: {  	v0 =	vadd.f32 v7, v2;
	[tilespmem:$0x1CB90] =	vst v1  }
0x26f: {  	[tilespmem:$0x1CBA0] =	vst v3  }
0x270: {  	[tilespmem:$0x1CBB0] =	vst v0  }
0x271: {  	_ =	swait.ge [sflag:s22], $0x3200  }
0x272: {  	[sflag:s22] =	ssyncset.done $0x0  }
0x273: {  	s0 =	simm.s32 $0x0;
	[sflag:s22] =	ssyncadd.s32 $0xFFFFCE00  }
0x274: {  	v0 =	vld [tilespmem:s0+$0xB3C0]  }
0x275: {  	v1 =	vld [tilespmem:s0+$0xB3D0]  }
0x276: {  	v2 =	vld [tilespmem:s0+$0xB380]  }
0x277: {  	v3 =	vld [tilespmem:s0+$0xB390]  }
0x278: {  	v4 =	vld [tilespmem:s0+$0xB340]  }
0x279: {  	v5 =	vld [tilespmem:s0+$0xB350]  }
0x27a: {  	v6 =	vld [tilespmem:s0+$0xB300]  }
0x27b: {  	v7 =	vld [tilespmem:s0+$0xB310]  }
0x27c: {  	v9 =	vld [tilespmem:s0+$0xB2C0]  }
0x27d: {  	v8 =	vld [tilespmem:s0+$0xB2D0]  }
0x27e: {  	v11 =	vld [tilespmem:s0+$0xB280]  }
0x27f: {  	v10 =	vld [tilespmem:s0+$0xB290]  }
0x280: {  	v17 =	vld [tilespmem:s0+$0xB240]  }
0x281: {  	v16 =	vld [tilespmem:s0+$0xB250]  }
0x282: {  	v19 =	vld [tilespmem:s0+$0xB200]  }
0x283: {  	v14 =	vimm.f32 $0.0e+00;
	v20 =	vld [tilespmem:s0+$0xB210]  }
0x284: {  	s1 =	simm.s32 $0x800;
	v15 =	vimm.f32 $0.0e+00;
	v13 =	vimm.f32 $0.0e+00;
	v12 =	vimm.f32 $0.0e+00;
	v18 =	vld [tilespmem:s0+$0xB220]  }
.LBB2_18:
0x285: {  	p0 =	sne.s32 s1, $0xC000;
	v21 =	vld [tilespmem:s0+$0xB230]  }
0x286: {  	v22 =	vld [tilespmem:s0+$0xB260]  }
0x287: {  	v23 =	vld [tilespmem:s0+$0xB270]  }
0x288: {  	v24 =	vld [tilespmem:s0+$0xB2A0]  }
0x289: {  	v12 =	vadd.f32 v19, v12;
	v15 =	vadd.f32 v20, v15;
	v19 =	vld [tilespmem:s0+$0xB2B0]  }
0x28a: {  	v14 =	vadd.f32 v18, v14;
	v13 =	vadd.f32 v21, v13;
	v18 =	vld [tilespmem:s0+$0xB2E0]  }
0x28b: {  	v12 =	vadd.f32 v17, v12;
	v15 =	vadd.f32 v16, v15;
	v16 =	vld [tilespmem:s0+$0xB2F0]  }
0x28c: {  	v14 =	vadd.f32 v22, v14;
	v13 =	vadd.f32 v23, v13;
	v17 =	vld [tilespmem:s0+$0xB320]  }
0x28d: {  	v11 =	vadd.f32 v11, v12;
	v10 =	vadd.f32 v10, v15;
	v12 =	vld [tilespmem:s0+$0xB330]  }
0x28e: {  	v14 =	vadd.f32 v24, v14;
	v13 =	vadd.f32 v19, v13;
	v15 =	vld [tilespmem:s0+$0xB360]  }
0x28f: {  	v9 =	vadd.f32 v9, v11;
	v8 =	vadd.f32 v8, v10;
	v10 =	vld [tilespmem:s0+$0xB370]  }
0x290: {  	v11 =	vadd.f32 v18, v14;
	v13 =	vadd.f32 v16, v13;
	v14 =	vld [tilespmem:s0+$0xB3A0]  }
0x291: {  	v6 =	vadd.f32 v6, v9;
	v7 =	vadd.f32 v7, v8;
	v8 =	vld [tilespmem:s0+$0xB3B0]  }
0x292: {  	v9 =	vadd.f32 v17, v11;
	v11 =	vadd.f32 v12, v13;
	v13 =	vld [tilespmem:s0+$0xB3E0]  }
0x293: {  	v4 =	vadd.f32 v4, v6;
	v5 =	vadd.f32 v5, v7;
	v6 =	vld [tilespmem:s0+$0xB3F0];
	s0 =	sshra.s32 s1, $0x2  }
0x294: {  	v9 =	vadd.f32 v15, v9;
	v7 =	vld [tilespmem:s0+$0xB3C0];
	v10 =	vadd.f32 v10, v11  }
0x295: {  	v4 =	vadd.f32 v2, v4;
	v5 =	vadd.f32 v3, v5;
	v11 =	vld [tilespmem:s0+$0xB3D0]  }
0x296: {  	v9 =	vadd.f32 v14, v9;
	v2 =	vld [tilespmem:s0+$0xB380];
	v8 =	vadd.f32 v8, v10  }
0x297: {  	v12 =	vadd.f32 v0, v4;
	v15 =	vadd.f32 v1, v5;
	v3 =	vld [tilespmem:s0+$0xB390]  }
0x298: {  	v14 =	vadd.f32 v13, v9;
	v4 =	vld [tilespmem:s0+$0xB340];
	v13 =	vadd.f32 v6, v8  }
0x299: {  	v5 =	vld [tilespmem:s0+$0xB350];
	v0 =	vmov v7  }
0x29a: {  	v6 =	vld [tilespmem:s0+$0xB300];
	v1 =	vmov v11  }
0x29b: {  	v7 =	vld [tilespmem:s0+$0xB310]  }
0x29c: {  	v9 =	vld [tilespmem:s0+$0xB2C0]  }
0x29d: {  	v8 =	vld [tilespmem:s0+$0xB2D0]  }
0x29e: {  	v11 =	vld [tilespmem:s0+$0xB280]  }
0x29f: {  	v10 =	vld [tilespmem:s0+$0xB290]  }
.Ltmp8:
0x2a0: {  	v17 =	vld [tilespmem:s0+$0xB240];
	(pc) =	sbr.rel @p0 .LBB2_18-.Ltmp8, $4  }
0x2a1: {  	v16 =	vld [tilespmem:s0+$0xB250]  }
0x2a2: {  	v19 =	vld [tilespmem:s0+$0xB200]  }
0x2a3: {  	v20 =	vld [tilespmem:s0+$0xB210]  }
0x2a4: {  	s1 =	sadd.s32 $0x800, s1;
	v18 =	vld [tilespmem:s0+$0xB220]  }
0x2a5: {  	v21 =	vld [tilespmem:s0+$0xB230]  }
0x2a6: {  	v22 =	vld [tilespmem:s0+$0xB260]  }
0x2a7: {  	v23 =	vld [tilespmem:s0+$0xB270];
	v12 =	vadd.f32 v19, v12  }
0x2a8: {  	v43 =	vld [tilespmem:s0+$0xB2A0];
	v15 =	vadd.f32 v20, v15  }
0x2a9: {  	v44 =	vld [tilespmem:s0+$0xB2B0];
	v14 =	vadd.f32 v18, v14;
	v12 =	vadd.f32 v17, v12  }
0x2aa: {  	v45 =	vld [tilespmem:s0+$0xB2E0];
	v13 =	vadd.f32 v21, v13;
	v15 =	vadd.f32 v16, v15  }
0x2ab: {  	v46 =	vld [tilespmem:s0+$0xB2F0];
	v14 =	vadd.f32 v22, v14;
	v11 =	vadd.f32 v11, v12  }
0x2ac: {  	v48 =	vld [tilespmem:s0+$0xB320];
	v47 =	vadd.f32 v23, v13;
	v10 =	vadd.f32 v10, v15  }
0x2ad: {  	v49 =	vld [tilespmem:s0+$0xB330];
	v14 =	vadd.f32 v43, v14;
	v9 =	vadd.f32 v9, v11  }
0x2ae: {  	v51 =	vld [tilespmem:s0+$0xB360];
	v50 =	vadd.f32 v44, v47;
	v8 =	vadd.f32 v8, v10  }
0x2af: {  	v52 =	vld [tilespmem:s0+$0xB370];
	v14 =	vadd.f32 v45, v14;
	v6 =	vadd.f32 v6, v9  }
0x2b0: {  	v54 =	vld [tilespmem:s0+$0xB3A0];
	v53 =	vadd.f32 v46, v50;
	v7 =	vadd.f32 v7, v8  }
0x2b1: {  	v55 =	vld [tilespmem:s0+$0xB3B0];
	v13 =	vadd.f32 v48, v14;
	v4 =	vadd.f32 v4, v6  }
0x2b2: {  	v57 =	vld [tilespmem:s0+$0xB3E0];
	v56 =	vadd.f32 v49, v53;
	v5 =	vadd.f32 v5, v7  }
0x2b3: {  	v58 =	vld [tilespmem:s0+$0xB3F0];
	v12 =	vadd.f32 v51, v13;
	v2 =	vadd.f32 v2, v4  }
0x2b4: {  	v59 =	vadd.f32 v52, v56;
	v3 =	vadd.f32 v3, v5  }
0x2b5: {  	v60 =	vadd.f32 v54, v12;
	v0 =	vadd.f32 v0, v2  }
0x2b6: {  	v61 =	vadd.f32 v55, v59;
	v1 =	vadd.f32 v1, v3  }
0x2b7: {  	v62 =	vadd.f32 v57, v60;
	[tilespmem:$0x1CBC0] =	vst v0  }
0x2b8: {  	v63 =	vadd.f32 v58, v61;
	[tilespmem:$0x1CBD0] =	vst v1  }
0x2b9: {  	[tilespmem:$0x1CBE0] =	vst v62  }
0x2ba: {  	s29 =	rddreg [dreg:$0x4];
	s1 =	simm.s32 $0x1AC00;
	[tilespmem:$0x1CBF0] =	vst v63  }
0x2bb: {  	[hbm4b:s29+s2] =	stream.linear.scatter [tilespmem:s1], [sflag:$0x7], $0x2000, $0x38;
	[tilespmem:$0x1CC00] =	vst v63  }
0x2bc: {  	_ =	swait.ge [sflag:s7], $0x2000  }
0x2bd: {  	s30 =	sadd.s32 $0x1, s30;
	s31 =	rddreg [dreg:$0x5]  }
0x2be: {  	p0 =	sne.s32 s30, s31  }
.Ltmp9:
0x2bf: {  	_ = 	snop;
	(pc) =	sbr.rel @p0 .LBB2_1-.Ltmp9, $3  }
0x2c0: {  	_ =	sdelay $0x1  }
0x2c1: {  	[sflag:s7] =	ssyncset.done $0x0  }
0x2c2: {  	[sflag:s7] =	ssyncadd.s32 $0xFFFFE000  }
0x2c3: {  	_ =	sfence.sel $0x180000  }
0x2c4: {  	[bflag:$0x0] =	sbarrier.arrive $0xFFFF  }
0x2c5: {  	_ =	strace $0x90000047  }
0x2c6: {  	s0 =	stileid.u32;
	[bflag:$0x2] =	sbarrier.arrive $0xFFFF  }
0x2c7: {  	p0 =	sne.s32 s0, $0x0;
	s0 =	rddreg [dreg:$0x2]  }
0x2c8: {  	s0 =	sadd.s32 @!p0 $0x100000, s0  }
0x2c9: {  	[sflag:s0] =	ssyncadd.tile.s32 @!p0 $0x1;
	_ =	shalt  }
.Lfunc_end2:
_tile_overlayer_lowered:
.L_overlay_start_2:
0x2ca: {  	(tag) =	ssettag $0x2  }
0x2cb: {  	s0 =	rddreg [dreg:$0x0];
	s2 =	stileid.u32  }
0x2cc: {  	s1 =	rddreg [dreg:$0x1];
	p0 =	sne.s32 s2, $0x0  }
0x2cd: {  	s3 =	rddreg [dreg:$0x2];
	[bflag:$0x3] =	sbarrier.arrive $0xFFFF;
	s2 =	simm.s32 @!p0 $0x1C07  }
0x2ce: {  	[timem:s3], [sflag:s2] =	dma.local @!p0 [hbm:s0], s1  }
0x2cf: {  	s0 =	simm.s32 @!p0 $0x7  }
0x2d0: {  	_ =	swait.ge @!p0 [sflag:s0], s1  }
0x2d1: {  	s1 =	ssub.s32 @!p0 $0x0, s1;
	[sflag:s0] =	ssyncset.done @!p0 $0x0  }
0x2d2: {  	[sflag:s0] =	ssyncadd.s32 @!p0 s1  }
0x2d3: {  	[bflag:$0x3] =	sbarrier.arrive $0xFFFF  }
0x2d4: {  	_ =	shalt  }

</sc_bundles>
